<compile_context>
chip_gen: v7x
topology: tpu7x:2x2x1
jax: 0.10.2.dev20260603
libtpu: 0.0.44.dev20260713+nightly
codegen_flags: <defaults>
</compile_context>

<pallas_src>
import jax
import jax.numpy as jnp
from jax import lax
from jax.experimental import pallas as pl
from jax.experimental.pallas import tpu as pltpu
from jax.experimental.pallas import tpu_sc as plsc

EPS = 1e-6
NC = 2
NS = 16
NW = NC * NS
G = 16



def _sel_kernel(act_ref, inp_ref, out_ref):
    b = pl.program_id(0)
    a = act_ref[b]
    lane = a % 128
    win = inp_ref[0]
    c = win.shape[0]
    lane_ids = lax.broadcasted_iota(jnp.int32, win.shape, 1)
    sel = jnp.sum(jnp.where(lane_ids == lane, win, 0.0), axis=1)
    out_ref[0, 0, :] = sel * (1.0 / jnp.sqrt(jnp.float32(c)))


def _gather_sel(inp_flat, actions):
    b, c, hw = inp_flat.shape
    gs = pltpu.PrefetchScalarGridSpec(
        num_scalar_prefetch=1,
        grid=(b,),
        in_specs=[pl.BlockSpec((1, c, 128),
                               lambda bi, act: (bi, 0, act[bi] // 128))],
        out_specs=pl.BlockSpec((1, 1, c), lambda bi, act: (bi, 0, 0)),
    )
    out = pl.pallas_call(
        _sel_kernel, grid_spec=gs,
        out_shape=jax.ShapeDtypeStruct((b, 1, c), jnp.float32),
    )(actions, inp_flat)
    return out.reshape(b, c)



def _take16(v, idx):
    return jnp.take_along_axis(v, idx, axis=0)


def _cumsum16(x):
    lane = lax.iota(jnp.int32, 16)
    y = x
    for off in (1, 2, 4, 8):
        sh = _take16(y, jnp.maximum(lane - off, 0))
        y = y + jnp.where(lane >= off, sh, jnp.zeros_like(y))
    return y


def _allsum16(x):
    lane = lax.iota(jnp.int32, 16)
    y = x
    for off in (1, 2, 4, 8):
        y = y + _take16(y, lane ^ off)
    return y


def _make_sc_logits(b, hw, c, seg):
    mesh = plsc.VectorSubcoreMesh(core_axis_name="c", subcore_axis_name="s",
                                  num_cores=NC, num_subcores=NS)
    CH = 64
    NCH = seg // CH
    RG = 16

    def body(sel_hbm, enc_hbm, out_hbm, selv, rowbuf, logit_seg, gsem):
        cid = lax.axis_index("c")
        sid = lax.axis_index("s")
        wid = sid * NC + cid
        seg_start = wid * seg
        lane = lax.iota(jnp.int32, 16)

        def batch_body(bi, carry0):
            pltpu.sync_copy(sel_hbm.at[pl.ds(bi * c, c)], selv)
            sch = [selv[pl.ds(16 * kk, 16)] for kk in range(c // 16)]

            pltpu.async_copy(enc_hbm.at[bi, pl.ds(seg_start, CH)],
                             rowbuf.at[0], gsem)

            def chunk_body(ch, carry1):
                slot = ch % 2
                pltpu.make_async_copy(
                    enc_hbm.at[bi, pl.ds(seg_start + ch * CH, CH)],
                    rowbuf.at[slot], gsem).wait()

                @pl.when(ch + 1 < NCH)
                def _next():
                    pltpu.async_copy(
                        enc_hbm.at[bi, pl.ds(seg_start + (ch + 1) * CH, CH)],
                        rowbuf.at[(ch + 1) % 2], gsem)

                def group_body(rg, carry2):
                    vals = jnp.zeros((16,), jnp.float32)
                    for r in range(RG):
                        acc = sch[0] * rowbuf[slot, rg * RG + r,
                                              pl.ds(0, 16)]
                        for kk in range(1, c // 16):
                            acc = acc + sch[kk] * rowbuf[slot, rg * RG + r,
                                                         pl.ds(16 * kk, 16)]
                        vals = jnp.where(lane == r, _allsum16(acc), vals)
                    logit_seg[pl.ds(ch * CH + rg * RG, 16)] = vals
                    return carry2

                lax.fori_loop(0, CH // RG, group_body, 0)
                return carry1

            lax.fori_loop(0, NCH, chunk_body, 0)
            pltpu.sync_copy(logit_seg,
                            out_hbm.at[pl.ds(bi * hw + seg_start, seg)])
            return carry0

        lax.fori_loop(0, b, batch_body, 0)

    kern = pl.kernel(
        body,
        out_type=jax.ShapeDtypeStruct((b * hw,), jnp.float32),
        mesh=mesh,
        compiler_params=pltpu.CompilerParams(use_tc_tiling_on_sc=True, needs_layout_passes=False),
        scratch_types=[
            pltpu.VMEM((c,), jnp.float32),
            pltpu.VMEM((2, CH, c), jnp.float32),
            pltpu.VMEM((seg,), jnp.float32),
            pltpu.SemaphoreType.DMA,
        ],
    )
    return kern



C_CHUNK = 8192
C_ROWS = C_CHUNK // 128


def _loss_kernel(cand_ref, logit_ref, ins_ref, mask_ref, out_ref, acc_ref):
    i = pl.program_id(1)
    nc_ = pl.num_programs(1)

    @pl.when(i == 0)
    def _init():
        acc_ref[...] = jnp.zeros_like(acc_ref)

    pred = jax.nn.sigmoid(logit_ref[0])
    m = (mask_ref[0] > 0.5).astype(jnp.float32)
    g = (ins_ref[0] > 0.5).astype(jnp.float32)

    p = pred * m
    t = g * m
    pt = p * t + (1.0 - p) * (1.0 - t)
    one_m_pt = 1.0 - pt
    focal = -(one_m_pt * one_m_pt) * jnp.log(pt + EPS) * m

    acc_ref[0, :] += jnp.sum(focal, axis=0)
    acc_ref[1, :] += jnp.sum(p * t, axis=0)
    acc_ref[2, :] += jnp.sum(p, axis=0)
    acc_ref[3, :] += jnp.sum(t, axis=0)
    acc_ref[4, :] += jnp.sum(m, axis=0)

    @pl.when(i == nc_ - 1)
    def _fin():
        focal_sum = jnp.sum(acc_ref[0, :])
        inter = jnp.sum(acc_ref[1, :])
        sum_p = jnp.sum(acc_ref[2, :])
        sum_t = jnp.sum(acc_ref[3, :])
        mask_sum = jnp.sum(acc_ref[4, :])
        focal_loss = focal_sum / (mask_sum + EPS)
        dice_loss = 1.0 - (2.0 * inter + EPS) / (sum_p + sum_t + EPS)
        loss_atten = (0.5 * focal_loss + dice_loss) * sum_t
        out_ref[0, 0, :] = jnp.full((128,), loss_atten / (mask_sum + EPS))


def _loss(logits, ins_seg, mask, candidate_idx):
    b, hw = logits.shape
    n_ins = ins_seg.shape[1]
    nc_ = hw // C_CHUNK
    lg = logits.reshape(b, hw // 128, 128)
    ins_rows = ins_seg.reshape(b * n_ins, hw // 128, 128)
    mask_rows = mask.reshape(b, hw // 128, 128)
    gs = pltpu.PrefetchScalarGridSpec(
        num_scalar_prefetch=1,
        grid=(b, nc_),
        in_specs=[
            pl.BlockSpec((1, C_ROWS, 128),
                         lambda bi, ci, cand: (bi, ci, 0)),
            pl.BlockSpec((1, C_ROWS, 128),
                         lambda bi, ci, cand: (bi * n_ins + cand[bi], ci, 0)),
            pl.BlockSpec((1, C_ROWS, 128),
                         lambda bi, ci, cand: (bi, ci, 0)),
        ],
        out_specs=pl.BlockSpec((1, 1, 128), lambda bi, ci, cand: (bi, 0, 0)),
        scratch_shapes=[pltpu.VMEM((8, 128), jnp.float32)],
    )
    out = pl.pallas_call(
        _loss_kernel, grid_spec=gs,
        out_shape=jax.ShapeDtypeStruct((b, 1, 128), jnp.float32),
    )(candidate_idx, lg, ins_rows, mask_rows)
    return out[:, 0, 0]



def kernel(input, encode, ins_seg, mask, actions, candidate_idx):
    b, c, h, w = input.shape
    hw = h * w
    seg = hw // NW

    inp_flat = input.reshape(b, c, hw)
    sel = _gather_sel(inp_flat, actions)
    logits = _make_sc_logits(b, hw, c, seg)(sel.reshape(b * c), encode)
    return _loss(logits.reshape(b, hw), ins_seg, mask, candidate_idx)

# --- scband reference (transcript-rebuilt; emitter-appended) ---
"""Pipeline reference for scband-atte-net-27075473834444 (READ-ONLY COPY).

The authoritative reference and input builder live on the scoring server;
editing this copy changes nothing except your own understanding.
"""

import jax, jax.numpy as jnp
import numpy as np


def setup_inputs(seed: int = 0):
    key = jax.random.key(seed)
    ks = jax.random.split(key, 6)
    b, c, h, w = 4, 256, 128, 128
    n_ins = 32
    hw = h * w
    inp = {}
    inp['input'] = jax.random.normal(ks[0], (b, c, h, w), dtype=jnp.float32)
    inp['encode'] = jax.random.normal(ks[1], (b, hw, c), dtype=jnp.float32)
    inp['ins_seg'] = jax.random.uniform(ks[2], (b, n_ins, h, w), dtype=jnp.float32)
    inp['mask'] = jax.random.uniform(ks[3], (b, hw), dtype=jnp.float32)
    inp['actions'] = jax.random.randint(ks[4], (b,), 0, hw, dtype=jnp.int32)
    inp['candidate_idx'] = jax.random.randint(ks[5], (b,), 0, n_ins, dtype=jnp.int32)
    return inp


def reference(input, encode, ins_seg, mask, actions, candidate_idx):
    eps = 1e-6
    b, c, h, w = input.shape
    hw = h * w
    # map2list: flatten spatial dims
    x = jnp.transpose(input.reshape(b, c, hw), (0, 2, 1))  # b, hw, c
    ins_index = ins_seg.reshape(b, ins_seg.shape[1], hw)  # b, n, hw
    maskb = (mask > 0.5).astype(jnp.float32)  # b, hw
    mask_sum = jnp.sum(maskb, axis=1)
    # getSelected: gather the feature vector at the acted position per batch
    selected = jnp.take_along_axis(x, actions[:, None, None].astype(jnp.int32), axis=1)[:, 0, :]  # b, c
    # decoder stand-in: dot-product attention scoring against encode -> per-position prediction
    pred = jax.nn.sigmoid(jnp.einsum('bc,blc->bl', selected, encode) / jnp.sqrt(jnp.float32(c)))  # b, hw
    # getPred: gather selected instance mask (gold)
    gold_raw = jnp.take_along_axis(ins_index, candidate_idx[:, None, None].astype(jnp.int32), axis=1)[:, 0, :]
    gold = (gold_raw > 0.5).astype(jnp.float32)  # b, hw
    # removeSeled
    sel = maskb * gold
    pred_sum = jnp.sum(sel, axis=1)
    # Attenloss (Focal gamma=2 + Dice), masked
    p = pred * maskb
    t = gold * maskb
    pt = p * t + (1.0 - p) * (1.0 - t)
    focal = -((1.0 - pt) ** 2) * jnp.log(pt + eps)
    focal_loss = jnp.sum(focal * maskb, axis=1) / (mask_sum + eps)
    inter = jnp.sum(p * t, axis=1)
    dice_loss = 1.0 - (2.0 * inter + eps) / (jnp.sum(p, axis=1) + jnp.sum(t, axis=1) + eps)
    loss_atten = (0.5 * focal_loss + dice_loss) * pred_sum
    # scatter_add into loss memory at indices of undone batches (done==0 on first iter -> arange)
    undone_idx = jnp.arange(b, dtype=jnp.int32)
    loss_mem = jnp.zeros((b,), dtype=jnp.float32).at[undone_idx].add(loss_atten)
    loss = loss_mem / (mask_sum + eps)
    return loss

if __name__ == "__main__":
    import jax
    _d = setup_inputs()
    print(jax.jit(kernel)(*tuple(_d.values())))

</pallas_src>

<mosaic_0001>
#map = affine_map<(d0, d1) -> (0)>
#map1 = affine_map<(d0, d1) -> (0, 0, 0)>
module attributes {stable_mosaic.version = 14 : i64} {
  func.func @body(%arg0: i32, %arg1: i32, %arg2: memref<1024xf32, #tpu.memory_space<hbm>>, %arg3: memref<4x16384x256xf32, #tpu.memory_space<hbm>>, %arg4: memref<65536xf32, #tpu.memory_space<hbm>>, %arg5: memref<256xf32, #tpu.memory_space<vmem>>, %arg6: memref<2x64x256xf32, #tpu.memory_space<vmem>>, %arg7: memref<512xf32, #tpu.memory_space<vmem>>, %arg8: memref<!tpu.dma_semaphore, #tpu.memory_space<semaphore_mem>>) attributes {dimension_semantics = [#tpu.dimension_semantics<core_parallel>, #tpu.dimension_semantics<subcore_parallel>], iteration_bounds = array<i64: 2, 16>, scalar_prefetch = 0 : i64, scratch_operands = 4 : i64, tpu.core_type = #tpu.core_type<sc_vector_subcore>, window_params = [{transform_indices = #map}, {transform_indices = #map1}, {transform_indices = #map}]} {
    %mul3A = arith.constant 2 : i32
    %mul3A_0 = arith.muli %arg1, %mul3A : i32
    %add3A = arith.addi %mul3A_0, %arg0 : i32
    %mul3A_1 = arith.constant 512 : i32
    %mul3A_2 = arith.muli %add3A, %mul3A_1 : i32
    %iota3A = tpu.iota {dimensions = array<i32: 0>} : vector<16xi32>
    %scan3A = arith.constant 0 : i32
    %scan3A_3 = arith.constant 0 : i32
    %scan3A_4 = arith.constant 4 : i32
    %scan3A_5 = arith.addi %scan3A_3, %scan3A_4 : i32
    %scan3A_6 = arith.constant 1 : i32
    scf.for %scan3A_8 = %scan3A_3 to %scan3A_5 step %scan3A_6  : i32 {
      %mul3A_9 = arith.constant 256 : i32
      %mul3A_10 = arith.muli %scan3A_8, %mul3A_9 : i32
      "tpu.region"() ({
        %run_scoped3A = tpu.sem_alloc : memref<!tpu.dma_semaphore, #tpu.memory_space<semaphore_mem>>
        %dma_start3A_65 = tpu.memref_slice %arg2[%mul3A_10] : memref<1024xf32, #tpu.memory_space<hbm>> -> memref<256xf32, #tpu.memory_space<hbm>>
        %dma_start3A_66 = tpu.memref_slice %arg2[%mul3A_10] : memref<1024xf32, #tpu.memory_space<hbm>> -> memref<256xf32, #tpu.memory_space<hbm>>
        tpu.enqueue_dma source(%dma_start3A_66 : memref<256xf32, #tpu.memory_space<hbm>>) target(%arg5 : memref<256xf32, #tpu.memory_space<vmem>>) target_semaphore(%run_scoped3A : memref<!tpu.dma_semaphore, #tpu.memory_space<semaphore_mem>>)
        %dma_wait3A = tpu.memref_slice %arg2[%mul3A_10] : memref<1024xf32, #tpu.memory_space<hbm>> -> memref<256xf32, #tpu.memory_space<hbm>>
        %dma_wait3A_67 = tpu.memref_slice %arg2[%mul3A_10] : memref<1024xf32, #tpu.memory_space<hbm>> -> memref<256xf32, #tpu.memory_space<hbm>>
        tpu.wait_dma2 semaphore(%run_scoped3A : memref<!tpu.dma_semaphore, #tpu.memory_space<semaphore_mem>>) src(%dma_wait3A_67 : memref<256xf32, #tpu.memory_space<hbm>>) dst(%arg5 : memref<256xf32, #tpu.memory_space<vmem>>)
        tpu.yield
      }) : () -> ()
      %get3A = arith.constant 0 : index
      %get3A_11 = tpu.vector_load %arg5[%get3A] {strides = array<i32>} : memref<256xf32, #tpu.memory_space<vmem>>, vector<16xf32>,
      %get3A_12 = arith.constant 16 : index
      %get3A_13 = tpu.vector_load %arg5[%get3A_12] {strides = array<i32>} : memref<256xf32, #tpu.memory_space<vmem>>, vector<16xf32>,
      %get3A_14 = arith.constant 32 : index
      %get3A_15 = tpu.vector_load %arg5[%get3A_14] {strides = array<i32>} : memref<256xf32, #tpu.memory_space<vmem>>, vector<16xf32>,
      %get3A_16 = arith.constant 48 : index
      %get3A_17 = tpu.vector_load %arg5[%get3A_16] {strides = array<i32>} : memref<256xf32, #tpu.memory_space<vmem>>, vector<16xf32>,
      %get3A_18 = arith.constant 64 : index
      %get3A_19 = tpu.vector_load %arg5[%get3A_18] {strides = array<i32>} : memref<256xf32, #tpu.memory_space<vmem>>, vector<16xf32>,
      %get3A_20 = arith.constant 80 : index
      %get3A_21 = tpu.vector_load %arg5[%get3A_20] {strides = array<i32>} : memref<256xf32, #tpu.memory_space<vmem>>, vector<16xf32>,
      %get3A_22 = arith.constant 96 : index
      %get3A_23 = tpu.vector_load %arg5[%get3A_22] {strides = array<i32>} : memref<256xf32, #tpu.memory_space<vmem>>, vector<16xf32>,
      %get3A_24 = arith.constant 112 : index
      %get3A_25 = tpu.vector_load %arg5[%get3A_24] {strides = array<i32>} : memref<256xf32, #tpu.memory_space<vmem>>, vector<16xf32>,
      %get3A_26 = arith.constant 128 : index
      %get3A_27 = tpu.vector_load %arg5[%get3A_26] {strides = array<i32>} : memref<256xf32, #tpu.memory_space<vmem>>, vector<16xf32>,
      %get3A_28 = arith.constant 144 : index
      %get3A_29 = tpu.vector_load %arg5[%get3A_28] {strides = array<i32>} : memref<256xf32, #tpu.memory_space<vmem>>, vector<16xf32>,
      %get3A_30 = arith.constant 160 : index
      %get3A_31 = tpu.vector_load %arg5[%get3A_30] {strides = array<i32>} : memref<256xf32, #tpu.memory_space<vmem>>, vector<16xf32>,
      %get3A_32 = arith.constant 176 : index
      %get3A_33 = tpu.vector_load %arg5[%get3A_32] {strides = array<i32>} : memref<256xf32, #tpu.memory_space<vmem>>, vector<16xf32>,
      %get3A_34 = arith.constant 192 : index
      %get3A_35 = tpu.vector_load %arg5[%get3A_34] {strides = array<i32>} : memref<256xf32, #tpu.memory_space<vmem>>, vector<16xf32>,
      %get3A_36 = arith.constant 208 : index
      %get3A_37 = tpu.vector_load %arg5[%get3A_36] {strides = array<i32>} : memref<256xf32, #tpu.memory_space<vmem>>, vector<16xf32>,
      %get3A_38 = arith.constant 224 : index
      %get3A_39 = tpu.vector_load %arg5[%get3A_38] {strides = array<i32>} : memref<256xf32, #tpu.memory_space<vmem>>, vector<16xf32>,
      %get3A_40 = arith.constant 240 : index
      %get3A_41 = tpu.vector_load %arg5[%get3A_40] {strides = array<i32>} : memref<256xf32, #tpu.memory_space<vmem>>, vector<16xf32>,
      %dma_start3A = arith.constant 0 : i32
      %dma_start3A_42 = arith.constant 0 : i32
      %dma_start3A_43 = arith.constant 0 : i32
      %dma_start3A_44 = tpu.memref_slice %arg6[%dma_start3A, %dma_start3A_42, %dma_start3A_43] : memref<2x64x256xf32, #tpu.memory_space<vmem>> -> memref<1x64x256xf32, #tpu.memory_space<vmem>>
      %dma_start3A_45 = tpu.memref_squeeze %dma_start3A_44 : memref<1x64x256xf32, #tpu.memory_space<vmem>> -> memref<64x256xf32, #tpu.memory_space<vmem>>
      %dma_start3A_46 = arith.constant 0 : i32
      %dma_start3A_47 = tpu.memref_slice %arg3[%scan3A_8, %mul3A_2, %dma_start3A_46] : memref<4x16384x256xf32, #tpu.memory_space<hbm>> -> memref<1x64x256xf32, #tpu.memory_space<hbm>>
      %dma_start3A_48 = tpu.memref_squeeze %dma_start3A_47 : memref<1x64x256xf32, #tpu.memory_space<hbm>> -> memref<64x256xf32, #tpu.memory_space<hbm>>
      %dma_start3A_49 = arith.constant 0 : i32
      %dma_start3A_50 = arith.constant 0 : i32
      %dma_start3A_51 = tpu.memref_slice %arg6[%dma_start3A, %dma_start3A_49, %dma_start3A_50] : memref<2x64x256xf32, #tpu.memory_space<vmem>> -> memref<1x64x256xf32, #tpu.memory_space<vmem>>
      %dma_start3A_52 = tpu.memref_squeeze %dma_start3A_51 : memref<1x64x256xf32, #tpu.memory_space<vmem>> -> memref<64x256xf32, #tpu.memory_space<vmem>>
      %dma_start3A_53 = arith.constant 0 : i32
      %dma_start3A_54 = tpu.memref_slice %arg3[%scan3A_8, %mul3A_2, %dma_start3A_53] : memref<4x16384x256xf32, #tpu.memory_space<hbm>> -> memref<1x64x256xf32, #tpu.memory_space<hbm>>
      %dma_start3A_55 = tpu.memref_squeeze %dma_start3A_54 : memref<1x64x256xf32, #tpu.memory_space<hbm>> -> memref<64x256xf32, #tpu.memory_space<hbm>>
      tpu.enqueue_dma source(%dma_start3A_55 : memref<64x256xf32, #tpu.memory_space<hbm>>) target(%dma_start3A_52 : memref<64x256xf32, #tpu.memory_space<vmem>>) target_semaphore(%arg8 : memref<!tpu.dma_semaphore, #tpu.memory_space<semaphore_mem>>)
      %scan3A_56 = arith.constant 0 : i32
      %scan3A_57 = arith.constant 0 : i32
      %scan3A_58 = arith.constant 8 : i32
      %scan3A_59 = arith.addi %scan3A_57, %scan3A_58 : i32
      %scan3A_60 = arith.constant 1 : i32
      scf.for %scan3A_65 = %scan3A_57 to %scan3A_59 step %scan3A_60  : i32 {
        %jit3A = arith.constant 2 : i32
        %eq3A = arith.constant 0 : i32
        %eq3A_66 = arith.cmpi eq, %jit3A, %eq3A : i32
        %jit3A_67 = arith.constant 1 : i32
        %select_n3A = arith.select %eq3A_66, %jit3A_67, %jit3A : i32
        %rem3A = arith.remsi %scan3A_65, %select_n3A : i32
        %ne3A = arith.constant 0 : i32
        %ne3A_68 = arith.cmpi ne, %rem3A, %ne3A : i32
        %lt3A = arith.constant 0 : i32
        %lt3A_69 = arith.cmpi slt, %rem3A, %lt3A : i32
        %lt3A_70 = arith.constant 0 : i32
        %lt3A_71 = arith.cmpi slt, %select_n3A, %lt3A_70 : i32
        %ne3A_72 = arith.xori %lt3A_69, %lt3A_71 : i1
        %and3A = arith.andi %ne3A_72, %ne3A_68 : i1
        %add3A_73 = arith.addi %rem3A, %select_n3A : i32
        %select_n3A_74 = arith.select %and3A, %add3A_73, %rem3A : i32
        %mul3A_75 = arith.constant 64 : i32
        %mul3A_76 = arith.muli %scan3A_65, %mul3A_75 : i32
        %add3A_77 = arith.addi %mul3A_2, %mul3A_76 : i32
        %dma_wait3A = arith.constant 0 : i32
        %dma_wait3A_78 = arith.constant 0 : i32
        %dma_wait3A_79 = tpu.memref_slice %arg6[%select_n3A_74, %dma_wait3A, %dma_wait3A_78] : memref<2x64x256xf32, #tpu.memory_space<vmem>> -> memref<1x64x256xf32, #tpu.memory_space<vmem>>
        %dma_wait3A_80 = tpu.memref_squeeze %dma_wait3A_79 : memref<1x64x256xf32, #tpu.memory_space<vmem>> -> memref<64x256xf32, #tpu.memory_space<vmem>>
        %dma_wait3A_81 = arith.constant 0 : i32
        %dma_wait3A_82 = tpu.memref_slice %arg3[%scan3A_8, %add3A_77, %dma_wait3A_81] : memref<4x16384x256xf32, #tpu.memory_space<hbm>> -> memref<1x64x256xf32, #tpu.memory_space<hbm>>
        %dma_wait3A_83 = tpu.memref_squeeze %dma_wait3A_82 : memref<1x64x256xf32, #tpu.memory_space<hbm>> -> memref<64x256xf32, #tpu.memory_space<hbm>>
        %dma_wait3A_84 = arith.constant 0 : i32
        %dma_wait3A_85 = arith.constant 0 : i32
        %dma_wait3A_86 = tpu.memref_slice %arg6[%select_n3A_74, %dma_wait3A_84, %dma_wait3A_85] : memref<2x64x256xf32, #tpu.memory_space<vmem>> -> memref<1x64x256xf32, #tpu.memory_space<vmem>>
        %dma_wait3A_87 = tpu.memref_squeeze %dma_wait3A_86 : memref<1x64x256xf32, #tpu.memory_space<vmem>> -> memref<64x256xf32, #tpu.memory_space<vmem>>
        %dma_wait3A_88 = arith.constant 0 : i32
        %dma_wait3A_89 = tpu.memref_slice %arg3[%scan3A_8, %add3A_77, %dma_wait3A_88] : memref<4x16384x256xf32, #tpu.memory_space<hbm>> -> memref<1x64x256xf32, #tpu.memory_space<hbm>>
        %dma_wait3A_90 = tpu.memref_squeeze %dma_wait3A_89 : memref<1x64x256xf32, #tpu.memory_space<hbm>> -> memref<64x256xf32, #tpu.memory_space<hbm>>
        tpu.wait_dma2 semaphore(%arg8 : memref<!tpu.dma_semaphore, #tpu.memory_space<semaphore_mem>>) src(%dma_wait3A_90 : memref<64x256xf32, #tpu.memory_space<hbm>>) dst(%dma_wait3A_87 : memref<64x256xf32, #tpu.memory_space<vmem>>)
        %add3A_91 = arith.constant 1 : i32
        %add3A_92 = arith.addi %scan3A_65, %add3A_91 : i32
        %lt3A_93 = arith.constant 8 : i32
        %lt3A_94 = arith.cmpi slt, %add3A_92, %lt3A_93 : i32
        %convert_element_type3A = arith.extui %lt3A_94 : i1 to i32
        %cond3A = arith.constant 0 : i32
        %cond3A_95 = arith.cmpi ne, %convert_element_type3A, %cond3A : i32
        scf.if %cond3A_95 {
          %add3A_102 = arith.constant 1 : i32
          %add3A_103 = arith.addi %scan3A_65, %add3A_102 : i32
          %mul3A_104 = arith.constant 64 : i32
          %mul3A_105 = arith.muli %add3A_103, %mul3A_104 : i32
          %add3A_106 = arith.addi %mul3A_2, %mul3A_105 : i32
          %add3A_107 = arith.constant 1 : i32
          %add3A_108 = arith.addi %scan3A_65, %add3A_107 : i32
          %jit3A_109 = arith.constant 2 : i32
          %eq3A_110 = arith.constant 0 : i32
          %eq3A_111 = arith.cmpi eq, %jit3A_109, %eq3A_110 : i32
          %jit3A_112 = arith.constant 1 : i32
          %select_n3A_113 = arith.select %eq3A_111, %jit3A_112, %jit3A_109 : i32
          %rem3A_114 = arith.remsi %add3A_108, %select_n3A_113 : i32
          %ne3A_115 = arith.constant 0 : i32
          %ne3A_116 = arith.cmpi ne, %rem3A_114, %ne3A_115 : i32
          %lt3A_117 = arith.constant 0 : i32
          %lt3A_118 = arith.cmpi slt, %rem3A_114, %lt3A_117 : i32
          %lt3A_119 = arith.constant 0 : i32
          %lt3A_120 = arith.cmpi slt, %select_n3A_113, %lt3A_119 : i32
          %ne3A_121 = arith.xori %lt3A_118, %lt3A_120 : i1
          %and3A_122 = arith.andi %ne3A_121, %ne3A_116 : i1
          %add3A_123 = arith.addi %rem3A_114, %select_n3A_113 : i32
          %select_n3A_124 = arith.select %and3A_122, %add3A_123, %rem3A_114 : i32
          %dma_start3A_125 = arith.constant 0 : i32
          %dma_start3A_126 = arith.constant 0 : i32
          %dma_start3A_127 = tpu.memref_slice %arg6[%select_n3A_124, %dma_start3A_125, %dma_start3A_126] : memref<2x64x256xf32, #tpu.memory_space<vmem>> -> memref<1x64x256xf32, #tpu.memory_space<vmem>>
          %dma_start3A_128 = tpu.memref_squeeze %dma_start3A_127 : memref<1x64x256xf32, #tpu.memory_space<vmem>> -> memref<64x256xf32, #tpu.memory_space<vmem>>
          %dma_start3A_129 = arith.constant 0 : i32
          %dma_start3A_130 = tpu.memref_slice %arg3[%scan3A_8, %add3A_106, %dma_start3A_129] : memref<4x16384x256xf32, #tpu.memory_space<hbm>> -> memref<1x64x256xf32, #tpu.memory_space<hbm>>
          %dma_start3A_131 = tpu.memref_squeeze %dma_start3A_130 : memref<1x64x256xf32, #tpu.memory_space<hbm>> -> memref<64x256xf32, #tpu.memory_space<hbm>>
          %dma_start3A_132 = arith.constant 0 : i32
          %dma_start3A_133 = arith.constant 0 : i32
          %dma_start3A_134 = tpu.memref_slice %arg6[%select_n3A_124, %dma_start3A_132, %dma_start3A_133] : memref<2x64x256xf32, #tpu.memory_space<vmem>> -> memref<1x64x256xf32, #tpu.memory_space<vmem>>
          %dma_start3A_135 = tpu.memref_squeeze %dma_start3A_134 : memref<1x64x256xf32, #tpu.memory_space<vmem>> -> memref<64x256xf32, #tpu.memory_space<vmem>>
          %dma_start3A_136 = arith.constant 0 : i32
          %dma_start3A_137 = tpu.memref_slice %arg3[%scan3A_8, %add3A_106, %dma_start3A_136] : memref<4x16384x256xf32, #tpu.memory_space<hbm>> -> memref<1x64x256xf32, #tpu.memory_space<hbm>>
          %dma_start3A_138 = tpu.memref_squeeze %dma_start3A_137 : memref<1x64x256xf32, #tpu.memory_space<hbm>> -> memref<64x256xf32, #tpu.memory_space<hbm>>
          tpu.enqueue_dma source(%dma_start3A_138 : memref<64x256xf32, #tpu.memory_space<hbm>>) target(%dma_start3A_135 : memref<64x256xf32, #tpu.memory_space<vmem>>) target_semaphore(%arg8 : memref<!tpu.dma_semaphore, #tpu.memory_space<semaphore_mem>>)
        } else {
        }
        %scan3A_96 = arith.constant 0 : i32
        %scan3A_97 = arith.constant 0 : i32
        %scan3A_98 = arith.constant 4 : i32
        %scan3A_99 = arith.addi %scan3A_97, %scan3A_98 : i32
        %scan3A_100 = arith.constant 1 : i32
        scf.for %scan3A_102 = %scan3A_97 to %scan3A_99 step %scan3A_100  : i32 {
          %broadcast_in_dim3A = arith.constant 0.000000e+00 : f32
          %broadcast_in_dim3A_103 = vector.broadcast %broadcast_in_dim3A : f32 to vector<16xf32>
          %mul3A_104 = arith.constant 16 : i32
          %mul3A_105 = arith.muli %scan3A_102, %mul3A_104 : i32
          %add3A_106 = arith.constant 0 : i32
          %add3A_107 = arith.addi %mul3A_105, %add3A_106 : i32
          %get3A_108 = arith.index_cast %select_n3A_74 : i32 to index
          %get3A_109 = arith.index_cast %add3A_107 : i32 to index
          %get3A_110 = arith.constant 0 : index
          %get3A_111 = tpu.vector_load %arg6[%get3A_108, %get3A_109, %get3A_110] {strides = array<i32>} : memref<2x64x256xf32, #tpu.memory_space<vmem>>, vector<16xf32>,
          %mul3A_112 = arith.mulf %get3A_11, %get3A_111 : vector<16xf32>
          %mul3A_113 = arith.constant 16 : i32
          %mul3A_114 = arith.muli %scan3A_102, %mul3A_113 : i32
          %add3A_115 = arith.constant 0 : i32
          %add3A_116 = arith.addi %mul3A_114, %add3A_115 : i32
          %get3A_117 = arith.index_cast %select_n3A_74 : i32 to index
          %get3A_118 = arith.index_cast %add3A_116 : i32 to index
          %get3A_119 = arith.constant 16 : index
          %get3A_120 = tpu.vector_load %arg6[%get3A_117, %get3A_118, %get3A_119] {strides = array<i32>} : memref<2x64x256xf32, #tpu.memory_space<vmem>>, vector<16xf32>,
          %mul3A_121 = arith.mulf %get3A_13, %get3A_120 : vector<16xf32>
          %add3A_122 = arith.addf %mul3A_112, %mul3A_121 : vector<16xf32>
          %mul3A_123 = arith.constant 16 : i32
          %mul3A_124 = arith.muli %scan3A_102, %mul3A_123 : i32
          %add3A_125 = arith.constant 0 : i32
          %add3A_126 = arith.addi %mul3A_124, %add3A_125 : i32
          %get3A_127 = arith.index_cast %select_n3A_74 : i32 to index
          %get3A_128 = arith.index_cast %add3A_126 : i32 to index
          %get3A_129 = arith.constant 32 : index
          %get3A_130 = tpu.vector_load %arg6[%get3A_127, %get3A_128, %get3A_129] {strides = array<i32>} : memref<2x64x256xf32, #tpu.memory_space<vmem>>, vector<16xf32>,
          %mul3A_131 = arith.mulf %get3A_15, %get3A_130 : vector<16xf32>
          %add3A_132 = arith.addf %add3A_122, %mul3A_131 : vector<16xf32>
          %mul3A_133 = arith.constant 16 : i32
          %mul3A_134 = arith.muli %scan3A_102, %mul3A_133 : i32
          %add3A_135 = arith.constant 0 : i32
          %add3A_136 = arith.addi %mul3A_134, %add3A_135 : i32
          %get3A_137 = arith.index_cast %select_n3A_74 : i32 to index
          %get3A_138 = arith.index_cast %add3A_136 : i32 to index
          %get3A_139 = arith.constant 48 : index
          %get3A_140 = tpu.vector_load %arg6[%get3A_137, %get3A_138, %get3A_139] {strides = array<i32>} : memref<2x64x256xf32, #tpu.memory_space<vmem>>, vector<16xf32>,
          %mul3A_141 = arith.mulf %get3A_17, %get3A_140 : vector<16xf32>
          %add3A_142 = arith.addf %add3A_132, %mul3A_141 : vector<16xf32>
          %mul3A_143 = arith.constant 16 : i32
          %mul3A_144 = arith.muli %scan3A_102, %mul3A_143 : i32
          %add3A_145 = arith.constant 0 : i32
          %add3A_146 = arith.addi %mul3A_144, %add3A_145 : i32
          %get3A_147 = arith.index_cast %select_n3A_74 : i32 to index
          %get3A_148 = arith.index_cast %add3A_146 : i32 to index
          %get3A_149 = arith.constant 64 : index
          %get3A_150 = tpu.vector_load %arg6[%get3A_147, %get3A_148, %get3A_149] {strides = array<i32>} : memref<2x64x256xf32, #tpu.memory_space<vmem>>, vector<16xf32>,
          %mul3A_151 = arith.mulf %get3A_19, %get3A_150 : vector<16xf32>
          %add3A_152 = arith.addf %add3A_142, %mul3A_151 : vector<16xf32>
          %mul3A_153 = arith.constant 16 : i32
          %mul3A_154 = arith.muli %scan3A_102, %mul3A_153 : i32
          %add3A_155 = arith.constant 0 : i32
          %add3A_156 = arith.addi %mul3A_154, %add3A_155 : i32
          %get3A_157 = arith.index_cast %select_n3A_74 : i32 to index
          %get3A_158 = arith.index_cast %add3A_156 : i32 to index
          %get3A_159 = arith.constant 80 : index
          %get3A_160 = tpu.vector_load %arg6[%get3A_157, %get3A_158, %get3A_159] {strides = array<i32>} : memref<2x64x256xf32, #tpu.memory_space<vmem>>, vector<16xf32>,
          %mul3A_161 = arith.mulf %get3A_21, %get3A_160 : vector<16xf32>
          %add3A_162 = arith.addf %add3A_152, %mul3A_161 : vector<16xf32>
          %mul3A_163 = arith.constant 16 : i32
          %mul3A_164 = arith.muli %scan3A_102, %mul3A_163 : i32
          %add3A_165 = arith.constant 0 : i32
          %add3A_166 = arith.addi %mul3A_164, %add3A_165 : i32
          %get3A_167 = arith.index_cast %select_n3A_74 : i32 to index
          %get3A_168 = arith.index_cast %add3A_166 : i32 to index
          %get3A_169 = arith.constant 96 : index
          %get3A_170 = tpu.vector_load %arg6[%get3A_167, %get3A_168, %get3A_169] {strides = array<i32>} : memref<2x64x256xf32, #tpu.memory_space<vmem>>, vector<16xf32>,
          %mul3A_171 = arith.mulf %get3A_23, %get3A_170 : vector<16xf32>
          %add3A_172 = arith.addf %add3A_162, %mul3A_171 : vector<16xf32>
          %mul3A_173 = arith.constant 16 : i32
          %mul3A_174 = arith.muli %scan3A_102, %mul3A_173 : i32
          %add3A_175 = arith.constant 0 : i32
          %add3A_176 = arith.addi %mul3A_174, %add3A_175 : i32
          %get3A_177 = arith.index_cast %select_n3A_74 : i32 to index
          %get3A_178 = arith.index_cast %add3A_176 : i32 to index
          %get3A_179 = arith.constant 112 : index
          %get3A_180 = tpu.vector_load %arg6[%get3A_177, %get3A_178, %get3A_179] {strides = array<i32>} : memref<2x64x256xf32, #tpu.memory_space<vmem>>, vector<16xf32>,
          %mul3A_181 = arith.mulf %get3A_25, %get3A_180 : vector<16xf32>
          %add3A_182 = arith.addf %add3A_172, %mul3A_181 : vector<16xf32>
          %mul3A_183 = arith.constant 16 : i32
          %mul3A_184 = arith.muli %scan3A_102, %mul3A_183 : i32
          %add3A_185 = arith.constant 0 : i32
          %add3A_186 = arith.addi %mul3A_184, %add3A_185 : i32
          %get3A_187 = arith.index_cast %select_n3A_74 : i32 to index
          %get3A_188 = arith.index_cast %add3A_186 : i32 to index
          %get3A_189 = arith.constant 128 : index
          %get3A_190 = tpu.vector_load %arg6[%get3A_187, %get3A_188, %get3A_189] {strides = array<i32>} : memref<2x64x256xf32, #tpu.memory_space<vmem>>, vector<16xf32>,
          %mul3A_191 = arith.mulf %get3A_27, %get3A_190 : vector<16xf32>
          %add3A_192 = arith.addf %add3A_182, %mul3A_191 : vector<16xf32>
          %mul3A_193 = arith.constant 16 : i32
          %mul3A_194 = arith.muli %scan3A_102, %mul3A_193 : i32
          %add3A_195 = arith.constant 0 : i32
          %add3A_196 = arith.addi %mul3A_194, %add3A_195 : i32
          %get3A_197 = arith.index_cast %select_n3A_74 : i32 to index
          %get3A_198 = arith.index_cast %add3A_196 : i32 to index
          %get3A_199 = arith.constant 144 : index
          %get3A_200 = tpu.vector_load %arg6[%get3A_197, %get3A_198, %get3A_199] {strides = array<i32>} : memref<2x64x256xf32, #tpu.memory_space<vmem>>, vector<16xf32>,
          %mul3A_201 = arith.mulf %get3A_29, %get3A_200 : vector<16xf32>
          %add3A_202 = arith.addf %add3A_192, %mul3A_201 : vector<16xf32>
          %mul3A_203 = arith.constant 16 : i32
          %mul3A_204 = arith.muli %scan3A_102, %mul3A_203 : i32
          %add3A_205 = arith.constant 0 : i32
          %add3A_206 = arith.addi %mul3A_204, %add3A_205 : i32
          %get3A_207 = arith.index_cast %select_n3A_74 : i32 to index
          %get3A_208 = arith.index_cast %add3A_206 : i32 to index
          %get3A_209 = arith.constant 160 : index
          %get3A_210 = tpu.vector_load %arg6[%get3A_207, %get3A_208, %get3A_209] {strides = array<i32>} : memref<2x64x256xf32, #tpu.memory_space<vmem>>, vector<16xf32>,
          %mul3A_211 = arith.mulf %get3A_31, %get3A_210 : vector<16xf32>
          %add3A_212 = arith.addf %add3A_202, %mul3A_211 : vector<16xf32>
          %mul3A_213 = arith.constant 16 : i32
          %mul3A_214 = arith.muli %scan3A_102, %mul3A_213 : i32
          %add3A_215 = arith.constant 0 : i32
          %add3A_216 = arith.addi %mul3A_214, %add3A_215 : i32
          %get3A_217 = arith.index_cast %select_n3A_74 : i32 to index
          %get3A_218 = arith.index_cast %add3A_216 : i32 to index
          %get3A_219 = arith.constant 176 : index
          %get3A_220 = tpu.vector_load %arg6[%get3A_217, %get3A_218, %get3A_219] {strides = array<i32>} : memref<2x64x256xf32, #tpu.memory_space<vmem>>, vector<16xf32>,
          %mul3A_221 = arith.mulf %get3A_33, %get3A_220 : vector<16xf32>
          %add3A_222 = arith.addf %add3A_212, %mul3A_221 : vector<16xf32>
          %mul3A_223 = arith.constant 16 : i32
          %mul3A_224 = arith.muli %scan3A_102, %mul3A_223 : i32
          %add3A_225 = arith.constant 0 : i32
          %add3A_226 = arith.addi %mul3A_224, %add3A_225 : i32
          %get3A_227 = arith.index_cast %select_n3A_74 : i32 to index
          %get3A_228 = arith.index_cast %add3A_226 : i32 to index
          %get3A_229 = arith.constant 192 : index
          %get3A_230 = tpu.vector_load %arg6[%get3A_227, %get3A_228, %get3A_229] {strides = array<i32>} : memref<2x64x256xf32, #tpu.memory_space<vmem>>, vector<16xf32>,
          %mul3A_231 = arith.mulf %get3A_35, %get3A_230 : vector<16xf32>
          %add3A_232 = arith.addf %add3A_222, %mul3A_231 : vector<16xf32>
          %mul3A_233 = arith.constant 16 : i32
          %mul3A_234 = arith.muli %scan3A_102, %mul3A_233 : i32
          %add3A_235 = arith.constant 0 : i32
          %add3A_236 = arith.addi %mul3A_234, %add3A_235 : i32
          %get3A_237 = arith.index_cast %select_n3A_74 : i32 to index
          %get3A_238 = arith.index_cast %add3A_236 : i32 to index
          %get3A_239 = arith.constant 208 : index
          %get3A_240 = tpu.vector_load %arg6[%get3A_237, %get3A_238, %get3A_239] {strides = array<i32>} : memref<2x64x256xf32, #tpu.memory_space<vmem>>, vector<16xf32>,
          %mul3A_241 = arith.mulf %get3A_37, %get3A_240 : vector<16xf32>
          %add3A_242 = arith.addf %add3A_232, %mul3A_241 : vector<16xf32>
          %mul3A_243 = arith.constant 16 : i32
          %mul3A_244 = arith.muli %scan3A_102, %mul3A_243 : i32
          %add3A_245 = arith.constant 0 : i32
          %add3A_246 = arith.addi %mul3A_244, %add3A_245 : i32
          %get3A_247 = arith.index_cast %select_n3A_74 : i32 to index
          %get3A_248 = arith.index_cast %add3A_246 : i32 to index
          %get3A_249 = arith.constant 224 : index
          %get3A_250 = tpu.vector_load %arg6[%get3A_247, %get3A_248, %get3A_249] {strides = array<i32>} : memref<2x64x256xf32, #tpu.memory_space<vmem>>, vector<16xf32>,
          %mul3A_251 = arith.mulf %get3A_39, %get3A_250 : vector<16xf32>
          %add3A_252 = arith.addf %add3A_242, %mul3A_251 : vector<16xf32>
          %mul3A_253 = arith.constant 16 : i32
          %mul3A_254 = arith.muli %scan3A_102, %mul3A_253 : i32
          %add3A_255 = arith.constant 0 : i32
          %add3A_256 = arith.addi %mul3A_254, %add3A_255 : i32
          %get3A_257 = arith.index_cast %select_n3A_74 : i32 to index
          %get3A_258 = arith.index_cast %add3A_256 : i32 to index
          %get3A_259 = arith.constant 240 : index
          %get3A_260 = tpu.vector_load %arg6[%get3A_257, %get3A_258, %get3A_259] {strides = array<i32>} : memref<2x64x256xf32, #tpu.memory_space<vmem>>, vector<16xf32>,
          %mul3A_261 = arith.mulf %get3A_41, %get3A_260 : vector<16xf32>
          %add3A_262 = arith.addf %add3A_252, %mul3A_261 : vector<16xf32>
          %eq3A_263 = arith.constant 0 : i32
          %eq3A_264 = vector.broadcast %eq3A_263 : i32 to vector<16xi32>
          %eq3A_265 = arith.cmpi eq, %iota3A, %eq3A_264 : vector<16xi32>
          %iota3A_266 = tpu.iota {dimensions = array<i32: 0>} : vector<16xi32>
          %xor3A = arith.constant 1 : i32
          %xor3A_267 = vector.broadcast %xor3A : i32 to vector<16xi32>
          %xor3A_268 = arith.xori %iota3A_266, %xor3A_267 : vector<16xi32>
          %lt3A_269 = arith.constant 0 : i32
          %lt3A_270 = vector.broadcast %lt3A_269 : i32 to vector<16xi32>
          %lt3A_271 = arith.cmpi slt, %xor3A_268, %lt3A_270 : vector<16xi32>
          %add3A_272 = arith.constant 16 : i32
          %add3A_273 = vector.broadcast %add3A_272 : i32 to vector<16xi32>
          %add3A_274 = arith.addi %xor3A_268, %add3A_273 : vector<16xi32>
          %select_n3A_275 = arith.select %lt3A_271, %add3A_274, %xor3A_268 : vector<16xi1>, vector<16xi32>
          %reshape3A = vector.shape_cast %select_n3A_275 : vector<16xi32> to vector<16x1xi32>
          %gather3A = vector.shape_cast %reshape3A : vector<16x1xi32> to vector<16xi32>
          %gather3A_276 = tpu.dynamic_gather %add3A_262[%gather3A] in [0] : vector<16xf32>, vector<16xi32> -> vector<16xf32>
          %add3A_277 = arith.addf %add3A_262, %gather3A_276 : vector<16xf32>
          %xor3A_278 = arith.constant 2 : i32
          %xor3A_279 = vector.broadcast %xor3A_278 : i32 to vector<16xi32>
          %xor3A_280 = arith.xori %iota3A_266, %xor3A_279 : vector<16xi32>
          %lt3A_281 = arith.constant 0 : i32
          %lt3A_282 = vector.broadcast %lt3A_281 : i32 to vector<16xi32>
          %lt3A_283 = arith.cmpi slt, %xor3A_280, %lt3A_282 : vector<16xi32>
          %add3A_284 = arith.constant 16 : i32
          %add3A_285 = vector.broadcast %add3A_284 : i32 to vector<16xi32>
          %add3A_286 = arith.addi %xor3A_280, %add3A_285 : vector<16xi32>
          %select_n3A_287 = arith.select %lt3A_283, %add3A_286, %xor3A_280 : vector<16xi1>, vector<16xi32>
          %reshape3A_288 = vector.shape_cast %select_n3A_287 : vector<16xi32> to vector<16x1xi32>
          %gather3A_289 = vector.shape_cast %reshape3A_288 : vector<16x1xi32> to vector<16xi32>
          %gather3A_290 = tpu.dynamic_gather %add3A_277[%gather3A_289] in [0] : vector<16xf32>, vector<16xi32> -> vector<16xf32>
          %add3A_291 = arith.addf %add3A_277, %gather3A_290 : vector<16xf32>
          %xor3A_292 = arith.constant 4 : i32
          %xor3A_293 = vector.broadcast %xor3A_292 : i32 to vector<16xi32>
          %xor3A_294 = arith.xori %iota3A_266, %xor3A_293 : vector<16xi32>
          %lt3A_295 = arith.constant 0 : i32
          %lt3A_296 = vector.broadcast %lt3A_295 : i32 to vector<16xi32>
          %lt3A_297 = arith.cmpi slt, %xor3A_294, %lt3A_296 : vector<16xi32>
          %add3A_298 = arith.constant 16 : i32
          %add3A_299 = vector.broadcast %add3A_298 : i32 to vector<16xi32>
          %add3A_300 = arith.addi %xor3A_294, %add3A_299 : vector<16xi32>
          %select_n3A_301 = arith.select %lt3A_297, %add3A_300, %xor3A_294 : vector<16xi1>, vector<16xi32>
          %reshape3A_302 = vector.shape_cast %select_n3A_301 : vector<16xi32> to vector<16x1xi32>
          %gather3A_303 = vector.shape_cast %reshape3A_302 : vector<16x1xi32> to vector<16xi32>
          %gather3A_304 = tpu.dynamic_gather %add3A_291[%gather3A_303] in [0] : vector<16xf32>, vector<16xi32> -> vector<16xf32>
          %add3A_305 = arith.addf %add3A_291, %gather3A_304 : vector<16xf32>
          %xor3A_306 = arith.constant 8 : i32
          %xor3A_307 = vector.broadcast %xor3A_306 : i32 to vector<16xi32>
          %xor3A_308 = arith.xori %iota3A_266, %xor3A_307 : vector<16xi32>
          %lt3A_309 = arith.constant 0 : i32
          %lt3A_310 = vector.broadcast %lt3A_309 : i32 to vector<16xi32>
          %lt3A_311 = arith.cmpi slt, %xor3A_308, %lt3A_310 : vector<16xi32>
          %add3A_312 = arith.constant 16 : i32
          %add3A_313 = vector.broadcast %add3A_312 : i32 to vector<16xi32>
          %add3A_314 = arith.addi %xor3A_308, %add3A_313 : vector<16xi32>
          %select_n3A_315 = arith.select %lt3A_311, %add3A_314, %xor3A_308 : vector<16xi1>, vector<16xi32>
          %reshape3A_316 = vector.shape_cast %select_n3A_315 : vector<16xi32> to vector<16x1xi32>
          %gather3A_317 = vector.shape_cast %reshape3A_316 : vector<16x1xi32> to vector<16xi32>
          %gather3A_318 = tpu.dynamic_gather %add3A_305[%gather3A_317] in [0] : vector<16xf32>, vector<16xi32> -> vector<16xf32>
          %add3A_319 = arith.addf %add3A_305, %gather3A_318 : vector<16xf32>
          %select_n3A_320 = arith.select %eq3A_265, %add3A_319, %broadcast_in_dim3A_103 : vector<16xi1>, vector<16xf32>
          %mul3A_321 = arith.constant 16 : i32
          %mul3A_322 = arith.muli %scan3A_102, %mul3A_321 : i32
          %add3A_323 = arith.constant 1 : i32
          %add3A_324 = arith.addi %mul3A_322, %add3A_323 : i32
          %get3A_325 = arith.index_cast %select_n3A_74 : i32 to index
          %get3A_326 = arith.index_cast %add3A_324 : i32 to index
          %get3A_327 = arith.constant 0 : index
          %get3A_328 = tpu.vector_load %arg6[%get3A_325, %get3A_326, %get3A_327] {strides = array<i32>} : memref<2x64x256xf32, #tpu.memory_space<vmem>>, vector<16xf32>,
          %mul3A_329 = arith.mulf %get3A_11, %get3A_328 : vector<16xf32>
          %mul3A_330 = arith.constant 16 : i32
          %mul3A_331 = arith.muli %scan3A_102, %mul3A_330 : i32
          %add3A_332 = arith.constant 1 : i32
          %add3A_333 = arith.addi %mul3A_331, %add3A_332 : i32
          %get3A_334 = arith.index_cast %select_n3A_74 : i32 to index
          %get3A_335 = arith.index_cast %add3A_333 : i32 to index
          %get3A_336 = arith.constant 16 : index
          %get3A_337 = tpu.vector_load %arg6[%get3A_334, %get3A_335, %get3A_336] {strides = array<i32>} : memref<2x64x256xf32, #tpu.memory_space<vmem>>, vector<16xf32>,
          %mul3A_338 = arith.mulf %get3A_13, %get3A_337 : vector<16xf32>
          %add3A_339 = arith.addf %mul3A_329, %mul3A_338 : vector<16xf32>
          %mul3A_340 = arith.constant 16 : i32
          %mul3A_341 = arith.muli %scan3A_102, %mul3A_340 : i32
          %add3A_342 = arith.constant 1 : i32
          %add3A_343 = arith.addi %mul3A_341, %add3A_342 : i32
          %get3A_344 = arith.index_cast %select_n3A_74 : i32 to index
          %get3A_345 = arith.index_cast %add3A_343 : i32 to index
          %get3A_346 = arith.constant 32 : index
          %get3A_347 = tpu.vector_load %arg6[%get3A_344, %get3A_345, %get3A_346] {strides = array<i32>} : memref<2x64x256xf32, #tpu.memory_space<vmem>>, vector<16xf32>,
          %mul3A_348 = arith.mulf %get3A_15, %get3A_347 : vector<16xf32>
          %add3A_349 = arith.addf %add3A_339, %mul3A_348 : vector<16xf32>
          %mul3A_350 = arith.constant 16 : i32
          %mul3A_351 = arith.muli %scan3A_102, %mul3A_350 : i32
          %add3A_352 = arith.constant 1 : i32
          %add3A_353 = arith.addi %mul3A_351, %add3A_352 : i32
          %get3A_354 = arith.index_cast %select_n3A_74 : i32 to index
          %get3A_355 = arith.index_cast %add3A_353 : i32 to index
          %get3A_356 = arith.constant 48 : index
          %get3A_357 = tpu.vector_load %arg6[%get3A_354, %get3A_355, %get3A_356] {strides = array<i32>} : memref<2x64x256xf32, #tpu.memory_space<vmem>>, vector<16xf32>,
          %mul3A_358 = arith.mulf %get3A_17, %get3A_357 : vector<16xf32>
          %add3A_359 = arith.addf %add3A_349, %mul3A_358 : vector<16xf32>
          %mul3A_360 = arith.constant 16 : i32
          %mul3A_361 = arith.muli %scan3A_102, %mul3A_360 : i32
          %add3A_362 = arith.constant 1 : i32
          %add3A_363 = arith.addi %mul3A_361, %add3A_362 : i32
          %get3A_364 = arith.index_cast %select_n3A_74 : i32 to index
          %get3A_365 = arith.index_cast %add3A_363 : i32 to index
          %get3A_366 = arith.constant 64 : index
          %get3A_367 = tpu.vector_load %arg6[%get3A_364, %get3A_365, %get3A_366] {strides = array<i32>} : memref<2x64x256xf32, #tpu.memory_space<vmem>>, vector<16xf32>,
          %mul3A_368 = arith.mulf %get3A_19, %get3A_367 : vector<16xf32>
          %add3A_369 = arith.addf %add3A_359, %mul3A_368 : vector<16xf32>
          %mul3A_370 = arith.constant 16 : i32
          %mul3A_371 = arith.muli %scan3A_102, %mul3A_370 : i32
          %add3A_372 = arith.constant 1 : i32
          %add3A_373 = arith.addi %mul3A_371, %add3A_372 : i32
          %get3A_374 = arith.index_cast %select_n3A_74 : i32 to index
          %get3A_375 = arith.index_cast %add3A_373 : i32 to index
          %get3A_376 = arith.constant 80 : index
          %get3A_377 = tpu.vector_load %arg6[%get3A_374, %get3A_375, %get3A_376] {strides = array<i32>} : memref<2x64x256xf32, #tpu.memory_space<vmem>>, vector<16xf32>,
          %mul3A_378 = arith.mulf %get3A_21, %get3A_377 : vector<16xf32>
          %add3A_379 = arith.addf %add3A_369, %mul3A_378 : vector<16xf32>
          %mul3A_380 = arith.constant 16 : i32
          %mul3A_381 = arith.muli %scan3A_102, %mul3A_380 : i32
          %add3A_382 = arith.constant 1 : i32
          %add3A_383 = arith.addi %mul3A_381, %add3A_382 : i32
          %get3A_384 = arith.index_cast %select_n3A_74 : i32 to index
          %get3A_385 = arith.index_cast %add3A_383 : i32 to index
          %get3A_386 = arith.constant 96 : index
          %get3A_387 = tpu.vector_load %arg6[%get3A_384, %get3A_385, %get3A_386] {strides = array<i32>} : memref<2x64x256xf32, #tpu.memory_space<vmem>>, vector<16xf32>,
          %mul3A_388 = arith.mulf %get3A_23, %get3A_387 : vector<16xf32>
          %add3A_389 = arith.addf %add3A_379, %mul3A_388 : vector<16xf32>
          %mul3A_390 = arith.constant 16 : i32
          %mul3A_391 = arith.muli %scan3A_102, %mul3A_390 : i32
          %add3A_392 = arith.constant 1 : i32
          %add3A_393 = arith.addi %mul3A_391, %add3A_392 : i32
          %get3A_394 = arith.index_cast %select_n3A_74 : i32 to index
          %get3A_395 = arith.index_cast %add3A_393 : i32 to index
          %get3A_396 = arith.constant 112 : index
          %get3A_397 = tpu.vector_load %arg6[%get3A_394, %get3A_395, %get3A_396] {strides = array<i32>} : memref<2x64x256xf32, #tpu.memory_space<vmem>>, vector<16xf32>,
          %mul3A_398 = arith.mulf %get3A_25, %get3A_397 : vector<16xf32>
          %add3A_399 = arith.addf %add3A_389, %mul3A_398 : vector<16xf32>
          %mul3A_400 = arith.constant 16 : i32
          %mul3A_401 = arith.muli %scan3A_102, %mul3A_400 : i32
          %add3A_402 = arith.constant 1 : i32
          %add3A_403 = arith.addi %mul3A_401, %add3A_402 : i32
          %get3A_404 = arith.index_cast %select_n3A_74 : i32 to index
          %get3A_405 = arith.index_cast %add3A_403 : i32 to index
          %get3A_406 = arith.constant 128 : index
          %get3A_407 = tpu.vector_load %arg6[%get3A_404, %get3A_405, %get3A_406] {strides = array<i32>} : memref<2x64x256xf32, #tpu.memory_space<vmem>>, vector<16xf32>,
          %mul3A_408 = arith.mulf %get3A_27, %get3A_407 : vector<16xf32>
          %add3A_409 = arith.addf %add3A_399, %mul3A_408 : vector<16xf32>
          %mul3A_410 = arith.constant 16 : i32
          %mul3A_411 = arith.muli %scan3A_102, %mul3A_410 : i32
          %add3A_412 = arith.constant 1 : i32
          %add3A_413 = arith.addi %mul3A_411, %add3A_412 : i32
          %get3A_414 = arith.index_cast %select_n3A_74 : i32 to index
          %get3A_415 = arith.index_cast %add3A_413 : i32 to index
          %get3A_416 = arith.constant 144 : index
          %get3A_417 = tpu.vector_load %arg6[%get3A_414, %get3A_415, %get3A_416] {strides = array<i32>} : memref<2x64x256xf32, #tpu.memory_space<vmem>>, vector<16xf32>,
          %mul3A_418 = arith.mulf %get3A_29, %get3A_417 : vector<16xf32>
          %add3A_419 = arith.addf %add3A_409, %mul3A_418 : vector<16xf32>
          %mul3A_420 = arith.constant 16 : i32
          %mul3A_421 = arith.muli %scan3A_102, %mul3A_420 : i32
          %add3A_422 = arith.constant 1 : i32
          %add3A_423 = arith.addi %mul3A_421, %add3A_422 : i32
          %get3A_424 = arith.index_cast %select_n3A_74 : i32 to index
          %get3A_425 = arith.index_cast %add3A_423 : i32 to index
          %get3A_426 = arith.constant 160 : index
          %get3A_427 = tpu.vector_load %arg6[%get3A_424, %get3A_425, %get3A_426] {strides = array<i32>} : memref<2x64x256xf32, #tpu.memory_space<vmem>>, vector<16xf32>,
          %mul3A_428 = arith.mulf %get3A_31, %get3A_427 : vector<16xf32>
          %add3A_429 = arith.addf %add3A_419, %mul3A_428 : vector<16xf32>
          %mul3A_430 = arith.constant 16 : i32
          %mul3A_431 = arith.muli %scan3A_102, %mul3A_430 : i32
          %add3A_432 = arith.constant 1 : i32
          %add3A_433 = arith.addi %mul3A_431, %add3A_432 : i32
          %get3A_434 = arith.index_cast %select_n3A_74 : i32 to index
          %get3A_435 = arith.index_cast %add3A_433 : i32 to index
          %get3A_436 = arith.constant 176 : index
          %get3A_437 = tpu.vector_load %arg6[%get3A_434, %get3A_435, %get3A_436] {strides = array<i32>} : memref<2x64x256xf32, #tpu.memory_space<vmem>>, vector<16xf32>,
          %mul3A_438 = arith.mulf %get3A_33, %get3A_437 : vector<16xf32>
          %add3A_439 = arith.addf %add3A_429, %mul3A_438 : vector<16xf32>
          %mul3A_440 = arith.constant 16 : i32
          %mul3A_441 = arith.muli %scan3A_102, %mul3A_440 : i32
          %add3A_442 = arith.constant 1 : i32
          %add3A_443 = arith.addi %mul3A_441, %add3A_442 : i32
          %get3A_444 = arith.index_cast %select_n3A_74 : i32 to index
          %get3A_445 = arith.index_cast %add3A_443 : i32 to index
          %get3A_446 = arith.constant 192 : index
          %get3A_447 = tpu.vector_load %arg6[%get3A_444, %get3A_445, %get3A_446] {strides = array<i32>} : memref<2x64x256xf32, #tpu.memory_space<vmem>>, vector<16xf32>,
          %mul3A_448 = arith.mulf %get3A_35, %get3A_447 : vector<16xf32>
          %add3A_449 = arith.addf %add3A_439, %mul3A_448 : vector<16xf32>
          %mul3A_450 = arith.constant 16 : i32
          %mul3A_451 = arith.muli %scan3A_102, %mul3A_450 : i32
          %add3A_452 = arith.constant 1 : i32
          %add3A_453 = arith.addi %mul3A_451, %add3A_452 : i32
          %get3A_454 = arith.index_cast %select_n3A_74 : i32 to index
          %get3A_455 = arith.index_cast %add3A_453 : i32 to index
          %get3A_456 = arith.constant 208 : index
          %get3A_457 = tpu.vector_load %arg6[%get3A_454, %get3A_455, %get3A_456] {strides = array<i32>} : memref<2x64x256xf32, #tpu.memory_space<vmem>>, vector<16xf32>,
          %mul3A_458 = arith.mulf %get3A_37, %get3A_457 : vector<16xf32>
          %add3A_459 = arith.addf %add3A_449, %mul3A_458 : vector<16xf32>
          %mul3A_460 = arith.constant 16 : i32
          %mul3A_461 = arith.muli %scan3A_102, %mul3A_460 : i32
          %add3A_462 = arith.constant 1 : i32
          %add3A_463 = arith.addi %mul3A_461, %add3A_462 : i32
          %get3A_464 = arith.index_cast %select_n3A_74 : i32 to index
          %get3A_465 = arith.index_cast %add3A_463 : i32 to index
          %get3A_466 = arith.constant 224 : index
          %get3A_467 = tpu.vector_load %arg6[%get3A_464, %get3A_465, %get3A_466] {strides = array<i32>} : memref<2x64x256xf32, #tpu.memory_space<vmem>>, vector<16xf32>,
          %mul3A_468 = arith.mulf %get3A_39, %get3A_467 : vector<16xf32>
          %add3A_469 = arith.addf %add3A_459, %mul3A_468 : vector<16xf32>
          %mul3A_470 = arith.constant 16 : i32
          %mul3A_471 = arith.muli %scan3A_102, %mul3A_470 : i32
          %add3A_472 = arith.constant 1 : i32
          %add3A_473 = arith.addi %mul3A_471, %add3A_472 : i32
          %get3A_474 = arith.index_cast %select_n3A_74 : i32 to index
          %get3A_475 = arith.index_cast %add3A_473 : i32 to index
          %get3A_476 = arith.constant 240 : index
          %get3A_477 = tpu.vector_load %arg6[%get3A_474, %get3A_475, %get3A_476] {strides = array<i32>} : memref<2x64x256xf32, #tpu.memory_space<vmem>>, vector<16xf32>,
          %mul3A_478 = arith.mulf %get3A_41, %get3A_477 : vector<16xf32>
          %add3A_479 = arith.addf %add3A_469, %mul3A_478 : vector<16xf32>
          %eq3A_480 = arith.constant 1 : i32
          %eq3A_481 = vector.broadcast %eq3A_480 : i32 to vector<16xi32>
          %eq3A_482 = arith.cmpi eq, %iota3A, %eq3A_481 : vector<16xi32>
          %iota3A_483 = tpu.iota {dimensions = array<i32: 0>} : vector<16xi32>
          %xor3A_484 = arith.constant 1 : i32
          %xor3A_485 = vector.broadcast %xor3A_484 : i32 to vector<16xi32>
          %xor3A_486 = arith.xori %iota3A_483, %xor3A_485 : vector<16xi32>
          %lt3A_487 = arith.constant 0 : i32
          %lt3A_488 = vector.broadcast %lt3A_487 : i32 to vector<16xi32>
          %lt3A_489 = arith.cmpi slt, %xor3A_486, %lt3A_488 : vector<16xi32>
          %add3A_490 = arith.constant 16 : i32
          %add3A_491 = vector.broadcast %add3A_490 : i32 to vector<16xi32>
          %add3A_492 = arith.addi %xor3A_486, %add3A_491 : vector<16xi32>
          %select_n3A_493 = arith.select %lt3A_489, %add3A_492, %xor3A_486 : vector<16xi1>, vector<16xi32>
          %reshape3A_494 = vector.shape_cast %select_n3A_493 : vector<16xi32> to vector<16x1xi32>
          %gather3A_495 = vector.shape_cast %reshape3A_494 : vector<16x1xi32> to vector<16xi32>
          %gather3A_496 = tpu.dynamic_gather %add3A_479[%gather3A_495] in [0] : vector<16xf32>, vector<16xi32> -> vector<16xf32>
          %add3A_497 = arith.addf %add3A_479, %gather3A_496 : vector<16xf32>
          %xor3A_498 = arith.constant 2 : i32
          %xor3A_499 = vector.broadcast %xor3A_498 : i32 to vector<16xi32>
          %xor3A_500 = arith.xori %iota3A_483, %xor3A_499 : vector<16xi32>
          %lt3A_501 = arith.constant 0 : i32
          %lt3A_502 = vector.broadcast %lt3A_501 : i32 to vector<16xi32>
          %lt3A_503 = arith.cmpi slt, %xor3A_500, %lt3A_502 : vector<16xi32>
          %add3A_504 = arith.constant 16 : i32
          %add3A_505 = vector.broadcast %add3A_504 : i32 to vector<16xi32>
          %add3A_506 = arith.addi %xor3A_500, %add3A_505 : vector<16xi32>
          %select_n3A_507 = arith.select %lt3A_503, %add3A_506, %xor3A_500 : vector<16xi1>, vector<16xi32>
          %reshape3A_508 = vector.shape_cast %select_n3A_507 : vector<16xi32> to vector<16x1xi32>
          %gather3A_509 = vector.shape_cast %reshape3A_508 : vector<16x1xi32> to vector<16xi32>
          %gather3A_510 = tpu.dynamic_gather %add3A_497[%gather3A_509] in [0] : vector<16xf32>, vector<16xi32> -> vector<16xf32>
          %add3A_511 = arith.addf %add3A_497, %gather3A_510 : vector<16xf32>
          %xor3A_512 = arith.constant 4 : i32
          %xor3A_513 = vector.broadcast %xor3A_512 : i32 to vector<16xi32>
          %xor3A_514 = arith.xori %iota3A_483, %xor3A_513 : vector<16xi32>
          %lt3A_515 = arith.constant 0 : i32
          %lt3A_516 = vector.broadcast %lt3A_515 : i32 to vector<16xi32>
          %lt3A_517 = arith.cmpi slt, %xor3A_514, %lt3A_516 : vector<16xi32>
          %add3A_518 = arith.constant 16 : i32
          %add3A_519 = vector.broadcast %add3A_518 : i32 to vector<16xi32>
          %add3A_520 = arith.addi %xor3A_514, %add3A_519 : vector<16xi32>
          %select_n3A_521 = arith.select %lt3A_517, %add3A_520, %xor3A_514 : vector<16xi1>, vector<16xi32>
          %reshape3A_522 = vector.shape_cast %select_n3A_521 : vector<16xi32> to vector<16x1xi32>
          %gather3A_523 = vector.shape_cast %reshape3A_522 : vector<16x1xi32> to vector<16xi32>
          %gather3A_524 = tpu.dynamic_gather %add3A_511[%gather3A_523] in [0] : vector<16xf32>, vector<16xi32> -> vector<16xf32>
          %add3A_525 = arith.addf %add3A_511, %gather3A_524 : vector<16xf32>
          %xor3A_526 = arith.constant 8 : i32
          %xor3A_527 = vector.broadcast %xor3A_526 : i32 to vector<16xi32>
          %xor3A_528 = arith.xori %iota3A_483, %xor3A_527 : vector<16xi32>
          %lt3A_529 = arith.constant 0 : i32
          %lt3A_530 = vector.broadcast %lt3A_529 : i32 to vector<16xi32>
          %lt3A_531 = arith.cmpi slt, %xor3A_528, %lt3A_530 : vector<16xi32>
          %add3A_532 = arith.constant 16 : i32
          %add3A_533 = vector.broadcast %add3A_532 : i32 to vector<16xi32>
          %add3A_534 = arith.addi %xor3A_528, %add3A_533 : vector<16xi32>
          %select_n3A_535 = arith.select %lt3A_531, %add3A_534, %xor3A_528 : vector<16xi1>, vector<16xi32>
          %reshape3A_536 = vector.shape_cast %select_n3A_535 : vector<16xi32> to vector<16x1xi32>
          %gather3A_537 = vector.shape_cast %reshape3A_536 : vector<16x1xi32> to vector<16xi32>
          %gather3A_538 = tpu.dynamic_gather %add3A_525[%gather3A_537] in [0] : vector<16xf32>, vector<16xi32> -> vector<16xf32>
          %add3A_539 = arith.addf %add3A_525, %gather3A_538 : vector<16xf32>
          %select_n3A_540 = arith.select %eq3A_482, %add3A_539, %select_n3A_320 : vector<16xi1>, vector<16xf32>
          %mul3A_541 = arith.constant 16 : i32
          %mul3A_542 = arith.muli %scan3A_102, %mul3A_541 : i32
          %add3A_543 = arith.constant 2 : i32
          %add3A_544 = arith.addi %mul3A_542, %add3A_543 : i32
          %get3A_545 = arith.index_cast %select_n3A_74 : i32 to index
          %get3A_546 = arith.index_cast %add3A_544 : i32 to index
          %get3A_547 = arith.constant 0 : index
          %get3A_548 = tpu.vector_load %arg6[%get3A_545, %get3A_546, %get3A_547] {strides = array<i32>} : memref<2x64x256xf32, #tpu.memory_space<vmem>>, vector<16xf32>,
          %mul3A_549 = arith.mulf %get3A_11, %get3A_548 : vector<16xf32>
          %mul3A_550 = arith.constant 16 : i32
          %mul3A_551 = arith.muli %scan3A_102, %mul3A_550 : i32
          %add3A_552 = arith.constant 2 : i32
          %add3A_553 = arith.addi %mul3A_551, %add3A_552 : i32
          %get3A_554 = arith.index_cast %select_n3A_74 : i32 to index
          %get3A_555 = arith.index_cast %add3A_553 : i32 to index
          %get3A_556 = arith.constant 16 : index
          %get3A_557 = tpu.vector_load %arg6[%get3A_554, %get3A_555, %get3A_556] {strides = array<i32>} : memref<2x64x256xf32, #tpu.memory_space<vmem>>, vector<16xf32>,
          %mul3A_558 = arith.mulf %get3A_13, %get3A_557 : vector<16xf32>
          %add3A_559 = arith.addf %mul3A_549, %mul3A_558 : vector<16xf32>
          %mul3A_560 = arith.constant 16 : i32
          %mul3A_561 = arith.muli %scan3A_102, %mul3A_560 : i32
          %add3A_562 = arith.constant 2 : i32
          %add3A_563 = arith.addi %mul3A_561, %add3A_562 : i32
          %get3A_564 = arith.index_cast %select_n3A_74 : i32 to index
          %get3A_565 = arith.index_cast %add3A_563 : i32 to index
          %get3A_566 = arith.constant 32 : index
          %get3A_567 = tpu.vector_load %arg6[%get3A_564, %get3A_565, %get3A_566] {strides = array<i32>} : memref<2x64x256xf32, #tpu.memory_space<vmem>>, vector<16xf32>,
          %mul3A_568 = arith.mulf %get3A_15, %get3A_567 : vector<16xf32>
          %add3A_569 = arith.addf %add3A_559, %mul3A_568 : vector<16xf32>
          %mul3A_570 = arith.constant 16 : i32
          %mul3A_571 = arith.muli %scan3A_102, %mul3A_570 : i32
          %add3A_572 = arith.constant 2 : i32
          %add3A_573 = arith.addi %mul3A_571, %add3A_572 : i32
          %get3A_574 = arith.index_cast %select_n3A_74 : i32 to index
          %get3A_575 = arith.index_cast %add3A_573 : i32 to index
          %get3A_576 = arith.constant 48 : index
          %get3A_577 = tpu.vector_load %arg6[%get3A_574, %get3A_575, %get3A_576] {strides = array<i32>} : memref<2x64x256xf32, #tpu.memory_space<vmem>>, vector<16xf32>,
          %mul3A_578 = arith.mulf %get3A_17, %get3A_577 : vector<16xf32>
          %add3A_579 = arith.addf %add3A_569, %mul3A_578 : vector<16xf32>
          %mul3A_580 = arith.constant 16 : i32
          %mul3A_581 = arith.muli %scan3A_102, %mul3A_580 : i32
          %add3A_582 = arith.constant 2 : i32
          %add3A_583 = arith.addi %mul3A_581, %add3A_582 : i32
          %get3A_584 = arith.index_cast %select_n3A_74 : i32 to index
          %get3A_585 = arith.index_cast %add3A_583 : i32 to index
          %get3A_586 = arith.constant 64 : index
          %get3A_587 = tpu.vector_load %arg6[%get3A_584, %get3A_585, %get3A_586] {strides = array<i32>} : memref<2x64x256xf32, #tpu.memory_space<vmem>>, vector<16xf32>,
          %mul3A_588 = arith.mulf %get3A_19, %get3A_587 : vector<16xf32>
          %add3A_589 = arith.addf %add3A_579, %mul3A_588 : vector<16xf32>
          %mul3A_590 = arith.constant 16 : i32
          %mul3A_591 = arith.muli %scan3A_102, %mul3A_590 : i32
          %add3A_592 = arith.constant 2 : i32
          %add3A_593 = arith.addi %mul3A_591, %add3A_592 : i32
          %get3A_594 = arith.index_cast %select_n3A_74 : i32 to index
          %get3A_595 = arith.index_cast %add3A_593 : i32 to index
          %get3A_596 = arith.constant 80 : index
          %get3A_597 = tpu.vector_load %arg6[%get3A_594, %get3A_595, %get3A_596] {strides = array<i32>} : memref<2x64x256xf32, #tpu.memory_space<vmem>>, vector<16xf32>,
          %mul3A_598 = arith.mulf %get3A_21, %get3A_597 : vector<16xf32>
          %add3A_599 = arith.addf %add3A_589, %mul3A_598 : vector<16xf32>
          %mul3A_600 = arith.constant 16 : i32
          %mul3A_601 = arith.muli %scan3A_102, %mul3A_600 : i32
          %add3A_602 = arith.constant 2 : i32
          %add3A_603 = arith.addi %mul3A_601, %add3A_602 : i32
          %get3A_604 = arith.index_cast %select_n3A_74 : i32 to index
          %get3A_605 = arith.index_cast %add3A_603 : i32 to index
          %get3A_606 = arith.constant 96 : index
          %get3A_607 = tpu.vector_load %arg6[%get3A_604, %get3A_605, %get3A_606] {strides = array<i32>} : memref<2x64x256xf32, #tpu.memory_space<vmem>>, vector<16xf32>,
          %mul3A_608 = arith.mulf %get3A_23, %get3A_607 : vector<16xf32>
          %add3A_609 = arith.addf %add3A_599, %mul3A_608 : vector<16xf32>
          %mul3A_610 = arith.constant 16 : i32
          %mul3A_611 = arith.muli %scan3A_102, %mul3A_610 : i32
          %add3A_612 = arith.constant 2 : i32
          %add3A_613 = arith.addi %mul3A_611, %add3A_612 : i32
          %get3A_614 = arith.index_cast %select_n3A_74 : i32 to index
          %get3A_615 = arith.index_cast %add3A_613 : i32 to index
          %get3A_616 = arith.constant 112 : index
          %get3A_617 = tpu.vector_load %arg6[%get3A_614, %get3A_615, %get3A_616] {strides = array<i32>} : memref<2x64x256xf32, #tpu.memory_space<vmem>>, vector<16xf32>,
          %mul3A_618 = arith.mulf %get3A_25, %get3A_617 : vector<16xf32>
          %add3A_619 = arith.addf %add3A_609, %mul3A_618 : vector<16xf32>
          %mul3A_620 = arith.constant 16 : i32
          %mul3A_621 = arith.muli %scan3A_102, %mul3A_620 : i32
          %add3A_622 = arith.constant 2 : i32
          %add3A_623 = arith.addi %mul3A_621, %add3A_622 : i32
          %get3A_624 = arith.index_cast %select_n3A_74 : i32 to index
          %get3A_625 = arith.index_cast %add3A_623 : i32 to index
          %get3A_626 = arith.constant 128 : index
          %get3A_627 = tpu.vector_load %arg6[%get3A_624, %get3A_625, %get3A_626] {strides = array<i32>} : memref<2x64x256xf32, #tpu.memory_space<vmem>>, vector<16xf32>,
          %mul3A_628 = arith.mulf %get3A_27, %get3A_627 : vector<16xf32>
          %add3A_629 = arith.addf %add3A_619, %mul3A_628 : vector<16xf32>
          %mul3A_630 = arith.constant 16 : i32
          %mul3A_631 = arith.muli %scan3A_102, %mul3A_630 : i32
          %add3A_632 = arith.constant 2 : i32
          %add3A_633 = arith.addi %mul3A_631, %add3A_632 : i32
          %get3A_634 = arith.index_cast %select_n3A_74 : i32 to index
          %get3A_635 = arith.index_cast %add3A_633 : i32 to index
          %get3A_636 = arith.constant 144 : index
          %get3A_637 = tpu.vector_load %arg6[%get3A_634, %get3A_635, %get3A_636] {strides = array<i32>} : memref<2x64x256xf32, #tpu.memory_space<vmem>>, vector<16xf32>,
          %mul3A_638 = arith.mulf %get3A_29, %get3A_637 : vector<16xf32>
          %add3A_639 = arith.addf %add3A_629, %mul3A_638 : vector<16xf32>
          %mul3A_640 = arith.constant 16 : i32
          %mul3A_641 = arith.muli %scan3A_102, %mul3A_640 : i32
          %add3A_642 = arith.constant 2 : i32
          %add3A_643 = arith.addi %mul3A_641, %add3A_642 : i32
          %get3A_644 = arith.index_cast %select_n3A_74 : i32 to index
          %get3A_645 = arith.index_cast %add3A_643 : i32 to index
          %get3A_646 = arith.constant 160 : index
          %get3A_647 = tpu.vector_load %arg6[%get3A_644, %get3A_645, %get3A_646] {strides = array<i32>} : memref<2x64x256xf32, #tpu.memory_space<vmem>>, vector<16xf32>,
          %mul3A_648 = arith.mulf %get3A_31, %get3A_647 : vector<16xf32>
          %add3A_649 = arith.addf %add3A_639, %mul3A_648 : vector<16xf32>
          %mul3A_650 = arith.constant 16 : i32
          %mul3A_651 = arith.muli %scan3A_102, %mul3A_650 : i32
          %add3A_652 = arith.constant 2 : i32
          %add3A_653 = arith.addi %mul3A_651, %add3A_652 : i32
          %get3A_654 = arith.index_cast %select_n3A_74 : i32 to index
          %get3A_655 = arith.index_cast %add3A_653 : i32 to index
          %get3A_656 = arith.constant 176 : index
          %get3A_657 = tpu.vector_load %arg6[%get3A_654, %get3A_655, %get3A_656] {strides = array<i32>} : memref<2x64x256xf32, #tpu.memory_space<vmem>>, vector<16xf32>,
          %mul3A_658 = arith.mulf %get3A_33, %get3A_657 : vector<16xf32>
          %add3A_659 = arith.addf %add3A_649, %mul3A_658 : vector<16xf32>
          %mul3A_660 = arith.constant 16 : i32
          %mul3A_661 = arith.muli %scan3A_102, %mul3A_660 : i32
          %add3A_662 = arith.constant 2 : i32
          %add3A_663 = arith.addi %mul3A_661, %add3A_662 : i32
          %get3A_664 = arith.index_cast %select_n3A_74 : i32 to index
          %get3A_665 = arith.index_cast %add3A_663 : i32 to index
          %get3A_666 = arith.constant 192 : index
          %get3A_667 = tpu.vector_load %arg6[%get3A_664, %get3A_665, %get3A_666] {strides = array<i32>} : memref<2x64x256xf32, #tpu.memory_space<vmem>>, vector<16xf32>,
          %mul3A_668 = arith.mulf %get3A_35, %get3A_667 : vector<16xf32>
          %add3A_669 = arith.addf %add3A_659, %mul3A_668 : vector<16xf32>
          %mul3A_670 = arith.constant 16 : i32
          %mul3A_671 = arith.muli %scan3A_102, %mul3A_670 : i32
          %add3A_672 = arith.constant 2 : i32
          %add3A_673 = arith.addi %mul3A_671, %add3A_672 : i32
          %get3A_674 = arith.index_cast %select_n3A_74 : i32 to index
          %get3A_675 = arith.index_cast %add3A_673 : i32 to index
          %get3A_676 = arith.constant 208 : index
          %get3A_677 = tpu.vector_load %arg6[%get3A_674, %get3A_675, %get3A_676] {strides = array<i32>} : memref<2x64x256xf32, #tpu.memory_space<vmem>>, vector<16xf32>,
          %mul3A_678 = arith.mulf %get3A_37, %get3A_677 : vector<16xf32>
          %add3A_679 = arith.addf %add3A_669, %mul3A_678 : vector<16xf32>
          %mul3A_680 = arith.constant 16 : i32
          %mul3A_681 = arith.muli %scan3A_102, %mul3A_680 : i32
          %add3A_682 = arith.constant 2 : i32
          %add3A_683 = arith.addi %mul3A_681, %add3A_682 : i32
          %get3A_684 = arith.index_cast %select_n3A_74 : i32 to index
          %get3A_685 = arith.index_cast %add3A_683 : i32 to index
          %get3A_686 = arith.constant 224 : index
          %get3A_687 = tpu.vector_load %arg6[%get3A_684, %get3A_685, %get3A_686] {strides = array<i32>} : memref<2x64x256xf32, #tpu.memory_space<vmem>>, vector<16xf32>,
          %mul3A_688 = arith.mulf %get3A_39, %get3A_687 : vector<16xf32>
          %add3A_689 = arith.addf %add3A_679, %mul3A_688 : vector<16xf32>
          %mul3A_690 = arith.constant 16 : i32
          %mul3A_691 = arith.muli %scan3A_102, %mul3A_690 : i32
          %add3A_692 = arith.constant 2 : i32
          %add3A_693 = arith.addi %mul3A_691, %add3A_692 : i32
          %get3A_694 = arith.index_cast %select_n3A_74 : i32 to index
          %get3A_695 = arith.index_cast %add3A_693 : i32 to index
          %get3A_696 = arith.constant 240 : index
          %get3A_697 = tpu.vector_load %arg6[%get3A_694, %get3A_695, %get3A_696] {strides = array<i32>} : memref<2x64x256xf32, #tpu.memory_space<vmem>>, vector<16xf32>,
          %mul3A_698 = arith.mulf %get3A_41, %get3A_697 : vector<16xf32>
          %add3A_699 = arith.addf %add3A_689, %mul3A_698 : vector<16xf32>
          %eq3A_700 = arith.constant 2 : i32
          %eq3A_701 = vector.broadcast %eq3A_700 : i32 to vector<16xi32>
          %eq3A_702 = arith.cmpi eq, %iota3A, %eq3A_701 : vector<16xi32>
          %iota3A_703 = tpu.iota {dimensions = array<i32: 0>} : vector<16xi32>
          %xor3A_704 = arith.constant 1 : i32
          %xor3A_705 = vector.broadcast %xor3A_704 : i32 to vector<16xi32>
          %xor3A_706 = arith.xori %iota3A_703, %xor3A_705 : vector<16xi32>
          %lt3A_707 = arith.constant 0 : i32
          %lt3A_708 = vector.broadcast %lt3A_707 : i32 to vector<16xi32>
          %lt3A_709 = arith.cmpi slt, %xor3A_706, %lt3A_708 : vector<16xi32>
          %add3A_710 = arith.constant 16 : i32
          %add3A_711 = vector.broadcast %add3A_710 : i32 to vector<16xi32>
          %add3A_712 = arith.addi %xor3A_706, %add3A_711 : vector<16xi32>
          %select_n3A_713 = arith.select %lt3A_709, %add3A_712, %xor3A_706 : vector<16xi1>, vector<16xi32>
          %reshape3A_714 = vector.shape_cast %select_n3A_713 : vector<16xi32> to vector<16x1xi32>
          %gather3A_715 = vector.shape_cast %reshape3A_714 : vector<16x1xi32> to vector<16xi32>
          %gather3A_716 = tpu.dynamic_gather %add3A_699[%gather3A_715] in [0] : vector<16xf32>, vector<16xi32> -> vector<16xf32>
          %add3A_717 = arith.addf %add3A_699, %gather3A_716 : vector<16xf32>
          %xor3A_718 = arith.constant 2 : i32
          %xor3A_719 = vector.broadcast %xor3A_718 : i32 to vector<16xi32>
          %xor3A_720 = arith.xori %iota3A_703, %xor3A_719 : vector<16xi32>
          %lt3A_721 = arith.constant 0 : i32
          %lt3A_722 = vector.broadcast %lt3A_721 : i32 to vector<16xi32>
          %lt3A_723 = arith.cmpi slt, %xor3A_720, %lt3A_722 : vector<16xi32>
          %add3A_724 = arith.constant 16 : i32
          %add3A_725 = vector.broadcast %add3A_724 : i32 to vector<16xi32>
          %add3A_726 = arith.addi %xor3A_720, %add3A_725 : vector<16xi32>
          %select_n3A_727 = arith.select %lt3A_723, %add3A_726, %xor3A_720 : vector<16xi1>, vector<16xi32>
          %reshape3A_728 = vector.shape_cast %select_n3A_727 : vector<16xi32> to vector<16x1xi32>
          %gather3A_729 = vector.shape_cast %reshape3A_728 : vector<16x1xi32> to vector<16xi32>
          %gather3A_730 = tpu.dynamic_gather %add3A_717[%gather3A_729] in [0] : vector<16xf32>, vector<16xi32> -> vector<16xf32>
          %add3A_731 = arith.addf %add3A_717, %gather3A_730 : vector<16xf32>
          %xor3A_732 = arith.constant 4 : i32
          %xor3A_733 = vector.broadcast %xor3A_732 : i32 to vector<16xi32>
          %xor3A_734 = arith.xori %iota3A_703, %xor3A_733 : vector<16xi32>
          %lt3A_735 = arith.constant 0 : i32
          %lt3A_736 = vector.broadcast %lt3A_735 : i32 to vector<16xi32>
          %lt3A_737 = arith.cmpi slt, %xor3A_734, %lt3A_736 : vector<16xi32>
          %add3A_738 = arith.constant 16 : i32
          %add3A_739 = vector.broadcast %add3A_738 : i32 to vector<16xi32>
          %add3A_740 = arith.addi %xor3A_734, %add3A_739 : vector<16xi32>
          %select_n3A_741 = arith.select %lt3A_737, %add3A_740, %xor3A_734 : vector<16xi1>, vector<16xi32>
          %reshape3A_742 = vector.shape_cast %select_n3A_741 : vector<16xi32> to vector<16x1xi32>
          %gather3A_743 = vector.shape_cast %reshape3A_742 : vector<16x1xi32> to vector<16xi32>
          %gather3A_744 = tpu.dynamic_gather %add3A_731[%gather3A_743] in [0] : vector<16xf32>, vector<16xi32> -> vector<16xf32>
          %add3A_745 = arith.addf %add3A_731, %gather3A_744 : vector<16xf32>
          %xor3A_746 = arith.constant 8 : i32
          %xor3A_747 = vector.broadcast %xor3A_746 : i32 to vector<16xi32>
          %xor3A_748 = arith.xori %iota3A_703, %xor3A_747 : vector<16xi32>
          %lt3A_749 = arith.constant 0 : i32
          %lt3A_750 = vector.broadcast %lt3A_749 : i32 to vector<16xi32>
          %lt3A_751 = arith.cmpi slt, %xor3A_748, %lt3A_750 : vector<16xi32>
          %add3A_752 = arith.constant 16 : i32
          %add3A_753 = vector.broadcast %add3A_752 : i32 to vector<16xi32>
          %add3A_754 = arith.addi %xor3A_748, %add3A_753 : vector<16xi32>
          %select_n3A_755 = arith.select %lt3A_751, %add3A_754, %xor3A_748 : vector<16xi1>, vector<16xi32>
          %reshape3A_756 = vector.shape_cast %select_n3A_755 : vector<16xi32> to vector<16x1xi32>
          %gather3A_757 = vector.shape_cast %reshape3A_756 : vector<16x1xi32> to vector<16xi32>
          %gather3A_758 = tpu.dynamic_gather %add3A_745[%gather3A_757] in [0] : vector<16xf32>, vector<16xi32> -> vector<16xf32>
          %add3A_759 = arith.addf %add3A_745, %gather3A_758 : vector<16xf32>
          %select_n3A_760 = arith.select %eq3A_702, %add3A_759, %select_n3A_540 : vector<16xi1>, vector<16xf32>
          %mul3A_761 = arith.constant 16 : i32
          %mul3A_762 = arith.muli %scan3A_102, %mul3A_761 : i32
          %add3A_763 = arith.constant 3 : i32
          %add3A_764 = arith.addi %mul3A_762, %add3A_763 : i32
          %get3A_765 = arith.index_cast %select_n3A_74 : i32 to index
          %get3A_766 = arith.index_cast %add3A_764 : i32 to index
          %get3A_767 = arith.constant 0 : index
          %get3A_768 = tpu.vector_load %arg6[%get3A_765, %get3A_766, %get3A_767] {strides = array<i32>} : memref<2x64x256xf32, #tpu.memory_space<vmem>>, vector<16xf32>,
          %mul3A_769 = arith.mulf %get3A_11, %get3A_768 : vector<16xf32>
          %mul3A_770 = arith.constant 16 : i32
          %mul3A_771 = arith.muli %scan3A_102, %mul3A_770 : i32
          %add3A_772 = arith.constant 3 : i32
          %add3A_773 = arith.addi %mul3A_771, %add3A_772 : i32
          %get3A_774 = arith.index_cast %select_n3A_74 : i32 to index
          %get3A_775 = arith.index_cast %add3A_773 : i32 to index
          %get3A_776 = arith.constant 16 : index
          %get3A_777 = tpu.vector_load %arg6[%get3A_774, %get3A_775, %get3A_776] {strides = array<i32>} : memref<2x64x256xf32, #tpu.memory_space<vmem>>, vector<16xf32>,
          %mul3A_778 = arith.mulf %get3A_13, %get3A_777 : vector<16xf32>
          %add3A_779 = arith.addf %mul3A_769, %mul3A_778 : vector<16xf32>
          %mul3A_780 = arith.constant 16 : i32
          %mul3A_781 = arith.muli %scan3A_102, %mul3A_780 : i32
          %add3A_782 = arith.constant 3 : i32
          %add3A_783 = arith.addi %mul3A_781, %add3A_782 : i32
          %get3A_784 = arith.index_cast %select_n3A_74 : i32 to index
          %get3A_785 = arith.index_cast %add3A_783 : i32 to index
          %get3A_786 = arith.constant 32 : index
          %get3A_787 = tpu.vector_load %arg6[%get3A_784, %get3A_785, %get3A_786] {strides = array<i32>} : memref<2x64x256xf32, #tpu.memory_space<vmem>>, vector<16xf32>,
          %mul3A_788 = arith.mulf %get3A_15, %get3A_787 : vector<16xf32>
          %add3A_789 = arith.addf %add3A_779, %mul3A_788 : vector<16xf32>
          %mul3A_790 = arith.constant 16 : i32
          %mul3A_791 = arith.muli %scan3A_102, %mul3A_790 : i32
          %add3A_792 = arith.constant 3 : i32
          %add3A_793 = arith.addi %mul3A_791, %add3A_792 : i32
          %get3A_794 = arith.index_cast %select_n3A_74 : i32 to index
          %get3A_795 = arith.index_cast %add3A_793 : i32 to index
          %get3A_796 = arith.constant 48 : index
          %get3A_797 = tpu.vector_load %arg6[%get3A_794, %get3A_795, %get3A_796] {strides = array<i32>} : memref<2x64x256xf32, #tpu.memory_space<vmem>>, vector<16xf32>,
          %mul3A_798 = arith.mulf %get3A_17, %get3A_797 : vector<16xf32>
          %add3A_799 = arith.addf %add3A_789, %mul3A_798 : vector<16xf32>
          %mul3A_800 = arith.constant 16 : i32
          %mul3A_801 = arith.muli %scan3A_102, %mul3A_800 : i32
          %add3A_802 = arith.constant 3 : i32
          %add3A_803 = arith.addi %mul3A_801, %add3A_802 : i32
          %get3A_804 = arith.index_cast %select_n3A_74 : i32 to index
          %get3A_805 = arith.index_cast %add3A_803 : i32 to index
          %get3A_806 = arith.constant 64 : index
          %get3A_807 = tpu.vector_load %arg6[%get3A_804, %get3A_805, %get3A_806] {strides = array<i32>} : memref<2x64x256xf32, #tpu.memory_space<vmem>>, vector<16xf32>,
          %mul3A_808 = arith.mulf %get3A_19, %get3A_807 : vector<16xf32>
          %add3A_809 = arith.addf %add3A_799, %mul3A_808 : vector<16xf32>
          %mul3A_810 = arith.constant 16 : i32
          %mul3A_811 = arith.muli %scan3A_102, %mul3A_810 : i32
          %add3A_812 = arith.constant 3 : i32
          %add3A_813 = arith.addi %mul3A_811, %add3A_812 : i32
          %get3A_814 = arith.index_cast %select_n3A_74 : i32 to index
          %get3A_815 = arith.index_cast %add3A_813 : i32 to index
          %get3A_816 = arith.constant 80 : index
          %get3A_817 = tpu.vector_load %arg6[%get3A_814, %get3A_815, %get3A_816] {strides = array<i32>} : memref<2x64x256xf32, #tpu.memory_space<vmem>>, vector<16xf32>,
          %mul3A_818 = arith.mulf %get3A_21, %get3A_817 : vector<16xf32>
          %add3A_819 = arith.addf %add3A_809, %mul3A_818 : vector<16xf32>
          %mul3A_820 = arith.constant 16 : i32
          %mul3A_821 = arith.muli %scan3A_102, %mul3A_820 : i32
          %add3A_822 = arith.constant 3 : i32
          %add3A_823 = arith.addi %mul3A_821, %add3A_822 : i32
          %get3A_824 = arith.index_cast %select_n3A_74 : i32 to index
          %get3A_825 = arith.index_cast %add3A_823 : i32 to index
          %get3A_826 = arith.constant 96 : index
          %get3A_827 = tpu.vector_load %arg6[%get3A_824, %get3A_825, %get3A_826] {strides = array<i32>} : memref<2x64x256xf32, #tpu.memory_space<vmem>>, vector<16xf32>,
          %mul3A_828 = arith.mulf %get3A_23, %get3A_827 : vector<16xf32>
          %add3A_829 = arith.addf %add3A_819, %mul3A_828 : vector<16xf32>
          %mul3A_830 = arith.constant 16 : i32
          %mul3A_831 = arith.muli %scan3A_102, %mul3A_830 : i32
          %add3A_832 = arith.constant 3 : i32
          %add3A_833 = arith.addi %mul3A_831, %add3A_832 : i32
          %get3A_834 = arith.index_cast %select_n3A_74 : i32 to index
          %get3A_835 = arith.index_cast %add3A_833 : i32 to index
          %get3A_836 = arith.constant 112 : index
          %get3A_837 = tpu.vector_load %arg6[%get3A_834, %get3A_835, %get3A_836] {strides = array<i32>} : memref<2x64x256xf32, #tpu.memory_space<vmem>>, vector<16xf32>,
          %mul3A_838 = arith.mulf %get3A_25, %get3A_837 : vector<16xf32>
          %add3A_839 = arith.addf %add3A_829, %mul3A_838 : vector<16xf32>
          %mul3A_840 = arith.constant 16 : i32
          %mul3A_841 = arith.muli %scan3A_102, %mul3A_840 : i32
          %add3A_842 = arith.constant 3 : i32
          %add3A_843 = arith.addi %mul3A_841, %add3A_842 : i32
          %get3A_844 = arith.index_cast %select_n3A_74 : i32 to index
          %get3A_845 = arith.index_cast %add3A_843 : i32 to index
          %get3A_846 = arith.constant 128 : index
          %get3A_847 = tpu.vector_load %arg6[%get3A_844, %get3A_845, %get3A_846] {strides = array<i32>} : memref<2x64x256xf32, #tpu.memory_space<vmem>>, vector<16xf32>,
          %mul3A_848 = arith.mulf %get3A_27, %get3A_847 : vector<16xf32>
          %add3A_849 = arith.addf %add3A_839, %mul3A_848 : vector<16xf32>
          %mul3A_850 = arith.constant 16 : i32
          %mul3A_851 = arith.muli %scan3A_102, %mul3A_850 : i32
          %add3A_852 = arith.constant 3 : i32
          %add3A_853 = arith.addi %mul3A_851, %add3A_852 : i32
          %get3A_854 = arith.index_cast %select_n3A_74 : i32 to index
          %get3A_855 = arith.index_cast %add3A_853 : i32 to index
          %get3A_856 = arith.constant 144 : index
          %get3A_857 = tpu.vector_load %arg6[%get3A_854, %get3A_855, %get3A_856] {strides = array<i32>} : memref<2x64x256xf32, #tpu.memory_space<vmem>>, vector<16xf32>,
          %mul3A_858 = arith.mulf %get3A_29, %get3A_857 : vector<16xf32>
          %add3A_859 = arith.addf %add3A_849, %mul3A_858 : vector<16xf32>
          %mul3A_860 = arith.constant 16 : i32
          %mul3A_861 = arith.muli %scan3A_102, %mul3A_860 : i32
          %add3A_862 = arith.constant 3 : i32
          %add3A_863 = arith.addi %mul3A_861, %add3A_862 : i32
          %get3A_864 = arith.index_cast %select_n3A_74 : i32 to index
          %get3A_865 = arith.index_cast %add3A_863 : i32 to index
          %get3A_866 = arith.constant 160 : index
          %get3A_867 = tpu.vector_load %arg6[%get3A_864, %get3A_865, %get3A_866] {strides = array<i32>} : memref<2x64x256xf32, #tpu.memory_space<vmem>>, vector<16xf32>,
          %mul3A_868 = arith.mulf %get3A_31, %get3A_867 : vector<16xf32>
          %add3A_869 = arith.addf %add3A_859, %mul3A_868 : vector<16xf32>
          %mul3A_870 = arith.constant 16 : i32
          %mul3A_871 = arith.muli %scan3A_102, %mul3A_870 : i32
          %add3A_872 = arith.constant 3 : i32
          %add3A_873 = arith.addi %mul3A_871, %add3A_872 : i32
          %get3A_874 = arith.index_cast %select_n3A_74 : i32 to index
          %get3A_875 = arith.index_cast %add3A_873 : i32 to index
          %get3A_876 = arith.constant 176 : index
          %get3A_877 = tpu.vector_load %arg6[%get3A_874, %get3A_875, %get3A_876] {strides = array<i32>} : memref<2x64x256xf32, #tpu.memory_space<vmem>>, vector<16xf32>,
          %mul3A_878 = arith.mulf %get3A_33, %get3A_877 : vector<16xf32>
          %add3A_879 = arith.addf %add3A_869, %mul3A_878 : vector<16xf32>
          %mul3A_880 = arith.constant 16 : i32
          %mul3A_881 = arith.muli %scan3A_102, %mul3A_880 : i32
          %add3A_882 = arith.constant 3 : i32
          %add3A_883 = arith.addi %mul3A_881, %add3A_882 : i32
          %get3A_884 = arith.index_cast %select_n3A_74 : i32 to index
          %get3A_885 = arith.index_cast %add3A_883 : i32 to index
          %get3A_886 = arith.constant 192 : index
          %get3A_887 = tpu.vector_load %arg6[%get3A_884, %get3A_885, %get3A_886] {strides = array<i32>} : memref<2x64x256xf32, #tpu.memory_space<vmem>>, vector<16xf32>,
          %mul3A_888 = arith.mulf %get3A_35, %get3A_887 : vector<16xf32>
          %add3A_889 = arith.addf %add3A_879, %mul3A_888 : vector<16xf32>
          %mul3A_890 = arith.constant 16 : i32
          %mul3A_891 = arith.muli %scan3A_102, %mul3A_890 : i32
          %add3A_892 = arith.constant 3 : i32
          %add3A_893 = arith.addi %mul3A_891, %add3A_892 : i32
          %get3A_894 = arith.index_cast %select_n3A_74 : i32 to index
          %get3A_895 = arith.index_cast %add3A_893 : i32 to index
          %get3A_896 = arith.constant 208 : index
          %get3A_897 = tpu.vector_load %arg6[%get3A_894, %get3A_895, %get3A_896] {strides = array<i32>} : memref<2x64x256xf32, #tpu.memory_space<vmem>>, vector<16xf32>,
          %mul3A_898 = arith.mulf %get3A_37, %get3A_897 : vector<16xf32>
          %add3A_899 = arith.addf %add3A_889, %mul3A_898 : vector<16xf32>
          %mul3A_900 = arith.constant 16 : i32
          %mul3A_901 = arith.muli %scan3A_102, %mul3A_900 : i32
          %add3A_902 = arith.constant 3 : i32
          %add3A_903 = arith.addi %mul3A_901, %add3A_902 : i32
          %get3A_904 = arith.index_cast %select_n3A_74 : i32 to index
          %get3A_905 = arith.index_cast %add3A_903 : i32 to index
          %get3A_906 = arith.constant 224 : index
          %get3A_907 = tpu.vector_load %arg6[%get3A_904, %get3A_905, %get3A_906] {strides = array<i32>} : memref<2x64x256xf32, #tpu.memory_space<vmem>>, vector<16xf32>,
          %mul3A_908 = arith.mulf %get3A_39, %get3A_907 : vector<16xf32>
          %add3A_909 = arith.addf %add3A_899, %mul3A_908 : vector<16xf32>
          %mul3A_910 = arith.constant 16 : i32
          %mul3A_911 = arith.muli %scan3A_102, %mul3A_910 : i32
          %add3A_912 = arith.constant 3 : i32
          %add3A_913 = arith.addi %mul3A_911, %add3A_912 : i32
          %get3A_914 = arith.index_cast %select_n3A_74 : i32 to index
          %get3A_915 = arith.index_cast %add3A_913 : i32 to index
          %get3A_916 = arith.constant 240 : index
          %get3A_917 = tpu.vector_load %arg6[%get3A_914, %get3A_915, %get3A_916] {strides = array<i32>} : memref<2x64x256xf32, #tpu.memory_space<vmem>>, vector<16xf32>,
          %mul3A_918 = arith.mulf %get3A_41, %get3A_917 : vector<16xf32>
          %add3A_919 = arith.addf %add3A_909, %mul3A_918 : vector<16xf32>
          %eq3A_920 = arith.constant 3 : i32
          %eq3A_921 = vector.broadcast %eq3A_920 : i32 to vector<16xi32>
          %eq3A_922 = arith.cmpi eq, %iota3A, %eq3A_921 : vector<16xi32>
          %iota3A_923 = tpu.iota {dimensions = array<i32: 0>} : vector<16xi32>
          %xor3A_924 = arith.constant 1 : i32
          %xor3A_925 = vector.broadcast %xor3A_924 : i32 to vector<16xi32>
          %xor3A_926 = arith.xori %iota3A_923, %xor3A_925 : vector<16xi32>
          %lt3A_927 = arith.constant 0 : i32
          %lt3A_928 = vector.broadcast %lt3A_927 : i32 to vector<16xi32>
          %lt3A_929 = arith.cmpi slt, %xor3A_926, %lt3A_928 : vector<16xi32>
          %add3A_930 = arith.constant 16 : i32
          %add3A_931 = vector.broadcast %add3A_930 : i32 to vector<16xi32>
          %add3A_932 = arith.addi %xor3A_926, %add3A_931 : vector<16xi32>
          %select_n3A_933 = arith.select %lt3A_929, %add3A_932, %xor3A_926 : vector<16xi1>, vector<16xi32>
          %reshape3A_934 = vector.shape_cast %select_n3A_933 : vector<16xi32> to vector<16x1xi32>
          %gather3A_935 = vector.shape_cast %reshape3A_934 : vector<16x1xi32> to vector<16xi32>
          %gather3A_936 = tpu.dynamic_gather %add3A_919[%gather3A_935] in [0] : vector<16xf32>, vector<16xi32> -> vector<16xf32>
          %add3A_937 = arith.addf %add3A_919, %gather3A_936 : vector<16xf32>
          %xor3A_938 = arith.constant 2 : i32
          %xor3A_939 = vector.broadcast %xor3A_938 : i32 to vector<16xi32>
          %xor3A_940 = arith.xori %iota3A_923, %xor3A_939 : vector<16xi32>
          %lt3A_941 = arith.constant 0 : i32
          %lt3A_942 = vector.broadcast %lt3A_941 : i32 to vector<16xi32>
          %lt3A_943 = arith.cmpi slt, %xor3A_940, %lt3A_942 : vector<16xi32>
          %add3A_944 = arith.constant 16 : i32
          %add3A_945 = vector.broadcast %add3A_944 : i32 to vector<16xi32>
          %add3A_946 = arith.addi %xor3A_940, %add3A_945 : vector<16xi32>
          %select_n3A_947 = arith.select %lt3A_943, %add3A_946, %xor3A_940 : vector<16xi1>, vector<16xi32>
          %reshape3A_948 = vector.shape_cast %select_n3A_947 : vector<16xi32> to vector<16x1xi32>
          %gather3A_949 = vector.shape_cast %reshape3A_948 : vector<16x1xi32> to vector<16xi32>
          %gather3A_950 = tpu.dynamic_gather %add3A_937[%gather3A_949] in [0] : vector<16xf32>, vector<16xi32> -> vector<16xf32>
          %add3A_951 = arith.addf %add3A_937, %gather3A_950 : vector<16xf32>
          %xor3A_952 = arith.constant 4 : i32
          %xor3A_953 = vector.broadcast %xor3A_952 : i32 to vector<16xi32>
          %xor3A_954 = arith.xori %iota3A_923, %xor3A_953 : vector<16xi32>
          %lt3A_955 = arith.constant 0 : i32
          %lt3A_956 = vector.broadcast %lt3A_955 : i32 to vector<16xi32>
          %lt3A_957 = arith.cmpi slt, %xor3A_954, %lt3A_956 : vector<16xi32>
          %add3A_958 = arith.constant 16 : i32
          %add3A_959 = vector.broadcast %add3A_958 : i32 to vector<16xi32>
          %add3A_960 = arith.addi %xor3A_954, %add3A_959 : vector<16xi32>
          %select_n3A_961 = arith.select %lt3A_957, %add3A_960, %xor3A_954 : vector<16xi1>, vector<16xi32>
          %reshape3A_962 = vector.shape_cast %select_n3A_961 : vector<16xi32> to vector<16x1xi32>
          %gather3A_963 = vector.shape_cast %reshape3A_962 : vector<16x1xi32> to vector<16xi32>
          %gather3A_964 = tpu.dynamic_gather %add3A_951[%gather3A_963] in [0] : vector<16xf32>, vector<16xi32> -> vector<16xf32>
          %add3A_965 = arith.addf %add3A_951, %gather3A_964 : vector<16xf32>
          %xor3A_966 = arith.constant 8 : i32
          %xor3A_967 = vector.broadcast %xor3A_966 : i32 to vector<16xi32>
          %xor3A_968 = arith.xori %iota3A_923, %xor3A_967 : vector<16xi32>
          %lt3A_969 = arith.constant 0 : i32
          %lt3A_970 = vector.broadcast %lt3A_969 : i32 to vector<16xi32>
          %lt3A_971 = arith.cmpi slt, %xor3A_968, %lt3A_970 : vector<16xi32>
          %add3A_972 = arith.constant 16 : i32
          %add3A_973 = vector.broadcast %add3A_972 : i32 to vector<16xi32>
          %add3A_974 = arith.addi %xor3A_968, %add3A_973 : vector<16xi32>
          %select_n3A_975 = arith.select %lt3A_971, %add3A_974, %xor3A_968 : vector<16xi1>, vector<16xi32>
          %reshape3A_976 = vector.shape_cast %select_n3A_975 : vector<16xi32> to vector<16x1xi32>
          %gather3A_977 = vector.shape_cast %reshape3A_976 : vector<16x1xi32> to vector<16xi32>
          %gather3A_978 = tpu.dynamic_gather %add3A_965[%gather3A_977] in [0] : vector<16xf32>, vector<16xi32> -> vector<16xf32>
          %add3A_979 = arith.addf %add3A_965, %gather3A_978 : vector<16xf32>
          %select_n3A_980 = arith.select %eq3A_922, %add3A_979, %select_n3A_760 : vector<16xi1>, vector<16xf32>
          %mul3A_981 = arith.constant 16 : i32
          %mul3A_982 = arith.muli %scan3A_102, %mul3A_981 : i32
          %add3A_983 = arith.constant 4 : i32
          %add3A_984 = arith.addi %mul3A_982, %add3A_983 : i32
          %get3A_985 = arith.index_cast %select_n3A_74 : i32 to index
          %get3A_986 = arith.index_cast %add3A_984 : i32 to index
          %get3A_987 = arith.constant 0 : index
          %get3A_988 = tpu.vector_load %arg6[%get3A_985, %get3A_986, %get3A_987] {strides = array<i32>} : memref<2x64x256xf32, #tpu.memory_space<vmem>>, vector<16xf32>,
          %mul3A_989 = arith.mulf %get3A_11, %get3A_988 : vector<16xf32>
          %mul3A_990 = arith.constant 16 : i32
          %mul3A_991 = arith.muli %scan3A_102, %mul3A_990 : i32
          %add3A_992 = arith.constant 4 : i32
          %add3A_993 = arith.addi %mul3A_991, %add3A_992 : i32
          %get3A_994 = arith.index_cast %select_n3A_74 : i32 to index
          %get3A_995 = arith.index_cast %add3A_993 : i32 to index
          %get3A_996 = arith.constant 16 : index
          %get3A_997 = tpu.vector_load %arg6[%get3A_994, %get3A_995, %get3A_996] {strides = array<i32>} : memref<2x64x256xf32, #tpu.memory_space<vmem>>, vector<16xf32>,
          %mul3A_998 = arith.mulf %get3A_13, %get3A_997 : vector<16xf32>
          %add3A_999 = arith.addf %mul3A_989, %mul3A_998 : vector<16xf32>
          %mul3A_1000 = arith.constant 16 : i32
          %mul3A_1001 = arith.muli %scan3A_102, %mul3A_1000 : i32
          %add3A_1002 = arith.constant 4 : i32
          %add3A_1003 = arith.addi %mul3A_1001, %add3A_1002 : i32
          %get3A_1004 = arith.index_cast %select_n3A_74 : i32 to index
          %get3A_1005 = arith.index_cast %add3A_1003 : i32 to index
          %get3A_1006 = arith.constant 32 : index
          %get3A_1007 = tpu.vector_load %arg6[%get3A_1004, %get3A_1005, %get3A_1006] {strides = array<i32>} : memref<2x64x256xf32, #tpu.memory_space<vmem>>, vector<16xf32>,
          %mul3A_1008 = arith.mulf %get3A_15, %get3A_1007 : vector<16xf32>
          %add3A_1009 = arith.addf %add3A_999, %mul3A_1008 : vector<16xf32>
          %mul3A_1010 = arith.constant 16 : i32
          %mul3A_1011 = arith.muli %scan3A_102, %mul3A_1010 : i32
          %add3A_1012 = arith.constant 4 : i32
          %add3A_1013 = arith.addi %mul3A_1011, %add3A_1012 : i32
          %get3A_1014 = arith.index_cast %select_n3A_74 : i32 to index
          %get3A_1015 = arith.index_cast %add3A_1013 : i32 to index
          %get3A_1016 = arith.constant 48 : index
          %get3A_1017 = tpu.vector_load %arg6[%get3A_1014, %get3A_1015, %get3A_1016] {strides = array<i32>} : memref<2x64x256xf32, #tpu.memory_space<vmem>>, vector<16xf32>,
          %mul3A_1018 = arith.mulf %get3A_17, %get3A_1017 : vector<16xf32>
          %add3A_1019 = arith.addf %add3A_1009, %mul3A_1018 : vector<16xf32>
          %mul3A_1020 = arith.constant 16 : i32
          %mul3A_1021 = arith.muli %scan3A_102, %mul3A_1020 : i32
          %add3A_1022 = arith.constant 4 : i32
          %add3A_1023 = arith.addi %mul3A_1021, %add3A_1022 : i32
          %get3A_1024 = arith.index_cast %select_n3A_74 : i32 to index
          %get3A_1025 = arith.index_cast %add3A_1023 : i32 to index
          %get3A_1026 = arith.constant 64 : index
          %get3A_1027 = tpu.vector_load %arg6[%get3A_1024, %get3A_1025, %get3A_1026] {strides = array<i32>} : memref<2x64x256xf32, #tpu.memory_space<vmem>>, vector<16xf32>,
          %mul3A_1028 = arith.mulf %get3A_19, %get3A_1027 : vector<16xf32>
          %add3A_1029 = arith.addf %add3A_1019, %mul3A_1028 : vector<16xf32>
          %mul3A_1030 = arith.constant 16 : i32
          %mul3A_1031 = arith.muli %scan3A_102, %mul3A_1030 : i32
          %add3A_1032 = arith.constant 4 : i32
          %add3A_1033 = arith.addi %mul3A_1031, %add3A_1032 : i32
          %get3A_1034 = arith.index_cast %select_n3A_74 : i32 to index
          %get3A_1035 = arith.index_cast %add3A_1033 : i32 to index
          %get3A_1036 = arith.constant 80 : index
          %get3A_1037 = tpu.vector_load %arg6[%get3A_1034, %get3A_1035, %get3A_1036] {strides = array<i32>} : memref<2x64x256xf32, #tpu.memory_space<vmem>>, vector<16xf32>,
          %mul3A_1038 = arith.mulf %get3A_21, %get3A_1037 : vector<16xf32>
          %add3A_1039 = arith.addf %add3A_1029, %mul3A_1038 : vector<16xf32>
          %mul3A_1040 = arith.constant 16 : i32
          %mul3A_1041 = arith.muli %scan3A_102, %mul3A_1040 : i32
          %add3A_1042 = arith.constant 4 : i32
          %add3A_1043 = arith.addi %mul3A_1041, %add3A_1042 : i32
          %get3A_1044 = arith.index_cast %select_n3A_74 : i32 to index
          %get3A_1045 = arith.index_cast %add3A_1043 : i32 to index
          %get3A_1046 = arith.constant 96 : index
          %get3A_1047 = tpu.vector_load %arg6[%get3A_1044, %get3A_1045, %get3A_1046] {strides = array<i32>} : memref<2x64x256xf32, #tpu.memory_space<vmem>>, vector<16xf32>,
          %mul3A_1048 = arith.mulf %get3A_23, %get3A_1047 : vector<16xf32>
          %add3A_1049 = arith.addf %add3A_1039, %mul3A_1048 : vector<16xf32>
          %mul3A_1050 = arith.constant 16 : i32
          %mul3A_1051 = arith.muli %scan3A_102, %mul3A_1050 : i32
          %add3A_1052 = arith.constant 4 : i32
          %add3A_1053 = arith.addi %mul3A_1051, %add3A_1052 : i32
          %get3A_1054 = arith.index_cast %select_n3A_74 : i32 to index
          %get3A_1055 = arith.index_cast %add3A_1053 : i32 to index
          %get3A_1056 = arith.constant 112 : index
          %get3A_1057 = tpu.vector_load %arg6[%get3A_1054, %get3A_1055, %get3A_1056] {strides = array<i32>} : memref<2x64x256xf32, #tpu.memory_space<vmem>>, vector<16xf32>,
          %mul3A_1058 = arith.mulf %get3A_25, %get3A_1057 : vector<16xf32>
          %add3A_1059 = arith.addf %add3A_1049, %mul3A_1058 : vector<16xf32>
          %mul3A_1060 = arith.constant 16 : i32
          %mul3A_1061 = arith.muli %scan3A_102, %mul3A_1060 : i32
          %add3A_1062 = arith.constant 4 : i32
          %add3A_1063 = arith.addi %mul3A_1061, %add3A_1062 : i32
          %get3A_1064 = arith.index_cast %select_n3A_74 : i32 to index
          %get3A_1065 = arith.index_cast %add3A_1063 : i32 to index
          %get3A_1066 = arith.constant 128 : index
          %get3A_1067 = tpu.vector_load %arg6[%get3A_1064, %get3A_1065, %get3A_1066] {strides = array<i32>} : memref<2x64x256xf32, #tpu.memory_space<vmem>>, vector<16xf32>,
          %mul3A_1068 = arith.mulf %get3A_27, %get3A_1067 : vector<16xf32>
          %add3A_1069 = arith.addf %add3A_1059, %mul3A_1068 : vector<16xf32>
          %mul3A_1070 = arith.constant 16 : i32
          %mul3A_1071 = arith.muli %scan3A_102, %mul3A_1070 : i32
          %add3A_1072 = arith.constant 4 : i32
          %add3A_1073 = arith.addi %mul3A_1071, %add3A_1072 : i32
          %get3A_1074 = arith.index_cast %select_n3A_74 : i32 to index
          %get3A_1075 = arith.index_cast %add3A_1073 : i32 to index
          %get3A_1076 = arith.constant 144 : index
          %get3A_1077 = tpu.vector_load %arg6[%get3A_1074, %get3A_1075, %get3A_1076] {strides = array<i32>} : memref<2x64x256xf32, #tpu.memory_space<vmem>>, vector<16xf32>,
          %mul3A_1078 = arith.mulf %get3A_29, %get3A_1077 : vector<16xf32>
          %add3A_1079 = arith.addf %add3A_1069, %mul3A_1078 : vector<16xf32>
          %mul3A_1080 = arith.constant 16 : i32
          %mul3A_1081 = arith.muli %scan3A_102, %mul3A_1080 : i32
          %add3A_1082 = arith.constant 4 : i32
          %add3A_1083 = arith.addi %mul3A_1081, %add3A_1082 : i32
          %get3A_1084 = arith.index_cast %select_n3A_74 : i32 to index
          %get3A_1085 = arith.index_cast %add3A_1083 : i32 to index
          %get3A_1086 = arith.constant 160 : index
          %get3A_1087 = tpu.vector_load %arg6[%get3A_1084, %get3A_1085, %get3A_1086] {strides = array<i32>} : memref<2x64x256xf32, #tpu.memory_space<vmem>>, vector<16xf32>,
          %mul3A_1088 = arith.mulf %get3A_31, %get3A_1087 : vector<16xf32>
          %add3A_1089 = arith.addf %add3A_1079, %mul3A_1088 : vector<16xf32>
          %mul3A_1090 = arith.constant 16 : i32
          %mul3A_1091 = arith.muli %scan3A_102, %mul3A_1090 : i32
          %add3A_1092 = arith.constant 4 : i32
          %add3A_1093 = arith.addi %mul3A_1091, %add3A_1092 : i32
          %get3A_1094 = arith.index_cast %select_n3A_74 : i32 to index
          %get3A_1095 = arith.index_cast %add3A_1093 : i32 to index
          %get3A_1096 = arith.constant 176 : index
          %get3A_1097 = tpu.vector_load %arg6[%get3A_1094, %get3A_1095, %get3A_1096] {strides = array<i32>} : memref<2x64x256xf32, #tpu.memory_space<vmem>>, vector<16xf32>,
          %mul3A_1098 = arith.mulf %get3A_33, %get3A_1097 : vector<16xf32>
          %add3A_1099 = arith.addf %add3A_1089, %mul3A_1098 : vector<16xf32>
          %mul3A_1100 = arith.constant 16 : i32
          %mul3A_1101 = arith.muli %scan3A_102, %mul3A_1100 : i32
          %add3A_1102 = arith.constant 4 : i32
          %add3A_1103 = arith.addi %mul3A_1101, %add3A_1102 : i32
          %get3A_1104 = arith.index_cast %select_n3A_74 : i32 to index
          %get3A_1105 = arith.index_cast %add3A_1103 : i32 to index
          %get3A_1106 = arith.constant 192 : index
          %get3A_1107 = tpu.vector_load %arg6[%get3A_1104, %get3A_1105, %get3A_1106] {strides = array<i32>} : memref<2x64x256xf32, #tpu.memory_space<vmem>>, vector<16xf32>,
          %mul3A_1108 = arith.mulf %get3A_35, %get3A_1107 : vector<16xf32>
          %add3A_1109 = arith.addf %add3A_1099, %mul3A_1108 : vector<16xf32>
          %mul3A_1110 = arith.constant 16 : i32
          %mul3A_1111 = arith.muli %scan3A_102, %mul3A_1110 : i32
          %add3A_1112 = arith.constant 4 : i32
          %add3A_1113 = arith.addi %mul3A_1111, %add3A_1112 : i32
          %get3A_1114 = arith.index_cast %select_n3A_74 : i32 to index
          %get3A_1115 = arith.index_cast %add3A_1113 : i32 to index
          %get3A_1116 = arith.constant 208 : index
          %get3A_1117 = tpu.vector_load %arg6[%get3A_1114, %get3A_1115, %get3A_1116] {strides = array<i32>} : memref<2x64x256xf32, #tpu.memory_space<vmem>>, vector<16xf32>,
          %mul3A_1118 = arith.mulf %get3A_37, %get3A_1117 : vector<16xf32>
          %add3A_1119 = arith.addf %add3A_1109, %mul3A_1118 : vector<16xf32>
          %mul3A_1120 = arith.constant 16 : i32
          %mul3A_1121 = arith.muli %scan3A_102, %mul3A_1120 : i32
          %add3A_1122 = arith.constant 4 : i32
          %add3A_1123 = arith.addi %mul3A_1121, %add3A_1122 : i32
          %get3A_1124 = arith.index_cast %select_n3A_74 : i32 to index
          %get3A_1125 = arith.index_cast %add3A_1123 : i32 to index
          %get3A_1126 = arith.constant 224 : index
          %get3A_1127 = tpu.vector_load %arg6[%get3A_1124, %get3A_1125, %get3A_1126] {strides = array<i32>} : memref<2x64x256xf32, #tpu.memory_space<vmem>>, vector<16xf32>,
          %mul3A_1128 = arith.mulf %get3A_39, %get3A_1127 : vector<16xf32>
          %add3A_1129 = arith.addf %add3A_1119, %mul3A_1128 : vector<16xf32>
          %mul3A_1130 = arith.constant 16 : i32
          %mul3A_1131 = arith.muli %scan3A_102, %mul3A_1130 : i32
          %add3A_1132 = arith.constant 4 : i32
          %add3A_1133 = arith.addi %mul3A_1131, %add3A_1132 : i32
          %get3A_1134 = arith.index_cast %select_n3A_74 : i32 to index
          %get3A_1135 = arith.index_cast %add3A_1133 : i32 to index
          %get3A_1136 = arith.constant 240 : index
          %get3A_1137 = tpu.vector_load %arg6[%get3A_1134, %get3A_1135, %get3A_1136] {strides = array<i32>} : memref<2x64x256xf32, #tpu.memory_space<vmem>>, vector<16xf32>,
          %mul3A_1138 = arith.mulf %get3A_41, %get3A_1137 : vector<16xf32>
          %add3A_1139 = arith.addf %add3A_1129, %mul3A_1138 : vector<16xf32>
          %eq3A_1140 = arith.constant 4 : i32
          %eq3A_1141 = vector.broadcast %eq3A_1140 : i32 to vector<16xi32>
          %eq3A_1142 = arith.cmpi eq, %iota3A, %eq3A_1141 : vector<16xi32>
          %iota3A_1143 = tpu.iota {dimensions = array<i32: 0>} : vector<16xi32>
          %xor3A_1144 = arith.constant 1 : i32
          %xor3A_1145 = vector.broadcast %xor3A_1144 : i32 to vector<16xi32>
          %xor3A_1146 = arith.xori %iota3A_1143, %xor3A_1145 : vector<16xi32>
          %lt3A_1147 = arith.constant 0 : i32
          %lt3A_1148 = vector.broadcast %lt3A_1147 : i32 to vector<16xi32>
          %lt3A_1149 = arith.cmpi slt, %xor3A_1146, %lt3A_1148 : vector<16xi32>
          %add3A_1150 = arith.constant 16 : i32
          %add3A_1151 = vector.broadcast %add3A_1150 : i32 to vector<16xi32>
          %add3A_1152 = arith.addi %xor3A_1146, %add3A_1151 : vector<16xi32>
          %select_n3A_1153 = arith.select %lt3A_1149, %add3A_1152, %xor3A_1146 : vector<16xi1>, vector<16xi32>
          %reshape3A_1154 = vector.shape_cast %select_n3A_1153 : vector<16xi32> to vector<16x1xi32>
          %gather3A_1155 = vector.shape_cast %reshape3A_1154 : vector<16x1xi32> to vector<16xi32>
          %gather3A_1156 = tpu.dynamic_gather %add3A_1139[%gather3A_1155] in [0] : vector<16xf32>, vector<16xi32> -> vector<16xf32>
          %add3A_1157 = arith.addf %add3A_1139, %gather3A_1156 : vector<16xf32>
          %xor3A_1158 = arith.constant 2 : i32
          %xor3A_1159 = vector.broadcast %xor3A_1158 : i32 to vector<16xi32>
          %xor3A_1160 = arith.xori %iota3A_1143, %xor3A_1159 : vector<16xi32>
          %lt3A_1161 = arith.constant 0 : i32
          %lt3A_1162 = vector.broadcast %lt3A_1161 : i32 to vector<16xi32>
          %lt3A_1163 = arith.cmpi slt, %xor3A_1160, %lt3A_1162 : vector<16xi32>
          %add3A_1164 = arith.constant 16 : i32
          %add3A_1165 = vector.broadcast %add3A_1164 : i32 to vector<16xi32>
          %add3A_1166 = arith.addi %xor3A_1160, %add3A_1165 : vector<16xi32>
          %select_n3A_1167 = arith.select %lt3A_1163, %add3A_1166, %xor3A_1160 : vector<16xi1>, vector<16xi32>
          %reshape3A_1168 = vector.shape_cast %select_n3A_1167 : vector<16xi32> to vector<16x1xi32>
          %gather3A_1169 = vector.shape_cast %reshape3A_1168 : vector<16x1xi32> to vector<16xi32>
          %gather3A_1170 = tpu.dynamic_gather %add3A_1157[%gather3A_1169] in [0] : vector<16xf32>, vector<16xi32> -> vector<16xf32>
          %add3A_1171 = arith.addf %add3A_1157, %gather3A_1170 : vector<16xf32>
          %xor3A_1172 = arith.constant 4 : i32
          %xor3A_1173 = vector.broadcast %xor3A_1172 : i32 to vector<16xi32>
          %xor3A_1174 = arith.xori %iota3A_1143, %xor3A_1173 : vector<16xi32>
          %lt3A_1175 = arith.constant 0 : i32
          %lt3A_1176 = vector.broadcast %lt3A_1175 : i32 to vector<16xi32>
          %lt3A_1177 = arith.cmpi slt, %xor3A_1174, %lt3A_1176 : vector<16xi32>
          %add3A_1178 = arith.constant 16 : i32
          %add3A_1179 = vector.broadcast %add3A_1178 : i32 to vector<16xi32>
          %add3A_1180 = arith.addi %xor3A_1174, %add3A_1179 : vector<16xi32>
          %select_n3A_1181 = arith.select %lt3A_1177, %add3A_1180, %xor3A_1174 : vector<16xi1>, vector<16xi32>
          %reshape3A_1182 = vector.shape_cast %select_n3A_1181 : vector<16xi32> to vector<16x1xi32>
          %gather3A_1183 = vector.shape_cast %reshape3A_1182 : vector<16x1xi32> to vector<16xi32>
          %gather3A_1184 = tpu.dynamic_gather %add3A_1171[%gather3A_1183] in [0] : vector<16xf32>, vector<16xi32> -> vector<16xf32>
          %add3A_1185 = arith.addf %add3A_1171, %gather3A_1184 : vector<16xf32>
          %xor3A_1186 = arith.constant 8 : i32
          %xor3A_1187 = vector.broadcast %xor3A_1186 : i32 to vector<16xi32>
          %xor3A_1188 = arith.xori %iota3A_1143, %xor3A_1187 : vector<16xi32>
          %lt3A_1189 = arith.constant 0 : i32
          %lt3A_1190 = vector.broadcast %lt3A_1189 : i32 to vector<16xi32>
          %lt3A_1191 = arith.cmpi slt, %xor3A_1188, %lt3A_1190 : vector<16xi32>
          %add3A_1192 = arith.constant 16 : i32
          %add3A_1193 = vector.broadcast %add3A_1192 : i32 to vector<16xi32>
          %add3A_1194 = arith.addi %xor3A_1188, %add3A_1193 : vector<16xi32>
          %select_n3A_1195 = arith.select %lt3A_1191, %add3A_1194, %xor3A_1188 : vector<16xi1>, vector<16xi32>
          %reshape3A_1196 = vector.shape_cast %select_n3A_1195 : vector<16xi32> to vector<16x1xi32>
          %gather3A_1197 = vector.shape_cast %reshape3A_1196 : vector<16x1xi32> to vector<16xi32>
          %gather3A_1198 = tpu.dynamic_gather %add3A_1185[%gather3A_1197] in [0] : vector<16xf32>, vector<16xi32> -> vector<16xf32>
          %add3A_1199 = arith.addf %add3A_1185, %gather3A_1198 : vector<16xf32>
          %select_n3A_1200 = arith.select %eq3A_1142, %add3A_1199, %select_n3A_980 : vector<16xi1>, vector<16xf32>
          %mul3A_1201 = arith.constant 16 : i32
          %mul3A_1202 = arith.muli %scan3A_102, %mul3A_1201 : i32
          %add3A_1203 = arith.constant 5 : i32
          %add3A_1204 = arith.addi %mul3A_1202, %add3A_1203 : i32
          %get3A_1205 = arith.index_cast %select_n3A_74 : i32 to index
          %get3A_1206 = arith.index_cast %add3A_1204 : i32 to index
          %get3A_1207 = arith.constant 0 : index
          %get3A_1208 = tpu.vector_load %arg6[%get3A_1205, %get3A_1206, %get3A_1207] {strides = array<i32>} : memref<2x64x256xf32, #tpu.memory_space<vmem>>, vector<16xf32>,
          %mul3A_1209 = arith.mulf %get3A_11, %get3A_1208 : vector<16xf32>
          %mul3A_1210 = arith.constant 16 : i32
          %mul3A_1211 = arith.muli %scan3A_102, %mul3A_1210 : i32
          %add3A_1212 = arith.constant 5 : i32
          %add3A_1213 = arith.addi %mul3A_1211, %add3A_1212 : i32
          %get3A_1214 = arith.index_cast %select_n3A_74 : i32 to index
          %get3A_1215 = arith.index_cast %add3A_1213 : i32 to index
          %get3A_1216 = arith.constant 16 : index
          %get3A_1217 = tpu.vector_load %arg6[%get3A_1214, %get3A_1215, %get3A_1216] {strides = array<i32>} : memref<2x64x256xf32, #tpu.memory_space<vmem>>, vector<16xf32>,
          %mul3A_1218 = arith.mulf %get3A_13, %get3A_1217 : vector<16xf32>
          %add3A_1219 = arith.addf %mul3A_1209, %mul3A_1218 : vector<16xf32>
          %mul3A_1220 = arith.constant 16 : i32
          %mul3A_1221 = arith.muli %scan3A_102, %mul3A_1220 : i32
          %add3A_1222 = arith.constant 5 : i32
          %add3A_1223 = arith.addi %mul3A_1221, %add3A_1222 : i32
          %get3A_1224 = arith.index_cast %select_n3A_74 : i32 to index
          %get3A_1225 = arith.index_cast %add3A_1223 : i32 to index
          %get3A_1226 = arith.constant 32 : index
          %get3A_1227 = tpu.vector_load %arg6[%get3A_1224, %get3A_1225, %get3A_1226] {strides = array<i32>} : memref<2x64x256xf32, #tpu.memory_space<vmem>>, vector<16xf32>,
          %mul3A_1228 = arith.mulf %get3A_15, %get3A_1227 : vector<16xf32>
          %add3A_1229 = arith.addf %add3A_1219, %mul3A_1228 : vector<16xf32>
          %mul3A_1230 = arith.constant 16 : i32
          %mul3A_1231 = arith.muli %scan3A_102, %mul3A_1230 : i32
          %add3A_1232 = arith.constant 5 : i32
          %add3A_1233 = arith.addi %mul3A_1231, %add3A_1232 : i32
          %get3A_1234 = arith.index_cast %select_n3A_74 : i32 to index
          %get3A_1235 = arith.index_cast %add3A_1233 : i32 to index
          %get3A_1236 = arith.constant 48 : index
          %get3A_1237 = tpu.vector_load %arg6[%get3A_1234, %get3A_1235, %get3A_1236] {strides = array<i32>} : memref<2x64x256xf32, #tpu.memory_space<vmem>>, vector<16xf32>,
          %mul3A_1238 = arith.mulf %get3A_17, %get3A_1237 : vector<16xf32>
          %add3A_1239 = arith.addf %add3A_1229, %mul3A_1238 : vector<16xf32>
          %mul3A_1240 = arith.constant 16 : i32
          %mul3A_1241 = arith.muli %scan3A_102, %mul3A_1240 : i32
          %add3A_1242 = arith.constant 5 : i32
          %add3A_1243 = arith.addi %mul3A_1241, %add3A_1242 : i32
          %get3A_1244 = arith.index_cast %select_n3A_74 : i32 to index
          %get3A_1245 = arith.index_cast %add3A_1243 : i32 to index
          %get3A_1246 = arith.constant 64 : index
          %get3A_1247 = tpu.vector_load %arg6[%get3A_1244, %get3A_1245, %get3A_1246] {strides = array<i32>} : memref<2x64x256xf32, #tpu.memory_space<vmem>>, vector<16xf32>,
          %mul3A_1248 = arith.mulf %get3A_19, %get3A_1247 : vector<16xf32>
          %add3A_1249 = arith.addf %add3A_1239, %mul3A_1248 : vector<16xf32>
          %mul3A_1250 = arith.constant 16 : i32
          %mul3A_1251 = arith.muli %scan3A_102, %mul3A_1250 : i32
          %add3A_1252 = arith.constant 5 : i32
          %add3A_1253 = arith.addi %mul3A_1251, %add3A_1252 : i32
          %get3A_1254 = arith.index_cast %select_n3A_74 : i32 to index
          %get3A_1255 = arith.index_cast %add3A_1253 : i32 to index
          %get3A_1256 = arith.constant 80 : index
          %get3A_1257 = tpu.vector_load %arg6[%get3A_1254, %get3A_1255, %get3A_1256] {strides = array<i32>} : memref<2x64x256xf32, #tpu.memory_space<vmem>>, vector<16xf32>,
          %mul3A_1258 = arith.mulf %get3A_21, %get3A_1257 : vector<16xf32>
          %add3A_1259 = arith.addf %add3A_1249, %mul3A_1258 : vector<16xf32>
          %mul3A_1260 = arith.constant 16 : i32
          %mul3A_1261 = arith.muli %scan3A_102, %mul3A_1260 : i32
          %add3A_1262 = arith.constant 5 : i32
          %add3A_1263 = arith.addi %mul3A_1261, %add3A_1262 : i32
          %get3A_1264 = arith.index_cast %select_n3A_74 : i32 to index
          %get3A_1265 = arith.index_cast %add3A_1263 : i32 to index
          %get3A_1266 = arith.constant 96 : index
          %get3A_1267 = tpu.vector_load %arg6[%get3A_1264, %get3A_1265, %get3A_1266] {strides = array<i32>} : memref<2x64x256xf32, #tpu.memory_space<vmem>>, vector<16xf32>,
          %mul3A_1268 = arith.mulf %get3A_23, %get3A_1267 : vector<16xf32>
          %add3A_1269 = arith.addf %add3A_1259, %mul3A_1268 : vector<16xf32>
          %mul3A_1270 = arith.constant 16 : i32
          %mul3A_1271 = arith.muli %scan3A_102, %mul3A_1270 : i32
          %add3A_1272 = arith.constant 5 : i32
          %add3A_1273 = arith.addi %mul3A_1271, %add3A_1272 : i32
          %get3A_1274 = arith.index_cast %select_n3A_74 : i32 to index
          %get3A_1275 = arith.index_cast %add3A_1273 : i32 to index
          %get3A_1276 = arith.constant 112 : index
          %get3A_1277 = tpu.vector_load %arg6[%get3A_1274, %get3A_1275, %get3A_1276] {strides = array<i32>} : memref<2x64x256xf32, #tpu.memory_space<vmem>>, vector<16xf32>,
          %mul3A_1278 = arith.mulf %get3A_25, %get3A_1277 : vector<16xf32>
          %add3A_1279 = arith.addf %add3A_1269, %mul3A_1278 : vector<16xf32>
          %mul3A_1280 = arith.constant 16 : i32
          %mul3A_1281 = arith.muli %scan3A_102, %mul3A_1280 : i32
          %add3A_1282 = arith.constant 5 : i32
          %add3A_1283 = arith.addi %mul3A_1281, %add3A_1282 : i32
          %get3A_1284 = arith.index_cast %select_n3A_74 : i32 to index
          %get3A_1285 = arith.index_cast %add3A_1283 : i32 to index
          %get3A_1286 = arith.constant 128 : index
          %get3A_1287 = tpu.vector_load %arg6[%get3A_1284, %get3A_1285, %get3A_1286] {strides = array<i32>} : memref<2x64x256xf32, #tpu.memory_space<vmem>>, vector<16xf32>,
          %mul3A_1288 = arith.mulf %get3A_27, %get3A_1287 : vector<16xf32>
          %add3A_1289 = arith.addf %add3A_1279, %mul3A_1288 : vector<16xf32>
          %mul3A_1290 = arith.constant 16 : i32
          %mul3A_1291 = arith.muli %scan3A_102, %mul3A_1290 : i32
          %add3A_1292 = arith.constant 5 : i32
          %add3A_1293 = arith.addi %mul3A_1291, %add3A_1292 : i32
          %get3A_1294 = arith.index_cast %select_n3A_74 : i32 to index
          %get3A_1295 = arith.index_cast %add3A_1293 : i32 to index
          %get3A_1296 = arith.constant 144 : index
          %get3A_1297 = tpu.vector_load %arg6[%get3A_1294, %get3A_1295, %get3A_1296] {strides = array<i32>} : memref<2x64x256xf32, #tpu.memory_space<vmem>>, vector<16xf32>,
          %mul3A_1298 = arith.mulf %get3A_29, %get3A_1297 : vector<16xf32>
          %add3A_1299 = arith.addf %add3A_1289, %mul3A_1298 : vector<16xf32>
          %mul3A_1300 = arith.constant 16 : i32
          %mul3A_1301 = arith.muli %scan3A_102, %mul3A_1300 : i32
          %add3A_1302 = arith.constant 5 : i32
          %add3A_1303 = arith.addi %mul3A_1301, %add3A_1302 : i32
          %get3A_1304 = arith.index_cast %select_n3A_74 : i32 to index
          %get3A_1305 = arith.index_cast %add3A_1303 : i32 to index
          %get3A_1306 = arith.constant 160 : index
          %get3A_1307 = tpu.vector_load %arg6[%get3A_1304, %get3A_1305, %get3A_1306] {strides = array<i32>} : memref<2x64x256xf32, #tpu.memory_space<vmem>>, vector<16xf32>,
          %mul3A_1308 = arith.mulf %get3A_31, %get3A_1307 : vector<16xf32>
          %add3A_1309 = arith.addf %add3A_1299, %mul3A_1308 : vector<16xf32>
          %mul3A_1310 = arith.constant 16 : i32
          %mul3A_1311 = arith.muli %scan3A_102, %mul3A_1310 : i32
          %add3A_1312 = arith.constant 5 : i32
          %add3A_1313 = arith.addi %mul3A_1311, %add3A_1312 : i32
          %get3A_1314 = arith.index_cast %select_n3A_74 : i32 to index
          %get3A_1315 = arith.index_cast %add3A_1313 : i32 to index
          %get3A_1316 = arith.constant 176 : index
          %get3A_1317 = tpu.vector_load %arg6[%get3A_1314, %get3A_1315, %get3A_1316] {strides = array<i32>} : memref<2x64x256xf32, #tpu.memory_space<vmem>>, vector<16xf32>,
          %mul3A_1318 = arith.mulf %get3A_33, %get3A_1317 : vector<16xf32>
          %add3A_1319 = arith.addf %add3A_1309, %mul3A_1318 : vector<16xf32>
          %mul3A_1320 = arith.constant 16 : i32
          %mul3A_1321 = arith.muli %scan3A_102, %mul3A_1320 : i32
          %add3A_1322 = arith.constant 5 : i32
          %add3A_1323 = arith.addi %mul3A_1321, %add3A_1322 : i32
          %get3A_1324 = arith.index_cast %select_n3A_74 : i32 to index
          %get3A_1325 = arith.index_cast %add3A_1323 : i32 to index
          %get3A_1326 = arith.constant 192 : index
          %get3A_1327 = tpu.vector_load %arg6[%get3A_1324, %get3A_1325, %get3A_1326] {strides = array<i32>} : memref<2x64x256xf32, #tpu.memory_space<vmem>>, vector<16xf32>,
          %mul3A_1328 = arith.mulf %get3A_35, %get3A_1327 : vector<16xf32>
          %add3A_1329 = arith.addf %add3A_1319, %mul3A_1328 : vector<16xf32>
          %mul3A_1330 = arith.constant 16 : i32
          %mul3A_1331 = arith.muli %scan3A_102, %mul3A_1330 : i32
          %add3A_1332 = arith.constant 5 : i32
          %add3A_1333 = arith.addi %mul3A_1331, %add3A_1332 : i32
          %get3A_1334 = arith.index_cast %select_n3A_74 : i32 to index
          %get3A_1335 = arith.index_cast %add3A_1333 : i32 to index
          %get3A_1336 = arith.constant 208 : index
          %get3A_1337 = tpu.vector_load %arg6[%get3A_1334, %get3A_1335, %get3A_1336] {strides = array<i32>} : memref<2x64x256xf32, #tpu.memory_space<vmem>>, vector<16xf32>,
          %mul3A_1338 = arith.mulf %get3A_37, %get3A_1337 : vector<16xf32>
          %add3A_1339 = arith.addf %add3A_1329, %mul3A_1338 : vector<16xf32>
          %mul3A_1340 = arith.constant 16 : i32
          %mul3A_1341 = arith.muli %scan3A_102, %mul3A_1340 : i32
          %add3A_1342 = arith.constant 5 : i32
          %add3A_1343 = arith.addi %mul3A_1341, %add3A_1342 : i32
          %get3A_1344 = arith.index_cast %select_n3A_74 : i32 to index
          %get3A_1345 = arith.index_cast %add3A_1343 : i32 to index
          %get3A_1346 = arith.constant 224 : index
          %get3A_1347 = tpu.vector_load %arg6[%get3A_1344, %get3A_1345, %get3A_1346] {strides = array<i32>} : memref<2x64x256xf32, #tpu.memory_space<vmem>>, vector<16xf32>,
          %mul3A_1348 = arith.mulf %get3A_39, %get3A_1347 : vector<16xf32>
          %add3A_1349 = arith.addf %add3A_1339, %mul3A_1348 : vector<16xf32>
          %mul3A_1350 = arith.constant 16 : i32
          %mul3A_1351 = arith.muli %scan3A_102, %mul3A_1350 : i32
          %add3A_1352 = arith.constant 5 : i32
          %add3A_1353 = arith.addi %mul3A_1351, %add3A_1352 : i32
          %get3A_1354 = arith.index_cast %select_n3A_74 : i32 to index
          %get3A_1355 = arith.index_cast %add3A_1353 : i32 to index
          %get3A_1356 = arith.constant 240 : index
          %get3A_1357 = tpu.vector_load %arg6[%get3A_1354, %get3A_1355, %get3A_1356] {strides = array<i32>} : memref<2x64x256xf32, #tpu.memory_space<vmem>>, vector<16xf32>,
          %mul3A_1358 = arith.mulf %get3A_41, %get3A_1357 : vector<16xf32>
          %add3A_1359 = arith.addf %add3A_1349, %mul3A_1358 : vector<16xf32>
          %eq3A_1360 = arith.constant 5 : i32
          %eq3A_1361 = vector.broadcast %eq3A_1360 : i32 to vector<16xi32>
          %eq3A_1362 = arith.cmpi eq, %iota3A, %eq3A_1361 : vector<16xi32>
          %iota3A_1363 = tpu.iota {dimensions = array<i32: 0>} : vector<16xi32>
          %xor3A_1364 = arith.constant 1 : i32
          %xor3A_1365 = vector.broadcast %xor3A_1364 : i32 to vector<16xi32>
          %xor3A_1366 = arith.xori %iota3A_1363, %xor3A_1365 : vector<16xi32>
          %lt3A_1367 = arith.constant 0 : i32
          %lt3A_1368 = vector.broadcast %lt3A_1367 : i32 to vector<16xi32>
          %lt3A_1369 = arith.cmpi slt, %xor3A_1366, %lt3A_1368 : vector<16xi32>
          %add3A_1370 = arith.constant 16 : i32
          %add3A_1371 = vector.broadcast %add3A_1370 : i32 to vector<16xi32>
          %add3A_1372 = arith.addi %xor3A_1366, %add3A_1371 : vector<16xi32>
          %select_n3A_1373 = arith.select %lt3A_1369, %add3A_1372, %xor3A_1366 : vector<16xi1>, vector<16xi32>
          %reshape3A_1374 = vector.shape_cast %select_n3A_1373 : vector<16xi32> to vector<16x1xi32>
          %gather3A_1375 = vector.shape_cast %reshape3A_1374 : vector<16x1xi32> to vector<16xi32>
          %gather3A_1376 = tpu.dynamic_gather %add3A_1359[%gather3A_1375] in [0] : vector<16xf32>, vector<16xi32> -> vector<16xf32>
          %add3A_1377 = arith.addf %add3A_1359, %gather3A_1376 : vector<16xf32>
          %xor3A_1378 = arith.constant 2 : i32
          %xor3A_1379 = vector.broadcast %xor3A_1378 : i32 to vector<16xi32>
          %xor3A_1380 = arith.xori %iota3A_1363, %xor3A_1379 : vector<16xi32>
          %lt3A_1381 = arith.constant 0 : i32
          %lt3A_1382 = vector.broadcast %lt3A_1381 : i32 to vector<16xi32>
          %lt3A_1383 = arith.cmpi slt, %xor3A_1380, %lt3A_1382 : vector<16xi32>
          %add3A_1384 = arith.constant 16 : i32
          %add3A_1385 = vector.broadcast %add3A_1384 : i32 to vector<16xi32>
          %add3A_1386 = arith.addi %xor3A_1380, %add3A_1385 : vector<16xi32>
          %select_n3A_1387 = arith.select %lt3A_1383, %add3A_1386, %xor3A_1380 : vector<16xi1>, vector<16xi32>
          %reshape3A_1388 = vector.shape_cast %select_n3A_1387 : vector<16xi32> to vector<16x1xi32>
          %gather3A_1389 = vector.shape_cast %reshape3A_1388 : vector<16x1xi32> to vector<16xi32>
          %gather3A_1390 = tpu.dynamic_gather %add3A_1377[%gather3A_1389] in [0] : vector<16xf32>, vector<16xi32> -> vector<16xf32>
          %add3A_1391 = arith.addf %add3A_1377, %gather3A_1390 : vector<16xf32>
          %xor3A_1392 = arith.constant 4 : i32
          %xor3A_1393 = vector.broadcast %xor3A_1392 : i32 to vector<16xi32>
          %xor3A_1394 = arith.xori %iota3A_1363, %xor3A_1393 : vector<16xi32>
          %lt3A_1395 = arith.constant 0 : i32
          %lt3A_1396 = vector.broadcast %lt3A_1395 : i32 to vector<16xi32>
          %lt3A_1397 = arith.cmpi slt, %xor3A_1394, %lt3A_1396 : vector<16xi32>
          %add3A_1398 = arith.constant 16 : i32
          %add3A_1399 = vector.broadcast %add3A_1398 : i32 to vector<16xi32>
          %add3A_1400 = arith.addi %xor3A_1394, %add3A_1399 : vector<16xi32>
          %select_n3A_1401 = arith.select %lt3A_1397, %add3A_1400, %xor3A_1394 : vector<16xi1>, vector<16xi32>
          %reshape3A_1402 = vector.shape_cast %select_n3A_1401 : vector<16xi32> to vector<16x1xi32>
          %gather3A_1403 = vector.shape_cast %reshape3A_1402 : vector<16x1xi32> to vector<16xi32>
          %gather3A_1404 = tpu.dynamic_gather %add3A_1391[%gather3A_1403] in [0] : vector<16xf32>, vector<16xi32> -> vector<16xf32>
          %add3A_1405 = arith.addf %add3A_1391, %gather3A_1404 : vector<16xf32>
          %xor3A_1406 = arith.constant 8 : i32
          %xor3A_1407 = vector.broadcast %xor3A_1406 : i32 to vector<16xi32>
          %xor3A_1408 = arith.xori %iota3A_1363, %xor3A_1407 : vector<16xi32>
          %lt3A_1409 = arith.constant 0 : i32
          %lt3A_1410 = vector.broadcast %lt3A_1409 : i32 to vector<16xi32>
          %lt3A_1411 = arith.cmpi slt, %xor3A_1408, %lt3A_1410 : vector<16xi32>
          %add3A_1412 = arith.constant 16 : i32
          %add3A_1413 = vector.broadcast %add3A_1412 : i32 to vector<16xi32>
          %add3A_1414 = arith.addi %xor3A_1408, %add3A_1413 : vector<16xi32>
          %select_n3A_1415 = arith.select %lt3A_1411, %add3A_1414, %xor3A_1408 : vector<16xi1>, vector<16xi32>
          %reshape3A_1416 = vector.shape_cast %select_n3A_1415 : vector<16xi32> to vector<16x1xi32>
          %gather3A_1417 = vector.shape_cast %reshape3A_1416 : vector<16x1xi32> to vector<16xi32>
          %gather3A_1418 = tpu.dynamic_gather %add3A_1405[%gather3A_1417] in [0] : vector<16xf32>, vector<16xi32> -> vector<16xf32>
          %add3A_1419 = arith.addf %add3A_1405, %gather3A_1418 : vector<16xf32>
          %select_n3A_1420 = arith.select %eq3A_1362, %add3A_1419, %select_n3A_1200 : vector<16xi1>, vector<16xf32>
          %mul3A_1421 = arith.constant 16 : i32
          %mul3A_1422 = arith.muli %scan3A_102, %mul3A_1421 : i32
          %add3A_1423 = arith.constant 6 : i32
          %add3A_1424 = arith.addi %mul3A_1422, %add3A_1423 : i32
          %get3A_1425 = arith.index_cast %select_n3A_74 : i32 to index
          %get3A_1426 = arith.index_cast %add3A_1424 : i32 to index
          %get3A_1427 = arith.constant 0 : index
          %get3A_1428 = tpu.vector_load %arg6[%get3A_1425, %get3A_1426, %get3A_1427] {strides = array<i32>} : memref<2x64x256xf32, #tpu.memory_space<vmem>>, vector<16xf32>,
          %mul3A_1429 = arith.mulf %get3A_11, %get3A_1428 : vector<16xf32>
          %mul3A_1430 = arith.constant 16 : i32
          %mul3A_1431 = arith.muli %scan3A_102, %mul3A_1430 : i32
          %add3A_1432 = arith.constant 6 : i32
          %add3A_1433 = arith.addi %mul3A_1431, %add3A_1432 : i32
          %get3A_1434 = arith.index_cast %select_n3A_74 : i32 to index
          %get3A_1435 = arith.index_cast %add3A_1433 : i32 to index
          %get3A_1436 = arith.constant 16 : index
          %get3A_1437 = tpu.vector_load %arg6[%get3A_1434, %get3A_1435, %get3A_1436] {strides = array<i32>} : memref<2x64x256xf32, #tpu.memory_space<vmem>>, vector<16xf32>,
          %mul3A_1438 = arith.mulf %get3A_13, %get3A_1437 : vector<16xf32>
          %add3A_1439 = arith.addf %mul3A_1429, %mul3A_1438 : vector<16xf32>
          %mul3A_1440 = arith.constant 16 : i32
          %mul3A_1441 = arith.muli %scan3A_102, %mul3A_1440 : i32
          %add3A_1442 = arith.constant 6 : i32
          %add3A_1443 = arith.addi %mul3A_1441, %add3A_1442 : i32
          %get3A_1444 = arith.index_cast %select_n3A_74 : i32 to index
          %get3A_1445 = arith.index_cast %add3A_1443 : i32 to index
          %get3A_1446 = arith.constant 32 : index
          %get3A_1447 = tpu.vector_load %arg6[%get3A_1444, %get3A_1445, %get3A_1446] {strides = array<i32>} : memref<2x64x256xf32, #tpu.memory_space<vmem>>, vector<16xf32>,
          %mul3A_1448 = arith.mulf %get3A_15, %get3A_1447 : vector<16xf32>
          %add3A_1449 = arith.addf %add3A_1439, %mul3A_1448 : vector<16xf32>
          %mul3A_1450 = arith.constant 16 : i32
          %mul3A_1451 = arith.muli %scan3A_102, %mul3A_1450 : i32
          %add3A_1452 = arith.constant 6 : i32
          %add3A_1453 = arith.addi %mul3A_1451, %add3A_1452 : i32
          %get3A_1454 = arith.index_cast %select_n3A_74 : i32 to index
          %get3A_1455 = arith.index_cast %add3A_1453 : i32 to index
          %get3A_1456 = arith.constant 48 : index
          %get3A_1457 = tpu.vector_load %arg6[%get3A_1454, %get3A_1455, %get3A_1456] {strides = array<i32>} : memref<2x64x256xf32, #tpu.memory_space<vmem>>, vector<16xf32>,
          %mul3A_1458 = arith.mulf %get3A_17, %get3A_1457 : vector<16xf32>
          %add3A_1459 = arith.addf %add3A_1449, %mul3A_1458 : vector<16xf32>
          %mul3A_1460 = arith.constant 16 : i32
          %mul3A_1461 = arith.muli %scan3A_102, %mul3A_1460 : i32
          %add3A_1462 = arith.constant 6 : i32
          %add3A_1463 = arith.addi %mul3A_1461, %add3A_1462 : i32
          %get3A_1464 = arith.index_cast %select_n3A_74 : i32 to index
          %get3A_1465 = arith.index_cast %add3A_1463 : i32 to index
          %get3A_1466 = arith.constant 64 : index
          %get3A_1467 = tpu.vector_load %arg6[%get3A_1464, %get3A_1465, %get3A_1466] {strides = array<i32>} : memref<2x64x256xf32, #tpu.memory_space<vmem>>, vector<16xf32>,
          %mul3A_1468 = arith.mulf %get3A_19, %get3A_1467 : vector<16xf32>
          %add3A_1469 = arith.addf %add3A_1459, %mul3A_1468 : vector<16xf32>
          %mul3A_1470 = arith.constant 16 : i32
          %mul3A_1471 = arith.muli %scan3A_102, %mul3A_1470 : i32
          %add3A_1472 = arith.constant 6 : i32
          %add3A_1473 = arith.addi %mul3A_1471, %add3A_1472 : i32
          %get3A_1474 = arith.index_cast %select_n3A_74 : i32 to index
          %get3A_1475 = arith.index_cast %add3A_1473 : i32 to index
          %get3A_1476 = arith.constant 80 : index
          %get3A_1477 = tpu.vector_load %arg6[%get3A_1474, %get3A_1475, %get3A_1476] {strides = array<i32>} : memref<2x64x256xf32, #tpu.memory_space<vmem>>, vector<16xf32>,
          %mul3A_1478 = arith.mulf %get3A_21, %get3A_1477 : vector<16xf32>
          %add3A_1479 = arith.addf %add3A_1469, %mul3A_1478 : vector<16xf32>
          %mul3A_1480 = arith.constant 16 : i32
          %mul3A_1481 = arith.muli %scan3A_102, %mul3A_1480 : i32
          %add3A_1482 = arith.constant 6 : i32
          %add3A_1483 = arith.addi %mul3A_1481, %add3A_1482 : i32
          %get3A_1484 = arith.index_cast %select_n3A_74 : i32 to index
          %get3A_1485 = arith.index_cast %add3A_1483 : i32 to index
          %get3A_1486 = arith.constant 96 : index
          %get3A_1487 = tpu.vector_load %arg6[%get3A_1484, %get3A_1485, %get3A_1486] {strides = array<i32>} : memref<2x64x256xf32, #tpu.memory_space<vmem>>, vector<16xf32>,
          %mul3A_1488 = arith.mulf %get3A_23, %get3A_1487 : vector<16xf32>
          %add3A_1489 = arith.addf %add3A_1479, %mul3A_1488 : vector<16xf32>
          %mul3A_1490 = arith.constant 16 : i32
          %mul3A_1491 = arith.muli %scan3A_102, %mul3A_1490 : i32
          %add3A_1492 = arith.constant 6 : i32
          %add3A_1493 = arith.addi %mul3A_1491, %add3A_1492 : i32
          %get3A_1494 = arith.index_cast %select_n3A_74 : i32 to index
          %get3A_1495 = arith.index_cast %add3A_1493 : i32 to index
          %get3A_1496 = arith.constant 112 : index
          %get3A_1497 = tpu.vector_load %arg6[%get3A_1494, %get3A_1495, %get3A_1496] {strides = array<i32>} : memref<2x64x256xf32, #tpu.memory_space<vmem>>, vector<16xf32>,
          %mul3A_1498 = arith.mulf %get3A_25, %get3A_1497 : vector<16xf32>
          %add3A_1499 = arith.addf %add3A_1489, %mul3A_1498 : vector<16xf32>
          %mul3A_1500 = arith.constant 16 : i32
          %mul3A_1501 = arith.muli %scan3A_102, %mul3A_1500 : i32
          %add3A_1502 = arith.constant 6 : i32
          %add3A_1503 = arith.addi %mul3A_1501, %add3A_1502 : i32
          %get3A_1504 = arith.index_cast %select_n3A_74 : i32 to index
          %get3A_1505 = arith.index_cast %add3A_1503 : i32 to index
          %get3A_1506 = arith.constant 128 : index
          %get3A_1507 = tpu.vector_load %arg6[%get3A_1504, %get3A_1505, %get3A_1506] {strides = array<i32>} : memref<2x64x256xf32, #tpu.memory_space<vmem>>, vector<16xf32>,
          %mul3A_1508 = arith.mulf %get3A_27, %get3A_1507 : vector<16xf32>
          %add3A_1509 = arith.addf %add3A_1499, %mul3A_1508 : vector<16xf32>
          %mul3A_1510 = arith.constant 16 : i32
          %mul3A_1511 = arith.muli %scan3A_102, %mul3A_1510 : i32
          %add3A_1512 = arith.constant 6 : i32
          %add3A_1513 = arith.addi %mul3A_1511, %add3A_1512 : i32
          %get3A_1514 = arith.index_cast %select_n3A_74 : i32 to index
          %get3A_1515 = arith.index_cast %add3A_1513 : i32 to index
          %get3A_1516 = arith.constant 144 : index
          %get3A_1517 = tpu.vector_load %arg6[%get3A_1514, %get3A_1515, %get3A_1516] {strides = array<i32>} : memref<2x64x256xf32, #tpu.memory_space<vmem>>, vector<16xf32>,
          %mul3A_1518 = arith.mulf %get3A_29, %get3A_1517 : vector<16xf32>
          %add3A_1519 = arith.addf %add3A_1509, %mul3A_1518 : vector<16xf32>
          %mul3A_1520 = arith.constant 16 : i32
          %mul3A_1521 = arith.muli %scan3A_102, %mul3A_1520 : i32
          %add3A_1522 = arith.constant 6 : i32
          %add3A_1523 = arith.addi %mul3A_1521, %add3A_1522 : i32
          %get3A_1524 = arith.index_cast %select_n3A_74 : i32 to index
          %get3A_1525 = arith.index_cast %add3A_1523 : i32 to index
          %get3A_1526 = arith.constant 160 : index
          %get3A_1527 = tpu.vector_load %arg6[%get3A_1524, %get3A_1525, %get3A_1526] {strides = array<i32>} : memref<2x64x256xf32, #tpu.memory_space<vmem>>, vector<16xf32>,
          %mul3A_1528 = arith.mulf %get3A_31, %get3A_1527 : vector<16xf32>
          %add3A_1529 = arith.addf %add3A_1519, %mul3A_1528 : vector<16xf32>
          %mul3A_1530 = arith.constant 16 : i32
          %mul3A_1531 = arith.muli %scan3A_102, %mul3A_1530 : i32
          %add3A_1532 = arith.constant 6 : i32
          %add3A_1533 = arith.addi %mul3A_1531, %add3A_1532 : i32
          %get3A_1534 = arith.index_cast %select_n3A_74 : i32 to index
          %get3A_1535 = arith.index_cast %add3A_1533 : i32 to index
          %get3A_1536 = arith.constant 176 : index
          %get3A_1537 = tpu.vector_load %arg6[%get3A_1534, %get3A_1535, %get3A_1536] {strides = array<i32>} : memref<2x64x256xf32, #tpu.memory_space<vmem>>, vector<16xf32>,
          %mul3A_1538 = arith.mulf %get3A_33, %get3A_1537 : vector<16xf32>
          %add3A_1539 = arith.addf %add3A_1529, %mul3A_1538 : vector<16xf32>
          %mul3A_1540 = arith.constant 16 : i32
          %mul3A_1541 = arith.muli %scan3A_102, %mul3A_1540 : i32
          %add3A_1542 = arith.constant 6 : i32
          %add3A_1543 = arith.addi %mul3A_1541, %add3A_1542 : i32
          %get3A_1544 = arith.index_cast %select_n3A_74 : i32 to index
          %get3A_1545 = arith.index_cast %add3A_1543 : i32 to index
          %get3A_1546 = arith.constant 192 : index
          %get3A_1547 = tpu.vector_load %arg6[%get3A_1544, %get3A_1545, %get3A_1546] {strides = array<i32>} : memref<2x64x256xf32, #tpu.memory_space<vmem>>, vector<16xf32>,
          %mul3A_1548 = arith.mulf %get3A_35, %get3A_1547 : vector<16xf32>
          %add3A_1549 = arith.addf %add3A_1539, %mul3A_1548 : vector<16xf32>
          %mul3A_1550 = arith.constant 16 : i32
          %mul3A_1551 = arith.muli %scan3A_102, %mul3A_1550 : i32
          %add3A_1552 = arith.constant 6 : i32
          %add3A_1553 = arith.addi %mul3A_1551, %add3A_1552 : i32
          %get3A_1554 = arith.index_cast %select_n3A_74 : i32 to index
          %get3A_1555 = arith.index_cast %add3A_1553 : i32 to index
          %get3A_1556 = arith.constant 208 : index
          %get3A_1557 = tpu.vector_load %arg6[%get3A_1554, %get3A_1555, %get3A_1556] {strides = array<i32>} : memref<2x64x256xf32, #tpu.memory_space<vmem>>, vector<16xf32>,
          %mul3A_1558 = arith.mulf %get3A_37, %get3A_1557 : vector<16xf32>
          %add3A_1559 = arith.addf %add3A_1549, %mul3A_1558 : vector<16xf32>
          %mul3A_1560 = arith.constant 16 : i32
          %mul3A_1561 = arith.muli %scan3A_102, %mul3A_1560 : i32
          %add3A_1562 = arith.constant 6 : i32
          %add3A_1563 = arith.addi %mul3A_1561, %add3A_1562 : i32
          %get3A_1564 = arith.index_cast %select_n3A_74 : i32 to index
          %get3A_1565 = arith.index_cast %add3A_1563 : i32 to index
          %get3A_1566 = arith.constant 224 : index
          %get3A_1567 = tpu.vector_load %arg6[%get3A_1564, %get3A_1565, %get3A_1566] {strides = array<i32>} : memref<2x64x256xf32, #tpu.memory_space<vmem>>, vector<16xf32>,
          %mul3A_1568 = arith.mulf %get3A_39, %get3A_1567 : vector<16xf32>
          %add3A_1569 = arith.addf %add3A_1559, %mul3A_1568 : vector<16xf32>
          %mul3A_1570 = arith.constant 16 : i32
          %mul3A_1571 = arith.muli %scan3A_102, %mul3A_1570 : i32
          %add3A_1572 = arith.constant 6 : i32
          %add3A_1573 = arith.addi %mul3A_1571, %add3A_1572 : i32
          %get3A_1574 = arith.index_cast %select_n3A_74 : i32 to index
          %get3A_1575 = arith.index_cast %add3A_1573 : i32 to index
          %get3A_1576 = arith.constant 240 : index
          %get3A_1577 = tpu.vector_load %arg6[%get3A_1574, %get3A_1575, %get3A_1576] {strides = array<i32>} : memref<2x64x256xf32, #tpu.memory_space<vmem>>, vector<16xf32>,
          %mul3A_1578 = arith.mulf %get3A_41, %get3A_1577 : vector<16xf32>
          %add3A_1579 = arith.addf %add3A_1569, %mul3A_1578 : vector<16xf32>
          %eq3A_1580 = arith.constant 6 : i32
          %eq3A_1581 = vector.broadcast %eq3A_1580 : i32 to vector<16xi32>
          %eq3A_1582 = arith.cmpi eq, %iota3A, %eq3A_1581 : vector<16xi32>
          %iota3A_1583 = tpu.iota {dimensions = array<i32: 0>} : vector<16xi32>
          %xor3A_1584 = arith.constant 1 : i32
          %xor3A_1585 = vector.broadcast %xor3A_1584 : i32 to vector<16xi32>
          %xor3A_1586 = arith.xori %iota3A_1583, %xor3A_1585 : vector<16xi32>
          %lt3A_1587 = arith.constant 0 : i32
          %lt3A_1588 = vector.broadcast %lt3A_1587 : i32 to vector<16xi32>
          %lt3A_1589 = arith.cmpi slt, %xor3A_1586, %lt3A_1588 : vector<16xi32>
          %add3A_1590 = arith.constant 16 : i32
          %add3A_1591 = vector.broadcast %add3A_1590 : i32 to vector<16xi32>
          %add3A_1592 = arith.addi %xor3A_1586, %add3A_1591 : vector<16xi32>
          %select_n3A_1593 = arith.select %lt3A_1589, %add3A_1592, %xor3A_1586 : vector<16xi1>, vector<16xi32>
          %reshape3A_1594 = vector.shape_cast %select_n3A_1593 : vector<16xi32> to vector<16x1xi32>
          %gather3A_1595 = vector.shape_cast %reshape3A_1594 : vector<16x1xi32> to vector<16xi32>
          %gather3A_1596 = tpu.dynamic_gather %add3A_1579[%gather3A_1595] in [0] : vector<16xf32>, vector<16xi32> -> vector<16xf32>
          %add3A_1597 = arith.addf %add3A_1579, %gather3A_1596 : vector<16xf32>
          %xor3A_1598 = arith.constant 2 : i32
          %xor3A_1599 = vector.broadcast %xor3A_1598 : i32 to vector<16xi32>
          %xor3A_1600 = arith.xori %iota3A_1583, %xor3A_1599 : vector<16xi32>
          %lt3A_1601 = arith.constant 0 : i32
          %lt3A_1602 = vector.broadcast %lt3A_1601 : i32 to vector<16xi32>
          %lt3A_1603 = arith.cmpi slt, %xor3A_1600, %lt3A_1602 : vector<16xi32>
          %add3A_1604 = arith.constant 16 : i32
          %add3A_1605 = vector.broadcast %add3A_1604 : i32 to vector<16xi32>
          %add3A_1606 = arith.addi %xor3A_1600, %add3A_1605 : vector<16xi32>
          %select_n3A_1607 = arith.select %lt3A_1603, %add3A_1606, %xor3A_1600 : vector<16xi1>, vector<16xi32>
          %reshape3A_1608 = vector.shape_cast %select_n3A_1607 : vector<16xi32> to vector<16x1xi32>
          %gather3A_1609 = vector.shape_cast %reshape3A_1608 : vector<16x1xi32> to vector<16xi32>
          %gather3A_1610 = tpu.dynamic_gather %add3A_1597[%gather3A_1609] in [0] : vector<16xf32>, vector<16xi32> -> vector<16xf32>
          %add3A_1611 = arith.addf %add3A_1597, %gather3A_1610 : vector<16xf32>
          %xor3A_1612 = arith.constant 4 : i32
          %xor3A_1613 = vector.broadcast %xor3A_1612 : i32 to vector<16xi32>
          %xor3A_1614 = arith.xori %iota3A_1583, %xor3A_1613 : vector<16xi32>
          %lt3A_1615 = arith.constant 0 : i32
          %lt3A_1616 = vector.broadcast %lt3A_1615 : i32 to vector<16xi32>
          %lt3A_1617 = arith.cmpi slt, %xor3A_1614, %lt3A_1616 : vector<16xi32>
          %add3A_1618 = arith.constant 16 : i32
          %add3A_1619 = vector.broadcast %add3A_1618 : i32 to vector<16xi32>
          %add3A_1620 = arith.addi %xor3A_1614, %add3A_1619 : vector<16xi32>
          %select_n3A_1621 = arith.select %lt3A_1617, %add3A_1620, %xor3A_1614 : vector<16xi1>, vector<16xi32>
          %reshape3A_1622 = vector.shape_cast %select_n3A_1621 : vector<16xi32> to vector<16x1xi32>
          %gather3A_1623 = vector.shape_cast %reshape3A_1622 : vector<16x1xi32> to vector<16xi32>
          %gather3A_1624 = tpu.dynamic_gather %add3A_1611[%gather3A_1623] in [0] : vector<16xf32>, vector<16xi32> -> vector<16xf32>
          %add3A_1625 = arith.addf %add3A_1611, %gather3A_1624 : vector<16xf32>
          %xor3A_1626 = arith.constant 8 : i32
          %xor3A_1627 = vector.broadcast %xor3A_1626 : i32 to vector<16xi32>
          %xor3A_1628 = arith.xori %iota3A_1583, %xor3A_1627 : vector<16xi32>
          %lt3A_1629 = arith.constant 0 : i32
          %lt3A_1630 = vector.broadcast %lt3A_1629 : i32 to vector<16xi32>
          %lt3A_1631 = arith.cmpi slt, %xor3A_1628, %lt3A_1630 : vector<16xi32>
          %add3A_1632 = arith.constant 16 : i32
          %add3A_1633 = vector.broadcast %add3A_1632 : i32 to vector<16xi32>
          %add3A_1634 = arith.addi %xor3A_1628, %add3A_1633 : vector<16xi32>
          %select_n3A_1635 = arith.select %lt3A_1631, %add3A_1634, %xor3A_1628 : vector<16xi1>, vector<16xi32>
          %reshape3A_1636 = vector.shape_cast %select_n3A_1635 : vector<16xi32> to vector<16x1xi32>
          %gather3A_1637 = vector.shape_cast %reshape3A_1636 : vector<16x1xi32> to vector<16xi32>
          %gather3A_1638 = tpu.dynamic_gather %add3A_1625[%gather3A_1637] in [0] : vector<16xf32>, vector<16xi32> -> vector<16xf32>
          %add3A_1639 = arith.addf %add3A_1625, %gather3A_1638 : vector<16xf32>
          %select_n3A_1640 = arith.select %eq3A_1582, %add3A_1639, %select_n3A_1420 : vector<16xi1>, vector<16xf32>
          %mul3A_1641 = arith.constant 16 : i32
          %mul3A_1642 = arith.muli %scan3A_102, %mul3A_1641 : i32
          %add3A_1643 = arith.constant 7 : i32
          %add3A_1644 = arith.addi %mul3A_1642, %add3A_1643 : i32
          %get3A_1645 = arith.index_cast %select_n3A_74 : i32 to index
          %get3A_1646 = arith.index_cast %add3A_1644 : i32 to index
          %get3A_1647 = arith.constant 0 : index
          %get3A_1648 = tpu.vector_load %arg6[%get3A_1645, %get3A_1646, %get3A_1647] {strides = array<i32>} : memref<2x64x256xf32, #tpu.memory_space<vmem>>, vector<16xf32>,
          %mul3A_1649 = arith.mulf %get3A_11, %get3A_1648 : vector<16xf32>
          %mul3A_1650 = arith.constant 16 : i32
          %mul3A_1651 = arith.muli %scan3A_102, %mul3A_1650 : i32
          %add3A_1652 = arith.constant 7 : i32
          %add3A_1653 = arith.addi %mul3A_1651, %add3A_1652 : i32
          %get3A_1654 = arith.index_cast %select_n3A_74 : i32 to index
          %get3A_1655 = arith.index_cast %add3A_1653 : i32 to index
          %get3A_1656 = arith.constant 16 : index
          %get3A_1657 = tpu.vector_load %arg6[%get3A_1654, %get3A_1655, %get3A_1656] {strides = array<i32>} : memref<2x64x256xf32, #tpu.memory_space<vmem>>, vector<16xf32>,
          %mul3A_1658 = arith.mulf %get3A_13, %get3A_1657 : vector<16xf32>
          %add3A_1659 = arith.addf %mul3A_1649, %mul3A_1658 : vector<16xf32>
          %mul3A_1660 = arith.constant 16 : i32
          %mul3A_1661 = arith.muli %scan3A_102, %mul3A_1660 : i32
          %add3A_1662 = arith.constant 7 : i32
          %add3A_1663 = arith.addi %mul3A_1661, %add3A_1662 : i32
          %get3A_1664 = arith.index_cast %select_n3A_74 : i32 to index
          %get3A_1665 = arith.index_cast %add3A_1663 : i32 to index
          %get3A_1666 = arith.constant 32 : index
          %get3A_1667 = tpu.vector_load %arg6[%get3A_1664, %get3A_1665, %get3A_1666] {strides = array<i32>} : memref<2x64x256xf32, #tpu.memory_space<vmem>>, vector<16xf32>,
          %mul3A_1668 = arith.mulf %get3A_15, %get3A_1667 : vector<16xf32>
          %add3A_1669 = arith.addf %add3A_1659, %mul3A_1668 : vector<16xf32>
          %mul3A_1670 = arith.constant 16 : i32
          %mul3A_1671 = arith.muli %scan3A_102, %mul3A_1670 : i32
          %add3A_1672 = arith.constant 7 : i32
          %add3A_1673 = arith.addi %mul3A_1671, %add3A_1672 : i32
          %get3A_1674 = arith.index_cast %select_n3A_74 : i32 to index
          %get3A_1675 = arith.index_cast %add3A_1673 : i32 to index
          %get3A_1676 = arith.constant 48 : index
          %get3A_1677 = tpu.vector_load %arg6[%get3A_1674, %get3A_1675, %get3A_1676] {strides = array<i32>} : memref<2x64x256xf32, #tpu.memory_space<vmem>>, vector<16xf32>,
          %mul3A_1678 = arith.mulf %get3A_17, %get3A_1677 : vector<16xf32>
          %add3A_1679 = arith.addf %add3A_1669, %mul3A_1678 : vector<16xf32>
          %mul3A_1680 = arith.constant 16 : i32
          %mul3A_1681 = arith.muli %scan3A_102, %mul3A_1680 : i32
          %add3A_1682 = arith.constant 7 : i32
          %add3A_1683 = arith.addi %mul3A_1681, %add3A_1682 : i32
          %get3A_1684 = arith.index_cast %select_n3A_74 : i32 to index
          %get3A_1685 = arith.index_cast %add3A_1683 : i32 to index
          %get3A_1686 = arith.constant 64 : index
          %get3A_1687 = tpu.vector_load %arg6[%get3A_1684, %get3A_1685, %get3A_1686] {strides = array<i32>} : memref<2x64x256xf32, #tpu.memory_space<vmem>>, vector<16xf32>,
          %mul3A_1688 = arith.mulf %get3A_19, %get3A_1687 : vector<16xf32>
          %add3A_1689 = arith.addf %add3A_1679, %mul3A_1688 : vector<16xf32>
          %mul3A_1690 = arith.constant 16 : i32
          %mul3A_1691 = arith.muli %scan3A_102, %mul3A_1690 : i32
          %add3A_1692 = arith.constant 7 : i32
          %add3A_1693 = arith.addi %mul3A_1691, %add3A_1692 : i32
          %get3A_1694 = arith.index_cast %select_n3A_74 : i32 to index
          %get3A_1695 = arith.index_cast %add3A_1693 : i32 to index
          %get3A_1696 = arith.constant 80 : index
          %get3A_1697 = tpu.vector_load %arg6[%get3A_1694, %get3A_1695, %get3A_1696] {strides = array<i32>} : memref<2x64x256xf32, #tpu.memory_space<vmem>>, vector<16xf32>,
          %mul3A_1698 = arith.mulf %get3A_21, %get3A_1697 : vector<16xf32>
          %add3A_1699 = arith.addf %add3A_1689, %mul3A_1698 : vector<16xf32>
          %mul3A_1700 = arith.constant 16 : i32
          %mul3A_1701 = arith.muli %scan3A_102, %mul3A_1700 : i32
          %add3A_1702 = arith.constant 7 : i32
          %add3A_1703 = arith.addi %mul3A_1701, %add3A_1702 : i32
          %get3A_1704 = arith.index_cast %select_n3A_74 : i32 to index
          %get3A_1705 = arith.index_cast %add3A_1703 : i32 to index
          %get3A_1706 = arith.constant 96 : index
          %get3A_1707 = tpu.vector_load %arg6[%get3A_1704, %get3A_1705, %get3A_1706] {strides = array<i32>} : memref<2x64x256xf32, #tpu.memory_space<vmem>>, vector<16xf32>,
          %mul3A_1708 = arith.mulf %get3A_23, %get3A_1707 : vector<16xf32>
          %add3A_1709 = arith.addf %add3A_1699, %mul3A_1708 : vector<16xf32>
          %mul3A_1710 = arith.constant 16 : i32
          %mul3A_1711 = arith.muli %scan3A_102, %mul3A_1710 : i32
          %add3A_1712 = arith.constant 7 : i32
          %add3A_1713 = arith.addi %mul3A_1711, %add3A_1712 : i32
          %get3A_1714 = arith.index_cast %select_n3A_74 : i32 to index
          %get3A_1715 = arith.index_cast %add3A_1713 : i32 to index
          %get3A_1716 = arith.constant 112 : index
          %get3A_1717 = tpu.vector_load %arg6[%get3A_1714, %get3A_1715, %get3A_1716] {strides = array<i32>} : memref<2x64x256xf32, #tpu.memory_space<vmem>>, vector<16xf32>,
          %mul3A_1718 = arith.mulf %get3A_25, %get3A_1717 : vector<16xf32>
          %add3A_1719 = arith.addf %add3A_1709, %mul3A_1718 : vector<16xf32>
          %mul3A_1720 = arith.constant 16 : i32
          %mul3A_1721 = arith.muli %scan3A_102, %mul3A_1720 : i32
          %add3A_1722 = arith.constant 7 : i32
          %add3A_1723 = arith.addi %mul3A_1721, %add3A_1722 : i32
          %get3A_1724 = arith.index_cast %select_n3A_74 : i32 to index
          %get3A_1725 = arith.index_cast %add3A_1723 : i32 to index
          %get3A_1726 = arith.constant 128 : index
          %get3A_1727 = tpu.vector_load %arg6[%get3A_1724, %get3A_1725, %get3A_1726] {strides = array<i32>} : memref<2x64x256xf32, #tpu.memory_space<vmem>>, vector<16xf32>,
          %mul3A_1728 = arith.mulf %get3A_27, %get3A_1727 : vector<16xf32>
          %add3A_1729 = arith.addf %add3A_1719, %mul3A_1728 : vector<16xf32>
          %mul3A_1730 = arith.constant 16 : i32
          %mul3A_1731 = arith.muli %scan3A_102, %mul3A_1730 : i32
          %add3A_1732 = arith.constant 7 : i32
          %add3A_1733 = arith.addi %mul3A_1731, %add3A_1732 : i32
          %get3A_1734 = arith.index_cast %select_n3A_74 : i32 to index
          %get3A_1735 = arith.index_cast %add3A_1733 : i32 to index
          %get3A_1736 = arith.constant 144 : index
          %get3A_1737 = tpu.vector_load %arg6[%get3A_1734, %get3A_1735, %get3A_1736] {strides = array<i32>} : memref<2x64x256xf32, #tpu.memory_space<vmem>>, vector<16xf32>,
          %mul3A_1738 = arith.mulf %get3A_29, %get3A_1737 : vector<16xf32>
          %add3A_1739 = arith.addf %add3A_1729, %mul3A_1738 : vector<16xf32>
          %mul3A_1740 = arith.constant 16 : i32
          %mul3A_1741 = arith.muli %scan3A_102, %mul3A_1740 : i32
          %add3A_1742 = arith.constant 7 : i32
          %add3A_1743 = arith.addi %mul3A_1741, %add3A_1742 : i32
          %get3A_1744 = arith.index_cast %select_n3A_74 : i32 to index
          %get3A_1745 = arith.index_cast %add3A_1743 : i32 to index
          %get3A_1746 = arith.constant 160 : index
          %get3A_1747 = tpu.vector_load %arg6[%get3A_1744, %get3A_1745, %get3A_1746] {strides = array<i32>} : memref<2x64x256xf32, #tpu.memory_space<vmem>>, vector<16xf32>,
          %mul3A_1748 = arith.mulf %get3A_31, %get3A_1747 : vector<16xf32>
          %add3A_1749 = arith.addf %add3A_1739, %mul3A_1748 : vector<16xf32>
          %mul3A_1750 = arith.constant 16 : i32
          %mul3A_1751 = arith.muli %scan3A_102, %mul3A_1750 : i32
          %add3A_1752 = arith.constant 7 : i32
          %add3A_1753 = arith.addi %mul3A_1751, %add3A_1752 : i32
          %get3A_1754 = arith.index_cast %select_n3A_74 : i32 to index
          %get3A_1755 = arith.index_cast %add3A_1753 : i32 to index
          %get3A_1756 = arith.constant 176 : index
          %get3A_1757 = tpu.vector_load %arg6[%get3A_1754, %get3A_1755, %get3A_1756] {strides = array<i32>} : memref<2x64x256xf32, #tpu.memory_space<vmem>>, vector<16xf32>,
          %mul3A_1758 = arith.mulf %get3A_33, %get3A_1757 : vector<16xf32>
          %add3A_1759 = arith.addf %add3A_1749, %mul3A_1758 : vector<16xf32>
          %mul3A_1760 = arith.constant 16 : i32
          %mul3A_1761 = arith.muli %scan3A_102, %mul3A_1760 : i32
          %add3A_1762 = arith.constant 7 : i32
          %add3A_1763 = arith.addi %mul3A_1761, %add3A_1762 : i32
          %get3A_1764 = arith.index_cast %select_n3A_74 : i32 to index
          %get3A_1765 = arith.index_cast %add3A_1763 : i32 to index
          %get3A_1766 = arith.constant 192 : index
          %get3A_1767 = tpu.vector_load %arg6[%get3A_1764, %get3A_1765, %get3A_1766] {strides = array<i32>} : memref<2x64x256xf32, #tpu.memory_space<vmem>>, vector<16xf32>,
          %mul3A_1768 = arith.mulf %get3A_35, %get3A_1767 : vector<16xf32>
          %add3A_1769 = arith.addf %add3A_1759, %mul3A_1768 : vector<16xf32>
          %mul3A_1770 = arith.constant 16 : i32
          %mul3A_1771 = arith.muli %scan3A_102, %mul3A_1770 : i32
          %add3A_1772 = arith.constant 7 : i32
          %add3A_1773 = arith.addi %mul3A_1771, %add3A_1772 : i32
          %get3A_1774 = arith.index_cast %select_n3A_74 : i32 to index
          %get3A_1775 = arith.index_cast %add3A_1773 : i32 to index
          %get3A_1776 = arith.constant 208 : index
          %get3A_1777 = tpu.vector_load %arg6[%get3A_1774, %get3A_1775, %get3A_1776] {strides = array<i32>} : memref<2x64x256xf32, #tpu.memory_space<vmem>>, vector<16xf32>,
          %mul3A_1778 = arith.mulf %get3A_37, %get3A_1777 : vector<16xf32>
          %add3A_1779 = arith.addf %add3A_1769, %mul3A_1778 : vector<16xf32>
          %mul3A_1780 = arith.constant 16 : i32
          %mul3A_1781 = arith.muli %scan3A_102, %mul3A_1780 : i32
          %add3A_1782 = arith.constant 7 : i32
          %add3A_1783 = arith.addi %mul3A_1781, %add3A_1782 : i32
          %get3A_1784 = arith.index_cast %select_n3A_74 : i32 to index
          %get3A_1785 = arith.index_cast %add3A_1783 : i32 to index
          %get3A_1786 = arith.constant 224 : index
          %get3A_1787 = tpu.vector_load %arg6[%get3A_1784, %get3A_1785, %get3A_1786] {strides = array<i32>} : memref<2x64x256xf32, #tpu.memory_space<vmem>>, vector<16xf32>,
          %mul3A_1788 = arith.mulf %get3A_39, %get3A_1787 : vector<16xf32>
          %add3A_1789 = arith.addf %add3A_1779, %mul3A_1788 : vector<16xf32>
          %mul3A_1790 = arith.constant 16 : i32
          %mul3A_1791 = arith.muli %scan3A_102, %mul3A_1790 : i32
          %add3A_1792 = arith.constant 7 : i32
          %add3A_1793 = arith.addi %mul3A_1791, %add3A_1792 : i32
          %get3A_1794 = arith.index_cast %select_n3A_74 : i32 to index
          %get3A_1795 = arith.index_cast %add3A_1793 : i32 to index
          %get3A_1796 = arith.constant 240 : index
          %get3A_1797 = tpu.vector_load %arg6[%get3A_1794, %get3A_1795, %get3A_1796] {strides = array<i32>} : memref<2x64x256xf32, #tpu.memory_space<vmem>>, vector<16xf32>,
          %mul3A_1798 = arith.mulf %get3A_41, %get3A_1797 : vector<16xf32>
          %add3A_1799 = arith.addf %add3A_1789, %mul3A_1798 : vector<16xf32>
          %eq3A_1800 = arith.constant 7 : i32
          %eq3A_1801 = vector.broadcast %eq3A_1800 : i32 to vector<16xi32>
          %eq3A_1802 = arith.cmpi eq, %iota3A, %eq3A_1801 : vector<16xi32>
          %iota3A_1803 = tpu.iota {dimensions = array<i32: 0>} : vector<16xi32>
          %xor3A_1804 = arith.constant 1 : i32
          %xor3A_1805 = vector.broadcast %xor3A_1804 : i32 to vector<16xi32>
          %xor3A_1806 = arith.xori %iota3A_1803, %xor3A_1805 : vector<16xi32>
          %lt3A_1807 = arith.constant 0 : i32
          %lt3A_1808 = vector.broadcast %lt3A_1807 : i32 to vector<16xi32>
          %lt3A_1809 = arith.cmpi slt, %xor3A_1806, %lt3A_1808 : vector<16xi32>
          %add3A_1810 = arith.constant 16 : i32
          %add3A_1811 = vector.broadcast %add3A_1810 : i32 to vector<16xi32>
          %add3A_1812 = arith.addi %xor3A_1806, %add3A_1811 : vector<16xi32>
          %select_n3A_1813 = arith.select %lt3A_1809, %add3A_1812, %xor3A_1806 : vector<16xi1>, vector<16xi32>
          %reshape3A_1814 = vector.shape_cast %select_n3A_1813 : vector<16xi32> to vector<16x1xi32>
          %gather3A_1815 = vector.shape_cast %reshape3A_1814 : vector<16x1xi32> to vector<16xi32>
          %gather3A_1816 = tpu.dynamic_gather %add3A_1799[%gather3A_1815] in [0] : vector<16xf32>, vector<16xi32> -> vector<16xf32>
          %add3A_1817 = arith.addf %add3A_1799, %gather3A_1816 : vector<16xf32>
          %xor3A_1818 = arith.constant 2 : i32
          %xor3A_1819 = vector.broadcast %xor3A_1818 : i32 to vector<16xi32>
          %xor3A_1820 = arith.xori %iota3A_1803, %xor3A_1819 : vector<16xi32>
          %lt3A_1821 = arith.constant 0 : i32
          %lt3A_1822 = vector.broadcast %lt3A_1821 : i32 to vector<16xi32>
          %lt3A_1823 = arith.cmpi slt, %xor3A_1820, %lt3A_1822 : vector<16xi32>
          %add3A_1824 = arith.constant 16 : i32
          %add3A_1825 = vector.broadcast %add3A_1824 : i32 to vector<16xi32>
          %add3A_1826 = arith.addi %xor3A_1820, %add3A_1825 : vector<16xi32>
          %select_n3A_1827 = arith.select %lt3A_1823, %add3A_1826, %xor3A_1820 : vector<16xi1>, vector<16xi32>
          %reshape3A_1828 = vector.shape_cast %select_n3A_1827 : vector<16xi32> to vector<16x1xi32>
          %gather3A_1829 = vector.shape_cast %reshape3A_1828 : vector<16x1xi32> to vector<16xi32>
          %gather3A_1830 = tpu.dynamic_gather %add3A_1817[%gather3A_1829] in [0] : vector<16xf32>, vector<16xi32> -> vector<16xf32>
          %add3A_1831 = arith.addf %add3A_1817, %gather3A_1830 : vector<16xf32>
          %xor3A_1832 = arith.constant 4 : i32
          %xor3A_1833 = vector.broadcast %xor3A_1832 : i32 to vector<16xi32>
          %xor3A_1834 = arith.xori %iota3A_1803, %xor3A_1833 : vector<16xi32>
          %lt3A_1835 = arith.constant 0 : i32
          %lt3A_1836 = vector.broadcast %lt3A_1835 : i32 to vector<16xi32>
          %lt3A_1837 = arith.cmpi slt, %xor3A_1834, %lt3A_1836 : vector<16xi32>
          %add3A_1838 = arith.constant 16 : i32
          %add3A_1839 = vector.broadcast %add3A_1838 : i32 to vector<16xi32>
          %add3A_1840 = arith.addi %xor3A_1834, %add3A_1839 : vector<16xi32>
          %select_n3A_1841 = arith.select %lt3A_1837, %add3A_1840, %xor3A_1834 : vector<16xi1>, vector<16xi32>
          %reshape3A_1842 = vector.shape_cast %select_n3A_1841 : vector<16xi32> to vector<16x1xi32>
          %gather3A_1843 = vector.shape_cast %reshape3A_1842 : vector<16x1xi32> to vector<16xi32>
          %gather3A_1844 = tpu.dynamic_gather %add3A_1831[%gather3A_1843] in [0] : vector<16xf32>, vector<16xi32> -> vector<16xf32>
          %add3A_1845 = arith.addf %add3A_1831, %gather3A_1844 : vector<16xf32>
          %xor3A_1846 = arith.constant 8 : i32
          %xor3A_1847 = vector.broadcast %xor3A_1846 : i32 to vector<16xi32>
          %xor3A_1848 = arith.xori %iota3A_1803, %xor3A_1847 : vector<16xi32>
          %lt3A_1849 = arith.constant 0 : i32
          %lt3A_1850 = vector.broadcast %lt3A_1849 : i32 to vector<16xi32>
          %lt3A_1851 = arith.cmpi slt, %xor3A_1848, %lt3A_1850 : vector<16xi32>
          %add3A_1852 = arith.constant 16 : i32
          %add3A_1853 = vector.broadcast %add3A_1852 : i32 to vector<16xi32>
          %add3A_1854 = arith.addi %xor3A_1848, %add3A_1853 : vector<16xi32>
          %select_n3A_1855 = arith.select %lt3A_1851, %add3A_1854, %xor3A_1848 : vector<16xi1>, vector<16xi32>
          %reshape3A_1856 = vector.shape_cast %select_n3A_1855 : vector<16xi32> to vector<16x1xi32>
          %gather3A_1857 = vector.shape_cast %reshape3A_1856 : vector<16x1xi32> to vector<16xi32>
          %gather3A_1858 = tpu.dynamic_gather %add3A_1845[%gather3A_1857] in [0] : vector<16xf32>, vector<16xi32> -> vector<16xf32>
          %add3A_1859 = arith.addf %add3A_1845, %gather3A_1858 : vector<16xf32>
          %select_n3A_1860 = arith.select %eq3A_1802, %add3A_1859, %select_n3A_1640 : vector<16xi1>, vector<16xf32>
          %mul3A_1861 = arith.constant 16 : i32
          %mul3A_1862 = arith.muli %scan3A_102, %mul3A_1861 : i32
          %add3A_1863 = arith.constant 8 : i32
          %add3A_1864 = arith.addi %mul3A_1862, %add3A_1863 : i32
          %get3A_1865 = arith.index_cast %select_n3A_74 : i32 to index
          %get3A_1866 = arith.index_cast %add3A_1864 : i32 to index
          %get3A_1867 = arith.constant 0 : index
          %get3A_1868 = tpu.vector_load %arg6[%get3A_1865, %get3A_1866, %get3A_1867] {strides = array<i32>} : memref<2x64x256xf32, #tpu.memory_space<vmem>>, vector<16xf32>,
          %mul3A_1869 = arith.mulf %get3A_11, %get3A_1868 : vector<16xf32>
          %mul3A_1870 = arith.constant 16 : i32
          %mul3A_1871 = arith.muli %scan3A_102, %mul3A_1870 : i32
          %add3A_1872 = arith.constant 8 : i32
          %add3A_1873 = arith.addi %mul3A_1871, %add3A_1872 : i32
          %get3A_1874 = arith.index_cast %select_n3A_74 : i32 to index
          %get3A_1875 = arith.index_cast %add3A_1873 : i32 to index
          %get3A_1876 = arith.constant 16 : index
          %get3A_1877 = tpu.vector_load %arg6[%get3A_1874, %get3A_1875, %get3A_1876] {strides = array<i32>} : memref<2x64x256xf32, #tpu.memory_space<vmem>>, vector<16xf32>,
          %mul3A_1878 = arith.mulf %get3A_13, %get3A_1877 : vector<16xf32>
          %add3A_1879 = arith.addf %mul3A_1869, %mul3A_1878 : vector<16xf32>
          %mul3A_1880 = arith.constant 16 : i32
          %mul3A_1881 = arith.muli %scan3A_102, %mul3A_1880 : i32
          %add3A_1882 = arith.constant 8 : i32
          %add3A_1883 = arith.addi %mul3A_1881, %add3A_1882 : i32
          %get3A_1884 = arith.index_cast %select_n3A_74 : i32 to index
          %get3A_1885 = arith.index_cast %add3A_1883 : i32 to index
          %get3A_1886 = arith.constant 32 : index
          %get3A_1887 = tpu.vector_load %arg6[%get3A_1884, %get3A_1885, %get3A_1886] {strides = array<i32>} : memref<2x64x256xf32, #tpu.memory_space<vmem>>, vector<16xf32>,
          %mul3A_1888 = arith.mulf %get3A_15, %get3A_1887 : vector<16xf32>
          %add3A_1889 = arith.addf %add3A_1879, %mul3A_1888 : vector<16xf32>
          %mul3A_1890 = arith.constant 16 : i32
          %mul3A_1891 = arith.muli %scan3A_102, %mul3A_1890 : i32
          %add3A_1892 = arith.constant 8 : i32
          %add3A_1893 = arith.addi %mul3A_1891, %add3A_1892 : i32
          %get3A_1894 = arith.index_cast %select_n3A_74 : i32 to index
          %get3A_1895 = arith.index_cast %add3A_1893 : i32 to index
          %get3A_1896 = arith.constant 48 : index
          %get3A_1897 = tpu.vector_load %arg6[%get3A_1894, %get3A_1895, %get3A_1896] {strides = array<i32>} : memref<2x64x256xf32, #tpu.memory_space<vmem>>, vector<16xf32>,
          %mul3A_1898 = arith.mulf %get3A_17, %get3A_1897 : vector<16xf32>
          %add3A_1899 = arith.addf %add3A_1889, %mul3A_1898 : vector<16xf32>
          %mul3A_1900 = arith.constant 16 : i32
          %mul3A_1901 = arith.muli %scan3A_102, %mul3A_1900 : i32
          %add3A_1902 = arith.constant 8 : i32
          %add3A_1903 = arith.addi %mul3A_1901, %add3A_1902 : i32
          %get3A_1904 = arith.index_cast %select_n3A_74 : i32 to index
          %get3A_1905 = arith.index_cast %add3A_1903 : i32 to index
          %get3A_1906 = arith.constant 64 : index
          %get3A_1907 = tpu.vector_load %arg6[%get3A_1904, %get3A_1905, %get3A_1906] {strides = array<i32>} : memref<2x64x256xf32, #tpu.memory_space<vmem>>, vector<16xf32>,
          %mul3A_1908 = arith.mulf %get3A_19, %get3A_1907 : vector<16xf32>
          %add3A_1909 = arith.addf %add3A_1899, %mul3A_1908 : vector<16xf32>
          %mul3A_1910 = arith.constant 16 : i32
          %mul3A_1911 = arith.muli %scan3A_102, %mul3A_1910 : i32
          %add3A_1912 = arith.constant 8 : i32
          %add3A_1913 = arith.addi %mul3A_1911, %add3A_1912 : i32
          %get3A_1914 = arith.index_cast %select_n3A_74 : i32 to index
          %get3A_1915 = arith.index_cast %add3A_1913 : i32 to index
          %get3A_1916 = arith.constant 80 : index
          %get3A_1917 = tpu.vector_load %arg6[%get3A_1914, %get3A_1915, %get3A_1916] {strides = array<i32>} : memref<2x64x256xf32, #tpu.memory_space<vmem>>, vector<16xf32>,
          %mul3A_1918 = arith.mulf %get3A_21, %get3A_1917 : vector<16xf32>
          %add3A_1919 = arith.addf %add3A_1909, %mul3A_1918 : vector<16xf32>
          %mul3A_1920 = arith.constant 16 : i32
          %mul3A_1921 = arith.muli %scan3A_102, %mul3A_1920 : i32
          %add3A_1922 = arith.constant 8 : i32
          %add3A_1923 = arith.addi %mul3A_1921, %add3A_1922 : i32
          %get3A_1924 = arith.index_cast %select_n3A_74 : i32 to index
          %get3A_1925 = arith.index_cast %add3A_1923 : i32 to index
          %get3A_1926 = arith.constant 96 : index
          %get3A_1927 = tpu.vector_load %arg6[%get3A_1924, %get3A_1925, %get3A_1926] {strides = array<i32>} : memref<2x64x256xf32, #tpu.memory_space<vmem>>, vector<16xf32>,
          %mul3A_1928 = arith.mulf %get3A_23, %get3A_1927 : vector<16xf32>
          %add3A_1929 = arith.addf %add3A_1919, %mul3A_1928 : vector<16xf32>
          %mul3A_1930 = arith.constant 16 : i32
          %mul3A_1931 = arith.muli %scan3A_102, %mul3A_1930 : i32
          %add3A_1932 = arith.constant 8 : i32
          %add3A_1933 = arith.addi %mul3A_1931, %add3A_1932 : i32
          %get3A_1934 = arith.index_cast %select_n3A_74 : i32 to index
          %get3A_1935 = arith.index_cast %add3A_1933 : i32 to index
          %get3A_1936 = arith.constant 112 : index
          %get3A_1937 = tpu.vector_load %arg6[%get3A_1934, %get3A_1935, %get3A_1936] {strides = array<i32>} : memref<2x64x256xf32, #tpu.memory_space<vmem>>, vector<16xf32>,
          %mul3A_1938 = arith.mulf %get3A_25, %get3A_1937 : vector<16xf32>
          %add3A_1939 = arith.addf %add3A_1929, %mul3A_1938 : vector<16xf32>
          %mul3A_1940 = arith.constant 16 : i32
          %mul3A_1941 = arith.muli %scan3A_102, %mul3A_1940 : i32
          %add3A_1942 = arith.constant 8 : i32
          %add3A_1943 = arith.addi %mul3A_1941, %add3A_1942 : i32
          %get3A_1944 = arith.index_cast %select_n3A_74 : i32 to index
          %get3A_1945 = arith.index_cast %add3A_1943 : i32 to index
          %get3A_1946 = arith.constant 128 : index
          %get3A_1947 = tpu.vector_load %arg6[%get3A_1944, %get3A_1945, %get3A_1946] {strides = array<i32>} : memref<2x64x256xf32, #tpu.memory_space<vmem>>, vector<16xf32>,
          %mul3A_1948 = arith.mulf %get3A_27, %get3A_1947 : vector<16xf32>
          %add3A_1949 = arith.addf %add3A_1939, %mul3A_1948 : vector<16xf32>
          %mul3A_1950 = arith.constant 16 : i32
          %mul3A_1951 = arith.muli %scan3A_102, %mul3A_1950 : i32
          %add3A_1952 = arith.constant 8 : i32
          %add3A_1953 = arith.addi %mul3A_1951, %add3A_1952 : i32
          %get3A_1954 = arith.index_cast %select_n3A_74 : i32 to index
          %get3A_1955 = arith.index_cast %add3A_1953 : i32 to index
          %get3A_1956 = arith.constant 144 : index
          %get3A_1957 = tpu.vector_load %arg6[%get3A_1954, %get3A_1955, %get3A_1956] {strides = array<i32>} : memref<2x64x256xf32, #tpu.memory_space<vmem>>, vector<16xf32>,
          %mul3A_1958 = arith.mulf %get3A_29, %get3A_1957 : vector<16xf32>
          %add3A_1959 = arith.addf %add3A_1949, %mul3A_1958 : vector<16xf32>
          %mul3A_1960 = arith.constant 16 : i32
          %mul3A_1961 = arith.muli %scan3A_102, %mul3A_1960 : i32
          %add3A_1962 = arith.constant 8 : i32
          %add3A_1963 = arith.addi %mul3A_1961, %add3A_1962 : i32
          %get3A_1964 = arith.index_cast %select_n3A_74 : i32 to index
          %get3A_1965 = arith.index_cast %add3A_1963 : i32 to index
          %get3A_1966 = arith.constant 160 : index
          %get3A_1967 = tpu.vector_load %arg6[%get3A_1964, %get3A_1965, %get3A_1966] {strides = array<i32>} : memref<2x64x256xf32, #tpu.memory_space<vmem>>, vector<16xf32>,
          %mul3A_1968 = arith.mulf %get3A_31, %get3A_1967 : vector<16xf32>
          %add3A_1969 = arith.addf %add3A_1959, %mul3A_1968 : vector<16xf32>
          %mul3A_1970 = arith.constant 16 : i32
          %mul3A_1971 = arith.muli %scan3A_102, %mul3A_1970 : i32
          %add3A_1972 = arith.constant 8 : i32
          %add3A_1973 = arith.addi %mul3A_1971, %add3A_1972 : i32
          %get3A_1974 = arith.index_cast %select_n3A_74 : i32 to index
          %get3A_1975 = arith.index_cast %add3A_1973 : i32 to index
          %get3A_1976 = arith.constant 176 : index
          %get3A_1977 = tpu.vector_load %arg6[%get3A_1974, %get3A_1975, %get3A_1976] {strides = array<i32>} : memref<2x64x256xf32, #tpu.memory_space<vmem>>, vector<16xf32>,
          %mul3A_1978 = arith.mulf %get3A_33, %get3A_1977 : vector<16xf32>
          %add3A_1979 = arith.addf %add3A_1969, %mul3A_1978 : vector<16xf32>
          %mul3A_1980 = arith.constant 16 : i32
          %mul3A_1981 = arith.muli %scan3A_102, %mul3A_1980 : i32
          %add3A_1982 = arith.constant 8 : i32
          %add3A_1983 = arith.addi %mul3A_1981, %add3A_1982 : i32
          %get3A_1984 = arith.index_cast %select_n3A_74 : i32 to index
          %get3A_1985 = arith.index_cast %add3A_1983 : i32 to index
          %get3A_1986 = arith.constant 192 : index
          %get3A_1987 = tpu.vector_load %arg6[%get3A_1984, %get3A_1985, %get3A_1986] {strides = array<i32>} : memref<2x64x256xf32, #tpu.memory_space<vmem>>, vector<16xf32>,
          %mul3A_1988 = arith.mulf %get3A_35, %get3A_1987 : vector<16xf32>
          %add3A_1989 = arith.addf %add3A_1979, %mul3A_1988 : vector<16xf32>
          %mul3A_1990 = arith.constant 16 : i32
          %mul3A_1991 = arith.muli %scan3A_102, %mul3A_1990 : i32
          %add3A_1992 = arith.constant 8 : i32
          %add3A_1993 = arith.addi %mul3A_1991, %add3A_1992 : i32
          %get3A_1994 = arith.index_cast %select_n3A_74 : i32 to index
          %get3A_1995 = arith.index_cast %add3A_1993 : i32 to index
          %get3A_1996 = arith.constant 208 : index
          %get3A_1997 = tpu.vector_load %arg6[%get3A_1994, %get3A_1995, %get3A_1996] {strides = array<i32>} : memref<2x64x256xf32, #tpu.memory_space<vmem>>, vector<16xf32>,
          %mul3A_1998 = arith.mulf %get3A_37, %get3A_1997 : vector<16xf32>
          %add3A_1999 = arith.addf %add3A_1989, %mul3A_1998 : vector<16xf32>
          %mul3A_2000 = arith.constant 16 : i32
          %mul3A_2001 = arith.muli %scan3A_102, %mul3A_2000 : i32
          %add3A_2002 = arith.constant 8 : i32
          %add3A_2003 = arith.addi %mul3A_2001, %add3A_2002 : i32
          %get3A_2004 = arith.index_cast %select_n3A_74 : i32 to index
          %get3A_2005 = arith.index_cast %add3A_2003 : i32 to index
          %get3A_2006 = arith.constant 224 : index
          %get3A_2007 = tpu.vector_load %arg6[%get3A_2004, %get3A_2005, %get3A_2006] {strides = array<i32>} : memref<2x64x256xf32, #tpu.memory_space<vmem>>, vector<16xf32>,
          %mul3A_2008 = arith.mulf %get3A_39, %get3A_2007 : vector<16xf32>
          %add3A_2009 = arith.addf %add3A_1999, %mul3A_2008 : vector<16xf32>
          %mul3A_2010 = arith.constant 16 : i32
          %mul3A_2011 = arith.muli %scan3A_102, %mul3A_2010 : i32
          %add3A_2012 = arith.constant 8 : i32
          %add3A_2013 = arith.addi %mul3A_2011, %add3A_2012 : i32
          %get3A_2014 = arith.index_cast %select_n3A_74 : i32 to index
          %get3A_2015 = arith.index_cast %add3A_2013 : i32 to index
          %get3A_2016 = arith.constant 240 : index
          %get3A_2017 = tpu.vector_load %arg6[%get3A_2014, %get3A_2015, %get3A_2016] {strides = array<i32>} : memref<2x64x256xf32, #tpu.memory_space<vmem>>, vector<16xf32>,
          %mul3A_2018 = arith.mulf %get3A_41, %get3A_2017 : vector<16xf32>
          %add3A_2019 = arith.addf %add3A_2009, %mul3A_2018 : vector<16xf32>
          %eq3A_2020 = arith.constant 8 : i32
          %eq3A_2021 = vector.broadcast %eq3A_2020 : i32 to vector<16xi32>
          %eq3A_2022 = arith.cmpi eq, %iota3A, %eq3A_2021 : vector<16xi32>
          %iota3A_2023 = tpu.iota {dimensions = array<i32: 0>} : vector<16xi32>
          %xor3A_2024 = arith.constant 1 : i32
          %xor3A_2025 = vector.broadcast %xor3A_2024 : i32 to vector<16xi32>
          %xor3A_2026 = arith.xori %iota3A_2023, %xor3A_2025 : vector<16xi32>
          %lt3A_2027 = arith.constant 0 : i32
          %lt3A_2028 = vector.broadcast %lt3A_2027 : i32 to vector<16xi32>
          %lt3A_2029 = arith.cmpi slt, %xor3A_2026, %lt3A_2028 : vector<16xi32>
          %add3A_2030 = arith.constant 16 : i32
          %add3A_2031 = vector.broadcast %add3A_2030 : i32 to vector<16xi32>
          %add3A_2032 = arith.addi %xor3A_2026, %add3A_2031 : vector<16xi32>
          %select_n3A_2033 = arith.select %lt3A_2029, %add3A_2032, %xor3A_2026 : vector<16xi1>, vector<16xi32>
          %reshape3A_2034 = vector.shape_cast %select_n3A_2033 : vector<16xi32> to vector<16x1xi32>
          %gather3A_2035 = vector.shape_cast %reshape3A_2034 : vector<16x1xi32> to vector<16xi32>
          %gather3A_2036 = tpu.dynamic_gather %add3A_2019[%gather3A_2035] in [0] : vector<16xf32>, vector<16xi32> -> vector<16xf32>
          %add3A_2037 = arith.addf %add3A_2019, %gather3A_2036 : vector<16xf32>
          %xor3A_2038 = arith.constant 2 : i32
          %xor3A_2039 = vector.broadcast %xor3A_2038 : i32 to vector<16xi32>
          %xor3A_2040 = arith.xori %iota3A_2023, %xor3A_2039 : vector<16xi32>
          %lt3A_2041 = arith.constant 0 : i32
          %lt3A_2042 = vector.broadcast %lt3A_2041 : i32 to vector<16xi32>
          %lt3A_2043 = arith.cmpi slt, %xor3A_2040, %lt3A_2042 : vector<16xi32>
          %add3A_2044 = arith.constant 16 : i32
          %add3A_2045 = vector.broadcast %add3A_2044 : i32 to vector<16xi32>
          %add3A_2046 = arith.addi %xor3A_2040, %add3A_2045 : vector<16xi32>
          %select_n3A_2047 = arith.select %lt3A_2043, %add3A_2046, %xor3A_2040 : vector<16xi1>, vector<16xi32>
          %reshape3A_2048 = vector.shape_cast %select_n3A_2047 : vector<16xi32> to vector<16x1xi32>
          %gather3A_2049 = vector.shape_cast %reshape3A_2048 : vector<16x1xi32> to vector<16xi32>
          %gather3A_2050 = tpu.dynamic_gather %add3A_2037[%gather3A_2049] in [0] : vector<16xf32>, vector<16xi32> -> vector<16xf32>
          %add3A_2051 = arith.addf %add3A_2037, %gather3A_2050 : vector<16xf32>
          %xor3A_2052 = arith.constant 4 : i32
          %xor3A_2053 = vector.broadcast %xor3A_2052 : i32 to vector<16xi32>
          %xor3A_2054 = arith.xori %iota3A_2023, %xor3A_2053 : vector<16xi32>
          %lt3A_2055 = arith.constant 0 : i32
          %lt3A_2056 = vector.broadcast %lt3A_2055 : i32 to vector<16xi32>
          %lt3A_2057 = arith.cmpi slt, %xor3A_2054, %lt3A_2056 : vector<16xi32>
          %add3A_2058 = arith.constant 16 : i32
          %add3A_2059 = vector.broadcast %add3A_2058 : i32 to vector<16xi32>
          %add3A_2060 = arith.addi %xor3A_2054, %add3A_2059 : vector<16xi32>
          %select_n3A_2061 = arith.select %lt3A_2057, %add3A_2060, %xor3A_2054 : vector<16xi1>, vector<16xi32>
          %reshape3A_2062 = vector.shape_cast %select_n3A_2061 : vector<16xi32> to vector<16x1xi32>
          %gather3A_2063 = vector.shape_cast %reshape3A_2062 : vector<16x1xi32> to vector<16xi32>
          %gather3A_2064 = tpu.dynamic_gather %add3A_2051[%gather3A_2063] in [0] : vector<16xf32>, vector<16xi32> -> vector<16xf32>
          %add3A_2065 = arith.addf %add3A_2051, %gather3A_2064 : vector<16xf32>
          %xor3A_2066 = arith.constant 8 : i32
          %xor3A_2067 = vector.broadcast %xor3A_2066 : i32 to vector<16xi32>
          %xor3A_2068 = arith.xori %iota3A_2023, %xor3A_2067 : vector<16xi32>
          %lt3A_2069 = arith.constant 0 : i32
          %lt3A_2070 = vector.broadcast %lt3A_2069 : i32 to vector<16xi32>
          %lt3A_2071 = arith.cmpi slt, %xor3A_2068, %lt3A_2070 : vector<16xi32>
          %add3A_2072 = arith.constant 16 : i32
          %add3A_2073 = vector.broadcast %add3A_2072 : i32 to vector<16xi32>
          %add3A_2074 = arith.addi %xor3A_2068, %add3A_2073 : vector<16xi32>
          %select_n3A_2075 = arith.select %lt3A_2071, %add3A_2074, %xor3A_2068 : vector<16xi1>, vector<16xi32>
          %reshape3A_2076 = vector.shape_cast %select_n3A_2075 : vector<16xi32> to vector<16x1xi32>
          %gather3A_2077 = vector.shape_cast %reshape3A_2076 : vector<16x1xi32> to vector<16xi32>
          %gather3A_2078 = tpu.dynamic_gather %add3A_2065[%gather3A_2077] in [0] : vector<16xf32>, vector<16xi32> -> vector<16xf32>
          %add3A_2079 = arith.addf %add3A_2065, %gather3A_2078 : vector<16xf32>
          %select_n3A_2080 = arith.select %eq3A_2022, %add3A_2079, %select_n3A_1860 : vector<16xi1>, vector<16xf32>
          %mul3A_2081 = arith.constant 16 : i32
          %mul3A_2082 = arith.muli %scan3A_102, %mul3A_2081 : i32
          %add3A_2083 = arith.constant 9 : i32
          %add3A_2084 = arith.addi %mul3A_2082, %add3A_2083 : i32
          %get3A_2085 = arith.index_cast %select_n3A_74 : i32 to index
          %get3A_2086 = arith.index_cast %add3A_2084 : i32 to index
          %get3A_2087 = arith.constant 0 : index
          %get3A_2088 = tpu.vector_load %arg6[%get3A_2085, %get3A_2086, %get3A_2087] {strides = array<i32>} : memref<2x64x256xf32, #tpu.memory_space<vmem>>, vector<16xf32>,
          %mul3A_2089 = arith.mulf %get3A_11, %get3A_2088 : vector<16xf32>
          %mul3A_2090 = arith.constant 16 : i32
          %mul3A_2091 = arith.muli %scan3A_102, %mul3A_2090 : i32
          %add3A_2092 = arith.constant 9 : i32
          %add3A_2093 = arith.addi %mul3A_2091, %add3A_2092 : i32
          %get3A_2094 = arith.index_cast %select_n3A_74 : i32 to index
          %get3A_2095 = arith.index_cast %add3A_2093 : i32 to index
          %get3A_2096 = arith.constant 16 : index
          %get3A_2097 = tpu.vector_load %arg6[%get3A_2094, %get3A_2095, %get3A_2096] {strides = array<i32>} : memref<2x64x256xf32, #tpu.memory_space<vmem>>, vector<16xf32>,
          %mul3A_2098 = arith.mulf %get3A_13, %get3A_2097 : vector<16xf32>
          %add3A_2099 = arith.addf %mul3A_2089, %mul3A_2098 : vector<16xf32>
          %mul3A_2100 = arith.constant 16 : i32
          %mul3A_2101 = arith.muli %scan3A_102, %mul3A_2100 : i32
          %add3A_2102 = arith.constant 9 : i32
          %add3A_2103 = arith.addi %mul3A_2101, %add3A_2102 : i32
          %get3A_2104 = arith.index_cast %select_n3A_74 : i32 to index
          %get3A_2105 = arith.index_cast %add3A_2103 : i32 to index
          %get3A_2106 = arith.constant 32 : index
          %get3A_2107 = tpu.vector_load %arg6[%get3A_2104, %get3A_2105, %get3A_2106] {strides = array<i32>} : memref<2x64x256xf32, #tpu.memory_space<vmem>>, vector<16xf32>,
          %mul3A_2108 = arith.mulf %get3A_15, %get3A_2107 : vector<16xf32>
          %add3A_2109 = arith.addf %add3A_2099, %mul3A_2108 : vector<16xf32>
          %mul3A_2110 = arith.constant 16 : i32
          %mul3A_2111 = arith.muli %scan3A_102, %mul3A_2110 : i32
          %add3A_2112 = arith.constant 9 : i32
          %add3A_2113 = arith.addi %mul3A_2111, %add3A_2112 : i32
          %get3A_2114 = arith.index_cast %select_n3A_74 : i32 to index
          %get3A_2115 = arith.index_cast %add3A_2113 : i32 to index
          %get3A_2116 = arith.constant 48 : index
          %get3A_2117 = tpu.vector_load %arg6[%get3A_2114, %get3A_2115, %get3A_2116] {strides = array<i32>} : memref<2x64x256xf32, #tpu.memory_space<vmem>>, vector<16xf32>,
          %mul3A_2118 = arith.mulf %get3A_17, %get3A_2117 : vector<16xf32>
          %add3A_2119 = arith.addf %add3A_2109, %mul3A_2118 : vector<16xf32>
          %mul3A_2120 = arith.constant 16 : i32
          %mul3A_2121 = arith.muli %scan3A_102, %mul3A_2120 : i32
          %add3A_2122 = arith.constant 9 : i32
          %add3A_2123 = arith.addi %mul3A_2121, %add3A_2122 : i32
          %get3A_2124 = arith.index_cast %select_n3A_74 : i32 to index
          %get3A_2125 = arith.index_cast %add3A_2123 : i32 to index
          %get3A_2126 = arith.constant 64 : index
          %get3A_2127 = tpu.vector_load %arg6[%get3A_2124, %get3A_2125, %get3A_2126] {strides = array<i32>} : memref<2x64x256xf32, #tpu.memory_space<vmem>>, vector<16xf32>,
          %mul3A_2128 = arith.mulf %get3A_19, %get3A_2127 : vector<16xf32>
          %add3A_2129 = arith.addf %add3A_2119, %mul3A_2128 : vector<16xf32>
          %mul3A_2130 = arith.constant 16 : i32
          %mul3A_2131 = arith.muli %scan3A_102, %mul3A_2130 : i32
          %add3A_2132 = arith.constant 9 : i32
          %add3A_2133 = arith.addi %mul3A_2131, %add3A_2132 : i32
          %get3A_2134 = arith.index_cast %select_n3A_74 : i32 to index
          %get3A_2135 = arith.index_cast %add3A_2133 : i32 to index
          %get3A_2136 = arith.constant 80 : index
          %get3A_2137 = tpu.vector_load %arg6[%get3A_2134, %get3A_2135, %get3A_2136] {strides = array<i32>} : memref<2x64x256xf32, #tpu.memory_space<vmem>>, vector<16xf32>,
          %mul3A_2138 = arith.mulf %get3A_21, %get3A_2137 : vector<16xf32>
          %add3A_2139 = arith.addf %add3A_2129, %mul3A_2138 : vector<16xf32>
          %mul3A_2140 = arith.constant 16 : i32
          %mul3A_2141 = arith.muli %scan3A_102, %mul3A_2140 : i32
          %add3A_2142 = arith.constant 9 : i32
          %add3A_2143 = arith.addi %mul3A_2141, %add3A_2142 : i32
          %get3A_2144 = arith.index_cast %select_n3A_74 : i32 to index
          %get3A_2145 = arith.index_cast %add3A_2143 : i32 to index
          %get3A_2146 = arith.constant 96 : index
          %get3A_2147 = tpu.vector_load %arg6[%get3A_2144, %get3A_2145, %get3A_2146] {strides = array<i32>} : memref<2x64x256xf32, #tpu.memory_space<vmem>>, vector<16xf32>,
          %mul3A_2148 = arith.mulf %get3A_23, %get3A_2147 : vector<16xf32>
          %add3A_2149 = arith.addf %add3A_2139, %mul3A_2148 : vector<16xf32>
          %mul3A_2150 = arith.constant 16 : i32
          %mul3A_2151 = arith.muli %scan3A_102, %mul3A_2150 : i32
          %add3A_2152 = arith.constant 9 : i32
          %add3A_2153 = arith.addi %mul3A_2151, %add3A_2152 : i32
          %get3A_2154 = arith.index_cast %select_n3A_74 : i32 to index
          %get3A_2155 = arith.index_cast %add3A_2153 : i32 to index
          %get3A_2156 = arith.constant 112 : index
          %get3A_2157 = tpu.vector_load %arg6[%get3A_2154, %get3A_2155, %get3A_2156] {strides = array<i32>} : memref<2x64x256xf32, #tpu.memory_space<vmem>>, vector<16xf32>,
          %mul3A_2158 = arith.mulf %get3A_25, %get3A_2157 : vector<16xf32>
          %add3A_2159 = arith.addf %add3A_2149, %mul3A_2158 : vector<16xf32>
          %mul3A_2160 = arith.constant 16 : i32
          %mul3A_2161 = arith.muli %scan3A_102, %mul3A_2160 : i32
          %add3A_2162 = arith.constant 9 : i32
          %add3A_2163 = arith.addi %mul3A_2161, %add3A_2162 : i32
          %get3A_2164 = arith.index_cast %select_n3A_74 : i32 to index
          %get3A_2165 = arith.index_cast %add3A_2163 : i32 to index
          %get3A_2166 = arith.constant 128 : index
          %get3A_2167 = tpu.vector_load %arg6[%get3A_2164, %get3A_2165, %get3A_2166] {strides = array<i32>} : memref<2x64x256xf32, #tpu.memory_space<vmem>>, vector<16xf32>,
          %mul3A_2168 = arith.mulf %get3A_27, %get3A_2167 : vector<16xf32>
          %add3A_2169 = arith.addf %add3A_2159, %mul3A_2168 : vector<16xf32>
          %mul3A_2170 = arith.constant 16 : i32
          %mul3A_2171 = arith.muli %scan3A_102, %mul3A_2170 : i32
          %add3A_2172 = arith.constant 9 : i32
          %add3A_2173 = arith.addi %mul3A_2171, %add3A_2172 : i32
          %get3A_2174 = arith.index_cast %select_n3A_74 : i32 to index
          %get3A_2175 = arith.index_cast %add3A_2173 : i32 to index
          %get3A_2176 = arith.constant 144 : index
          %get3A_2177 = tpu.vector_load %arg6[%get3A_2174, %get3A_2175, %get3A_2176] {strides = array<i32>} : memref<2x64x256xf32, #tpu.memory_space<vmem>>, vector<16xf32>,
          %mul3A_2178 = arith.mulf %get3A_29, %get3A_2177 : vector<16xf32>
          %add3A_2179 = arith.addf %add3A_2169, %mul3A_2178 : vector<16xf32>
          %mul3A_2180 = arith.constant 16 : i32
          %mul3A_2181 = arith.muli %scan3A_102, %mul3A_2180 : i32
          %add3A_2182 = arith.constant 9 : i32
          %add3A_2183 = arith.addi %mul3A_2181, %add3A_2182 : i32
          %get3A_2184 = arith.index_cast %select_n3A_74 : i32 to index
          %get3A_2185 = arith.index_cast %add3A_2183 : i32 to index
          %get3A_2186 = arith.constant 160 : index
          %get3A_2187 = tpu.vector_load %arg6[%get3A_2184, %get3A_2185, %get3A_2186] {strides = array<i32>} : memref<2x64x256xf32, #tpu.memory_space<vmem>>, vector<16xf32>,
          %mul3A_2188 = arith.mulf %get3A_31, %get3A_2187 : vector<16xf32>
          %add3A_2189 = arith.addf %add3A_2179, %mul3A_2188 : vector<16xf32>
          %mul3A_2190 = arith.constant 16 : i32
          %mul3A_2191 = arith.muli %scan3A_102, %mul3A_2190 : i32
          %add3A_2192 = arith.constant 9 : i32
          %add3A_2193 = arith.addi %mul3A_2191, %add3A_2192 : i32
          %get3A_2194 = arith.index_cast %select_n3A_74 : i32 to index
          %get3A_2195 = arith.index_cast %add3A_2193 : i32 to index
          %get3A_2196 = arith.constant 176 : index
          %get3A_2197 = tpu.vector_load %arg6[%get3A_2194, %get3A_2195, %get3A_2196] {strides = array<i32>} : memref<2x64x256xf32, #tpu.memory_space<vmem>>, vector<16xf32>,
          %mul3A_2198 = arith.mulf %get3A_33, %get3A_2197 : vector<16xf32>
          %add3A_2199 = arith.addf %add3A_2189, %mul3A_2198 : vector<16xf32>
          %mul3A_2200 = arith.constant 16 : i32
          %mul3A_2201 = arith.muli %scan3A_102, %mul3A_2200 : i32
          %add3A_2202 = arith.constant 9 : i32
          %add3A_2203 = arith.addi %mul3A_2201, %add3A_2202 : i32
          %get3A_2204 = arith.index_cast %select_n3A_74 : i32 to index
          %get3A_2205 = arith.index_cast %add3A_2203 : i32 to index
          %get3A_2206 = arith.constant 192 : index
          %get3A_2207 = tpu.vector_load %arg6[%get3A_2204, %get3A_2205, %get3A_2206] {strides = array<i32>} : memref<2x64x256xf32, #tpu.memory_space<vmem>>, vector<16xf32>,
          %mul3A_2208 = arith.mulf %get3A_35, %get3A_2207 : vector<16xf32>
          %add3A_2209 = arith.addf %add3A_2199, %mul3A_2208 : vector<16xf32>
          %mul3A_2210 = arith.constant 16 : i32
          %mul3A_2211 = arith.muli %scan3A_102, %mul3A_2210 : i32
          %add3A_2212 = arith.constant 9 : i32
          %add3A_2213 = arith.addi %mul3A_2211, %add3A_2212 : i32
          %get3A_2214 = arith.index_cast %select_n3A_74 : i32 to index
          %get3A_2215 = arith.index_cast %add3A_2213 : i32 to index
          %get3A_2216 = arith.constant 208 : index
          %get3A_2217 = tpu.vector_load %arg6[%get3A_2214, %get3A_2215, %get3A_2216] {strides = array<i32>} : memref<2x64x256xf32, #tpu.memory_space<vmem>>, vector<16xf32>,
          %mul3A_2218 = arith.mulf %get3A_37, %get3A_2217 : vector<16xf32>
          %add3A_2219 = arith.addf %add3A_2209, %mul3A_2218 : vector<16xf32>
          %mul3A_2220 = arith.constant 16 : i32
          %mul3A_2221 = arith.muli %scan3A_102, %mul3A_2220 : i32
          %add3A_2222 = arith.constant 9 : i32
          %add3A_2223 = arith.addi %mul3A_2221, %add3A_2222 : i32
          %get3A_2224 = arith.index_cast %select_n3A_74 : i32 to index
          %get3A_2225 = arith.index_cast %add3A_2223 : i32 to index
          %get3A_2226 = arith.constant 224 : index
          %get3A_2227 = tpu.vector_load %arg6[%get3A_2224, %get3A_2225, %get3A_2226] {strides = array<i32>} : memref<2x64x256xf32, #tpu.memory_space<vmem>>, vector<16xf32>,
          %mul3A_2228 = arith.mulf %get3A_39, %get3A_2227 : vector<16xf32>
          %add3A_2229 = arith.addf %add3A_2219, %mul3A_2228 : vector<16xf32>
          %mul3A_2230 = arith.constant 16 : i32
          %mul3A_2231 = arith.muli %scan3A_102, %mul3A_2230 : i32
          %add3A_2232 = arith.constant 9 : i32
          %add3A_2233 = arith.addi %mul3A_2231, %add3A_2232 : i32
          %get3A_2234 = arith.index_cast %select_n3A_74 : i32 to index
          %get3A_2235 = arith.index_cast %add3A_2233 : i32 to index
          %get3A_2236 = arith.constant 240 : index
          %get3A_2237 = tpu.vector_load %arg6[%get3A_2234, %get3A_2235, %get3A_2236] {strides = array<i32>} : memref<2x64x256xf32, #tpu.memory_space<vmem>>, vector<16xf32>,
          %mul3A_2238 = arith.mulf %get3A_41, %get3A_2237 : vector<16xf32>
          %add3A_2239 = arith.addf %add3A_2229, %mul3A_2238 : vector<16xf32>
          %eq3A_2240 = arith.constant 9 : i32
          %eq3A_2241 = vector.broadcast %eq3A_2240 : i32 to vector<16xi32>
          %eq3A_2242 = arith.cmpi eq, %iota3A, %eq3A_2241 : vector<16xi32>
          %iota3A_2243 = tpu.iota {dimensions = array<i32: 0>} : vector<16xi32>
          %xor3A_2244 = arith.constant 1 : i32
          %xor3A_2245 = vector.broadcast %xor3A_2244 : i32 to vector<16xi32>
          %xor3A_2246 = arith.xori %iota3A_2243, %xor3A_2245 : vector<16xi32>
          %lt3A_2247 = arith.constant 0 : i32
          %lt3A_2248 = vector.broadcast %lt3A_2247 : i32 to vector<16xi32>
          %lt3A_2249 = arith.cmpi slt, %xor3A_2246, %lt3A_2248 : vector<16xi32>
          %add3A_2250 = arith.constant 16 : i32
          %add3A_2251 = vector.broadcast %add3A_2250 : i32 to vector<16xi32>
          %add3A_2252 = arith.addi %xor3A_2246, %add3A_2251 : vector<16xi32>
          %select_n3A_2253 = arith.select %lt3A_2249, %add3A_2252, %xor3A_2246 : vector<16xi1>, vector<16xi32>
          %reshape3A_2254 = vector.shape_cast %select_n3A_2253 : vector<16xi32> to vector<16x1xi32>
          %gather3A_2255 = vector.shape_cast %reshape3A_2254 : vector<16x1xi32> to vector<16xi32>
          %gather3A_2256 = tpu.dynamic_gather %add3A_2239[%gather3A_2255] in [0] : vector<16xf32>, vector<16xi32> -> vector<16xf32>
          %add3A_2257 = arith.addf %add3A_2239, %gather3A_2256 : vector<16xf32>
          %xor3A_2258 = arith.constant 2 : i32
          %xor3A_2259 = vector.broadcast %xor3A_2258 : i32 to vector<16xi32>
          %xor3A_2260 = arith.xori %iota3A_2243, %xor3A_2259 : vector<16xi32>
          %lt3A_2261 = arith.constant 0 : i32
          %lt3A_2262 = vector.broadcast %lt3A_2261 : i32 to vector<16xi32>
          %lt3A_2263 = arith.cmpi slt, %xor3A_2260, %lt3A_2262 : vector<16xi32>
          %add3A_2264 = arith.constant 16 : i32
          %add3A_2265 = vector.broadcast %add3A_2264 : i32 to vector<16xi32>
          %add3A_2266 = arith.addi %xor3A_2260, %add3A_2265 : vector<16xi32>
          %select_n3A_2267 = arith.select %lt3A_2263, %add3A_2266, %xor3A_2260 : vector<16xi1>, vector<16xi32>
          %reshape3A_2268 = vector.shape_cast %select_n3A_2267 : vector<16xi32> to vector<16x1xi32>
          %gather3A_2269 = vector.shape_cast %reshape3A_2268 : vector<16x1xi32> to vector<16xi32>
          %gather3A_2270 = tpu.dynamic_gather %add3A_2257[%gather3A_2269] in [0] : vector<16xf32>, vector<16xi32> -> vector<16xf32>
          %add3A_2271 = arith.addf %add3A_2257, %gather3A_2270 : vector<16xf32>
          %xor3A_2272 = arith.constant 4 : i32
          %xor3A_2273 = vector.broadcast %xor3A_2272 : i32 to vector<16xi32>
          %xor3A_2274 = arith.xori %iota3A_2243, %xor3A_2273 : vector<16xi32>
          %lt3A_2275 = arith.constant 0 : i32
          %lt3A_2276 = vector.broadcast %lt3A_2275 : i32 to vector<16xi32>
          %lt3A_2277 = arith.cmpi slt, %xor3A_2274, %lt3A_2276 : vector<16xi32>
          %add3A_2278 = arith.constant 16 : i32
          %add3A_2279 = vector.broadcast %add3A_2278 : i32 to vector<16xi32>
          %add3A_2280 = arith.addi %xor3A_2274, %add3A_2279 : vector<16xi32>
          %select_n3A_2281 = arith.select %lt3A_2277, %add3A_2280, %xor3A_2274 : vector<16xi1>, vector<16xi32>
          %reshape3A_2282 = vector.shape_cast %select_n3A_2281 : vector<16xi32> to vector<16x1xi32>
          %gather3A_2283 = vector.shape_cast %reshape3A_2282 : vector<16x1xi32> to vector<16xi32>
          %gather3A_2284 = tpu.dynamic_gather %add3A_2271[%gather3A_2283] in [0] : vector<16xf32>, vector<16xi32> -> vector<16xf32>
          %add3A_2285 = arith.addf %add3A_2271, %gather3A_2284 : vector<16xf32>
          %xor3A_2286 = arith.constant 8 : i32
          %xor3A_2287 = vector.broadcast %xor3A_2286 : i32 to vector<16xi32>
          %xor3A_2288 = arith.xori %iota3A_2243, %xor3A_2287 : vector<16xi32>
          %lt3A_2289 = arith.constant 0 : i32
          %lt3A_2290 = vector.broadcast %lt3A_2289 : i32 to vector<16xi32>
          %lt3A_2291 = arith.cmpi slt, %xor3A_2288, %lt3A_2290 : vector<16xi32>
          %add3A_2292 = arith.constant 16 : i32
          %add3A_2293 = vector.broadcast %add3A_2292 : i32 to vector<16xi32>
          %add3A_2294 = arith.addi %xor3A_2288, %add3A_2293 : vector<16xi32>
          %select_n3A_2295 = arith.select %lt3A_2291, %add3A_2294, %xor3A_2288 : vector<16xi1>, vector<16xi32>
          %reshape3A_2296 = vector.shape_cast %select_n3A_2295 : vector<16xi32> to vector<16x1xi32>
          %gather3A_2297 = vector.shape_cast %reshape3A_2296 : vector<16x1xi32> to vector<16xi32>
          %gather3A_2298 = tpu.dynamic_gather %add3A_2285[%gather3A_2297] in [0] : vector<16xf32>, vector<16xi32> -> vector<16xf32>
          %add3A_2299 = arith.addf %add3A_2285, %gather3A_2298 : vector<16xf32>
          %select_n3A_2300 = arith.select %eq3A_2242, %add3A_2299, %select_n3A_2080 : vector<16xi1>, vector<16xf32>
          %mul3A_2301 = arith.constant 16 : i32
          %mul3A_2302 = arith.muli %scan3A_102, %mul3A_2301 : i32
          %add3A_2303 = arith.constant 10 : i32
          %add3A_2304 = arith.addi %mul3A_2302, %add3A_2303 : i32
          %get3A_2305 = arith.index_cast %select_n3A_74 : i32 to index
          %get3A_2306 = arith.index_cast %add3A_2304 : i32 to index
          %get3A_2307 = arith.constant 0 : index
          %get3A_2308 = tpu.vector_load %arg6[%get3A_2305, %get3A_2306, %get3A_2307] {strides = array<i32>} : memref<2x64x256xf32, #tpu.memory_space<vmem>>, vector<16xf32>,
          %mul3A_2309 = arith.mulf %get3A_11, %get3A_2308 : vector<16xf32>
          %mul3A_2310 = arith.constant 16 : i32
          %mul3A_2311 = arith.muli %scan3A_102, %mul3A_2310 : i32
          %add3A_2312 = arith.constant 10 : i32
          %add3A_2313 = arith.addi %mul3A_2311, %add3A_2312 : i32
          %get3A_2314 = arith.index_cast %select_n3A_74 : i32 to index
          %get3A_2315 = arith.index_cast %add3A_2313 : i32 to index
          %get3A_2316 = arith.constant 16 : index
          %get3A_2317 = tpu.vector_load %arg6[%get3A_2314, %get3A_2315, %get3A_2316] {strides = array<i32>} : memref<2x64x256xf32, #tpu.memory_space<vmem>>, vector<16xf32>,
          %mul3A_2318 = arith.mulf %get3A_13, %get3A_2317 : vector<16xf32>
          %add3A_2319 = arith.addf %mul3A_2309, %mul3A_2318 : vector<16xf32>
          %mul3A_2320 = arith.constant 16 : i32
          %mul3A_2321 = arith.muli %scan3A_102, %mul3A_2320 : i32
          %add3A_2322 = arith.constant 10 : i32
          %add3A_2323 = arith.addi %mul3A_2321, %add3A_2322 : i32
          %get3A_2324 = arith.index_cast %select_n3A_74 : i32 to index
          %get3A_2325 = arith.index_cast %add3A_2323 : i32 to index
          %get3A_2326 = arith.constant 32 : index
          %get3A_2327 = tpu.vector_load %arg6[%get3A_2324, %get3A_2325, %get3A_2326] {strides = array<i32>} : memref<2x64x256xf32, #tpu.memory_space<vmem>>, vector<16xf32>,
          %mul3A_2328 = arith.mulf %get3A_15, %get3A_2327 : vector<16xf32>
          %add3A_2329 = arith.addf %add3A_2319, %mul3A_2328 : vector<16xf32>
          %mul3A_2330 = arith.constant 16 : i32
          %mul3A_2331 = arith.muli %scan3A_102, %mul3A_2330 : i32
          %add3A_2332 = arith.constant 10 : i32
          %add3A_2333 = arith.addi %mul3A_2331, %add3A_2332 : i32
          %get3A_2334 = arith.index_cast %select_n3A_74 : i32 to index
          %get3A_2335 = arith.index_cast %add3A_2333 : i32 to index
          %get3A_2336 = arith.constant 48 : index
          %get3A_2337 = tpu.vector_load %arg6[%get3A_2334, %get3A_2335, %get3A_2336] {strides = array<i32>} : memref<2x64x256xf32, #tpu.memory_space<vmem>>, vector<16xf32>,
          %mul3A_2338 = arith.mulf %get3A_17, %get3A_2337 : vector<16xf32>
          %add3A_2339 = arith.addf %add3A_2329, %mul3A_2338 : vector<16xf32>
          %mul3A_2340 = arith.constant 16 : i32
          %mul3A_2341 = arith.muli %scan3A_102, %mul3A_2340 : i32
          %add3A_2342 = arith.constant 10 : i32
          %add3A_2343 = arith.addi %mul3A_2341, %add3A_2342 : i32
          %get3A_2344 = arith.index_cast %select_n3A_74 : i32 to index
          %get3A_2345 = arith.index_cast %add3A_2343 : i32 to index
          %get3A_2346 = arith.constant 64 : index
          %get3A_2347 = tpu.vector_load %arg6[%get3A_2344, %get3A_2345, %get3A_2346] {strides = array<i32>} : memref<2x64x256xf32, #tpu.memory_space<vmem>>, vector<16xf32>,
          %mul3A_2348 = arith.mulf %get3A_19, %get3A_2347 : vector<16xf32>
          %add3A_2349 = arith.addf %add3A_2339, %mul3A_2348 : vector<16xf32>
          %mul3A_2350 = arith.constant 16 : i32
          %mul3A_2351 = arith.muli %scan3A_102, %mul3A_2350 : i32
          %add3A_2352 = arith.constant 10 : i32
          %add3A_2353 = arith.addi %mul3A_2351, %add3A_2352 : i32
          %get3A_2354 = arith.index_cast %select_n3A_74 : i32 to index
          %get3A_2355 = arith.index_cast %add3A_2353 : i32 to index
          %get3A_2356 = arith.constant 80 : index
          %get3A_2357 = tpu.vector_load %arg6[%get3A_2354, %get3A_2355, %get3A_2356] {strides = array<i32>} : memref<2x64x256xf32, #tpu.memory_space<vmem>>, vector<16xf32>,
          %mul3A_2358 = arith.mulf %get3A_21, %get3A_2357 : vector<16xf32>
          %add3A_2359 = arith.addf %add3A_2349, %mul3A_2358 : vector<16xf32>
          %mul3A_2360 = arith.constant 16 : i32
          %mul3A_2361 = arith.muli %scan3A_102, %mul3A_2360 : i32
          %add3A_2362 = arith.constant 10 : i32
          %add3A_2363 = arith.addi %mul3A_2361, %add3A_2362 : i32
          %get3A_2364 = arith.index_cast %select_n3A_74 : i32 to index
          %get3A_2365 = arith.index_cast %add3A_2363 : i32 to index
          %get3A_2366 = arith.constant 96 : index
          %get3A_2367 = tpu.vector_load %arg6[%get3A_2364, %get3A_2365, %get3A_2366] {strides = array<i32>} : memref<2x64x256xf32, #tpu.memory_space<vmem>>, vector<16xf32>,
          %mul3A_2368 = arith.mulf %get3A_23, %get3A_2367 : vector<16xf32>
          %add3A_2369 = arith.addf %add3A_2359, %mul3A_2368 : vector<16xf32>
          %mul3A_2370 = arith.constant 16 : i32
          %mul3A_2371 = arith.muli %scan3A_102, %mul3A_2370 : i32
          %add3A_2372 = arith.constant 10 : i32
          %add3A_2373 = arith.addi %mul3A_2371, %add3A_2372 : i32
          %get3A_2374 = arith.index_cast %select_n3A_74 : i32 to index
          %get3A_2375 = arith.index_cast %add3A_2373 : i32 to index
          %get3A_2376 = arith.constant 112 : index
          %get3A_2377 = tpu.vector_load %arg6[%get3A_2374, %get3A_2375, %get3A_2376] {strides = array<i32>} : memref<2x64x256xf32, #tpu.memory_space<vmem>>, vector<16xf32>,
          %mul3A_2378 = arith.mulf %get3A_25, %get3A_2377 : vector<16xf32>
          %add3A_2379 = arith.addf %add3A_2369, %mul3A_2378 : vector<16xf32>
          %mul3A_2380 = arith.constant 16 : i32
          %mul3A_2381 = arith.muli %scan3A_102, %mul3A_2380 : i32
          %add3A_2382 = arith.constant 10 : i32
          %add3A_2383 = arith.addi %mul3A_2381, %add3A_2382 : i32
          %get3A_2384 = arith.index_cast %select_n3A_74 : i32 to index
          %get3A_2385 = arith.index_cast %add3A_2383 : i32 to index
          %get3A_2386 = arith.constant 128 : index
          %get3A_2387 = tpu.vector_load %arg6[%get3A_2384, %get3A_2385, %get3A_2386] {strides = array<i32>} : memref<2x64x256xf32, #tpu.memory_space<vmem>>, vector<16xf32>,
          %mul3A_2388 = arith.mulf %get3A_27, %get3A_2387 : vector<16xf32>
          %add3A_2389 = arith.addf %add3A_2379, %mul3A_2388 : vector<16xf32>
          %mul3A_2390 = arith.constant 16 : i32
          %mul3A_2391 = arith.muli %scan3A_102, %mul3A_2390 : i32
          %add3A_2392 = arith.constant 10 : i32
          %add3A_2393 = arith.addi %mul3A_2391, %add3A_2392 : i32
          %get3A_2394 = arith.index_cast %select_n3A_74 : i32 to index
          %get3A_2395 = arith.index_cast %add3A_2393 : i32 to index
          %get3A_2396 = arith.constant 144 : index
          %get3A_2397 = tpu.vector_load %arg6[%get3A_2394, %get3A_2395, %get3A_2396] {strides = array<i32>} : memref<2x64x256xf32, #tpu.memory_space<vmem>>, vector<16xf32>,
          %mul3A_2398 = arith.mulf %get3A_29, %get3A_2397 : vector<16xf32>
          %add3A_2399 = arith.addf %add3A_2389, %mul3A_2398 : vector<16xf32>
          %mul3A_2400 = arith.constant 16 : i32
          %mul3A_2401 = arith.muli %scan3A_102, %mul3A_2400 : i32
          %add3A_2402 = arith.constant 10 : i32
          %add3A_2403 = arith.addi %mul3A_2401, %add3A_2402 : i32
          %get3A_2404 = arith.index_cast %select_n3A_74 : i32 to index
          %get3A_2405 = arith.index_cast %add3A_2403 : i32 to index
          %get3A_2406 = arith.constant 160 : index
          %get3A_2407 = tpu.vector_load %arg6[%get3A_2404, %get3A_2405, %get3A_2406] {strides = array<i32>} : memref<2x64x256xf32, #tpu.memory_space<vmem>>, vector<16xf32>,
          %mul3A_2408 = arith.mulf %get3A_31, %get3A_2407 : vector<16xf32>
          %add3A_2409 = arith.addf %add3A_2399, %mul3A_2408 : vector<16xf32>
          %mul3A_2410 = arith.constant 16 : i32
          %mul3A_2411 = arith.muli %scan3A_102, %mul3A_2410 : i32
          %add3A_2412 = arith.constant 10 : i32
          %add3A_2413 = arith.addi %mul3A_2411, %add3A_2412 : i32
          %get3A_2414 = arith.index_cast %select_n3A_74 : i32 to index
          %get3A_2415 = arith.index_cast %add3A_2413 : i32 to index
          %get3A_2416 = arith.constant 176 : index
          %get3A_2417 = tpu.vector_load %arg6[%get3A_2414, %get3A_2415, %get3A_2416] {strides = array<i32>} : memref<2x64x256xf32, #tpu.memory_space<vmem>>, vector<16xf32>,
          %mul3A_2418 = arith.mulf %get3A_33, %get3A_2417 : vector<16xf32>
          %add3A_2419 = arith.addf %add3A_2409, %mul3A_2418 : vector<16xf32>
          %mul3A_2420 = arith.constant 16 : i32
          %mul3A_2421 = arith.muli %scan3A_102, %mul3A_2420 : i32
          %add3A_2422 = arith.constant 10 : i32
          %add3A_2423 = arith.addi %mul3A_2421, %add3A_2422 : i32
          %get3A_2424 = arith.index_cast %select_n3A_74 : i32 to index
          %get3A_2425 = arith.index_cast %add3A_2423 : i32 to index
          %get3A_2426 = arith.constant 192 : index
          %get3A_2427 = tpu.vector_load %arg6[%get3A_2424, %get3A_2425, %get3A_2426] {strides = array<i32>} : memref<2x64x256xf32, #tpu.memory_space<vmem>>, vector<16xf32>,
          %mul3A_2428 = arith.mulf %get3A_35, %get3A_2427 : vector<16xf32>
          %add3A_2429 = arith.addf %add3A_2419, %mul3A_2428 : vector<16xf32>
          %mul3A_2430 = arith.constant 16 : i32
          %mul3A_2431 = arith.muli %scan3A_102, %mul3A_2430 : i32
          %add3A_2432 = arith.constant 10 : i32
          %add3A_2433 = arith.addi %mul3A_2431, %add3A_2432 : i32
          %get3A_2434 = arith.index_cast %select_n3A_74 : i32 to index
          %get3A_2435 = arith.index_cast %add3A_2433 : i32 to index
          %get3A_2436 = arith.constant 208 : index
          %get3A_2437 = tpu.vector_load %arg6[%get3A_2434, %get3A_2435, %get3A_2436] {strides = array<i32>} : memref<2x64x256xf32, #tpu.memory_space<vmem>>, vector<16xf32>,
          %mul3A_2438 = arith.mulf %get3A_37, %get3A_2437 : vector<16xf32>
          %add3A_2439 = arith.addf %add3A_2429, %mul3A_2438 : vector<16xf32>
          %mul3A_2440 = arith.constant 16 : i32
          %mul3A_2441 = arith.muli %scan3A_102, %mul3A_2440 : i32
          %add3A_2442 = arith.constant 10 : i32
          %add3A_2443 = arith.addi %mul3A_2441, %add3A_2442 : i32
          %get3A_2444 = arith.index_cast %select_n3A_74 : i32 to index
          %get3A_2445 = arith.index_cast %add3A_2443 : i32 to index
          %get3A_2446 = arith.constant 224 : index
          %get3A_2447 = tpu.vector_load %arg6[%get3A_2444, %get3A_2445, %get3A_2446] {strides = array<i32>} : memref<2x64x256xf32, #tpu.memory_space<vmem>>, vector<16xf32>,
          %mul3A_2448 = arith.mulf %get3A_39, %get3A_2447 : vector<16xf32>
          %add3A_2449 = arith.addf %add3A_2439, %mul3A_2448 : vector<16xf32>
          %mul3A_2450 = arith.constant 16 : i32
          %mul3A_2451 = arith.muli %scan3A_102, %mul3A_2450 : i32
          %add3A_2452 = arith.constant 10 : i32
          %add3A_2453 = arith.addi %mul3A_2451, %add3A_2452 : i32
          %get3A_2454 = arith.index_cast %select_n3A_74 : i32 to index
          %get3A_2455 = arith.index_cast %add3A_2453 : i32 to index
          %get3A_2456 = arith.constant 240 : index
          %get3A_2457 = tpu.vector_load %arg6[%get3A_2454, %get3A_2455, %get3A_2456] {strides = array<i32>} : memref<2x64x256xf32, #tpu.memory_space<vmem>>, vector<16xf32>,
          %mul3A_2458 = arith.mulf %get3A_41, %get3A_2457 : vector<16xf32>
          %add3A_2459 = arith.addf %add3A_2449, %mul3A_2458 : vector<16xf32>
          %eq3A_2460 = arith.constant 10 : i32
          %eq3A_2461 = vector.broadcast %eq3A_2460 : i32 to vector<16xi32>
          %eq3A_2462 = arith.cmpi eq, %iota3A, %eq3A_2461 : vector<16xi32>
          %iota3A_2463 = tpu.iota {dimensions = array<i32: 0>} : vector<16xi32>
          %xor3A_2464 = arith.constant 1 : i32
          %xor3A_2465 = vector.broadcast %xor3A_2464 : i32 to vector<16xi32>
          %xor3A_2466 = arith.xori %iota3A_2463, %xor3A_2465 : vector<16xi32>
          %lt3A_2467 = arith.constant 0 : i32
          %lt3A_2468 = vector.broadcast %lt3A_2467 : i32 to vector<16xi32>
          %lt3A_2469 = arith.cmpi slt, %xor3A_2466, %lt3A_2468 : vector<16xi32>
          %add3A_2470 = arith.constant 16 : i32
          %add3A_2471 = vector.broadcast %add3A_2470 : i32 to vector<16xi32>
          %add3A_2472 = arith.addi %xor3A_2466, %add3A_2471 : vector<16xi32>
          %select_n3A_2473 = arith.select %lt3A_2469, %add3A_2472, %xor3A_2466 : vector<16xi1>, vector<16xi32>
          %reshape3A_2474 = vector.shape_cast %select_n3A_2473 : vector<16xi32> to vector<16x1xi32>
          %gather3A_2475 = vector.shape_cast %reshape3A_2474 : vector<16x1xi32> to vector<16xi32>
          %gather3A_2476 = tpu.dynamic_gather %add3A_2459[%gather3A_2475] in [0] : vector<16xf32>, vector<16xi32> -> vector<16xf32>
          %add3A_2477 = arith.addf %add3A_2459, %gather3A_2476 : vector<16xf32>
          %xor3A_2478 = arith.constant 2 : i32
          %xor3A_2479 = vector.broadcast %xor3A_2478 : i32 to vector<16xi32>
          %xor3A_2480 = arith.xori %iota3A_2463, %xor3A_2479 : vector<16xi32>
          %lt3A_2481 = arith.constant 0 : i32
          %lt3A_2482 = vector.broadcast %lt3A_2481 : i32 to vector<16xi32>
          %lt3A_2483 = arith.cmpi slt, %xor3A_2480, %lt3A_2482 : vector<16xi32>
          %add3A_2484 = arith.constant 16 : i32
          %add3A_2485 = vector.broadcast %add3A_2484 : i32 to vector<16xi32>
          %add3A_2486 = arith.addi %xor3A_2480, %add3A_2485 : vector<16xi32>
          %select_n3A_2487 = arith.select %lt3A_2483, %add3A_2486, %xor3A_2480 : vector<16xi1>, vector<16xi32>
          %reshape3A_2488 = vector.shape_cast %select_n3A_2487 : vector<16xi32> to vector<16x1xi32>
          %gather3A_2489 = vector.shape_cast %reshape3A_2488 : vector<16x1xi32> to vector<16xi32>
          %gather3A_2490 = tpu.dynamic_gather %add3A_2477[%gather3A_2489] in [0] : vector<16xf32>, vector<16xi32> -> vector<16xf32>
          %add3A_2491 = arith.addf %add3A_2477, %gather3A_2490 : vector<16xf32>
          %xor3A_2492 = arith.constant 4 : i32
          %xor3A_2493 = vector.broadcast %xor3A_2492 : i32 to vector<16xi32>
          %xor3A_2494 = arith.xori %iota3A_2463, %xor3A_2493 : vector<16xi32>
          %lt3A_2495 = arith.constant 0 : i32
          %lt3A_2496 = vector.broadcast %lt3A_2495 : i32 to vector<16xi32>
          %lt3A_2497 = arith.cmpi slt, %xor3A_2494, %lt3A_2496 : vector<16xi32>
          %add3A_2498 = arith.constant 16 : i32
          %add3A_2499 = vector.broadcast %add3A_2498 : i32 to vector<16xi32>
          %add3A_2500 = arith.addi %xor3A_2494, %add3A_2499 : vector<16xi32>
          %select_n3A_2501 = arith.select %lt3A_2497, %add3A_2500, %xor3A_2494 : vector<16xi1>, vector<16xi32>
          %reshape3A_2502 = vector.shape_cast %select_n3A_2501 : vector<16xi32> to vector<16x1xi32>
          %gather3A_2503 = vector.shape_cast %reshape3A_2502 : vector<16x1xi32> to vector<16xi32>
          %gather3A_2504 = tpu.dynamic_gather %add3A_2491[%gather3A_2503] in [0] : vector<16xf32>, vector<16xi32> -> vector<16xf32>
          %add3A_2505 = arith.addf %add3A_2491, %gather3A_2504 : vector<16xf32>
          %xor3A_2506 = arith.constant 8 : i32
          %xor3A_2507 = vector.broadcast %xor3A_2506 : i32 to vector<16xi32>
          %xor3A_2508 = arith.xori %iota3A_2463, %xor3A_2507 : vector<16xi32>
          %lt3A_2509 = arith.constant 0 : i32
          %lt3A_2510 = vector.broadcast %lt3A_2509 : i32 to vector<16xi32>
          %lt3A_2511 = arith.cmpi slt, %xor3A_2508, %lt3A_2510 : vector<16xi32>
          %add3A_2512 = arith.constant 16 : i32
          %add3A_2513 = vector.broadcast %add3A_2512 : i32 to vector<16xi32>
          %add3A_2514 = arith.addi %xor3A_2508, %add3A_2513 : vector<16xi32>
          %select_n3A_2515 = arith.select %lt3A_2511, %add3A_2514, %xor3A_2508 : vector<16xi1>, vector<16xi32>
          %reshape3A_2516 = vector.shape_cast %select_n3A_2515 : vector<16xi32> to vector<16x1xi32>
          %gather3A_2517 = vector.shape_cast %reshape3A_2516 : vector<16x1xi32> to vector<16xi32>
          %gather3A_2518 = tpu.dynamic_gather %add3A_2505[%gather3A_2517] in [0] : vector<16xf32>, vector<16xi32> -> vector<16xf32>
          %add3A_2519 = arith.addf %add3A_2505, %gather3A_2518 : vector<16xf32>
          %select_n3A_2520 = arith.select %eq3A_2462, %add3A_2519, %select_n3A_2300 : vector<16xi1>, vector<16xf32>
          %mul3A_2521 = arith.constant 16 : i32
          %mul3A_2522 = arith.muli %scan3A_102, %mul3A_2521 : i32
          %add3A_2523 = arith.constant 11 : i32
          %add3A_2524 = arith.addi %mul3A_2522, %add3A_2523 : i32
          %get3A_2525 = arith.index_cast %select_n3A_74 : i32 to index
          %get3A_2526 = arith.index_cast %add3A_2524 : i32 to index
          %get3A_2527 = arith.constant 0 : index
          %get3A_2528 = tpu.vector_load %arg6[%get3A_2525, %get3A_2526, %get3A_2527] {strides = array<i32>} : memref<2x64x256xf32, #tpu.memory_space<vmem>>, vector<16xf32>,
          %mul3A_2529 = arith.mulf %get3A_11, %get3A_2528 : vector<16xf32>
          %mul3A_2530 = arith.constant 16 : i32
          %mul3A_2531 = arith.muli %scan3A_102, %mul3A_2530 : i32
          %add3A_2532 = arith.constant 11 : i32
          %add3A_2533 = arith.addi %mul3A_2531, %add3A_2532 : i32
          %get3A_2534 = arith.index_cast %select_n3A_74 : i32 to index
          %get3A_2535 = arith.index_cast %add3A_2533 : i32 to index
          %get3A_2536 = arith.constant 16 : index
          %get3A_2537 = tpu.vector_load %arg6[%get3A_2534, %get3A_2535, %get3A_2536] {strides = array<i32>} : memref<2x64x256xf32, #tpu.memory_space<vmem>>, vector<16xf32>,
          %mul3A_2538 = arith.mulf %get3A_13, %get3A_2537 : vector<16xf32>
          %add3A_2539 = arith.addf %mul3A_2529, %mul3A_2538 : vector<16xf32>
          %mul3A_2540 = arith.constant 16 : i32
          %mul3A_2541 = arith.muli %scan3A_102, %mul3A_2540 : i32
          %add3A_2542 = arith.constant 11 : i32
          %add3A_2543 = arith.addi %mul3A_2541, %add3A_2542 : i32
          %get3A_2544 = arith.index_cast %select_n3A_74 : i32 to index
          %get3A_2545 = arith.index_cast %add3A_2543 : i32 to index
          %get3A_2546 = arith.constant 32 : index
          %get3A_2547 = tpu.vector_load %arg6[%get3A_2544, %get3A_2545, %get3A_2546] {strides = array<i32>} : memref<2x64x256xf32, #tpu.memory_space<vmem>>, vector<16xf32>,
          %mul3A_2548 = arith.mulf %get3A_15, %get3A_2547 : vector<16xf32>
          %add3A_2549 = arith.addf %add3A_2539, %mul3A_2548 : vector<16xf32>
          %mul3A_2550 = arith.constant 16 : i32
          %mul3A_2551 = arith.muli %scan3A_102, %mul3A_2550 : i32
          %add3A_2552 = arith.constant 11 : i32
          %add3A_2553 = arith.addi %mul3A_2551, %add3A_2552 : i32
          %get3A_2554 = arith.index_cast %select_n3A_74 : i32 to index
          %get3A_2555 = arith.index_cast %add3A_2553 : i32 to index
          %get3A_2556 = arith.constant 48 : index
          %get3A_2557 = tpu.vector_load %arg6[%get3A_2554, %get3A_2555, %get3A_2556] {strides = array<i32>} : memref<2x64x256xf32, #tpu.memory_space<vmem>>, vector<16xf32>,
          %mul3A_2558 = arith.mulf %get3A_17, %get3A_2557 : vector<16xf32>
          %add3A_2559 = arith.addf %add3A_2549, %mul3A_2558 : vector<16xf32>
          %mul3A_2560 = arith.constant 16 : i32
          %mul3A_2561 = arith.muli %scan3A_102, %mul3A_2560 : i32
          %add3A_2562 = arith.constant 11 : i32
          %add3A_2563 = arith.addi %mul3A_2561, %add3A_2562 : i32
          %get3A_2564 = arith.index_cast %select_n3A_74 : i32 to index
          %get3A_2565 = arith.index_cast %add3A_2563 : i32 to index
          %get3A_2566 = arith.constant 64 : index
          %get3A_2567 = tpu.vector_load %arg6[%get3A_2564, %get3A_2565, %get3A_2566] {strides = array<i32>} : memref<2x64x256xf32, #tpu.memory_space<vmem>>, vector<16xf32>,
          %mul3A_2568 = arith.mulf %get3A_19, %get3A_2567 : vector<16xf32>
          %add3A_2569 = arith.addf %add3A_2559, %mul3A_2568 : vector<16xf32>
          %mul3A_2570 = arith.constant 16 : i32
          %mul3A_2571 = arith.muli %scan3A_102, %mul3A_2570 : i32
          %add3A_2572 = arith.constant 11 : i32
          %add3A_2573 = arith.addi %mul3A_2571, %add3A_2572 : i32
          %get3A_2574 = arith.index_cast %select_n3A_74 : i32 to index
          %get3A_2575 = arith.index_cast %add3A_2573 : i32 to index
          %get3A_2576 = arith.constant 80 : index
          %get3A_2577 = tpu.vector_load %arg6[%get3A_2574, %get3A_2575, %get3A_2576] {strides = array<i32>} : memref<2x64x256xf32, #tpu.memory_space<vmem>>, vector<16xf32>,
          %mul3A_2578 = arith.mulf %get3A_21, %get3A_2577 : vector<16xf32>
          %add3A_2579 = arith.addf %add3A_2569, %mul3A_2578 : vector<16xf32>
          %mul3A_2580 = arith.constant 16 : i32
          %mul3A_2581 = arith.muli %scan3A_102, %mul3A_2580 : i32
          %add3A_2582 = arith.constant 11 : i32
          %add3A_2583 = arith.addi %mul3A_2581, %add3A_2582 : i32
          %get3A_2584 = arith.index_cast %select_n3A_74 : i32 to index
          %get3A_2585 = arith.index_cast %add3A_2583 : i32 to index
          %get3A_2586 = arith.constant 96 : index
          %get3A_2587 = tpu.vector_load %arg6[%get3A_2584, %get3A_2585, %get3A_2586] {strides = array<i32>} : memref<2x64x256xf32, #tpu.memory_space<vmem>>, vector<16xf32>,
          %mul3A_2588 = arith.mulf %get3A_23, %get3A_2587 : vector<16xf32>
          %add3A_2589 = arith.addf %add3A_2579, %mul3A_2588 : vector<16xf32>
          %mul3A_2590 = arith.constant 16 : i32
          %mul3A_2591 = arith.muli %scan3A_102, %mul3A_2590 : i32
          %add3A_2592 = arith.constant 11 : i32
          %add3A_2593 = arith.addi %mul3A_2591, %add3A_2592 : i32
          %get3A_2594 = arith.index_cast %select_n3A_74 : i32 to index
          %get3A_2595 = arith.index_cast %add3A_2593 : i32 to index
          %get3A_2596 = arith.constant 112 : index
          %get3A_2597 = tpu.vector_load %arg6[%get3A_2594, %get3A_2595, %get3A_2596] {strides = array<i32>} : memref<2x64x256xf32, #tpu.memory_space<vmem>>, vector<16xf32>,
          %mul3A_2598 = arith.mulf %get3A_25, %get3A_2597 : vector<16xf32>
          %add3A_2599 = arith.addf %add3A_2589, %mul3A_2598 : vector<16xf32>
          %mul3A_2600 = arith.constant 16 : i32
          %mul3A_2601 = arith.muli %scan3A_102, %mul3A_2600 : i32
          %add3A_2602 = arith.constant 11 : i32
          %add3A_2603 = arith.addi %mul3A_2601, %add3A_2602 : i32
          %get3A_2604 = arith.index_cast %select_n3A_74 : i32 to index
          %get3A_2605 = arith.index_cast %add3A_2603 : i32 to index
          %get3A_2606 = arith.constant 128 : index
          %get3A_2607 = tpu.vector_load %arg6[%get3A_2604, %get3A_2605, %get3A_2606] {strides = array<i32>} : memref<2x64x256xf32, #tpu.memory_space<vmem>>, vector<16xf32>,
          %mul3A_2608 = arith.mulf %get3A_27, %get3A_2607 : vector<16xf32>
          %add3A_2609 = arith.addf %add3A_2599, %mul3A_2608 : vector<16xf32>
          %mul3A_2610 = arith.constant 16 : i32
          %mul3A_2611 = arith.muli %scan3A_102, %mul3A_2610 : i32
          %add3A_2612 = arith.constant 11 : i32
          %add3A_2613 = arith.addi %mul3A_2611, %add3A_2612 : i32
          %get3A_2614 = arith.index_cast %select_n3A_74 : i32 to index
          %get3A_2615 = arith.index_cast %add3A_2613 : i32 to index
          %get3A_2616 = arith.constant 144 : index
          %get3A_2617 = tpu.vector_load %arg6[%get3A_2614, %get3A_2615, %get3A_2616] {strides = array<i32>} : memref<2x64x256xf32, #tpu.memory_space<vmem>>, vector<16xf32>,
          %mul3A_2618 = arith.mulf %get3A_29, %get3A_2617 : vector<16xf32>
          %add3A_2619 = arith.addf %add3A_2609, %mul3A_2618 : vector<16xf32>
          %mul3A_2620 = arith.constant 16 : i32
          %mul3A_2621 = arith.muli %scan3A_102, %mul3A_2620 : i32
          %add3A_2622 = arith.constant 11 : i32
          %add3A_2623 = arith.addi %mul3A_2621, %add3A_2622 : i32
          %get3A_2624 = arith.index_cast %select_n3A_74 : i32 to index
          %get3A_2625 = arith.index_cast %add3A_2623 : i32 to index
          %get3A_2626 = arith.constant 160 : index
          %get3A_2627 = tpu.vector_load %arg6[%get3A_2624, %get3A_2625, %get3A_2626] {strides = array<i32>} : memref<2x64x256xf32, #tpu.memory_space<vmem>>, vector<16xf32>,
          %mul3A_2628 = arith.mulf %get3A_31, %get3A_2627 : vector<16xf32>
          %add3A_2629 = arith.addf %add3A_2619, %mul3A_2628 : vector<16xf32>
          %mul3A_2630 = arith.constant 16 : i32
          %mul3A_2631 = arith.muli %scan3A_102, %mul3A_2630 : i32
          %add3A_2632 = arith.constant 11 : i32
          %add3A_2633 = arith.addi %mul3A_2631, %add3A_2632 : i32
          %get3A_2634 = arith.index_cast %select_n3A_74 : i32 to index
          %get3A_2635 = arith.index_cast %add3A_2633 : i32 to index
          %get3A_2636 = arith.constant 176 : index
          %get3A_2637 = tpu.vector_load %arg6[%get3A_2634, %get3A_2635, %get3A_2636] {strides = array<i32>} : memref<2x64x256xf32, #tpu.memory_space<vmem>>, vector<16xf32>,
          %mul3A_2638 = arith.mulf %get3A_33, %get3A_2637 : vector<16xf32>
          %add3A_2639 = arith.addf %add3A_2629, %mul3A_2638 : vector<16xf32>
          %mul3A_2640 = arith.constant 16 : i32
          %mul3A_2641 = arith.muli %scan3A_102, %mul3A_2640 : i32
          %add3A_2642 = arith.constant 11 : i32
          %add3A_2643 = arith.addi %mul3A_2641, %add3A_2642 : i32
          %get3A_2644 = arith.index_cast %select_n3A_74 : i32 to index
          %get3A_2645 = arith.index_cast %add3A_2643 : i32 to index
          %get3A_2646 = arith.constant 192 : index
          %get3A_2647 = tpu.vector_load %arg6[%get3A_2644, %get3A_2645, %get3A_2646] {strides = array<i32>} : memref<2x64x256xf32, #tpu.memory_space<vmem>>, vector<16xf32>,
          %mul3A_2648 = arith.mulf %get3A_35, %get3A_2647 : vector<16xf32>
          %add3A_2649 = arith.addf %add3A_2639, %mul3A_2648 : vector<16xf32>
          %mul3A_2650 = arith.constant 16 : i32
          %mul3A_2651 = arith.muli %scan3A_102, %mul3A_2650 : i32
          %add3A_2652 = arith.constant 11 : i32
          %add3A_2653 = arith.addi %mul3A_2651, %add3A_2652 : i32
          %get3A_2654 = arith.index_cast %select_n3A_74 : i32 to index
          %get3A_2655 = arith.index_cast %add3A_2653 : i32 to index
          %get3A_2656 = arith.constant 208 : index
          %get3A_2657 = tpu.vector_load %arg6[%get3A_2654, %get3A_2655, %get3A_2656] {strides = array<i32>} : memref<2x64x256xf32, #tpu.memory_space<vmem>>, vector<16xf32>,
          %mul3A_2658 = arith.mulf %get3A_37, %get3A_2657 : vector<16xf32>
          %add3A_2659 = arith.addf %add3A_2649, %mul3A_2658 : vector<16xf32>
          %mul3A_2660 = arith.constant 16 : i32
          %mul3A_2661 = arith.muli %scan3A_102, %mul3A_2660 : i32
          %add3A_2662 = arith.constant 11 : i32
          %add3A_2663 = arith.addi %mul3A_2661, %add3A_2662 : i32
          %get3A_2664 = arith.index_cast %select_n3A_74 : i32 to index
          %get3A_2665 = arith.index_cast %add3A_2663 : i32 to index
          %get3A_2666 = arith.constant 224 : index
          %get3A_2667 = tpu.vector_load %arg6[%get3A_2664, %get3A_2665, %get3A_2666] {strides = array<i32>} : memref<2x64x256xf32, #tpu.memory_space<vmem>>, vector<16xf32>,
          %mul3A_2668 = arith.mulf %get3A_39, %get3A_2667 : vector<16xf32>
          %add3A_2669 = arith.addf %add3A_2659, %mul3A_2668 : vector<16xf32>
          %mul3A_2670 = arith.constant 16 : i32
          %mul3A_2671 = arith.muli %scan3A_102, %mul3A_2670 : i32
          %add3A_2672 = arith.constant 11 : i32
          %add3A_2673 = arith.addi %mul3A_2671, %add3A_2672 : i32
          %get3A_2674 = arith.index_cast %select_n3A_74 : i32 to index
          %get3A_2675 = arith.index_cast %add3A_2673 : i32 to index
          %get3A_2676 = arith.constant 240 : index
          %get3A_2677 = tpu.vector_load %arg6[%get3A_2674, %get3A_2675, %get3A_2676] {strides = array<i32>} : memref<2x64x256xf32, #tpu.memory_space<vmem>>, vector<16xf32>,
          %mul3A_2678 = arith.mulf %get3A_41, %get3A_2677 : vector<16xf32>
          %add3A_2679 = arith.addf %add3A_2669, %mul3A_2678 : vector<16xf32>
          %eq3A_2680 = arith.constant 11 : i32
          %eq3A_2681 = vector.broadcast %eq3A_2680 : i32 to vector<16xi32>
          %eq3A_2682 = arith.cmpi eq, %iota3A, %eq3A_2681 : vector<16xi32>
          %iota3A_2683 = tpu.iota {dimensions = array<i32: 0>} : vector<16xi32>
          %xor3A_2684 = arith.constant 1 : i32
          %xor3A_2685 = vector.broadcast %xor3A_2684 : i32 to vector<16xi32>
          %xor3A_2686 = arith.xori %iota3A_2683, %xor3A_2685 : vector<16xi32>
          %lt3A_2687 = arith.constant 0 : i32
          %lt3A_2688 = vector.broadcast %lt3A_2687 : i32 to vector<16xi32>
          %lt3A_2689 = arith.cmpi slt, %xor3A_2686, %lt3A_2688 : vector<16xi32>
          %add3A_2690 = arith.constant 16 : i32
          %add3A_2691 = vector.broadcast %add3A_2690 : i32 to vector<16xi32>
          %add3A_2692 = arith.addi %xor3A_2686, %add3A_2691 : vector<16xi32>
          %select_n3A_2693 = arith.select %lt3A_2689, %add3A_2692, %xor3A_2686 : vector<16xi1>, vector<16xi32>
          %reshape3A_2694 = vector.shape_cast %select_n3A_2693 : vector<16xi32> to vector<16x1xi32>
          %gather3A_2695 = vector.shape_cast %reshape3A_2694 : vector<16x1xi32> to vector<16xi32>
          %gather3A_2696 = tpu.dynamic_gather %add3A_2679[%gather3A_2695] in [0] : vector<16xf32>, vector<16xi32> -> vector<16xf32>
          %add3A_2697 = arith.addf %add3A_2679, %gather3A_2696 : vector<16xf32>
          %xor3A_2698 = arith.constant 2 : i32
          %xor3A_2699 = vector.broadcast %xor3A_2698 : i32 to vector<16xi32>
          %xor3A_2700 = arith.xori %iota3A_2683, %xor3A_2699 : vector<16xi32>
          %lt3A_2701 = arith.constant 0 : i32
          %lt3A_2702 = vector.broadcast %lt3A_2701 : i32 to vector<16xi32>
          %lt3A_2703 = arith.cmpi slt, %xor3A_2700, %lt3A_2702 : vector<16xi32>
          %add3A_2704 = arith.constant 16 : i32
          %add3A_2705 = vector.broadcast %add3A_2704 : i32 to vector<16xi32>
          %add3A_2706 = arith.addi %xor3A_2700, %add3A_2705 : vector<16xi32>
          %select_n3A_2707 = arith.select %lt3A_2703, %add3A_2706, %xor3A_2700 : vector<16xi1>, vector<16xi32>
          %reshape3A_2708 = vector.shape_cast %select_n3A_2707 : vector<16xi32> to vector<16x1xi32>
          %gather3A_2709 = vector.shape_cast %reshape3A_2708 : vector<16x1xi32> to vector<16xi32>
          %gather3A_2710 = tpu.dynamic_gather %add3A_2697[%gather3A_2709] in [0] : vector<16xf32>, vector<16xi32> -> vector<16xf32>
          %add3A_2711 = arith.addf %add3A_2697, %gather3A_2710 : vector<16xf32>
          %xor3A_2712 = arith.constant 4 : i32
          %xor3A_2713 = vector.broadcast %xor3A_2712 : i32 to vector<16xi32>
          %xor3A_2714 = arith.xori %iota3A_2683, %xor3A_2713 : vector<16xi32>
          %lt3A_2715 = arith.constant 0 : i32
          %lt3A_2716 = vector.broadcast %lt3A_2715 : i32 to vector<16xi32>
          %lt3A_2717 = arith.cmpi slt, %xor3A_2714, %lt3A_2716 : vector<16xi32>
          %add3A_2718 = arith.constant 16 : i32
          %add3A_2719 = vector.broadcast %add3A_2718 : i32 to vector<16xi32>
          %add3A_2720 = arith.addi %xor3A_2714, %add3A_2719 : vector<16xi32>
          %select_n3A_2721 = arith.select %lt3A_2717, %add3A_2720, %xor3A_2714 : vector<16xi1>, vector<16xi32>
          %reshape3A_2722 = vector.shape_cast %select_n3A_2721 : vector<16xi32> to vector<16x1xi32>
          %gather3A_2723 = vector.shape_cast %reshape3A_2722 : vector<16x1xi32> to vector<16xi32>
          %gather3A_2724 = tpu.dynamic_gather %add3A_2711[%gather3A_2723] in [0] : vector<16xf32>, vector<16xi32> -> vector<16xf32>
          %add3A_2725 = arith.addf %add3A_2711, %gather3A_2724 : vector<16xf32>
          %xor3A_2726 = arith.constant 8 : i32
          %xor3A_2727 = vector.broadcast %xor3A_2726 : i32 to vector<16xi32>
          %xor3A_2728 = arith.xori %iota3A_2683, %xor3A_2727 : vector<16xi32>
          %lt3A_2729 = arith.constant 0 : i32
          %lt3A_2730 = vector.broadcast %lt3A_2729 : i32 to vector<16xi32>
          %lt3A_2731 = arith.cmpi slt, %xor3A_2728, %lt3A_2730 : vector<16xi32>
          %add3A_2732 = arith.constant 16 : i32
          %add3A_2733 = vector.broadcast %add3A_2732 : i32 to vector<16xi32>
          %add3A_2734 = arith.addi %xor3A_2728, %add3A_2733 : vector<16xi32>
          %select_n3A_2735 = arith.select %lt3A_2731, %add3A_2734, %xor3A_2728 : vector<16xi1>, vector<16xi32>
          %reshape3A_2736 = vector.shape_cast %select_n3A_2735 : vector<16xi32> to vector<16x1xi32>
          %gather3A_2737 = vector.shape_cast %reshape3A_2736 : vector<16x1xi32> to vector<16xi32>
          %gather3A_2738 = tpu.dynamic_gather %add3A_2725[%gather3A_2737] in [0] : vector<16xf32>, vector<16xi32> -> vector<16xf32>
          %add3A_2739 = arith.addf %add3A_2725, %gather3A_2738 : vector<16xf32>
          %select_n3A_2740 = arith.select %eq3A_2682, %add3A_2739, %select_n3A_2520 : vector<16xi1>, vector<16xf32>
          %mul3A_2741 = arith.constant 16 : i32
          %mul3A_2742 = arith.muli %scan3A_102, %mul3A_2741 : i32
          %add3A_2743 = arith.constant 12 : i32
          %add3A_2744 = arith.addi %mul3A_2742, %add3A_2743 : i32
          %get3A_2745 = arith.index_cast %select_n3A_74 : i32 to index
          %get3A_2746 = arith.index_cast %add3A_2744 : i32 to index
          %get3A_2747 = arith.constant 0 : index
          %get3A_2748 = tpu.vector_load %arg6[%get3A_2745, %get3A_2746, %get3A_2747] {strides = array<i32>} : memref<2x64x256xf32, #tpu.memory_space<vmem>>, vector<16xf32>,
          %mul3A_2749 = arith.mulf %get3A_11, %get3A_2748 : vector<16xf32>
          %mul3A_2750 = arith.constant 16 : i32
          %mul3A_2751 = arith.muli %scan3A_102, %mul3A_2750 : i32
          %add3A_2752 = arith.constant 12 : i32
          %add3A_2753 = arith.addi %mul3A_2751, %add3A_2752 : i32
          %get3A_2754 = arith.index_cast %select_n3A_74 : i32 to index
          %get3A_2755 = arith.index_cast %add3A_2753 : i32 to index
          %get3A_2756 = arith.constant 16 : index
          %get3A_2757 = tpu.vector_load %arg6[%get3A_2754, %get3A_2755, %get3A_2756] {strides = array<i32>} : memref<2x64x256xf32, #tpu.memory_space<vmem>>, vector<16xf32>,
          %mul3A_2758 = arith.mulf %get3A_13, %get3A_2757 : vector<16xf32>
          %add3A_2759 = arith.addf %mul3A_2749, %mul3A_2758 : vector<16xf32>
          %mul3A_2760 = arith.constant 16 : i32
          %mul3A_2761 = arith.muli %scan3A_102, %mul3A_2760 : i32
          %add3A_2762 = arith.constant 12 : i32
          %add3A_2763 = arith.addi %mul3A_2761, %add3A_2762 : i32
          %get3A_2764 = arith.index_cast %select_n3A_74 : i32 to index
          %get3A_2765 = arith.index_cast %add3A_2763 : i32 to index
          %get3A_2766 = arith.constant 32 : index
          %get3A_2767 = tpu.vector_load %arg6[%get3A_2764, %get3A_2765, %get3A_2766] {strides = array<i32>} : memref<2x64x256xf32, #tpu.memory_space<vmem>>, vector<16xf32>,
          %mul3A_2768 = arith.mulf %get3A_15, %get3A_2767 : vector<16xf32>
          %add3A_2769 = arith.addf %add3A_2759, %mul3A_2768 : vector<16xf32>
          %mul3A_2770 = arith.constant 16 : i32
          %mul3A_2771 = arith.muli %scan3A_102, %mul3A_2770 : i32
          %add3A_2772 = arith.constant 12 : i32
          %add3A_2773 = arith.addi %mul3A_2771, %add3A_2772 : i32
          %get3A_2774 = arith.index_cast %select_n3A_74 : i32 to index
          %get3A_2775 = arith.index_cast %add3A_2773 : i32 to index
          %get3A_2776 = arith.constant 48 : index
          %get3A_2777 = tpu.vector_load %arg6[%get3A_2774, %get3A_2775, %get3A_2776] {strides = array<i32>} : memref<2x64x256xf32, #tpu.memory_space<vmem>>, vector<16xf32>,
          %mul3A_2778 = arith.mulf %get3A_17, %get3A_2777 : vector<16xf32>
          %add3A_2779 = arith.addf %add3A_2769, %mul3A_2778 : vector<16xf32>
          %mul3A_2780 = arith.constant 16 : i32
          %mul3A_2781 = arith.muli %scan3A_102, %mul3A_2780 : i32
          %add3A_2782 = arith.constant 12 : i32
          %add3A_2783 = arith.addi %mul3A_2781, %add3A_2782 : i32
          %get3A_2784 = arith.index_cast %select_n3A_74 : i32 to index
          %get3A_2785 = arith.index_cast %add3A_2783 : i32 to index
          %get3A_2786 = arith.constant 64 : index
          %get3A_2787 = tpu.vector_load %arg6[%get3A_2784, %get3A_2785, %get3A_2786] {strides = array<i32>} : memref<2x64x256xf32, #tpu.memory_space<vmem>>, vector<16xf32>,
          %mul3A_2788 = arith.mulf %get3A_19, %get3A_2787 : vector<16xf32>
          %add3A_2789 = arith.addf %add3A_2779, %mul3A_2788 : vector<16xf32>
          %mul3A_2790 = arith.constant 16 : i32
          %mul3A_2791 = arith.muli %scan3A_102, %mul3A_2790 : i32
          %add3A_2792 = arith.constant 12 : i32
          %add3A_2793 = arith.addi %mul3A_2791, %add3A_2792 : i32
          %get3A_2794 = arith.index_cast %select_n3A_74 : i32 to index
          %get3A_2795 = arith.index_cast %add3A_2793 : i32 to index
          %get3A_2796 = arith.constant 80 : index
          %get3A_2797 = tpu.vector_load %arg6[%get3A_2794, %get3A_2795, %get3A_2796] {strides = array<i32>} : memref<2x64x256xf32, #tpu.memory_space<vmem>>, vector<16xf32>,
          %mul3A_2798 = arith.mulf %get3A_21, %get3A_2797 : vector<16xf32>
          %add3A_2799 = arith.addf %add3A_2789, %mul3A_2798 : vector<16xf32>
          %mul3A_2800 = arith.constant 16 : i32
          %mul3A_2801 = arith.muli %scan3A_102, %mul3A_2800 : i32
          %add3A_2802 = arith.constant 12 : i32
          %add3A_2803 = arith.addi %mul3A_2801, %add3A_2802 : i32
          %get3A_2804 = arith.index_cast %select_n3A_74 : i32 to index
          %get3A_2805 = arith.index_cast %add3A_2803 : i32 to index
          %get3A_2806 = arith.constant 96 : index
          %get3A_2807 = tpu.vector_load %arg6[%get3A_2804, %get3A_2805, %get3A_2806] {strides = array<i32>} : memref<2x64x256xf32, #tpu.memory_space<vmem>>, vector<16xf32>,
          %mul3A_2808 = arith.mulf %get3A_23, %get3A_2807 : vector<16xf32>
          %add3A_2809 = arith.addf %add3A_2799, %mul3A_2808 : vector<16xf32>
          %mul3A_2810 = arith.constant 16 : i32
          %mul3A_2811 = arith.muli %scan3A_102, %mul3A_2810 : i32
          %add3A_2812 = arith.constant 12 : i32
          %add3A_2813 = arith.addi %mul3A_2811, %add3A_2812 : i32
          %get3A_2814 = arith.index_cast %select_n3A_74 : i32 to index
          %get3A_2815 = arith.index_cast %add3A_2813 : i32 to index
          %get3A_2816 = arith.constant 112 : index
          %get3A_2817 = tpu.vector_load %arg6[%get3A_2814, %get3A_2815, %get3A_2816] {strides = array<i32>} : memref<2x64x256xf32, #tpu.memory_space<vmem>>, vector<16xf32>,
          %mul3A_2818 = arith.mulf %get3A_25, %get3A_2817 : vector<16xf32>
          %add3A_2819 = arith.addf %add3A_2809, %mul3A_2818 : vector<16xf32>
          %mul3A_2820 = arith.constant 16 : i32
          %mul3A_2821 = arith.muli %scan3A_102, %mul3A_2820 : i32
          %add3A_2822 = arith.constant 12 : i32
          %add3A_2823 = arith.addi %mul3A_2821, %add3A_2822 : i32
          %get3A_2824 = arith.index_cast %select_n3A_74 : i32 to index
          %get3A_2825 = arith.index_cast %add3A_2823 : i32 to index
          %get3A_2826 = arith.constant 128 : index
          %get3A_2827 = tpu.vector_load %arg6[%get3A_2824, %get3A_2825, %get3A_2826] {strides = array<i32>} : memref<2x64x256xf32, #tpu.memory_space<vmem>>, vector<16xf32>,
          %mul3A_2828 = arith.mulf %get3A_27, %get3A_2827 : vector<16xf32>
          %add3A_2829 = arith.addf %add3A_2819, %mul3A_2828 : vector<16xf32>
          %mul3A_2830 = arith.constant 16 : i32
          %mul3A_2831 = arith.muli %scan3A_102, %mul3A_2830 : i32
          %add3A_2832 = arith.constant 12 : i32
          %add3A_2833 = arith.addi %mul3A_2831, %add3A_2832 : i32
          %get3A_2834 = arith.index_cast %select_n3A_74 : i32 to index
          %get3A_2835 = arith.index_cast %add3A_2833 : i32 to index
          %get3A_2836 = arith.constant 144 : index
          %get3A_2837 = tpu.vector_load %arg6[%get3A_2834, %get3A_2835, %get3A_2836] {strides = array<i32>} : memref<2x64x256xf32, #tpu.memory_space<vmem>>, vector<16xf32>,
          %mul3A_2838 = arith.mulf %get3A_29, %get3A_2837 : vector<16xf32>
          %add3A_2839 = arith.addf %add3A_2829, %mul3A_2838 : vector<16xf32>
          %mul3A_2840 = arith.constant 16 : i32
          %mul3A_2841 = arith.muli %scan3A_102, %mul3A_2840 : i32
          %add3A_2842 = arith.constant 12 : i32
          %add3A_2843 = arith.addi %mul3A_2841, %add3A_2842 : i32
          %get3A_2844 = arith.index_cast %select_n3A_74 : i32 to index
          %get3A_2845 = arith.index_cast %add3A_2843 : i32 to index
          %get3A_2846 = arith.constant 160 : index
          %get3A_2847 = tpu.vector_load %arg6[%get3A_2844, %get3A_2845, %get3A_2846] {strides = array<i32>} : memref<2x64x256xf32, #tpu.memory_space<vmem>>, vector<16xf32>,
          %mul3A_2848 = arith.mulf %get3A_31, %get3A_2847 : vector<16xf32>
          %add3A_2849 = arith.addf %add3A_2839, %mul3A_2848 : vector<16xf32>
          %mul3A_2850 = arith.constant 16 : i32
          %mul3A_2851 = arith.muli %scan3A_102, %mul3A_2850 : i32
          %add3A_2852 = arith.constant 12 : i32
          %add3A_2853 = arith.addi %mul3A_2851, %add3A_2852 : i32
          %get3A_2854 = arith.index_cast %select_n3A_74 : i32 to index
          %get3A_2855 = arith.index_cast %add3A_2853 : i32 to index
          %get3A_2856 = arith.constant 176 : index
          %get3A_2857 = tpu.vector_load %arg6[%get3A_2854, %get3A_2855, %get3A_2856] {strides = array<i32>} : memref<2x64x256xf32, #tpu.memory_space<vmem>>, vector<16xf32>,
          %mul3A_2858 = arith.mulf %get3A_33, %get3A_2857 : vector<16xf32>
          %add3A_2859 = arith.addf %add3A_2849, %mul3A_2858 : vector<16xf32>
          %mul3A_2860 = arith.constant 16 : i32
          %mul3A_2861 = arith.muli %scan3A_102, %mul3A_2860 : i32
          %add3A_2862 = arith.constant 12 : i32
          %add3A_2863 = arith.addi %mul3A_2861, %add3A_2862 : i32
          %get3A_2864 = arith.index_cast %select_n3A_74 : i32 to index
          %get3A_2865 = arith.index_cast %add3A_2863 : i32 to index
          %get3A_2866 = arith.constant 192 : index
          %get3A_2867 = tpu.vector_load %arg6[%get3A_2864, %get3A_2865, %get3A_2866] {strides = array<i32>} : memref<2x64x256xf32, #tpu.memory_space<vmem>>, vector<16xf32>,
          %mul3A_2868 = arith.mulf %get3A_35, %get3A_2867 : vector<16xf32>
          %add3A_2869 = arith.addf %add3A_2859, %mul3A_2868 : vector<16xf32>
          %mul3A_2870 = arith.constant 16 : i32
          %mul3A_2871 = arith.muli %scan3A_102, %mul3A_2870 : i32
          %add3A_2872 = arith.constant 12 : i32
          %add3A_2873 = arith.addi %mul3A_2871, %add3A_2872 : i32
          %get3A_2874 = arith.index_cast %select_n3A_74 : i32 to index
          %get3A_2875 = arith.index_cast %add3A_2873 : i32 to index
          %get3A_2876 = arith.constant 208 : index
          %get3A_2877 = tpu.vector_load %arg6[%get3A_2874, %get3A_2875, %get3A_2876] {strides = array<i32>} : memref<2x64x256xf32, #tpu.memory_space<vmem>>, vector<16xf32>,
          %mul3A_2878 = arith.mulf %get3A_37, %get3A_2877 : vector<16xf32>
          %add3A_2879 = arith.addf %add3A_2869, %mul3A_2878 : vector<16xf32>
          %mul3A_2880 = arith.constant 16 : i32
          %mul3A_2881 = arith.muli %scan3A_102, %mul3A_2880 : i32
          %add3A_2882 = arith.constant 12 : i32
          %add3A_2883 = arith.addi %mul3A_2881, %add3A_2882 : i32
          %get3A_2884 = arith.index_cast %select_n3A_74 : i32 to index
          %get3A_2885 = arith.index_cast %add3A_2883 : i32 to index
          %get3A_2886 = arith.constant 224 : index
          %get3A_2887 = tpu.vector_load %arg6[%get3A_2884, %get3A_2885, %get3A_2886] {strides = array<i32>} : memref<2x64x256xf32, #tpu.memory_space<vmem>>, vector<16xf32>,
          %mul3A_2888 = arith.mulf %get3A_39, %get3A_2887 : vector<16xf32>
          %add3A_2889 = arith.addf %add3A_2879, %mul3A_2888 : vector<16xf32>
          %mul3A_2890 = arith.constant 16 : i32
          %mul3A_2891 = arith.muli %scan3A_102, %mul3A_2890 : i32
          %add3A_2892 = arith.constant 12 : i32
          %add3A_2893 = arith.addi %mul3A_2891, %add3A_2892 : i32
          %get3A_2894 = arith.index_cast %select_n3A_74 : i32 to index
          %get3A_2895 = arith.index_cast %add3A_2893 : i32 to index
          %get3A_2896 = arith.constant 240 : index
          %get3A_2897 = tpu.vector_load %arg6[%get3A_2894, %get3A_2895, %get3A_2896] {strides = array<i32>} : memref<2x64x256xf32, #tpu.memory_space<vmem>>, vector<16xf32>,
          %mul3A_2898 = arith.mulf %get3A_41, %get3A_2897 : vector<16xf32>
          %add3A_2899 = arith.addf %add3A_2889, %mul3A_2898 : vector<16xf32>
          %eq3A_2900 = arith.constant 12 : i32
          %eq3A_2901 = vector.broadcast %eq3A_2900 : i32 to vector<16xi32>
          %eq3A_2902 = arith.cmpi eq, %iota3A, %eq3A_2901 : vector<16xi32>
          %iota3A_2903 = tpu.iota {dimensions = array<i32: 0>} : vector<16xi32>
          %xor3A_2904 = arith.constant 1 : i32
          %xor3A_2905 = vector.broadcast %xor3A_2904 : i32 to vector<16xi32>
          %xor3A_2906 = arith.xori %iota3A_2903, %xor3A_2905 : vector<16xi32>
          %lt3A_2907 = arith.constant 0 : i32
          %lt3A_2908 = vector.broadcast %lt3A_2907 : i32 to vector<16xi32>
          %lt3A_2909 = arith.cmpi slt, %xor3A_2906, %lt3A_2908 : vector<16xi32>
          %add3A_2910 = arith.constant 16 : i32
          %add3A_2911 = vector.broadcast %add3A_2910 : i32 to vector<16xi32>
          %add3A_2912 = arith.addi %xor3A_2906, %add3A_2911 : vector<16xi32>
          %select_n3A_2913 = arith.select %lt3A_2909, %add3A_2912, %xor3A_2906 : vector<16xi1>, vector<16xi32>
          %reshape3A_2914 = vector.shape_cast %select_n3A_2913 : vector<16xi32> to vector<16x1xi32>
          %gather3A_2915 = vector.shape_cast %reshape3A_2914 : vector<16x1xi32> to vector<16xi32>
          %gather3A_2916 = tpu.dynamic_gather %add3A_2899[%gather3A_2915] in [0] : vector<16xf32>, vector<16xi32> -> vector<16xf32>
          %add3A_2917 = arith.addf %add3A_2899, %gather3A_2916 : vector<16xf32>
          %xor3A_2918 = arith.constant 2 : i32
          %xor3A_2919 = vector.broadcast %xor3A_2918 : i32 to vector<16xi32>
          %xor3A_2920 = arith.xori %iota3A_2903, %xor3A_2919 : vector<16xi32>
          %lt3A_2921 = arith.constant 0 : i32
          %lt3A_2922 = vector.broadcast %lt3A_2921 : i32 to vector<16xi32>
          %lt3A_2923 = arith.cmpi slt, %xor3A_2920, %lt3A_2922 : vector<16xi32>
          %add3A_2924 = arith.constant 16 : i32
          %add3A_2925 = vector.broadcast %add3A_2924 : i32 to vector<16xi32>
          %add3A_2926 = arith.addi %xor3A_2920, %add3A_2925 : vector<16xi32>
          %select_n3A_2927 = arith.select %lt3A_2923, %add3A_2926, %xor3A_2920 : vector<16xi1>, vector<16xi32>
          %reshape3A_2928 = vector.shape_cast %select_n3A_2927 : vector<16xi32> to vector<16x1xi32>
          %gather3A_2929 = vector.shape_cast %reshape3A_2928 : vector<16x1xi32> to vector<16xi32>
          %gather3A_2930 = tpu.dynamic_gather %add3A_2917[%gather3A_2929] in [0] : vector<16xf32>, vector<16xi32> -> vector<16xf32>
          %add3A_2931 = arith.addf %add3A_2917, %gather3A_2930 : vector<16xf32>
          %xor3A_2932 = arith.constant 4 : i32
          %xor3A_2933 = vector.broadcast %xor3A_2932 : i32 to vector<16xi32>
          %xor3A_2934 = arith.xori %iota3A_2903, %xor3A_2933 : vector<16xi32>
          %lt3A_2935 = arith.constant 0 : i32
          %lt3A_2936 = vector.broadcast %lt3A_2935 : i32 to vector<16xi32>
          %lt3A_2937 = arith.cmpi slt, %xor3A_2934, %lt3A_2936 : vector<16xi32>
          %add3A_2938 = arith.constant 16 : i32
          %add3A_2939 = vector.broadcast %add3A_2938 : i32 to vector<16xi32>
          %add3A_2940 = arith.addi %xor3A_2934, %add3A_2939 : vector<16xi32>
          %select_n3A_2941 = arith.select %lt3A_2937, %add3A_2940, %xor3A_2934 : vector<16xi1>, vector<16xi32>
          %reshape3A_2942 = vector.shape_cast %select_n3A_2941 : vector<16xi32> to vector<16x1xi32>
          %gather3A_2943 = vector.shape_cast %reshape3A_2942 : vector<16x1xi32> to vector<16xi32>
          %gather3A_2944 = tpu.dynamic_gather %add3A_2931[%gather3A_2943] in [0] : vector<16xf32>, vector<16xi32> -> vector<16xf32>
          %add3A_2945 = arith.addf %add3A_2931, %gather3A_2944 : vector<16xf32>
          %xor3A_2946 = arith.constant 8 : i32
          %xor3A_2947 = vector.broadcast %xor3A_2946 : i32 to vector<16xi32>
          %xor3A_2948 = arith.xori %iota3A_2903, %xor3A_2947 : vector<16xi32>
          %lt3A_2949 = arith.constant 0 : i32
          %lt3A_2950 = vector.broadcast %lt3A_2949 : i32 to vector<16xi32>
          %lt3A_2951 = arith.cmpi slt, %xor3A_2948, %lt3A_2950 : vector<16xi32>
          %add3A_2952 = arith.constant 16 : i32
          %add3A_2953 = vector.broadcast %add3A_2952 : i32 to vector<16xi32>
          %add3A_2954 = arith.addi %xor3A_2948, %add3A_2953 : vector<16xi32>
          %select_n3A_2955 = arith.select %lt3A_2951, %add3A_2954, %xor3A_2948 : vector<16xi1>, vector<16xi32>
          %reshape3A_2956 = vector.shape_cast %select_n3A_2955 : vector<16xi32> to vector<16x1xi32>
          %gather3A_2957 = vector.shape_cast %reshape3A_2956 : vector<16x1xi32> to vector<16xi32>
          %gather3A_2958 = tpu.dynamic_gather %add3A_2945[%gather3A_2957] in [0] : vector<16xf32>, vector<16xi32> -> vector<16xf32>
          %add3A_2959 = arith.addf %add3A_2945, %gather3A_2958 : vector<16xf32>
          %select_n3A_2960 = arith.select %eq3A_2902, %add3A_2959, %select_n3A_2740 : vector<16xi1>, vector<16xf32>
          %mul3A_2961 = arith.constant 16 : i32
          %mul3A_2962 = arith.muli %scan3A_102, %mul3A_2961 : i32
          %add3A_2963 = arith.constant 13 : i32
          %add3A_2964 = arith.addi %mul3A_2962, %add3A_2963 : i32
          %get3A_2965 = arith.index_cast %select_n3A_74 : i32 to index
          %get3A_2966 = arith.index_cast %add3A_2964 : i32 to index
          %get3A_2967 = arith.constant 0 : index
          %get3A_2968 = tpu.vector_load %arg6[%get3A_2965, %get3A_2966, %get3A_2967] {strides = array<i32>} : memref<2x64x256xf32, #tpu.memory_space<vmem>>, vector<16xf32>,
          %mul3A_2969 = arith.mulf %get3A_11, %get3A_2968 : vector<16xf32>
          %mul3A_2970 = arith.constant 16 : i32
          %mul3A_2971 = arith.muli %scan3A_102, %mul3A_2970 : i32
          %add3A_2972 = arith.constant 13 : i32
          %add3A_2973 = arith.addi %mul3A_2971, %add3A_2972 : i32
          %get3A_2974 = arith.index_cast %select_n3A_74 : i32 to index
          %get3A_2975 = arith.index_cast %add3A_2973 : i32 to index
          %get3A_2976 = arith.constant 16 : index
          %get3A_2977 = tpu.vector_load %arg6[%get3A_2974, %get3A_2975, %get3A_2976] {strides = array<i32>} : memref<2x64x256xf32, #tpu.memory_space<vmem>>, vector<16xf32>,
          %mul3A_2978 = arith.mulf %get3A_13, %get3A_2977 : vector<16xf32>
          %add3A_2979 = arith.addf %mul3A_2969, %mul3A_2978 : vector<16xf32>
          %mul3A_2980 = arith.constant 16 : i32
          %mul3A_2981 = arith.muli %scan3A_102, %mul3A_2980 : i32
          %add3A_2982 = arith.constant 13 : i32
          %add3A_2983 = arith.addi %mul3A_2981, %add3A_2982 : i32
          %get3A_2984 = arith.index_cast %select_n3A_74 : i32 to index
          %get3A_2985 = arith.index_cast %add3A_2983 : i32 to index
          %get3A_2986 = arith.constant 32 : index
          %get3A_2987 = tpu.vector_load %arg6[%get3A_2984, %get3A_2985, %get3A_2986] {strides = array<i32>} : memref<2x64x256xf32, #tpu.memory_space<vmem>>, vector<16xf32>,
          %mul3A_2988 = arith.mulf %get3A_15, %get3A_2987 : vector<16xf32>
          %add3A_2989 = arith.addf %add3A_2979, %mul3A_2988 : vector<16xf32>
          %mul3A_2990 = arith.constant 16 : i32
          %mul3A_2991 = arith.muli %scan3A_102, %mul3A_2990 : i32
          %add3A_2992 = arith.constant 13 : i32
          %add3A_2993 = arith.addi %mul3A_2991, %add3A_2992 : i32
          %get3A_2994 = arith.index_cast %select_n3A_74 : i32 to index
          %get3A_2995 = arith.index_cast %add3A_2993 : i32 to index
          %get3A_2996 = arith.constant 48 : index
          %get3A_2997 = tpu.vector_load %arg6[%get3A_2994, %get3A_2995, %get3A_2996] {strides = array<i32>} : memref<2x64x256xf32, #tpu.memory_space<vmem>>, vector<16xf32>,
          %mul3A_2998 = arith.mulf %get3A_17, %get3A_2997 : vector<16xf32>
          %add3A_2999 = arith.addf %add3A_2989, %mul3A_2998 : vector<16xf32>
          %mul3A_3000 = arith.constant 16 : i32
          %mul3A_3001 = arith.muli %scan3A_102, %mul3A_3000 : i32
          %add3A_3002 = arith.constant 13 : i32
          %add3A_3003 = arith.addi %mul3A_3001, %add3A_3002 : i32
          %get3A_3004 = arith.index_cast %select_n3A_74 : i32 to index
          %get3A_3005 = arith.index_cast %add3A_3003 : i32 to index
          %get3A_3006 = arith.constant 64 : index
          %get3A_3007 = tpu.vector_load %arg6[%get3A_3004, %get3A_3005, %get3A_3006] {strides = array<i32>} : memref<2x64x256xf32, #tpu.memory_space<vmem>>, vector<16xf32>,
          %mul3A_3008 = arith.mulf %get3A_19, %get3A_3007 : vector<16xf32>
          %add3A_3009 = arith.addf %add3A_2999, %mul3A_3008 : vector<16xf32>
          %mul3A_3010 = arith.constant 16 : i32
          %mul3A_3011 = arith.muli %scan3A_102, %mul3A_3010 : i32
          %add3A_3012 = arith.constant 13 : i32
          %add3A_3013 = arith.addi %mul3A_3011, %add3A_3012 : i32
          %get3A_3014 = arith.index_cast %select_n3A_74 : i32 to index
          %get3A_3015 = arith.index_cast %add3A_3013 : i32 to index
          %get3A_3016 = arith.constant 80 : index
          %get3A_3017 = tpu.vector_load %arg6[%get3A_3014, %get3A_3015, %get3A_3016] {strides = array<i32>} : memref<2x64x256xf32, #tpu.memory_space<vmem>>, vector<16xf32>,
          %mul3A_3018 = arith.mulf %get3A_21, %get3A_3017 : vector<16xf32>
          %add3A_3019 = arith.addf %add3A_3009, %mul3A_3018 : vector<16xf32>
          %mul3A_3020 = arith.constant 16 : i32
          %mul3A_3021 = arith.muli %scan3A_102, %mul3A_3020 : i32
          %add3A_3022 = arith.constant 13 : i32
          %add3A_3023 = arith.addi %mul3A_3021, %add3A_3022 : i32
          %get3A_3024 = arith.index_cast %select_n3A_74 : i32 to index
          %get3A_3025 = arith.index_cast %add3A_3023 : i32 to index
          %get3A_3026 = arith.constant 96 : index
          %get3A_3027 = tpu.vector_load %arg6[%get3A_3024, %get3A_3025, %get3A_3026] {strides = array<i32>} : memref<2x64x256xf32, #tpu.memory_space<vmem>>, vector<16xf32>,
          %mul3A_3028 = arith.mulf %get3A_23, %get3A_3027 : vector<16xf32>
          %add3A_3029 = arith.addf %add3A_3019, %mul3A_3028 : vector<16xf32>
          %mul3A_3030 = arith.constant 16 : i32
          %mul3A_3031 = arith.muli %scan3A_102, %mul3A_3030 : i32
          %add3A_3032 = arith.constant 13 : i32
          %add3A_3033 = arith.addi %mul3A_3031, %add3A_3032 : i32
          %get3A_3034 = arith.index_cast %select_n3A_74 : i32 to index
          %get3A_3035 = arith.index_cast %add3A_3033 : i32 to index
          %get3A_3036 = arith.constant 112 : index
          %get3A_3037 = tpu.vector_load %arg6[%get3A_3034, %get3A_3035, %get3A_3036] {strides = array<i32>} : memref<2x64x256xf32, #tpu.memory_space<vmem>>, vector<16xf32>,
          %mul3A_3038 = arith.mulf %get3A_25, %get3A_3037 : vector<16xf32>
          %add3A_3039 = arith.addf %add3A_3029, %mul3A_3038 : vector<16xf32>
          %mul3A_3040 = arith.constant 16 : i32
          %mul3A_3041 = arith.muli %scan3A_102, %mul3A_3040 : i32
          %add3A_3042 = arith.constant 13 : i32
          %add3A_3043 = arith.addi %mul3A_3041, %add3A_3042 : i32
          %get3A_3044 = arith.index_cast %select_n3A_74 : i32 to index
          %get3A_3045 = arith.index_cast %add3A_3043 : i32 to index
          %get3A_3046 = arith.constant 128 : index
          %get3A_3047 = tpu.vector_load %arg6[%get3A_3044, %get3A_3045, %get3A_3046] {strides = array<i32>} : memref<2x64x256xf32, #tpu.memory_space<vmem>>, vector<16xf32>,
          %mul3A_3048 = arith.mulf %get3A_27, %get3A_3047 : vector<16xf32>
          %add3A_3049 = arith.addf %add3A_3039, %mul3A_3048 : vector<16xf32>
          %mul3A_3050 = arith.constant 16 : i32
          %mul3A_3051 = arith.muli %scan3A_102, %mul3A_3050 : i32
          %add3A_3052 = arith.constant 13 : i32
          %add3A_3053 = arith.addi %mul3A_3051, %add3A_3052 : i32
          %get3A_3054 = arith.index_cast %select_n3A_74 : i32 to index
          %get3A_3055 = arith.index_cast %add3A_3053 : i32 to index
          %get3A_3056 = arith.constant 144 : index
          %get3A_3057 = tpu.vector_load %arg6[%get3A_3054, %get3A_3055, %get3A_3056] {strides = array<i32>} : memref<2x64x256xf32, #tpu.memory_space<vmem>>, vector<16xf32>,
          %mul3A_3058 = arith.mulf %get3A_29, %get3A_3057 : vector<16xf32>
          %add3A_3059 = arith.addf %add3A_3049, %mul3A_3058 : vector<16xf32>
          %mul3A_3060 = arith.constant 16 : i32
          %mul3A_3061 = arith.muli %scan3A_102, %mul3A_3060 : i32
          %add3A_3062 = arith.constant 13 : i32
          %add3A_3063 = arith.addi %mul3A_3061, %add3A_3062 : i32
          %get3A_3064 = arith.index_cast %select_n3A_74 : i32 to index
          %get3A_3065 = arith.index_cast %add3A_3063 : i32 to index
          %get3A_3066 = arith.constant 160 : index
          %get3A_3067 = tpu.vector_load %arg6[%get3A_3064, %get3A_3065, %get3A_3066] {strides = array<i32>} : memref<2x64x256xf32, #tpu.memory_space<vmem>>, vector<16xf32>,
          %mul3A_3068 = arith.mulf %get3A_31, %get3A_3067 : vector<16xf32>
          %add3A_3069 = arith.addf %add3A_3059, %mul3A_3068 : vector<16xf32>
          %mul3A_3070 = arith.constant 16 : i32
          %mul3A_3071 = arith.muli %scan3A_102, %mul3A_3070 : i32
          %add3A_3072 = arith.constant 13 : i32
          %add3A_3073 = arith.addi %mul3A_3071, %add3A_3072 : i32
          %get3A_3074 = arith.index_cast %select_n3A_74 : i32 to index
          %get3A_3075 = arith.index_cast %add3A_3073 : i32 to index
          %get3A_3076 = arith.constant 176 : index
          %get3A_3077 = tpu.vector_load %arg6[%get3A_3074, %get3A_3075, %get3A_3076] {strides = array<i32>} : memref<2x64x256xf32, #tpu.memory_space<vmem>>, vector<16xf32>,
          %mul3A_3078 = arith.mulf %get3A_33, %get3A_3077 : vector<16xf32>
          %add3A_3079 = arith.addf %add3A_3069, %mul3A_3078 : vector<16xf32>
          %mul3A_3080 = arith.constant 16 : i32
          %mul3A_3081 = arith.muli %scan3A_102, %mul3A_3080 : i32
          %add3A_3082 = arith.constant 13 : i32
          %add3A_3083 = arith.addi %mul3A_3081, %add3A_3082 : i32
          %get3A_3084 = arith.index_cast %select_n3A_74 : i32 to index
          %get3A_3085 = arith.index_cast %add3A_3083 : i32 to index
          %get3A_3086 = arith.constant 192 : index
          %get3A_3087 = tpu.vector_load %arg6[%get3A_3084, %get3A_3085, %get3A_3086] {strides = array<i32>} : memref<2x64x256xf32, #tpu.memory_space<vmem>>, vector<16xf32>,
          %mul3A_3088 = arith.mulf %get3A_35, %get3A_3087 : vector<16xf32>
          %add3A_3089 = arith.addf %add3A_3079, %mul3A_3088 : vector<16xf32>
          %mul3A_3090 = arith.constant 16 : i32
          %mul3A_3091 = arith.muli %scan3A_102, %mul3A_3090 : i32
          %add3A_3092 = arith.constant 13 : i32
          %add3A_3093 = arith.addi %mul3A_3091, %add3A_3092 : i32
          %get3A_3094 = arith.index_cast %select_n3A_74 : i32 to index
          %get3A_3095 = arith.index_cast %add3A_3093 : i32 to index
          %get3A_3096 = arith.constant 208 : index
          %get3A_3097 = tpu.vector_load %arg6[%get3A_3094, %get3A_3095, %get3A_3096] {strides = array<i32>} : memref<2x64x256xf32, #tpu.memory_space<vmem>>, vector<16xf32>,
          %mul3A_3098 = arith.mulf %get3A_37, %get3A_3097 : vector<16xf32>
          %add3A_3099 = arith.addf %add3A_3089, %mul3A_3098 : vector<16xf32>
          %mul3A_3100 = arith.constant 16 : i32
          %mul3A_3101 = arith.muli %scan3A_102, %mul3A_3100 : i32
          %add3A_3102 = arith.constant 13 : i32
          %add3A_3103 = arith.addi %mul3A_3101, %add3A_3102 : i32
          %get3A_3104 = arith.index_cast %select_n3A_74 : i32 to index
          %get3A_3105 = arith.index_cast %add3A_3103 : i32 to index
          %get3A_3106 = arith.constant 224 : index
          %get3A_3107 = tpu.vector_load %arg6[%get3A_3104, %get3A_3105, %get3A_3106] {strides = array<i32>} : memref<2x64x256xf32, #tpu.memory_space<vmem>>, vector<16xf32>,
          %mul3A_3108 = arith.mulf %get3A_39, %get3A_3107 : vector<16xf32>
          %add3A_3109 = arith.addf %add3A_3099, %mul3A_3108 : vector<16xf32>
          %mul3A_3110 = arith.constant 16 : i32
          %mul3A_3111 = arith.muli %scan3A_102, %mul3A_3110 : i32
          %add3A_3112 = arith.constant 13 : i32
          %add3A_3113 = arith.addi %mul3A_3111, %add3A_3112 : i32
          %get3A_3114 = arith.index_cast %select_n3A_74 : i32 to index
          %get3A_3115 = arith.index_cast %add3A_3113 : i32 to index
          %get3A_3116 = arith.constant 240 : index
          %get3A_3117 = tpu.vector_load %arg6[%get3A_3114, %get3A_3115, %get3A_3116] {strides = array<i32>} : memref<2x64x256xf32, #tpu.memory_space<vmem>>, vector<16xf32>,
          %mul3A_3118 = arith.mulf %get3A_41, %get3A_3117 : vector<16xf32>
          %add3A_3119 = arith.addf %add3A_3109, %mul3A_3118 : vector<16xf32>
          %eq3A_3120 = arith.constant 13 : i32
          %eq3A_3121 = vector.broadcast %eq3A_3120 : i32 to vector<16xi32>
          %eq3A_3122 = arith.cmpi eq, %iota3A, %eq3A_3121 : vector<16xi32>
          %iota3A_3123 = tpu.iota {dimensions = array<i32: 0>} : vector<16xi32>
          %xor3A_3124 = arith.constant 1 : i32
          %xor3A_3125 = vector.broadcast %xor3A_3124 : i32 to vector<16xi32>
          %xor3A_3126 = arith.xori %iota3A_3123, %xor3A_3125 : vector<16xi32>
          %lt3A_3127 = arith.constant 0 : i32
          %lt3A_3128 = vector.broadcast %lt3A_3127 : i32 to vector<16xi32>
          %lt3A_3129 = arith.cmpi slt, %xor3A_3126, %lt3A_3128 : vector<16xi32>
          %add3A_3130 = arith.constant 16 : i32
          %add3A_3131 = vector.broadcast %add3A_3130 : i32 to vector<16xi32>
          %add3A_3132 = arith.addi %xor3A_3126, %add3A_3131 : vector<16xi32>
          %select_n3A_3133 = arith.select %lt3A_3129, %add3A_3132, %xor3A_3126 : vector<16xi1>, vector<16xi32>
          %reshape3A_3134 = vector.shape_cast %select_n3A_3133 : vector<16xi32> to vector<16x1xi32>
          %gather3A_3135 = vector.shape_cast %reshape3A_3134 : vector<16x1xi32> to vector<16xi32>
          %gather3A_3136 = tpu.dynamic_gather %add3A_3119[%gather3A_3135] in [0] : vector<16xf32>, vector<16xi32> -> vector<16xf32>
          %add3A_3137 = arith.addf %add3A_3119, %gather3A_3136 : vector<16xf32>
          %xor3A_3138 = arith.constant 2 : i32
          %xor3A_3139 = vector.broadcast %xor3A_3138 : i32 to vector<16xi32>
          %xor3A_3140 = arith.xori %iota3A_3123, %xor3A_3139 : vector<16xi32>
          %lt3A_3141 = arith.constant 0 : i32
          %lt3A_3142 = vector.broadcast %lt3A_3141 : i32 to vector<16xi32>
          %lt3A_3143 = arith.cmpi slt, %xor3A_3140, %lt3A_3142 : vector<16xi32>
          %add3A_3144 = arith.constant 16 : i32
          %add3A_3145 = vector.broadcast %add3A_3144 : i32 to vector<16xi32>
          %add3A_3146 = arith.addi %xor3A_3140, %add3A_3145 : vector<16xi32>
          %select_n3A_3147 = arith.select %lt3A_3143, %add3A_3146, %xor3A_3140 : vector<16xi1>, vector<16xi32>
          %reshape3A_3148 = vector.shape_cast %select_n3A_3147 : vector<16xi32> to vector<16x1xi32>
          %gather3A_3149 = vector.shape_cast %reshape3A_3148 : vector<16x1xi32> to vector<16xi32>
          %gather3A_3150 = tpu.dynamic_gather %add3A_3137[%gather3A_3149] in [0] : vector<16xf32>, vector<16xi32> -> vector<16xf32>
          %add3A_3151 = arith.addf %add3A_3137, %gather3A_3150 : vector<16xf32>
          %xor3A_3152 = arith.constant 4 : i32
          %xor3A_3153 = vector.broadcast %xor3A_3152 : i32 to vector<16xi32>
          %xor3A_3154 = arith.xori %iota3A_3123, %xor3A_3153 : vector<16xi32>
          %lt3A_3155 = arith.constant 0 : i32
          %lt3A_3156 = vector.broadcast %lt3A_3155 : i32 to vector<16xi32>
          %lt3A_3157 = arith.cmpi slt, %xor3A_3154, %lt3A_3156 : vector<16xi32>
          %add3A_3158 = arith.constant 16 : i32
          %add3A_3159 = vector.broadcast %add3A_3158 : i32 to vector<16xi32>
          %add3A_3160 = arith.addi %xor3A_3154, %add3A_3159 : vector<16xi32>
          %select_n3A_3161 = arith.select %lt3A_3157, %add3A_3160, %xor3A_3154 : vector<16xi1>, vector<16xi32>
          %reshape3A_3162 = vector.shape_cast %select_n3A_3161 : vector<16xi32> to vector<16x1xi32>
          %gather3A_3163 = vector.shape_cast %reshape3A_3162 : vector<16x1xi32> to vector<16xi32>
          %gather3A_3164 = tpu.dynamic_gather %add3A_3151[%gather3A_3163] in [0] : vector<16xf32>, vector<16xi32> -> vector<16xf32>
          %add3A_3165 = arith.addf %add3A_3151, %gather3A_3164 : vector<16xf32>
          %xor3A_3166 = arith.constant 8 : i32
          %xor3A_3167 = vector.broadcast %xor3A_3166 : i32 to vector<16xi32>
          %xor3A_3168 = arith.xori %iota3A_3123, %xor3A_3167 : vector<16xi32>
          %lt3A_3169 = arith.constant 0 : i32
          %lt3A_3170 = vector.broadcast %lt3A_3169 : i32 to vector<16xi32>
          %lt3A_3171 = arith.cmpi slt, %xor3A_3168, %lt3A_3170 : vector<16xi32>
          %add3A_3172 = arith.constant 16 : i32
          %add3A_3173 = vector.broadcast %add3A_3172 : i32 to vector<16xi32>
          %add3A_3174 = arith.addi %xor3A_3168, %add3A_3173 : vector<16xi32>
          %select_n3A_3175 = arith.select %lt3A_3171, %add3A_3174, %xor3A_3168 : vector<16xi1>, vector<16xi32>
          %reshape3A_3176 = vector.shape_cast %select_n3A_3175 : vector<16xi32> to vector<16x1xi32>
          %gather3A_3177 = vector.shape_cast %reshape3A_3176 : vector<16x1xi32> to vector<16xi32>
          %gather3A_3178 = tpu.dynamic_gather %add3A_3165[%gather3A_3177] in [0] : vector<16xf32>, vector<16xi32> -> vector<16xf32>
          %add3A_3179 = arith.addf %add3A_3165, %gather3A_3178 : vector<16xf32>
          %select_n3A_3180 = arith.select %eq3A_3122, %add3A_3179, %select_n3A_2960 : vector<16xi1>, vector<16xf32>
          %mul3A_3181 = arith.constant 16 : i32
          %mul3A_3182 = arith.muli %scan3A_102, %mul3A_3181 : i32
          %add3A_3183 = arith.constant 14 : i32
          %add3A_3184 = arith.addi %mul3A_3182, %add3A_3183 : i32
          %get3A_3185 = arith.index_cast %select_n3A_74 : i32 to index
          %get3A_3186 = arith.index_cast %add3A_3184 : i32 to index
          %get3A_3187 = arith.constant 0 : index
          %get3A_3188 = tpu.vector_load %arg6[%get3A_3185, %get3A_3186, %get3A_3187] {strides = array<i32>} : memref<2x64x256xf32, #tpu.memory_space<vmem>>, vector<16xf32>,
          %mul3A_3189 = arith.mulf %get3A_11, %get3A_3188 : vector<16xf32>
          %mul3A_3190 = arith.constant 16 : i32
          %mul3A_3191 = arith.muli %scan3A_102, %mul3A_3190 : i32
          %add3A_3192 = arith.constant 14 : i32
          %add3A_3193 = arith.addi %mul3A_3191, %add3A_3192 : i32
          %get3A_3194 = arith.index_cast %select_n3A_74 : i32 to index
          %get3A_3195 = arith.index_cast %add3A_3193 : i32 to index
          %get3A_3196 = arith.constant 16 : index
          %get3A_3197 = tpu.vector_load %arg6[%get3A_3194, %get3A_3195, %get3A_3196] {strides = array<i32>} : memref<2x64x256xf32, #tpu.memory_space<vmem>>, vector<16xf32>,
          %mul3A_3198 = arith.mulf %get3A_13, %get3A_3197 : vector<16xf32>
          %add3A_3199 = arith.addf %mul3A_3189, %mul3A_3198 : vector<16xf32>
          %mul3A_3200 = arith.constant 16 : i32
          %mul3A_3201 = arith.muli %scan3A_102, %mul3A_3200 : i32
          %add3A_3202 = arith.constant 14 : i32
          %add3A_3203 = arith.addi %mul3A_3201, %add3A_3202 : i32
          %get3A_3204 = arith.index_cast %select_n3A_74 : i32 to index
          %get3A_3205 = arith.index_cast %add3A_3203 : i32 to index
          %get3A_3206 = arith.constant 32 : index
          %get3A_3207 = tpu.vector_load %arg6[%get3A_3204, %get3A_3205, %get3A_3206] {strides = array<i32>} : memref<2x64x256xf32, #tpu.memory_space<vmem>>, vector<16xf32>,
          %mul3A_3208 = arith.mulf %get3A_15, %get3A_3207 : vector<16xf32>
          %add3A_3209 = arith.addf %add3A_3199, %mul3A_3208 : vector<16xf32>
          %mul3A_3210 = arith.constant 16 : i32
          %mul3A_3211 = arith.muli %scan3A_102, %mul3A_3210 : i32
          %add3A_3212 = arith.constant 14 : i32
          %add3A_3213 = arith.addi %mul3A_3211, %add3A_3212 : i32
          %get3A_3214 = arith.index_cast %select_n3A_74 : i32 to index
          %get3A_3215 = arith.index_cast %add3A_3213 : i32 to index
          %get3A_3216 = arith.constant 48 : index
          %get3A_3217 = tpu.vector_load %arg6[%get3A_3214, %get3A_3215, %get3A_3216] {strides = array<i32>} : memref<2x64x256xf32, #tpu.memory_space<vmem>>, vector<16xf32>,
          %mul3A_3218 = arith.mulf %get3A_17, %get3A_3217 : vector<16xf32>
          %add3A_3219 = arith.addf %add3A_3209, %mul3A_3218 : vector<16xf32>
          %mul3A_3220 = arith.constant 16 : i32
          %mul3A_3221 = arith.muli %scan3A_102, %mul3A_3220 : i32
          %add3A_3222 = arith.constant 14 : i32
          %add3A_3223 = arith.addi %mul3A_3221, %add3A_3222 : i32
          %get3A_3224 = arith.index_cast %select_n3A_74 : i32 to index
          %get3A_3225 = arith.index_cast %add3A_3223 : i32 to index
          %get3A_3226 = arith.constant 64 : index
          %get3A_3227 = tpu.vector_load %arg6[%get3A_3224, %get3A_3225, %get3A_3226] {strides = array<i32>} : memref<2x64x256xf32, #tpu.memory_space<vmem>>, vector<16xf32>,
          %mul3A_3228 = arith.mulf %get3A_19, %get3A_3227 : vector<16xf32>
          %add3A_3229 = arith.addf %add3A_3219, %mul3A_3228 : vector<16xf32>
          %mul3A_3230 = arith.constant 16 : i32
          %mul3A_3231 = arith.muli %scan3A_102, %mul3A_3230 : i32
          %add3A_3232 = arith.constant 14 : i32
          %add3A_3233 = arith.addi %mul3A_3231, %add3A_3232 : i32
          %get3A_3234 = arith.index_cast %select_n3A_74 : i32 to index
          %get3A_3235 = arith.index_cast %add3A_3233 : i32 to index
          %get3A_3236 = arith.constant 80 : index
          %get3A_3237 = tpu.vector_load %arg6[%get3A_3234, %get3A_3235, %get3A_3236] {strides = array<i32>} : memref<2x64x256xf32, #tpu.memory_space<vmem>>, vector<16xf32>,
          %mul3A_3238 = arith.mulf %get3A_21, %get3A_3237 : vector<16xf32>
          %add3A_3239 = arith.addf %add3A_3229, %mul3A_3238 : vector<16xf32>
          %mul3A_3240 = arith.constant 16 : i32
          %mul3A_3241 = arith.muli %scan3A_102, %mul3A_3240 : i32
          %add3A_3242 = arith.constant 14 : i32
          %add3A_3243 = arith.addi %mul3A_3241, %add3A_3242 : i32
          %get3A_3244 = arith.index_cast %select_n3A_74 : i32 to index
          %get3A_3245 = arith.index_cast %add3A_3243 : i32 to index
          %get3A_3246 = arith.constant 96 : index
          %get3A_3247 = tpu.vector_load %arg6[%get3A_3244, %get3A_3245, %get3A_3246] {strides = array<i32>} : memref<2x64x256xf32, #tpu.memory_space<vmem>>, vector<16xf32>,
          %mul3A_3248 = arith.mulf %get3A_23, %get3A_3247 : vector<16xf32>
          %add3A_3249 = arith.addf %add3A_3239, %mul3A_3248 : vector<16xf32>
          %mul3A_3250 = arith.constant 16 : i32
          %mul3A_3251 = arith.muli %scan3A_102, %mul3A_3250 : i32
          %add3A_3252 = arith.constant 14 : i32
          %add3A_3253 = arith.addi %mul3A_3251, %add3A_3252 : i32
          %get3A_3254 = arith.index_cast %select_n3A_74 : i32 to index
          %get3A_3255 = arith.index_cast %add3A_3253 : i32 to index
          %get3A_3256 = arith.constant 112 : index
          %get3A_3257 = tpu.vector_load %arg6[%get3A_3254, %get3A_3255, %get3A_3256] {strides = array<i32>} : memref<2x64x256xf32, #tpu.memory_space<vmem>>, vector<16xf32>,
          %mul3A_3258 = arith.mulf %get3A_25, %get3A_3257 : vector<16xf32>
          %add3A_3259 = arith.addf %add3A_3249, %mul3A_3258 : vector<16xf32>
          %mul3A_3260 = arith.constant 16 : i32
          %mul3A_3261 = arith.muli %scan3A_102, %mul3A_3260 : i32
          %add3A_3262 = arith.constant 14 : i32
          %add3A_3263 = arith.addi %mul3A_3261, %add3A_3262 : i32
          %get3A_3264 = arith.index_cast %select_n3A_74 : i32 to index
          %get3A_3265 = arith.index_cast %add3A_3263 : i32 to index
          %get3A_3266 = arith.constant 128 : index
          %get3A_3267 = tpu.vector_load %arg6[%get3A_3264, %get3A_3265, %get3A_3266] {strides = array<i32>} : memref<2x64x256xf32, #tpu.memory_space<vmem>>, vector<16xf32>,
          %mul3A_3268 = arith.mulf %get3A_27, %get3A_3267 : vector<16xf32>
          %add3A_3269 = arith.addf %add3A_3259, %mul3A_3268 : vector<16xf32>
          %mul3A_3270 = arith.constant 16 : i32
          %mul3A_3271 = arith.muli %scan3A_102, %mul3A_3270 : i32
          %add3A_3272 = arith.constant 14 : i32
          %add3A_3273 = arith.addi %mul3A_3271, %add3A_3272 : i32
          %get3A_3274 = arith.index_cast %select_n3A_74 : i32 to index
          %get3A_3275 = arith.index_cast %add3A_3273 : i32 to index
          %get3A_3276 = arith.constant 144 : index
          %get3A_3277 = tpu.vector_load %arg6[%get3A_3274, %get3A_3275, %get3A_3276] {strides = array<i32>} : memref<2x64x256xf32, #tpu.memory_space<vmem>>, vector<16xf32>,
          %mul3A_3278 = arith.mulf %get3A_29, %get3A_3277 : vector<16xf32>
          %add3A_3279 = arith.addf %add3A_3269, %mul3A_3278 : vector<16xf32>
          %mul3A_3280 = arith.constant 16 : i32
          %mul3A_3281 = arith.muli %scan3A_102, %mul3A_3280 : i32
          %add3A_3282 = arith.constant 14 : i32
          %add3A_3283 = arith.addi %mul3A_3281, %add3A_3282 : i32
          %get3A_3284 = arith.index_cast %select_n3A_74 : i32 to index
          %get3A_3285 = arith.index_cast %add3A_3283 : i32 to index
          %get3A_3286 = arith.constant 160 : index
          %get3A_3287 = tpu.vector_load %arg6[%get3A_3284, %get3A_3285, %get3A_3286] {strides = array<i32>} : memref<2x64x256xf32, #tpu.memory_space<vmem>>, vector<16xf32>,
          %mul3A_3288 = arith.mulf %get3A_31, %get3A_3287 : vector<16xf32>
          %add3A_3289 = arith.addf %add3A_3279, %mul3A_3288 : vector<16xf32>
          %mul3A_3290 = arith.constant 16 : i32
          %mul3A_3291 = arith.muli %scan3A_102, %mul3A_3290 : i32
          %add3A_3292 = arith.constant 14 : i32
          %add3A_3293 = arith.addi %mul3A_3291, %add3A_3292 : i32
          %get3A_3294 = arith.index_cast %select_n3A_74 : i32 to index
          %get3A_3295 = arith.index_cast %add3A_3293 : i32 to index
          %get3A_3296 = arith.constant 176 : index
          %get3A_3297 = tpu.vector_load %arg6[%get3A_3294, %get3A_3295, %get3A_3296] {strides = array<i32>} : memref<2x64x256xf32, #tpu.memory_space<vmem>>, vector<16xf32>,
          %mul3A_3298 = arith.mulf %get3A_33, %get3A_3297 : vector<16xf32>
          %add3A_3299 = arith.addf %add3A_3289, %mul3A_3298 : vector<16xf32>
          %mul3A_3300 = arith.constant 16 : i32
          %mul3A_3301 = arith.muli %scan3A_102, %mul3A_3300 : i32
          %add3A_3302 = arith.constant 14 : i32
          %add3A_3303 = arith.addi %mul3A_3301, %add3A_3302 : i32
          %get3A_3304 = arith.index_cast %select_n3A_74 : i32 to index
          %get3A_3305 = arith.index_cast %add3A_3303 : i32 to index
          %get3A_3306 = arith.constant 192 : index
          %get3A_3307 = tpu.vector_load %arg6[%get3A_3304, %get3A_3305, %get3A_3306] {strides = array<i32>} : memref<2x64x256xf32, #tpu.memory_space<vmem>>, vector<16xf32>,
          %mul3A_3308 = arith.mulf %get3A_35, %get3A_3307 : vector<16xf32>
          %add3A_3309 = arith.addf %add3A_3299, %mul3A_3308 : vector<16xf32>
          %mul3A_3310 = arith.constant 16 : i32
          %mul3A_3311 = arith.muli %scan3A_102, %mul3A_3310 : i32
          %add3A_3312 = arith.constant 14 : i32
          %add3A_3313 = arith.addi %mul3A_3311, %add3A_3312 : i32
          %get3A_3314 = arith.index_cast %select_n3A_74 : i32 to index
          %get3A_3315 = arith.index_cast %add3A_3313 : i32 to index
          %get3A_3316 = arith.constant 208 : index
          %get3A_3317 = tpu.vector_load %arg6[%get3A_3314, %get3A_3315, %get3A_3316] {strides = array<i32>} : memref<2x64x256xf32, #tpu.memory_space<vmem>>, vector<16xf32>,
          %mul3A_3318 = arith.mulf %get3A_37, %get3A_3317 : vector<16xf32>
          %add3A_3319 = arith.addf %add3A_3309, %mul3A_3318 : vector<16xf32>
          %mul3A_3320 = arith.constant 16 : i32
          %mul3A_3321 = arith.muli %scan3A_102, %mul3A_3320 : i32
          %add3A_3322 = arith.constant 14 : i32
          %add3A_3323 = arith.addi %mul3A_3321, %add3A_3322 : i32
          %get3A_3324 = arith.index_cast %select_n3A_74 : i32 to index
          %get3A_3325 = arith.index_cast %add3A_3323 : i32 to index
          %get3A_3326 = arith.constant 224 : index
          %get3A_3327 = tpu.vector_load %arg6[%get3A_3324, %get3A_3325, %get3A_3326] {strides = array<i32>} : memref<2x64x256xf32, #tpu.memory_space<vmem>>, vector<16xf32>,
          %mul3A_3328 = arith.mulf %get3A_39, %get3A_3327 : vector<16xf32>
          %add3A_3329 = arith.addf %add3A_3319, %mul3A_3328 : vector<16xf32>
          %mul3A_3330 = arith.constant 16 : i32
          %mul3A_3331 = arith.muli %scan3A_102, %mul3A_3330 : i32
          %add3A_3332 = arith.constant 14 : i32
          %add3A_3333 = arith.addi %mul3A_3331, %add3A_3332 : i32
          %get3A_3334 = arith.index_cast %select_n3A_74 : i32 to index
          %get3A_3335 = arith.index_cast %add3A_3333 : i32 to index
          %get3A_3336 = arith.constant 240 : index
          %get3A_3337 = tpu.vector_load %arg6[%get3A_3334, %get3A_3335, %get3A_3336] {strides = array<i32>} : memref<2x64x256xf32, #tpu.memory_space<vmem>>, vector<16xf32>,
          %mul3A_3338 = arith.mulf %get3A_41, %get3A_3337 : vector<16xf32>
          %add3A_3339 = arith.addf %add3A_3329, %mul3A_3338 : vector<16xf32>
          %eq3A_3340 = arith.constant 14 : i32
          %eq3A_3341 = vector.broadcast %eq3A_3340 : i32 to vector<16xi32>
          %eq3A_3342 = arith.cmpi eq, %iota3A, %eq3A_3341 : vector<16xi32>
          %iota3A_3343 = tpu.iota {dimensions = array<i32: 0>} : vector<16xi32>
          %xor3A_3344 = arith.constant 1 : i32
          %xor3A_3345 = vector.broadcast %xor3A_3344 : i32 to vector<16xi32>
          %xor3A_3346 = arith.xori %iota3A_3343, %xor3A_3345 : vector<16xi32>
          %lt3A_3347 = arith.constant 0 : i32
          %lt3A_3348 = vector.broadcast %lt3A_3347 : i32 to vector<16xi32>
          %lt3A_3349 = arith.cmpi slt, %xor3A_3346, %lt3A_3348 : vector<16xi32>
          %add3A_3350 = arith.constant 16 : i32
          %add3A_3351 = vector.broadcast %add3A_3350 : i32 to vector<16xi32>
          %add3A_3352 = arith.addi %xor3A_3346, %add3A_3351 : vector<16xi32>
          %select_n3A_3353 = arith.select %lt3A_3349, %add3A_3352, %xor3A_3346 : vector<16xi1>, vector<16xi32>
          %reshape3A_3354 = vector.shape_cast %select_n3A_3353 : vector<16xi32> to vector<16x1xi32>
          %gather3A_3355 = vector.shape_cast %reshape3A_3354 : vector<16x1xi32> to vector<16xi32>
          %gather3A_3356 = tpu.dynamic_gather %add3A_3339[%gather3A_3355] in [0] : vector<16xf32>, vector<16xi32> -> vector<16xf32>
          %add3A_3357 = arith.addf %add3A_3339, %gather3A_3356 : vector<16xf32>
          %xor3A_3358 = arith.constant 2 : i32
          %xor3A_3359 = vector.broadcast %xor3A_3358 : i32 to vector<16xi32>
          %xor3A_3360 = arith.xori %iota3A_3343, %xor3A_3359 : vector<16xi32>
          %lt3A_3361 = arith.constant 0 : i32
          %lt3A_3362 = vector.broadcast %lt3A_3361 : i32 to vector<16xi32>
          %lt3A_3363 = arith.cmpi slt, %xor3A_3360, %lt3A_3362 : vector<16xi32>
          %add3A_3364 = arith.constant 16 : i32
          %add3A_3365 = vector.broadcast %add3A_3364 : i32 to vector<16xi32>
          %add3A_3366 = arith.addi %xor3A_3360, %add3A_3365 : vector<16xi32>
          %select_n3A_3367 = arith.select %lt3A_3363, %add3A_3366, %xor3A_3360 : vector<16xi1>, vector<16xi32>
          %reshape3A_3368 = vector.shape_cast %select_n3A_3367 : vector<16xi32> to vector<16x1xi32>
          %gather3A_3369 = vector.shape_cast %reshape3A_3368 : vector<16x1xi32> to vector<16xi32>
          %gather3A_3370 = tpu.dynamic_gather %add3A_3357[%gather3A_3369] in [0] : vector<16xf32>, vector<16xi32> -> vector<16xf32>
          %add3A_3371 = arith.addf %add3A_3357, %gather3A_3370 : vector<16xf32>
          %xor3A_3372 = arith.constant 4 : i32
          %xor3A_3373 = vector.broadcast %xor3A_3372 : i32 to vector<16xi32>
          %xor3A_3374 = arith.xori %iota3A_3343, %xor3A_3373 : vector<16xi32>
          %lt3A_3375 = arith.constant 0 : i32
          %lt3A_3376 = vector.broadcast %lt3A_3375 : i32 to vector<16xi32>
          %lt3A_3377 = arith.cmpi slt, %xor3A_3374, %lt3A_3376 : vector<16xi32>
          %add3A_3378 = arith.constant 16 : i32
          %add3A_3379 = vector.broadcast %add3A_3378 : i32 to vector<16xi32>
          %add3A_3380 = arith.addi %xor3A_3374, %add3A_3379 : vector<16xi32>
          %select_n3A_3381 = arith.select %lt3A_3377, %add3A_3380, %xor3A_3374 : vector<16xi1>, vector<16xi32>
          %reshape3A_3382 = vector.shape_cast %select_n3A_3381 : vector<16xi32> to vector<16x1xi32>
          %gather3A_3383 = vector.shape_cast %reshape3A_3382 : vector<16x1xi32> to vector<16xi32>
          %gather3A_3384 = tpu.dynamic_gather %add3A_3371[%gather3A_3383] in [0] : vector<16xf32>, vector<16xi32> -> vector<16xf32>
          %add3A_3385 = arith.addf %add3A_3371, %gather3A_3384 : vector<16xf32>
          %xor3A_3386 = arith.constant 8 : i32
          %xor3A_3387 = vector.broadcast %xor3A_3386 : i32 to vector<16xi32>
          %xor3A_3388 = arith.xori %iota3A_3343, %xor3A_3387 : vector<16xi32>
          %lt3A_3389 = arith.constant 0 : i32
          %lt3A_3390 = vector.broadcast %lt3A_3389 : i32 to vector<16xi32>
          %lt3A_3391 = arith.cmpi slt, %xor3A_3388, %lt3A_3390 : vector<16xi32>
          %add3A_3392 = arith.constant 16 : i32
          %add3A_3393 = vector.broadcast %add3A_3392 : i32 to vector<16xi32>
          %add3A_3394 = arith.addi %xor3A_3388, %add3A_3393 : vector<16xi32>
          %select_n3A_3395 = arith.select %lt3A_3391, %add3A_3394, %xor3A_3388 : vector<16xi1>, vector<16xi32>
          %reshape3A_3396 = vector.shape_cast %select_n3A_3395 : vector<16xi32> to vector<16x1xi32>
          %gather3A_3397 = vector.shape_cast %reshape3A_3396 : vector<16x1xi32> to vector<16xi32>
          %gather3A_3398 = tpu.dynamic_gather %add3A_3385[%gather3A_3397] in [0] : vector<16xf32>, vector<16xi32> -> vector<16xf32>
          %add3A_3399 = arith.addf %add3A_3385, %gather3A_3398 : vector<16xf32>
          %select_n3A_3400 = arith.select %eq3A_3342, %add3A_3399, %select_n3A_3180 : vector<16xi1>, vector<16xf32>
          %mul3A_3401 = arith.constant 16 : i32
          %mul3A_3402 = arith.muli %scan3A_102, %mul3A_3401 : i32
          %add3A_3403 = arith.constant 15 : i32
          %add3A_3404 = arith.addi %mul3A_3402, %add3A_3403 : i32
          %get3A_3405 = arith.index_cast %select_n3A_74 : i32 to index
          %get3A_3406 = arith.index_cast %add3A_3404 : i32 to index
          %get3A_3407 = arith.constant 0 : index
          %get3A_3408 = tpu.vector_load %arg6[%get3A_3405, %get3A_3406, %get3A_3407] {strides = array<i32>} : memref<2x64x256xf32, #tpu.memory_space<vmem>>, vector<16xf32>,
          %mul3A_3409 = arith.mulf %get3A_11, %get3A_3408 : vector<16xf32>
          %mul3A_3410 = arith.constant 16 : i32
          %mul3A_3411 = arith.muli %scan3A_102, %mul3A_3410 : i32
          %add3A_3412 = arith.constant 15 : i32
          %add3A_3413 = arith.addi %mul3A_3411, %add3A_3412 : i32
          %get3A_3414 = arith.index_cast %select_n3A_74 : i32 to index
          %get3A_3415 = arith.index_cast %add3A_3413 : i32 to index
          %get3A_3416 = arith.constant 16 : index
          %get3A_3417 = tpu.vector_load %arg6[%get3A_3414, %get3A_3415, %get3A_3416] {strides = array<i32>} : memref<2x64x256xf32, #tpu.memory_space<vmem>>, vector<16xf32>,
          %mul3A_3418 = arith.mulf %get3A_13, %get3A_3417 : vector<16xf32>
          %add3A_3419 = arith.addf %mul3A_3409, %mul3A_3418 : vector<16xf32>
          %mul3A_3420 = arith.constant 16 : i32
          %mul3A_3421 = arith.muli %scan3A_102, %mul3A_3420 : i32
          %add3A_3422 = arith.constant 15 : i32
          %add3A_3423 = arith.addi %mul3A_3421, %add3A_3422 : i32
          %get3A_3424 = arith.index_cast %select_n3A_74 : i32 to index
          %get3A_3425 = arith.index_cast %add3A_3423 : i32 to index
          %get3A_3426 = arith.constant 32 : index
          %get3A_3427 = tpu.vector_load %arg6[%get3A_3424, %get3A_3425, %get3A_3426] {strides = array<i32>} : memref<2x64x256xf32, #tpu.memory_space<vmem>>, vector<16xf32>,
          %mul3A_3428 = arith.mulf %get3A_15, %get3A_3427 : vector<16xf32>
          %add3A_3429 = arith.addf %add3A_3419, %mul3A_3428 : vector<16xf32>
          %mul3A_3430 = arith.constant 16 : i32
          %mul3A_3431 = arith.muli %scan3A_102, %mul3A_3430 : i32
          %add3A_3432 = arith.constant 15 : i32
          %add3A_3433 = arith.addi %mul3A_3431, %add3A_3432 : i32
          %get3A_3434 = arith.index_cast %select_n3A_74 : i32 to index
          %get3A_3435 = arith.index_cast %add3A_3433 : i32 to index
          %get3A_3436 = arith.constant 48 : index
          %get3A_3437 = tpu.vector_load %arg6[%get3A_3434, %get3A_3435, %get3A_3436] {strides = array<i32>} : memref<2x64x256xf32, #tpu.memory_space<vmem>>, vector<16xf32>,
          %mul3A_3438 = arith.mulf %get3A_17, %get3A_3437 : vector<16xf32>
          %add3A_3439 = arith.addf %add3A_3429, %mul3A_3438 : vector<16xf32>
          %mul3A_3440 = arith.constant 16 : i32
          %mul3A_3441 = arith.muli %scan3A_102, %mul3A_3440 : i32
          %add3A_3442 = arith.constant 15 : i32
          %add3A_3443 = arith.addi %mul3A_3441, %add3A_3442 : i32
          %get3A_3444 = arith.index_cast %select_n3A_74 : i32 to index
          %get3A_3445 = arith.index_cast %add3A_3443 : i32 to index
          %get3A_3446 = arith.constant 64 : index
          %get3A_3447 = tpu.vector_load %arg6[%get3A_3444, %get3A_3445, %get3A_3446] {strides = array<i32>} : memref<2x64x256xf32, #tpu.memory_space<vmem>>, vector<16xf32>,
          %mul3A_3448 = arith.mulf %get3A_19, %get3A_3447 : vector<16xf32>
          %add3A_3449 = arith.addf %add3A_3439, %mul3A_3448 : vector<16xf32>
          %mul3A_3450 = arith.constant 16 : i32
          %mul3A_3451 = arith.muli %scan3A_102, %mul3A_3450 : i32
          %add3A_3452 = arith.constant 15 : i32
          %add3A_3453 = arith.addi %mul3A_3451, %add3A_3452 : i32
          %get3A_3454 = arith.index_cast %select_n3A_74 : i32 to index
          %get3A_3455 = arith.index_cast %add3A_3453 : i32 to index
          %get3A_3456 = arith.constant 80 : index
          %get3A_3457 = tpu.vector_load %arg6[%get3A_3454, %get3A_3455, %get3A_3456] {strides = array<i32>} : memref<2x64x256xf32, #tpu.memory_space<vmem>>, vector<16xf32>,
          %mul3A_3458 = arith.mulf %get3A_21, %get3A_3457 : vector<16xf32>
          %add3A_3459 = arith.addf %add3A_3449, %mul3A_3458 : vector<16xf32>
          %mul3A_3460 = arith.constant 16 : i32
          %mul3A_3461 = arith.muli %scan3A_102, %mul3A_3460 : i32
          %add3A_3462 = arith.constant 15 : i32
          %add3A_3463 = arith.addi %mul3A_3461, %add3A_3462 : i32
          %get3A_3464 = arith.index_cast %select_n3A_74 : i32 to index
          %get3A_3465 = arith.index_cast %add3A_3463 : i32 to index
          %get3A_3466 = arith.constant 96 : index
          %get3A_3467 = tpu.vector_load %arg6[%get3A_3464, %get3A_3465, %get3A_3466] {strides = array<i32>} : memref<2x64x256xf32, #tpu.memory_space<vmem>>, vector<16xf32>,
          %mul3A_3468 = arith.mulf %get3A_23, %get3A_3467 : vector<16xf32>
          %add3A_3469 = arith.addf %add3A_3459, %mul3A_3468 : vector<16xf32>
          %mul3A_3470 = arith.constant 16 : i32
          %mul3A_3471 = arith.muli %scan3A_102, %mul3A_3470 : i32
          %add3A_3472 = arith.constant 15 : i32
          %add3A_3473 = arith.addi %mul3A_3471, %add3A_3472 : i32
          %get3A_3474 = arith.index_cast %select_n3A_74 : i32 to index
          %get3A_3475 = arith.index_cast %add3A_3473 : i32 to index
          %get3A_3476 = arith.constant 112 : index
          %get3A_3477 = tpu.vector_load %arg6[%get3A_3474, %get3A_3475, %get3A_3476] {strides = array<i32>} : memref<2x64x256xf32, #tpu.memory_space<vmem>>, vector<16xf32>,
          %mul3A_3478 = arith.mulf %get3A_25, %get3A_3477 : vector<16xf32>
          %add3A_3479 = arith.addf %add3A_3469, %mul3A_3478 : vector<16xf32>
          %mul3A_3480 = arith.constant 16 : i32
          %mul3A_3481 = arith.muli %scan3A_102, %mul3A_3480 : i32
          %add3A_3482 = arith.constant 15 : i32
          %add3A_3483 = arith.addi %mul3A_3481, %add3A_3482 : i32
          %get3A_3484 = arith.index_cast %select_n3A_74 : i32 to index
          %get3A_3485 = arith.index_cast %add3A_3483 : i32 to index
          %get3A_3486 = arith.constant 128 : index
          %get3A_3487 = tpu.vector_load %arg6[%get3A_3484, %get3A_3485, %get3A_3486] {strides = array<i32>} : memref<2x64x256xf32, #tpu.memory_space<vmem>>, vector<16xf32>,
          %mul3A_3488 = arith.mulf %get3A_27, %get3A_3487 : vector<16xf32>
          %add3A_3489 = arith.addf %add3A_3479, %mul3A_3488 : vector<16xf32>
          %mul3A_3490 = arith.constant 16 : i32
          %mul3A_3491 = arith.muli %scan3A_102, %mul3A_3490 : i32
          %add3A_3492 = arith.constant 15 : i32
          %add3A_3493 = arith.addi %mul3A_3491, %add3A_3492 : i32
          %get3A_3494 = arith.index_cast %select_n3A_74 : i32 to index
          %get3A_3495 = arith.index_cast %add3A_3493 : i32 to index
          %get3A_3496 = arith.constant 144 : index
          %get3A_3497 = tpu.vector_load %arg6[%get3A_3494, %get3A_3495, %get3A_3496] {strides = array<i32>} : memref<2x64x256xf32, #tpu.memory_space<vmem>>, vector<16xf32>,
          %mul3A_3498 = arith.mulf %get3A_29, %get3A_3497 : vector<16xf32>
          %add3A_3499 = arith.addf %add3A_3489, %mul3A_3498 : vector<16xf32>
          %mul3A_3500 = arith.constant 16 : i32
          %mul3A_3501 = arith.muli %scan3A_102, %mul3A_3500 : i32
          %add3A_3502 = arith.constant 15 : i32
          %add3A_3503 = arith.addi %mul3A_3501, %add3A_3502 : i32
          %get3A_3504 = arith.index_cast %select_n3A_74 : i32 to index
          %get3A_3505 = arith.index_cast %add3A_3503 : i32 to index
          %get3A_3506 = arith.constant 160 : index
          %get3A_3507 = tpu.vector_load %arg6[%get3A_3504, %get3A_3505, %get3A_3506] {strides = array<i32>} : memref<2x64x256xf32, #tpu.memory_space<vmem>>, vector<16xf32>,
          %mul3A_3508 = arith.mulf %get3A_31, %get3A_3507 : vector<16xf32>
          %add3A_3509 = arith.addf %add3A_3499, %mul3A_3508 : vector<16xf32>
          %mul3A_3510 = arith.constant 16 : i32
          %mul3A_3511 = arith.muli %scan3A_102, %mul3A_3510 : i32
          %add3A_3512 = arith.constant 15 : i32
          %add3A_3513 = arith.addi %mul3A_3511, %add3A_3512 : i32
          %get3A_3514 = arith.index_cast %select_n3A_74 : i32 to index
          %get3A_3515 = arith.index_cast %add3A_3513 : i32 to index
          %get3A_3516 = arith.constant 176 : index
          %get3A_3517 = tpu.vector_load %arg6[%get3A_3514, %get3A_3515, %get3A_3516] {strides = array<i32>} : memref<2x64x256xf32, #tpu.memory_space<vmem>>, vector<16xf32>,
          %mul3A_3518 = arith.mulf %get3A_33, %get3A_3517 : vector<16xf32>
          %add3A_3519 = arith.addf %add3A_3509, %mul3A_3518 : vector<16xf32>
          %mul3A_3520 = arith.constant 16 : i32
          %mul3A_3521 = arith.muli %scan3A_102, %mul3A_3520 : i32
          %add3A_3522 = arith.constant 15 : i32
          %add3A_3523 = arith.addi %mul3A_3521, %add3A_3522 : i32
          %get3A_3524 = arith.index_cast %select_n3A_74 : i32 to index
          %get3A_3525 = arith.index_cast %add3A_3523 : i32 to index
          %get3A_3526 = arith.constant 192 : index
          %get3A_3527 = tpu.vector_load %arg6[%get3A_3524, %get3A_3525, %get3A_3526] {strides = array<i32>} : memref<2x64x256xf32, #tpu.memory_space<vmem>>, vector<16xf32>,
          %mul3A_3528 = arith.mulf %get3A_35, %get3A_3527 : vector<16xf32>
          %add3A_3529 = arith.addf %add3A_3519, %mul3A_3528 : vector<16xf32>
          %mul3A_3530 = arith.constant 16 : i32
          %mul3A_3531 = arith.muli %scan3A_102, %mul3A_3530 : i32
          %add3A_3532 = arith.constant 15 : i32
          %add3A_3533 = arith.addi %mul3A_3531, %add3A_3532 : i32
          %get3A_3534 = arith.index_cast %select_n3A_74 : i32 to index
          %get3A_3535 = arith.index_cast %add3A_3533 : i32 to index
          %get3A_3536 = arith.constant 208 : index
          %get3A_3537 = tpu.vector_load %arg6[%get3A_3534, %get3A_3535, %get3A_3536] {strides = array<i32>} : memref<2x64x256xf32, #tpu.memory_space<vmem>>, vector<16xf32>,
          %mul3A_3538 = arith.mulf %get3A_37, %get3A_3537 : vector<16xf32>
          %add3A_3539 = arith.addf %add3A_3529, %mul3A_3538 : vector<16xf32>
          %mul3A_3540 = arith.constant 16 : i32
          %mul3A_3541 = arith.muli %scan3A_102, %mul3A_3540 : i32
          %add3A_3542 = arith.constant 15 : i32
          %add3A_3543 = arith.addi %mul3A_3541, %add3A_3542 : i32
          %get3A_3544 = arith.index_cast %select_n3A_74 : i32 to index
          %get3A_3545 = arith.index_cast %add3A_3543 : i32 to index
          %get3A_3546 = arith.constant 224 : index
          %get3A_3547 = tpu.vector_load %arg6[%get3A_3544, %get3A_3545, %get3A_3546] {strides = array<i32>} : memref<2x64x256xf32, #tpu.memory_space<vmem>>, vector<16xf32>,
          %mul3A_3548 = arith.mulf %get3A_39, %get3A_3547 : vector<16xf32>
          %add3A_3549 = arith.addf %add3A_3539, %mul3A_3548 : vector<16xf32>
          %mul3A_3550 = arith.constant 16 : i32
          %mul3A_3551 = arith.muli %scan3A_102, %mul3A_3550 : i32
          %add3A_3552 = arith.constant 15 : i32
          %add3A_3553 = arith.addi %mul3A_3551, %add3A_3552 : i32
          %get3A_3554 = arith.index_cast %select_n3A_74 : i32 to index
          %get3A_3555 = arith.index_cast %add3A_3553 : i32 to index
          %get3A_3556 = arith.constant 240 : index
          %get3A_3557 = tpu.vector_load %arg6[%get3A_3554, %get3A_3555, %get3A_3556] {strides = array<i32>} : memref<2x64x256xf32, #tpu.memory_space<vmem>>, vector<16xf32>,
          %mul3A_3558 = arith.mulf %get3A_41, %get3A_3557 : vector<16xf32>
          %add3A_3559 = arith.addf %add3A_3549, %mul3A_3558 : vector<16xf32>
          %eq3A_3560 = arith.constant 15 : i32
          %eq3A_3561 = vector.broadcast %eq3A_3560 : i32 to vector<16xi32>
          %eq3A_3562 = arith.cmpi eq, %iota3A, %eq3A_3561 : vector<16xi32>
          %iota3A_3563 = tpu.iota {dimensions = array<i32: 0>} : vector<16xi32>
          %xor3A_3564 = arith.constant 1 : i32
          %xor3A_3565 = vector.broadcast %xor3A_3564 : i32 to vector<16xi32>
          %xor3A_3566 = arith.xori %iota3A_3563, %xor3A_3565 : vector<16xi32>
          %lt3A_3567 = arith.constant 0 : i32
          %lt3A_3568 = vector.broadcast %lt3A_3567 : i32 to vector<16xi32>
          %lt3A_3569 = arith.cmpi slt, %xor3A_3566, %lt3A_3568 : vector<16xi32>
          %add3A_3570 = arith.constant 16 : i32
          %add3A_3571 = vector.broadcast %add3A_3570 : i32 to vector<16xi32>
          %add3A_3572 = arith.addi %xor3A_3566, %add3A_3571 : vector<16xi32>
          %select_n3A_3573 = arith.select %lt3A_3569, %add3A_3572, %xor3A_3566 : vector<16xi1>, vector<16xi32>
          %reshape3A_3574 = vector.shape_cast %select_n3A_3573 : vector<16xi32> to vector<16x1xi32>
          %gather3A_3575 = vector.shape_cast %reshape3A_3574 : vector<16x1xi32> to vector<16xi32>
          %gather3A_3576 = tpu.dynamic_gather %add3A_3559[%gather3A_3575] in [0] : vector<16xf32>, vector<16xi32> -> vector<16xf32>
          %add3A_3577 = arith.addf %add3A_3559, %gather3A_3576 : vector<16xf32>
          %xor3A_3578 = arith.constant 2 : i32
          %xor3A_3579 = vector.broadcast %xor3A_3578 : i32 to vector<16xi32>
          %xor3A_3580 = arith.xori %iota3A_3563, %xor3A_3579 : vector<16xi32>
          %lt3A_3581 = arith.constant 0 : i32
          %lt3A_3582 = vector.broadcast %lt3A_3581 : i32 to vector<16xi32>
          %lt3A_3583 = arith.cmpi slt, %xor3A_3580, %lt3A_3582 : vector<16xi32>
          %add3A_3584 = arith.constant 16 : i32
          %add3A_3585 = vector.broadcast %add3A_3584 : i32 to vector<16xi32>
          %add3A_3586 = arith.addi %xor3A_3580, %add3A_3585 : vector<16xi32>
          %select_n3A_3587 = arith.select %lt3A_3583, %add3A_3586, %xor3A_3580 : vector<16xi1>, vector<16xi32>
          %reshape3A_3588 = vector.shape_cast %select_n3A_3587 : vector<16xi32> to vector<16x1xi32>
          %gather3A_3589 = vector.shape_cast %reshape3A_3588 : vector<16x1xi32> to vector<16xi32>
          %gather3A_3590 = tpu.dynamic_gather %add3A_3577[%gather3A_3589] in [0] : vector<16xf32>, vector<16xi32> -> vector<16xf32>
          %add3A_3591 = arith.addf %add3A_3577, %gather3A_3590 : vector<16xf32>
          %xor3A_3592 = arith.constant 4 : i32
          %xor3A_3593 = vector.broadcast %xor3A_3592 : i32 to vector<16xi32>
          %xor3A_3594 = arith.xori %iota3A_3563, %xor3A_3593 : vector<16xi32>
          %lt3A_3595 = arith.constant 0 : i32
          %lt3A_3596 = vector.broadcast %lt3A_3595 : i32 to vector<16xi32>
          %lt3A_3597 = arith.cmpi slt, %xor3A_3594, %lt3A_3596 : vector<16xi32>
          %add3A_3598 = arith.constant 16 : i32
          %add3A_3599 = vector.broadcast %add3A_3598 : i32 to vector<16xi32>
          %add3A_3600 = arith.addi %xor3A_3594, %add3A_3599 : vector<16xi32>
          %select_n3A_3601 = arith.select %lt3A_3597, %add3A_3600, %xor3A_3594 : vector<16xi1>, vector<16xi32>
          %reshape3A_3602 = vector.shape_cast %select_n3A_3601 : vector<16xi32> to vector<16x1xi32>
          %gather3A_3603 = vector.shape_cast %reshape3A_3602 : vector<16x1xi32> to vector<16xi32>
          %gather3A_3604 = tpu.dynamic_gather %add3A_3591[%gather3A_3603] in [0] : vector<16xf32>, vector<16xi32> -> vector<16xf32>
          %add3A_3605 = arith.addf %add3A_3591, %gather3A_3604 : vector<16xf32>
          %xor3A_3606 = arith.constant 8 : i32
          %xor3A_3607 = vector.broadcast %xor3A_3606 : i32 to vector<16xi32>
          %xor3A_3608 = arith.xori %iota3A_3563, %xor3A_3607 : vector<16xi32>
          %lt3A_3609 = arith.constant 0 : i32
          %lt3A_3610 = vector.broadcast %lt3A_3609 : i32 to vector<16xi32>
          %lt3A_3611 = arith.cmpi slt, %xor3A_3608, %lt3A_3610 : vector<16xi32>
          %add3A_3612 = arith.constant 16 : i32
          %add3A_3613 = vector.broadcast %add3A_3612 : i32 to vector<16xi32>
          %add3A_3614 = arith.addi %xor3A_3608, %add3A_3613 : vector<16xi32>
          %select_n3A_3615 = arith.select %lt3A_3611, %add3A_3614, %xor3A_3608 : vector<16xi1>, vector<16xi32>
          %reshape3A_3616 = vector.shape_cast %select_n3A_3615 : vector<16xi32> to vector<16x1xi32>
          %gather3A_3617 = vector.shape_cast %reshape3A_3616 : vector<16x1xi32> to vector<16xi32>
          %gather3A_3618 = tpu.dynamic_gather %add3A_3605[%gather3A_3617] in [0] : vector<16xf32>, vector<16xi32> -> vector<16xf32>
          %add3A_3619 = arith.addf %add3A_3605, %gather3A_3618 : vector<16xf32>
          %select_n3A_3620 = arith.select %eq3A_3562, %add3A_3619, %select_n3A_3400 : vector<16xi1>, vector<16xf32>
          %mul3A_3621 = arith.constant 64 : i32
          %mul3A_3622 = arith.muli %scan3A_65, %mul3A_3621 : i32
          %mul3A_3623 = arith.constant 16 : i32
          %mul3A_3624 = arith.muli %scan3A_102, %mul3A_3623 : i32
          %add3A_3625 = arith.addi %mul3A_3622, %mul3A_3624 : i32
          %swap3A = arith.index_cast %add3A_3625 : i32 to index
          %swap3A_3626 = tpu.vector_load %arg7[%swap3A] {strides = array<i32>} : memref<512xf32, #tpu.memory_space<vmem>>, vector<16xf32>,
          tpu.vector_store %arg7[%swap3A], %select_n3A_3620 {strides = array<i32>} : memref<512xf32, #tpu.memory_space<vmem>>, vector<16xf32>,
        }
        %scan3A_101 = arith.constant 4 : i32
      }
      %scan3A_61 = arith.constant 8 : i32
      %mul3A_62 = arith.constant 16384 : i32
      %mul3A_63 = arith.muli %scan3A_8, %mul3A_62 : i32
      %add3A_64 = arith.addi %mul3A_63, %mul3A_2 : i32
      "tpu.region"() ({
        %run_scoped3A = tpu.sem_alloc : memref<!tpu.dma_semaphore, #tpu.memory_space<semaphore_mem>>
        %dma_start3A_65 = tpu.memref_slice %arg4[%add3A_64] : memref<65536xf32, #tpu.memory_space<hbm>> -> memref<512xf32, #tpu.memory_space<hbm>>
        %dma_start3A_66 = tpu.memref_slice %arg4[%add3A_64] : memref<65536xf32, #tpu.memory_space<hbm>> -> memref<512xf32, #tpu.memory_space<hbm>>
        tpu.enqueue_dma source(%arg7 : memref<512xf32, #tpu.memory_space<vmem>>) target(%dma_start3A_66 : memref<512xf32, #tpu.memory_space<hbm>>) target_semaphore(%run_scoped3A : memref<!tpu.dma_semaphore, #tpu.memory_space<semaphore_mem>>)
        %dma_wait3A = tpu.memref_slice %arg4[%add3A_64] : memref<65536xf32, #tpu.memory_space<hbm>> -> memref<512xf32, #tpu.memory_space<hbm>>
        %dma_wait3A_67 = tpu.memref_slice %arg4[%add3A_64] : memref<65536xf32, #tpu.memory_space<hbm>> -> memref<512xf32, #tpu.memory_space<hbm>>
        tpu.wait_dma2 semaphore(%run_scoped3A : memref<!tpu.dma_semaphore, #tpu.memory_space<semaphore_mem>>) src(%arg7 : memref<512xf32, #tpu.memory_space<vmem>>) dst(%dma_wait3A_67 : memref<512xf32, #tpu.memory_space<hbm>>)
        tpu.yield
      }) : () -> ()
    }
    %scan3A_7 = arith.constant 4 : i32
    return
  }
}

module attributes {stable_mosaic.version = 14 : i64} {
  func.func @_loss_kernel(%arg0: i32, %arg1: i32, %arg2: memref<4xi32, #tpu.memory_space<smem>>, %arg3: memref<1x64x128xf32, #tpu.memory_space<vmem>>, %arg4: memref<1x64x128xf32, #tpu.memory_space<vmem>>, %arg5: memref<1x64x128xf32, #tpu.memory_space<vmem>>, %arg6: memref<1x1x128xf32, #tpu.memory_space<vmem>>, %arg7: memref<8x128xf32, #tpu.memory_space<vmem>>) attributes {dimension_semantics = [#tpu.dimension_semantics<arbitrary>, #tpu.dimension_semantics<arbitrary>], iteration_bounds = array<i64: 4, 2>, scalar_prefetch = 1 : i64, scratch_operands = 1 : i64, tpu.core_type = #tpu.core_type<tc>, window_params = [{transform_indices = @transform_0, window_bounds = array<i64: 1, 64, 128>}, {transform_indices = @transform_1, window_bounds = array<i64: 1, 64, 128>}, {transform_indices = @transform_2, window_bounds = array<i64: 1, 64, 128>}, {transform_indices = @transform_3, window_bounds = array<i64: 1, 1, 128>}]} {
    %eq3A = arith.constant 0 : i32
    %eq3A_0 = arith.cmpi eq, %arg1, %eq3A : i32
    %convert_element_type3A = arith.extui %eq3A_0 : i1 to i32
    %cond3A = arith.constant 0 : i32
    %cond3A_1 = arith.cmpi ne, %convert_element_type3A, %cond3A : i32
    scf.if %cond3A_1 {
      %broadcast_in_dim3A = arith.constant 0.000000e+00 : f32
      %broadcast_in_dim3A_113 = vector.broadcast %broadcast_in_dim3A : f32 to vector<8x128xf32>
      %swap3A_114 = arith.constant 0 : index
      %swap3A_115 = arith.constant 0 : index
      %swap3A_116 = vector.load %arg7[%swap3A_114, %swap3A_115] : memref<8x128xf32, #tpu.memory_space<vmem>>, vector<8x128xf32>
      tpu.vector_store %arg7[%swap3A_114, %swap3A_115], %broadcast_in_dim3A_113 {strides = array<i32>} : memref<8x128xf32, #tpu.memory_space<vmem>>, vector<8x128xf32>,
    } else {
    }
    %get3A = arith.constant 0 : index
    %get3A_2 = arith.constant 0 : index
    %get3A_3 = arith.constant 0 : index
    %get3A_4 = vector.load %arg3[%get3A, %get3A_2, %get3A_3] : memref<1x64x128xf32, #tpu.memory_space<vmem>>, vector<1x64x128xf32>
    %get3A_5 = vector.shape_cast %get3A_4 : vector<1x64x128xf32> to vector<64x128xf32>
    %logistic3A = arith.negf %get3A_5 : vector<64x128xf32>
    %logistic3A_6 = math.exp %logistic3A : vector<64x128xf32>
    %logistic3A_7 = arith.constant 1.000000e+00 : f32
    %logistic3A_8 = vector.broadcast %logistic3A_7 : f32 to vector<64x128xf32>
    %logistic3A_9 = arith.addf %logistic3A_8, %logistic3A_6 : vector<64x128xf32>
    %logistic3A_10 = arith.divf %logistic3A_8, %logistic3A_9 : vector<64x128xf32>
    %get3A_11 = arith.constant 0 : index
    %get3A_12 = arith.constant 0 : index
    %get3A_13 = arith.constant 0 : index
    %get3A_14 = vector.load %arg5[%get3A_11, %get3A_12, %get3A_13] : memref<1x64x128xf32, #tpu.memory_space<vmem>>, vector<1x64x128xf32>
    %get3A_15 = vector.shape_cast %get3A_14 : vector<1x64x128xf32> to vector<64x128xf32>
    %gt3A = arith.constant 5.000000e-01 : f32
    %gt3A_16 = vector.broadcast %gt3A : f32 to vector<64x128xf32>
    %gt3A_17 = arith.cmpf ogt, %get3A_15, %gt3A_16 : vector<64x128xf32>
    %convert_element_type3A_18 = arith.extui %gt3A_17 : vector<64x128xi1> to vector<64x128xi32>
    %convert_element_type3A_19 = arith.sitofp %convert_element_type3A_18 : vector<64x128xi32> to vector<64x128xf32>
    %get3A_20 = arith.constant 0 : index
    %get3A_21 = arith.constant 0 : index
    %get3A_22 = arith.constant 0 : index
    %get3A_23 = vector.load %arg4[%get3A_20, %get3A_21, %get3A_22] : memref<1x64x128xf32, #tpu.memory_space<vmem>>, vector<1x64x128xf32>
    %get3A_24 = vector.shape_cast %get3A_23 : vector<1x64x128xf32> to vector<64x128xf32>
    %gt3A_25 = arith.constant 5.000000e-01 : f32
    %gt3A_26 = vector.broadcast %gt3A_25 : f32 to vector<64x128xf32>
    %gt3A_27 = arith.cmpf ogt, %get3A_24, %gt3A_26 : vector<64x128xf32>
    %convert_element_type3A_28 = arith.extui %gt3A_27 : vector<64x128xi1> to vector<64x128xi32>
    %convert_element_type3A_29 = arith.sitofp %convert_element_type3A_28 : vector<64x128xi32> to vector<64x128xf32>
    %mul3A = arith.mulf %logistic3A_10, %convert_element_type3A_19 : vector<64x128xf32>
    %mul3A_30 = arith.mulf %convert_element_type3A_29, %convert_element_type3A_19 : vector<64x128xf32>
    %mul3A_31 = arith.mulf %mul3A, %mul3A_30 : vector<64x128xf32>
    %sub3A = arith.constant 1.000000e+00 : f32
    %sub3A_32 = vector.broadcast %sub3A : f32 to vector<64x128xf32>
    %sub3A_33 = arith.subf %sub3A_32, %mul3A : vector<64x128xf32>
    %sub3A_34 = arith.constant 1.000000e+00 : f32
    %sub3A_35 = vector.broadcast %sub3A_34 : f32 to vector<64x128xf32>
    %sub3A_36 = arith.subf %sub3A_35, %mul3A_30 : vector<64x128xf32>
    %mul3A_37 = arith.mulf %sub3A_33, %sub3A_36 : vector<64x128xf32>
    %add3A = arith.addf %mul3A_31, %mul3A_37 : vector<64x128xf32>
    %sub3A_38 = arith.constant 1.000000e+00 : f32
    %sub3A_39 = vector.broadcast %sub3A_38 : f32 to vector<64x128xf32>
    %sub3A_40 = arith.subf %sub3A_39, %add3A : vector<64x128xf32>
    %mul3A_41 = arith.mulf %sub3A_40, %sub3A_40 : vector<64x128xf32>
    %neg3A = arith.constant 0.000000e+00 : f32
    %neg3A_42 = vector.broadcast %neg3A : f32 to vector<64x128xf32>
    %neg3A_43 = arith.subf %neg3A_42, %mul3A_41 : vector<64x128xf32>
    %add3A_44 = arith.constant 9.99999997E-7 : f32
    %add3A_45 = vector.broadcast %add3A_44 : f32 to vector<64x128xf32>
    %add3A_46 = arith.addf %add3A, %add3A_45 : vector<64x128xf32>
    %log3A = math.log %add3A_46 : vector<64x128xf32>
    %mul3A_47 = arith.mulf %neg3A_43, %log3A : vector<64x128xf32>
    %mul3A_48 = arith.mulf %mul3A_47, %convert_element_type3A_19 : vector<64x128xf32>
    %get3A_49 = arith.constant 0 : index
    %get3A_50 = arith.constant 0 : index
    %get3A_51 = vector.load %arg7[%get3A_49, %get3A_50] : memref<8x128xf32, #tpu.memory_space<vmem>>, vector<1x128xf32>
    %get3A_52 = vector.shape_cast %get3A_51 : vector<1x128xf32> to vector<128xf32>
    %reduce_sum3A = arith.constant dense<0.000000e+00> : vector<128xf32>
    %reduce_sum3A_53 = vector.multi_reduction <add>, %mul3A_48, %reduce_sum3A [0] : vector<64x128xf32> to vector<128xf32>
    %add3A_54 = arith.addf %get3A_52, %reduce_sum3A_53 : vector<128xf32>
    %swap3A = arith.constant 0 : index
    %swap3A_55 = arith.constant 0 : index
    %swap3A_56 = vector.load %arg7[%swap3A, %swap3A_55] : memref<8x128xf32, #tpu.memory_space<vmem>>, vector<1x128xf32>
    %swap3A_57 = vector.shape_cast %swap3A_56 : vector<1x128xf32> to vector<128xf32>
    %swap3A_58 = vector.shape_cast %add3A_54 : vector<128xf32> to vector<1x128xf32>
    tpu.vector_store %arg7[%swap3A, %swap3A_55], %swap3A_58 {strides = array<i32>} : memref<8x128xf32, #tpu.memory_space<vmem>>, vector<1x128xf32>,
    %get3A_59 = arith.constant 1 : index
    %get3A_60 = arith.constant 0 : index
    %get3A_61 = vector.load %arg7[%get3A_59, %get3A_60] : memref<8x128xf32, #tpu.memory_space<vmem>>, vector<1x128xf32>
    %get3A_62 = vector.shape_cast %get3A_61 : vector<1x128xf32> to vector<128xf32>
    %mul3A_63 = arith.mulf %mul3A, %mul3A_30 : vector<64x128xf32>
    %reduce_sum3A_64 = arith.constant dense<0.000000e+00> : vector<128xf32>
    %reduce_sum3A_65 = vector.multi_reduction <add>, %mul3A_63, %reduce_sum3A_64 [0] : vector<64x128xf32> to vector<128xf32>
    %add3A_66 = arith.addf %get3A_62, %reduce_sum3A_65 : vector<128xf32>
    %swap3A_67 = arith.constant 1 : index
    %swap3A_68 = arith.constant 0 : index
    %swap3A_69 = vector.load %arg7[%swap3A_67, %swap3A_68] : memref<8x128xf32, #tpu.memory_space<vmem>>, vector<1x128xf32>
    %swap3A_70 = vector.shape_cast %swap3A_69 : vector<1x128xf32> to vector<128xf32>
    %swap3A_71 = vector.shape_cast %add3A_66 : vector<128xf32> to vector<1x128xf32>
    tpu.vector_store %arg7[%swap3A_67, %swap3A_68], %swap3A_71 {strides = array<i32>} : memref<8x128xf32, #tpu.memory_space<vmem>>, vector<1x128xf32>,
    %get3A_72 = arith.constant 2 : index
    %get3A_73 = arith.constant 0 : index
    %get3A_74 = vector.load %arg7[%get3A_72, %get3A_73] : memref<8x128xf32, #tpu.memory_space<vmem>>, vector<1x128xf32>
    %get3A_75 = vector.shape_cast %get3A_74 : vector<1x128xf32> to vector<128xf32>
    %reduce_sum3A_76 = arith.constant dense<0.000000e+00> : vector<128xf32>
    %reduce_sum3A_77 = vector.multi_reduction <add>, %mul3A, %reduce_sum3A_76 [0] : vector<64x128xf32> to vector<128xf32>
    %add3A_78 = arith.addf %get3A_75, %reduce_sum3A_77 : vector<128xf32>
    %swap3A_79 = arith.constant 2 : index
    %swap3A_80 = arith.constant 0 : index
    %swap3A_81 = vector.load %arg7[%swap3A_79, %swap3A_80] : memref<8x128xf32, #tpu.memory_space<vmem>>, vector<1x128xf32>
    %swap3A_82 = vector.shape_cast %swap3A_81 : vector<1x128xf32> to vector<128xf32>
    %swap3A_83 = vector.shape_cast %add3A_78 : vector<128xf32> to vector<1x128xf32>
    tpu.vector_store %arg7[%swap3A_79, %swap3A_80], %swap3A_83 {strides = array<i32>} : memref<8x128xf32, #tpu.memory_space<vmem>>, vector<1x128xf32>,
    %get3A_84 = arith.constant 3 : index
    %get3A_85 = arith.constant 0 : index
    %get3A_86 = vector.load %arg7[%get3A_84, %get3A_85] : memref<8x128xf32, #tpu.memory_space<vmem>>, vector<1x128xf32>
    %get3A_87 = vector.shape_cast %get3A_86 : vector<1x128xf32> to vector<128xf32>
    %reduce_sum3A_88 = arith.constant dense<0.000000e+00> : vector<128xf32>
    %reduce_sum3A_89 = vector.multi_reduction <add>, %mul3A_30, %reduce_sum3A_88 [0] : vector<64x128xf32> to vector<128xf32>
    %add3A_90 = arith.addf %get3A_87, %reduce_sum3A_89 : vector<128xf32>
    %swap3A_91 = arith.constant 3 : index
    %swap3A_92 = arith.constant 0 : index
    %swap3A_93 = vector.load %arg7[%swap3A_91, %swap3A_92] : memref<8x128xf32, #tpu.memory_space<vmem>>, vector<1x128xf32>
    %swap3A_94 = vector.shape_cast %swap3A_93 : vector<1x128xf32> to vector<128xf32>
    %swap3A_95 = vector.shape_cast %add3A_90 : vector<128xf32> to vector<1x128xf32>
    tpu.vector_store %arg7[%swap3A_91, %swap3A_92], %swap3A_95 {strides = array<i32>} : memref<8x128xf32, #tpu.memory_space<vmem>>, vector<1x128xf32>,
    %get3A_96 = arith.constant 4 : index
    %get3A_97 = arith.constant 0 : index
    %get3A_98 = vector.load %arg7[%get3A_96, %get3A_97] : memref<8x128xf32, #tpu.memory_space<vmem>>, vector<1x128xf32>
    %get3A_99 = vector.shape_cast %get3A_98 : vector<1x128xf32> to vector<128xf32>
    %reduce_sum3A_100 = arith.constant dense<0.000000e+00> : vector<128xf32>
    %reduce_sum3A_101 = vector.multi_reduction <add>, %convert_element_type3A_19, %reduce_sum3A_100 [0] : vector<64x128xf32> to vector<128xf32>
    %add3A_102 = arith.addf %get3A_99, %reduce_sum3A_101 : vector<128xf32>
    %swap3A_103 = arith.constant 4 : index
    %swap3A_104 = arith.constant 0 : index
    %swap3A_105 = vector.load %arg7[%swap3A_103, %swap3A_104] : memref<8x128xf32, #tpu.memory_space<vmem>>, vector<1x128xf32>
    %swap3A_106 = vector.shape_cast %swap3A_105 : vector<1x128xf32> to vector<128xf32>
    %swap3A_107 = vector.shape_cast %add3A_102 : vector<128xf32> to vector<1x128xf32>
    tpu.vector_store %arg7[%swap3A_103, %swap3A_104], %swap3A_107 {strides = array<i32>} : memref<8x128xf32, #tpu.memory_space<vmem>>, vector<1x128xf32>,
    %eq3A_108 = arith.constant 1 : i32
    %eq3A_109 = arith.cmpi eq, %arg1, %eq3A_108 : i32
    %convert_element_type3A_110 = arith.extui %eq3A_109 : i1 to i32
    %cond3A_111 = arith.constant 0 : i32
    %cond3A_112 = arith.cmpi ne, %convert_element_type3A_110, %cond3A_111 : i32
    scf.if %cond3A_112 {
      %get3A_113 = arith.constant 0 : index
      %get3A_114 = arith.constant 0 : index
      %get3A_115 = vector.load %arg7[%get3A_113, %get3A_114] : memref<8x128xf32, #tpu.memory_space<vmem>>, vector<1x128xf32>
      %get3A_116 = vector.shape_cast %get3A_115 : vector<1x128xf32> to vector<128xf32>
      %reduce_sum3A_117 = vector.shape_cast %get3A_116 : vector<128xf32> to vector<1x128xf32>
      %reduce_sum3A_118 = arith.constant dense<0.000000e+00> : vector<1xf32>
      %reduce_sum3A_119 = vector.multi_reduction <add>, %reduce_sum3A_117, %reduce_sum3A_118 [1] : vector<1x128xf32> to vector<1xf32>
      %reduce_sum3A_120 = vector.shape_cast %reduce_sum3A_119 : vector<1xf32> to vector<1x1xf32>
      %reduce_sum3A_121 = vector.extract %reduce_sum3A_120[0, 0] : f32 from vector<1x1xf32>
      %get3A_122 = arith.constant 1 : index
      %get3A_123 = arith.constant 0 : index
      %get3A_124 = vector.load %arg7[%get3A_122, %get3A_123] : memref<8x128xf32, #tpu.memory_space<vmem>>, vector<1x128xf32>
      %get3A_125 = vector.shape_cast %get3A_124 : vector<1x128xf32> to vector<128xf32>
      %reduce_sum3A_126 = vector.shape_cast %get3A_125 : vector<128xf32> to vector<1x128xf32>
      %reduce_sum3A_127 = arith.constant dense<0.000000e+00> : vector<1xf32>
      %reduce_sum3A_128 = vector.multi_reduction <add>, %reduce_sum3A_126, %reduce_sum3A_127 [1] : vector<1x128xf32> to vector<1xf32>
      %reduce_sum3A_129 = vector.shape_cast %reduce_sum3A_128 : vector<1xf32> to vector<1x1xf32>
      %reduce_sum3A_130 = vector.extract %reduce_sum3A_129[0, 0] : f32 from vector<1x1xf32>
      %get3A_131 = arith.constant 2 : index
      %get3A_132 = arith.constant 0 : index
      %get3A_133 = vector.load %arg7[%get3A_131, %get3A_132] : memref<8x128xf32, #tpu.memory_space<vmem>>, vector<1x128xf32>
      %get3A_134 = vector.shape_cast %get3A_133 : vector<1x128xf32> to vector<128xf32>
      %reduce_sum3A_135 = vector.shape_cast %get3A_134 : vector<128xf32> to vector<1x128xf32>
      %reduce_sum3A_136 = arith.constant dense<0.000000e+00> : vector<1xf32>
      %reduce_sum3A_137 = vector.multi_reduction <add>, %reduce_sum3A_135, %reduce_sum3A_136 [1] : vector<1x128xf32> to vector<1xf32>
      %reduce_sum3A_138 = vector.shape_cast %reduce_sum3A_137 : vector<1xf32> to vector<1x1xf32>
      %reduce_sum3A_139 = vector.extract %reduce_sum3A_138[0, 0] : f32 from vector<1x1xf32>
      %get3A_140 = arith.constant 3 : index
      %get3A_141 = arith.constant 0 : index
      %get3A_142 = vector.load %arg7[%get3A_140, %get3A_141] : memref<8x128xf32, #tpu.memory_space<vmem>>, vector<1x128xf32>
      %get3A_143 = vector.shape_cast %get3A_142 : vector<1x128xf32> to vector<128xf32>
      %reduce_sum3A_144 = vector.shape_cast %get3A_143 : vector<128xf32> to vector<1x128xf32>
      %reduce_sum3A_145 = arith.constant dense<0.000000e+00> : vector<1xf32>
      %reduce_sum3A_146 = vector.multi_reduction <add>, %reduce_sum3A_144, %reduce_sum3A_145 [1] : vector<1x128xf32> to vector<1xf32>
      %reduce_sum3A_147 = vector.shape_cast %reduce_sum3A_146 : vector<1xf32> to vector<1x1xf32>
      %reduce_sum3A_148 = vector.extract %reduce_sum3A_147[0, 0] : f32 from vector<1x1xf32>
      %get3A_149 = arith.constant 4 : index
      %get3A_150 = arith.constant 0 : index
      %get3A_151 = vector.load %arg7[%get3A_149, %get3A_150] : memref<8x128xf32, #tpu.memory_space<vmem>>, vector<1x128xf32>
      %get3A_152 = vector.shape_cast %get3A_151 : vector<1x128xf32> to vector<128xf32>
      %reduce_sum3A_153 = vector.shape_cast %get3A_152 : vector<128xf32> to vector<1x128xf32>
      %reduce_sum3A_154 = arith.constant dense<0.000000e+00> : vector<1xf32>
      %reduce_sum3A_155 = vector.multi_reduction <add>, %reduce_sum3A_153, %reduce_sum3A_154 [1] : vector<1x128xf32> to vector<1xf32>
      %reduce_sum3A_156 = vector.shape_cast %reduce_sum3A_155 : vector<1xf32> to vector<1x1xf32>
      %reduce_sum3A_157 = vector.extract %reduce_sum3A_156[0, 0] : f32 from vector<1x1xf32>
      %add3A_158 = arith.constant 9.99999997E-7 : f32
      %add3A_159 = arith.addf %reduce_sum3A_157, %add3A_158 : f32
      %div3A = arith.divf %reduce_sum3A_121, %add3A_159 : f32
      %mul3A_160 = arith.constant 2.000000e+00 : f32
      %mul3A_161 = arith.mulf %mul3A_160, %reduce_sum3A_130 : f32
      %add3A_162 = arith.constant 9.99999997E-7 : f32
      %add3A_163 = arith.addf %mul3A_161, %add3A_162 : f32
      %add3A_164 = arith.addf %reduce_sum3A_139, %reduce_sum3A_148 : f32
      %add3A_165 = arith.constant 9.99999997E-7 : f32
      %add3A_166 = arith.addf %add3A_164, %add3A_165 : f32
      %div3A_167 = arith.divf %add3A_163, %add3A_166 : f32
      %sub3A_168 = arith.constant 1.000000e+00 : f32
      %sub3A_169 = arith.subf %sub3A_168, %div3A_167 : f32
      %mul3A_170 = arith.constant 5.000000e-01 : f32
      %mul3A_171 = arith.mulf %mul3A_170, %div3A : f32
      %add3A_172 = arith.addf %mul3A_171, %sub3A_169 : f32
      %mul3A_173 = arith.mulf %add3A_172, %reduce_sum3A_148 : f32
      %add3A_174 = arith.constant 9.99999997E-7 : f32
      %add3A_175 = arith.addf %reduce_sum3A_157, %add3A_174 : f32
      %div3A_176 = arith.divf %mul3A_173, %add3A_175 : f32
      %broadcast_in_dim3A = vector.broadcast %div3A_176 : f32 to vector<128xf32>
      %swap3A_177 = arith.constant 0 : index
      %swap3A_178 = arith.constant 0 : index
      %swap3A_179 = arith.constant 0 : index
      %swap3A_180 = vector.load %arg6[%swap3A_177, %swap3A_178, %swap3A_179] : memref<1x1x128xf32, #tpu.memory_space<vmem>>, vector<1x1x128xf32>
      %swap3A_181 = vector.shape_cast %swap3A_180 : vector<1x1x128xf32> to vector<128xf32>
      %swap3A_182 = vector.shape_cast %broadcast_in_dim3A : vector<128xf32> to vector<1x1x128xf32>
      tpu.vector_store %arg6[%swap3A_177, %swap3A_178, %swap3A_179], %swap3A_182 {strides = array<i32>} : memref<1x1x128xf32, #tpu.memory_space<vmem>>, vector<1x1x128xf32>,
    } else {
    }
    return
  }
  func.func @transform_0(%arg0: i32, %arg1: i32, %arg2: memref<4xi32, #tpu.memory_space<smem>>) -> (i32, i32, i32) {
    %c0_i32 = arith.constant 0 : i32
    %c0_i32_0 = arith.constant 0 : i32
    return %arg0, %arg1, %c0_i32 : i32, i32, i32
  }
  func.func @transform_1(%arg0: i32, %arg1: i32, %arg2: memref<4xi32, #tpu.memory_space<smem>>) -> (i32, i32, i32) {
    %mul3A = arith.constant 32 : i32
    %mul3A_0 = arith.muli %arg0, %mul3A : i32
    %get3A = arith.index_cast %arg0 : i32 to index
    %get3A_1 = memref.load %arg2[%get3A] : memref<4xi32, #tpu.memory_space<smem>>
    %add3A = arith.addi %mul3A_0, %get3A_1 : i32
    %c0_i32 = arith.constant 0 : i32
    %c0_i32_2 = arith.constant 0 : i32
    return %add3A, %arg1, %c0_i32 : i32, i32, i32
  }
  func.func @transform_2(%arg0: i32, %arg1: i32, %arg2: memref<4xi32, #tpu.memory_space<smem>>) -> (i32, i32, i32) {
    %c0_i32 = arith.constant 0 : i32
    %c0_i32_0 = arith.constant 0 : i32
    return %arg0, %arg1, %c0_i32 : i32, i32, i32
  }
  func.func @transform_3(%arg0: i32, %arg1: i32, %arg2: memref<4xi32, #tpu.memory_space<smem>>) -> (i32, i32, i32) {
    %c0_i32 = arith.constant 0 : i32
    %c0_i32_0 = arith.constant 0 : i32
    %c0_i32_1 = arith.constant 0 : i32
    return %arg0, %c0_i32, %c0_i32_0 : i32, i32, i32
  }
}

module attributes {stable_mosaic.version = 14 : i64} {
  func.func @_sel_kernel(%arg0: i32, %arg1: memref<4xi32, #tpu.memory_space<smem>>, %arg2: memref<1x256x128xf32, #tpu.memory_space<vmem>>, %arg3: memref<1x1x256xf32, #tpu.memory_space<vmem>>) attributes {dimension_semantics = [#tpu.dimension_semantics<arbitrary>], iteration_bounds = array<i64: 4>, scalar_prefetch = 1 : i64, scratch_operands = 0 : i64, tpu.core_type = #tpu.core_type<tc>, window_params = [{transform_indices = @transform_0, window_bounds = array<i64: 1, 256, 128>}, {transform_indices = @transform_1, window_bounds = array<i64: 1, 1, 256>}]} {
    %get3A = arith.index_cast %arg0 : i32 to index
    %get3A_0 = memref.load %arg1[%get3A] : memref<4xi32, #tpu.memory_space<smem>>
    %jit3A = arith.constant 128 : i32
    %eq3A = arith.constant 0 : i32
    %eq3A_1 = arith.cmpi eq, %jit3A, %eq3A : i32
    %jit3A_2 = arith.constant 1 : i32
    %select_n3A = arith.select %eq3A_1, %jit3A_2, %jit3A : i32
    %rem3A = arith.remsi %get3A_0, %select_n3A : i32
    %ne3A = arith.constant 0 : i32
    %ne3A_3 = arith.cmpi ne, %rem3A, %ne3A : i32
    %lt3A = arith.constant 0 : i32
    %lt3A_4 = arith.cmpi slt, %rem3A, %lt3A : i32
    %lt3A_5 = arith.constant 0 : i32
    %lt3A_6 = arith.cmpi slt, %select_n3A, %lt3A_5 : i32
    %ne3A_7 = arith.xori %lt3A_4, %lt3A_6 : i1
    %and3A = arith.andi %ne3A_7, %ne3A_3 : i1
    %add3A = arith.addi %rem3A, %select_n3A : i32
    %select_n3A_8 = arith.select %and3A, %add3A, %rem3A : i32
    %get3A_9 = arith.constant 0 : index
    %get3A_10 = arith.constant 0 : index
    %get3A_11 = arith.constant 0 : index
    %get3A_12 = vector.load %arg2[%get3A_9, %get3A_10, %get3A_11] : memref<1x256x128xf32, #tpu.memory_space<vmem>>, vector<1x256x128xf32>
    %get3A_13 = vector.shape_cast %get3A_12 : vector<1x256x128xf32> to vector<256x128xf32>
    %iota3A = tpu.iota {dimensions = array<i32: 1>} : vector<256x128xi32>
    %eq3A_14 = vector.broadcast %select_n3A_8 : i32 to vector<256x128xi32>
    %eq3A_15 = arith.cmpi eq, %iota3A, %eq3A_14 : vector<256x128xi32>
    %jit3A_16 = arith.constant 0.000000e+00 : f32
    %broadcast_in_dim3A = vector.broadcast %jit3A_16 : f32 to vector<256x128xf32>
    %select_n3A_17 = arith.select %eq3A_15, %get3A_13, %broadcast_in_dim3A : vector<256x128xi1>, vector<256x128xf32>
    %reduce_sum3A = arith.constant dense<0.000000e+00> : vector<256xf32>
    %reduce_sum3A_18 = vector.multi_reduction <add>, %select_n3A_17, %reduce_sum3A [1] : vector<256x128xf32> to vector<256xf32>
    %sqrt3A = arith.constant 2.560000e+02 : f32
    %sqrt3A_19 = math.sqrt %sqrt3A : f32
    %div3A = arith.constant 1.000000e+00 : f32
    %div3A_20 = arith.divf %div3A, %sqrt3A_19 : f32
    %mul3A = vector.broadcast %div3A_20 : f32 to vector<256xf32>
    %mul3A_21 = arith.mulf %reduce_sum3A_18, %mul3A : vector<256xf32>
    %swap3A = arith.constant 0 : index
    %swap3A_22 = arith.constant 0 : index
    %swap3A_23 = arith.constant 0 : index
    %swap3A_24 = vector.load %arg3[%swap3A, %swap3A_22, %swap3A_23] : memref<1x1x256xf32, #tpu.memory_space<vmem>>, vector<1x1x256xf32>
    %swap3A_25 = vector.shape_cast %swap3A_24 : vector<1x1x256xf32> to vector<256xf32>
    %swap3A_26 = vector.shape_cast %mul3A_21 : vector<256xf32> to vector<1x1x256xf32>
    tpu.vector_store %arg3[%swap3A, %swap3A_22, %swap3A_23], %swap3A_26 {strides = array<i32>} : memref<1x1x256xf32, #tpu.memory_space<vmem>>, vector<1x1x256xf32>,
    return
  }
  func.func @transform_0(%arg0: i32, %arg1: memref<4xi32, #tpu.memory_space<smem>>) -> (i32, i32, i32) {
    %get3A = arith.index_cast %arg0 : i32 to index
    %get3A_0 = memref.load %arg1[%get3A] : memref<4xi32, #tpu.memory_space<smem>>
    %jit3A = arith.constant 128 : i32
    %div3A = arith.divsi %get3A_0, %jit3A : i32
    %sign3A = arith.constant 0 : i32
    %sign3A_1 = arith.cmpi sgt, %get3A_0, %sign3A : i32
    %sign3A_2 = arith.extui %sign3A_1 : i1 to i32
    %sign3A_3 = arith.constant 0 : i32
    %sign3A_4 = arith.cmpi slt, %get3A_0, %sign3A_3 : i32
    %sign3A_5 = arith.extui %sign3A_4 : i1 to i32
    %sign3A_6 = arith.subi %sign3A_2, %sign3A_5 : i32
    %sign3A_7 = arith.constant 0 : i32
    %sign3A_8 = arith.cmpi sgt, %jit3A, %sign3A_7 : i32
    %sign3A_9 = arith.extui %sign3A_8 : i1 to i32
    %sign3A_10 = arith.constant 0 : i32
    %sign3A_11 = arith.cmpi slt, %jit3A, %sign3A_10 : i32
    %sign3A_12 = arith.extui %sign3A_11 : i1 to i32
    %sign3A_13 = arith.subi %sign3A_9, %sign3A_12 : i32
    %ne3A = arith.cmpi ne, %sign3A_6, %sign3A_13 : i32
    %rem3A = arith.remsi %get3A_0, %jit3A : i32
    %ne3A_14 = arith.constant 0 : i32
    %ne3A_15 = arith.cmpi ne, %rem3A, %ne3A_14 : i32
    %and3A = arith.andi %ne3A, %ne3A_15 : i1
    %sub3A = arith.constant 1 : i32
    %sub3A_16 = arith.subi %div3A, %sub3A : i32
    %select_n3A = arith.select %and3A, %sub3A_16, %div3A : i32
    %c0_i32 = arith.constant 0 : i32
    %c0_i32_17 = arith.constant 0 : i32
    return %arg0, %c0_i32, %select_n3A : i32, i32, i32
  }
  func.func @transform_1(%arg0: i32, %arg1: memref<4xi32, #tpu.memory_space<smem>>) -> (i32, i32, i32) {
    %c0_i32 = arith.constant 0 : i32
    %c0_i32_0 = arith.constant 0 : i32
    %c0_i32_1 = arith.constant 0 : i32
    return %arg0, %c0_i32, %c0_i32_0 : i32, i32, i32
  }
}

</mosaic_0001>

<sc_bundles>
// kernel: kernel.5.cloned.1.call-start
scs
__scs_entry_jumppad:
0x0: {  	(pc) =	sbr.rel $0x88, $3  }
0x1: {  	(tag) =	ssettag $0x0;
	lr =	simm.s32 $0x1  }
0x2: {  	[smem:$0x3F9B] =	sst lr;
	_ =	strace $0xD0000000  }
0x3: {  	_ = 	snop  }
0x4: {  	_ = 	snop  }
0x5: {  	_ = 	snop  }
0x6: {  	_ = 	snop  }
0x7: {  	_ = 	snop  }
__scs_overlays_trampoline_lowered:
0x8: {  	[smem:$0x3FAA] =	sst s0  }
0x9: {  	[smem:$0x3FAB] =	sst s1  }
0xa: {  	[smem:$0x3FAC] =	sst s2  }
0xb: {  	[smem:$0x3FAD] =	sst s3  }
0xc: {  	[smem:$0x3FAE] =	sst s4  }
0xd: {  	[smem:$0x3FAF] =	sst s5  }
0xe: {  	[smem:$0x3FB0] =	sst s6  }
0xf: {  	[smem:$0x3FB1] =	sst s7  }
0x10: {  	[smem:$0x3FB2] =	sst s8  }
0x11: {  	[smem:$0x3FB3] =	sst s9;
	s0 =	simm.s32 @!p0 $0x0  }
0x12: {  	s1 =	sld [smem:$0x3F99];
	s0 =	simm.s32 @p0 $0x1  }
0x13: {  	[smem:$0x3FB4] =	sst s0;
	s0 =	simm.s32 @!p1 $0x0  }
0x14: {  	s2 =	sld [smem:$0x3F98];
	s0 =	simm.s32 @p1 $0x1  }
0x15: {  	[smem:$0x3FB5] =	sst s0;
	s0 =	simm.s32 @!p2 $0x0  }
0x16: {  	s3 =	sld [smem:$0x3FDB];
	s0 =	simm.s32 @p2 $0x1  }
0x17: {  	s4 =	simm.s32 $0x1BF5;
	[smem:$0x3FB7] =	sst s0  }
0x18: {  	s0 =	sld [smem:$0x3F9A];
	_ =	swait.ge [sflag:s4], $0x0  }
0x19: {  	s7 =	sld [smem:$0x3F9B]  }
0x1a: {  	s8 =	sadd.s32 $0xFFFFE003, lr  }
0x1b: {  	s9 =	sadd.s32 $0xFFFFFEF7, lr;
	s5 =	simm.s32 $0xFFFFFFFF;
	p2 =	slt.u32 s8, $0xFFFFF086  }
0x1c: {  	p1 =	slt.u32 s9, $0xF7A;
	s5 =	simm.s32 @!p2 $0x0  }
0x1d: {  	s5 =	simm.s32 @p1 $0x1;
	p0 =	seq.s32 s7, s2  }
0x1e: {  	s7 =	smul.u32 @!p0 $0xF7A, s2;
	p2 =	seq.s32 @!p0 s5, $0x0  }
0x1f: {  	s9 =	smul.u32 $0xF7A, s1;
	s8 =	simm.s32 @!p0 $0x1BF5;
	p2 =	por !p2, p0  }
0x20: {  	[sflag:s8] =	ssyncset.s32 @!p0 $0xFFFFF086;
	s6 =	sadd.s32 @!p0 s3, s7;
	s7 =	simm.s32 @!p0 $0x108  }
0x21: {  	s3 =	sadd.s32 s3, s9;
	s6 =	sadd.s32 @!p0 $0x88, s6;
	s7 =	simm.s32 @p2 $0x1082  }
0x22: {  	[simem:s7], [sflag:s8] =	dma.local @!p0 [hbm:s6], $0xF7A  }
0x23: {  	s9 =	sor.u32 $0xD0000000, s2;
	s6 =	simm.s32 $0x108;
	_ =	swait.ge @!p0 [sflag:s8], $0x0  }
0x24: {  	s3 =	sadd.s32 $0x88, s3;
	s6 =	simm.s32 @!p1 $0x1082;
	[sflag:s4] =	ssyncset.s32 $0xFFFFF086  }
0x25: {  	[simem:s6], [sflag:s4] =	dma.local [hbm:s3], $0xF7A  }
0x26: {  	[smem:$0x3F9B] =	sst s1;
	(tag) =	ssettag s2;
	_ =	strace s9  }
0x27: {  	s1 =	sld [smem:$0x3FAB]  }
0x28: {  	s2 =	sld [smem:$0x3FAC]  }
0x29: {  	s4 =	sld [smem:$0x3FAE]  }
0x2a: {  	p0 =	seq.s32 s5, $0x0;
	s5 =	sld [smem:$0x3FAF]  }
0x2b: {  	s6 =	sld [smem:$0x3FB0]  }
0x2c: {  	s7 =	sld [smem:$0x3FB1]  }
0x2d: {  	s3 =	simm.s32 $0x108;
	s8 =	sld [smem:$0x3FB2]  }
0x2e: {  	s3 =	simm.s32 @!p0 $0x1082;
	s9 =	sld [smem:$0x3FB3]  }
0x2f: {  	lr =	sadd.s32 s0, s3;
	s0 =	sld [smem:$0x3FAA]  }
0x30: {  	s3 =	sld [smem:$0x3FAD]  }
0x31: {  	[smem:$0x3FB6] =	sst s10  }
0x32: {  	s10 =	sld [smem:$0x3FB4];
	_ =	sdelay $0x3  }
0x33: {  	p0 =	seq.s32 s10, $0x1;
	s10 =	sld [smem:$0x3FB6];
	_ =	sdelay $0x3  }
0x34: {  	[smem:$0x3FB6] =	sst s10  }
0x35: {  	s10 =	sld [smem:$0x3FB5];
	_ =	sdelay $0x3  }
0x36: {  	p1 =	seq.s32 s10, $0x1;
	s10 =	sld [smem:$0x3FB6];
	_ =	sdelay $0x3  }
0x37: {  	[smem:$0x3FB6] =	sst s10  }
0x38: {  	s10 =	sld [smem:$0x3FB7]  }
0x39: {  	_ = 	snop;
	(pc) =	sbr.ind lr, $3  }
0x3a: {  	_ = 	snop  }
0x3b: {  	_ = 	snop  }
0x3c: {  	p2 =	seq.s32 s10, $0x1;
	s10 =	sld [smem:$0x3FB6]  }
0x3d: {  	_ =	shalt  }
0x3e: {  	_ =	shalt  }
0x3f: {  	_ =	shalt  }
0x40: {  	_ =	shalt  }
0x41: {  	_ =	shalt  }
0x42: {  	_ =	shalt  }
0x43: {  	_ =	shalt  }
0x44: {  	_ =	shalt  }
0x45: {  	_ =	shalt  }
0x46: {  	_ =	shalt  }
0x47: {  	_ =	shalt  }
0x48: {  	_ =	shalt  }
0x49: {  	_ =	shalt  }
0x4a: {  	_ =	shalt  }
0x4b: {  	_ =	shalt  }
0x4c: {  	_ =	shalt  }
0x4d: {  	_ =	shalt  }
0x4e: {  	_ =	shalt  }
0x4f: {  	_ =	shalt  }
0x50: {  	_ =	shalt  }
0x51: {  	_ =	shalt  }
0x52: {  	_ =	shalt  }
0x53: {  	_ =	shalt  }
0x54: {  	_ =	shalt  }
0x55: {  	_ =	shalt  }
0x56: {  	_ =	shalt  }
0x57: {  	_ =	shalt  }
0x58: {  	_ =	shalt  }
0x59: {  	_ =	shalt  }
0x5a: {  	_ =	shalt  }
0x5b: {  	_ =	shalt  }
0x5c: {  	_ =	shalt  }
0x5d: {  	_ =	shalt  }
0x5e: {  	_ =	shalt  }
0x5f: {  	_ =	shalt  }
0x60: {  	_ =	shalt  }
0x61: {  	_ =	shalt  }
0x62: {  	_ =	shalt  }
0x63: {  	_ =	shalt  }
0x64: {  	_ =	shalt  }
0x65: {  	_ =	shalt  }
0x66: {  	_ =	shalt  }
0x67: {  	_ =	shalt  }
0x68: {  	_ =	shalt  }
0x69: {  	_ =	shalt  }
0x6a: {  	_ =	shalt  }
0x6b: {  	_ =	shalt  }
0x6c: {  	_ =	shalt  }
0x6d: {  	_ =	shalt  }
0x6e: {  	_ =	shalt  }
0x6f: {  	_ =	shalt  }
0x70: {  	_ =	shalt  }
0x71: {  	_ =	shalt  }
0x72: {  	_ =	shalt  }
0x73: {  	_ =	shalt  }
0x74: {  	_ =	shalt  }
0x75: {  	_ =	shalt  }
0x76: {  	_ =	shalt  }
0x77: {  	_ =	shalt  }
0x78: {  	_ =	shalt  }
0x79: {  	_ =	shalt  }
0x7a: {  	_ =	shalt  }
0x7b: {  	_ =	shalt  }
0x7c: {  	_ =	shalt  }
0x7d: {  	_ =	shalt  }
0x7e: {  	_ =	shalt  }
0x7f: {  	_ =	shalt  }
0x80: {  	_ =	shalt  }
0x81: {  	_ =	shalt  }
0x82: {  	_ =	shalt  }
0x83: {  	_ =	shalt  }
0x84: {  	_ =	shalt  }
0x85: {  	_ =	shalt  }
0x86: {  	_ =	shalt  }
0x87: {  	_ =	shalt  }
.Lfunc_end0:
.L_simem_size_0:
called_computation_lowered:
.L_overlay_start_0:
0x88: {  	s2 =	sld [smem:$0x3FD9]  }
0x89: {  	s3 =	sld [smem:$0x3FFE];
	_ =	sdelay $0x1  }
0x8a: {  	s1 =	srdreg.scid  }
0x8b: {  	s0 =	sand.u32 $0x1, s1  }
0x8c: {  	s17 =	sshll.u32 s0, $0xA;
	s2 =	sadd.s32 s3, s2  }
0x8d: {  	s2 =	sadd.s32 s2, s17  }
0x8e: {  	[smem:$0x3FC2] =	sst s2  }
0x8f: {  	_ = 	snop  }
0x90: {  	s2 =	sld [smem:$0x3FC8];
	(tm) =	ssettm $0x1  }
0x91: {  	s18 =	sld [smem:$0x3FFB];
	_ =	sdelay $0x3  }
0x92: {  	_ =	strace s18  }
0x93: {  	s3 =	sld [smem:$0x3FFC];
	_ =	sdelay $0x3  }
0x94: {  	_ =	strace s3  }
0x95: {  	s3 =	sld [smem:$0x3FFD];
	_ =	sdelay $0x3  }
0x96: {  	_ =	strace s3  }
0x97: {  	_ =	strace $0x8FFFFFFF  }
0x98: {  	s19 =	sld [smem:$0x3FDB];
	_ =	sdelay $0x1  }
0x99: {  	s4 =	simm.s32 $_scs_section_size  }
0x9a: {  	s5 =	simm.s32 $_size__tile_overlayer_lowered;
	s6 =	simm.s32 $_tile_overlayer_lowered  }
0x9b: {  	s22 =	simm.s32 $0x1BFF;
	s21 =	sshll.u32 s6, $0x1;
	s3 =	sadd.s32 s4, s19  }
0x9c: {  	s7 =	simm.s32 $0x0;
	s20 =	sshll.u32 s5, $0x1;
	s5 =	sadd.s32 s21, s3  }
0x9d: {  	[timem:s7], [sflag:s22] =	dma.local [hbm:s5], s20  }
0x9e: {  	_ =	swait.ge [sflag:s22], s20  }
0x9f: {  	s4 =	ssub.s32 $0x0, s20;
	[sflag:s22] =	ssyncset.done $0x0  }
0xa0: {  	[sflag:s22] =	ssyncadd.s32 s4;
	_ =	sdelay $0x1  }
0xa1: {  	s23 =	simm.s32 $0x1B8B  }
0xa2: {  	_ =	swait.ge [sflag:s23], $0x1  }
0xa3: {  	[sflag:s23] =	ssyncset.done $0x0  }
0xa4: {  	s25 =	simm.s32 $0x1B8E;
	s24 =	sld [smem:$0x3FFE];
	[sflag:s23] =	ssyncadd.s32 $0xFFFFFFFF  }
0xa5: {  	s26 =	simm.s32 $execute0_lowered;
	[smem:$0x3FD2] =	sst s25  }
0xa6: {  	s5 =	sshll.u32 s26, $0x1;
	_ =	strace $0x80000046;
	[dreg:$0x1] =	wrdreg $0xFFFFFFFF  }
0xa7: {  	s28 =	simm.s32 $_size_execute0_lowered;
	s3 =	sadd.s32 s3, s5;
	[dreg:$0x0] =	wrdreg $0x0  }
0xa8: {  	s5 =	sshll.u32 s28, $0x1;
	[dreg:$0x2] =	wrdreg s3  }
0xa9: {  	[dreg:$0x3] =	wrdreg s5  }
0xaa: {  	[dreg:$0x4] =	wrdreg $0xC0  }
0xab: {  	_ =	task [dreg:s7], $0x5FFFF  }
0xac: {  	[dreg:$0x1] =	wrdreg $0xFFFFFFFF  }
0xad: {  	[dreg:$0x0] =	wrdreg $0x60  }
0xae: {  	[dreg:$0x2] =	wrdreg s24  }
0xaf: {  	[dreg:$0x3] =	wrdreg s2  }
0xb0: {  	[dreg:$0x4] =	wrdreg $0x9  }
0xb1: {  	_ =	task.clear_ibuf [dreg:s7], $0x5FFFF;
	_ =	strace $0x90000046  }
0xb2: {  	s29 =	simm.s32 $0x9;
	_ =	strace $0x80000048  }
0xb3: {  	_ =	swait.ge [sflag:s29], $0x1  }
0xb4: {  	[sflag:s29] =	ssyncadd.s32 $0xFFFFFFFF  }
0xb5: {  	_ =	strace $0x90000048  }
0xb6: {  	_ =	sfence  }
0xb7: {  	s30 =	sld [smem:$0x0];
	_ =	sdelay $0x2  }
0xb8: {  	s31 =	sshll.u32 s1, $0xD;
	s1 =	sshrl.u32 s1, $0x2  }
0xb9: {  	s3 =	sand.u32 $0x4000, s31;
	s1 =	sadd.s32 s1, s30  }
0xba: {  	s0 =	sor.u32 s3, s0;
	s1 =	sshll.u32 s1, $0x11  }
0xbb: {  	s0 =	sor.u32 s1, s0  }
0xbc: {  	s0 =	sadd.s32 $0x8F2B, s0  }
0xbd: {  	[sflag:s0] =	ssyncadd.remote.s32 $0x1  }
0xbe: {  	_ =	sfence.sel $0xFFFF  }
0xbf: {  	[dreg:$0x0] =	wrdreg $0xFFFFFFFF;
	(pc) =	sbr.abs _section_cstart, $3  }
0xc0: {  	[dreg:$0x1] =	wrdreg $0xFFFFFFFF  }
0xc1: {  	_ =	task.clear_ibuf [dreg:s7], $0x2FFFF;
	_ =	strace $0x9FFFFFFF  }
0xc2: {  	(tm) =	ssettm $0x7FFFFFFF  }
0xc3: {  	_ =	shalt  }
tec
execute0_lowered:
.L_overlay_start_1:
0x0: {  	(tag) =	ssettag $0x1  }
0x1: {  	v0 =	vimm.s32 $0xEFCDAB89;
	v1 =	vimm.s32 $0x67452301  }
0x2: {  	v2 =	vimm.s32 $0xDCFE98BA;
	v3 =	vimm.s32 $0x54761032;
	v4 =	vimm.s32 $0xBA98FEDC  }
0x3: {  	v5 =	vimm.s32 $0x32107654;
	v6 =	vimm.s32 $0xFEDCBA98;
	v7 =	vimm.s32 $0x76543210  }
0x4: {  	vm0 =	vmmov $0x1;
	vm1 =	vmmov $0x3;
	vm2 =	vmmov $0x7  }
0x5: {  	vm3 =	vmmov $0xf;
	vm4 =	vmmov $0x1f;
	vm5 =	vmmov $0x3f  }
0x6: {  	v0 =	vunpack.c.l.s4.s8 v0;
	v4 =	vunpack.c.l.s4.s8 v4;
	v5 =	vunpack.c.l.s4.s8 v5  }
0x7: {  	s6 =	rddreg [dreg:$0x0];
	v1 =	vunpack.c.l.s4.s8 v1;
	v2 =	vunpack.c.l.s4.s8 v2;
	v3 =	vunpack.c.l.s4.s8 v3  }
0x8: {  	s1 =	rddreg [dreg:$0x1];
	v6 =	vunpack.c.l.s4.s8 v6;
	v4 =	vunpack.c.0.s8.s32 v4;
	v5 =	vunpack.c.0.s8.s32 v5  }
0x9: {  	s0 =	rddreg [dreg:$0x2];
	v7 =	vunpack.c.l.s4.s8 v7;
	v0 =	vunpack.c.0.s8.s32 v0;
	v1 =	vunpack.c.0.s8.s32 v1  }
0xa: {  	s2 =	simm.s32 $0x0;
	s4 =	srdreg.scid;
	s3 =	stileid.u32;
	v2 =	vunpack.c.0.s8.s32 v2;
	v3 =	vunpack.c.0.s8.s32 v3;
	v60 =	vcombine.low v5, v4  }
0xb: {  	vm6 =	vmmov $0x7f;
	s10 =	simm.s32 $0x100;
	s11 =	simm.s32 $0x1;
	s12 =	simm.s32 $0x8100;
	v59 =	vunpack.c.0.s8.s32 v6;
	v0 =	vcombine.low v1, v0  }
0xc: {  	s13 =	simm.s32 $0x0;
	[smem:$0x7FF] =	sst s2;
	s4 =	sand.u32 $0x1, s4;
	v61 =	vunpack.c.0.s8.s32 v7;
	v2 =	vcombine.low v3, v2;
	v63 =	vand.u32 $0xF, v60  }
0xd: {  	vm7 =	vmmov $0xff;
	s5 =	sshll.u32 s3, $0xA;
	_ =	strace $0x80000047;
	s7 =	ssub.s32 $0x2, s4;
	v62 =	vand.u32 $0xF, v59;
	v55 =	vand.u32 $0xF, v0;
	[tilespmem:$0x1FFC0] =	vst v63  }
0xe: {  	vm8 =	vmmov $0x1ff;
	s8 =	sshll.u32 s4, $0x9;
	s4 =	sadd.s32 $0x1200, s6;
	s9 =	sshrl.u32 s7, $0x1;
	v56 =	vand.u32 $0xF, v2;
	v0 =	vcombine.low v62, v61;
	[tilespmem:$0x1FFD0] =	vst v55  }
0xf: {  	vm9 =	vmmov $0x3ff;
	vm10 =	vmmov $0x7ff;
	vm11 =	vmmov $0xfff;
	s6 =	sadd.s32 $0x1400, s6;
	s5 =	sor.u32 s8, s5;
	s31 =	ssub.s32 s7, s9;
	[tilespmem:$0x1FFE0] =	vst v56  }
0x10: {  	vm12 =	vmmov $0x1fff;
	vm13 =	vmmov $0x3fff;
	vm14 =	vmmov $0x7fff;
	s7 =	sshll.u32 s5, $0x8;
	s9 =	simm.s32 $0x2;
	s8 =	smax.u32 s31, $0x1;
	[tilespmem:$0x1FFF0] =	vst v0  }
.LBB2_1:
0x11: {  	s14 =	simm.s32 $0x0  }
.LBB2_2:
0x12: {  	s15 =	sshll.u32 s14, $0x5  }
0x13: {  	s16 =	sadd.s32 s4, s15;
	s15 =	simm.s32 $0x0  }
0x14: {  	[tilespmem:s15], [sflag:$0x2] =	stream.linear.gather [hbm4b:s16+s15], $0x100, $0x38;
	[tilespmem:$0x8300] =	vst v63  }
0x15: {  	_ =	swait.ge [sflag:s9], $0x100  }
0x16: {  	[sflag:s9] =	ssyncset.done $0x0  }
0x17: {  	[sflag:s9] =	ssyncadd.s32 $0xFFFFFF00  }
0x18: {  	v58 =	vld [tilespmem:$0x0]  }
0x19: {  	v50 =	vld [tilespmem:$0x10]  }
0x1a: {  	v34 =	vld [tilespmem:$0x20]  }
0x1b: {  	v36 =	vld [tilespmem:$0x30]  }
0x1c: {  	v1 =	vld [tilespmem:$0x40]  }
0x1d: {  	v49 =	vld [tilespmem:$0x50]  }
0x1e: {  	v51 =	vld [tilespmem:$0x60]  }
0x1f: {  	v52 =	vld [tilespmem:$0x70]  }
0x20: {  	v53 =	vld [tilespmem:$0x80]  }
0x21: {  	v54 =	vld [tilespmem:$0x90]  }
0x22: {  	v57 =	vld [tilespmem:$0xA0]  }
0x23: {  	s31 =	sshll.u32 s14, $0x16;
	v59 =	vld [tilespmem:$0xB0]  }
0x24: {  	s16 =	sor.u32 s7, s31;
	v60 =	vld [tilespmem:$0xC0]  }
0x25: {  	s17 =	sshrl.u32 s16, $0x3;
	v61 =	vld [tilespmem:$0xD0]  }
0x26: {  	s17 =	sadd.s32 s1, s17;
	v62 =	vld [tilespmem:$0xE0]  }
0x27: {  	v63 =	vld [tilespmem:$0xF0];
	[tilespmem:s10], [sflag:$0x1] =	stream.linear.gather [hbm4b:s17+s15], $0x4000, $0x38  }
0x28: {  	[tilespmem:$0x1FEC0] =	vst v1  }
0x29: {  	[tilespmem:$0x1FED0] =	vst v49  }
0x2a: {  	[tilespmem:$0x1FEE0] =	vst v51  }
0x2b: {  	[tilespmem:$0x1FEF0] =	vst v52  }
0x2c: {  	[tilespmem:$0x1FF00] =	vst v53  }
0x2d: {  	[tilespmem:$0x1FF10] =	vst v54  }
0x2e: {  	[tilespmem:$0x1FF20] =	vst v57  }
0x2f: {  	[tilespmem:$0x1FF30] =	vst v59  }
0x30: {  	[tilespmem:$0x1FF40] =	vst v60  }
0x31: {  	[tilespmem:$0x1FF50] =	vst v61  }
0x32: {  	[tilespmem:$0x1FF60] =	vst v62  }
0x33: {  	[tilespmem:$0x1FF70] =	vst v63  }
0x34: {  	[tilespmem:$0x1FF80] =	vst v58  }
0x35: {  	[tilespmem:$0x1FF90] =	vst v50  }
0x36: {  	[tilespmem:$0x1FFA0] =	vst v34  }
0x37: {  	[tilespmem:$0x1FFB0] =	vst v36  }
.LBB2_4:
0x38: {  	_ =	swait.ge [sflag:s11], $0x4000  }
0x39: {  	v53 =	vld [tilespmem:$0x1FEC0]  }
0x3a: {  	v40 =	vld [tilespmem:$0x1FED0]  }
0x3b: {  	s18 =	smov.u32 s15;
	s17 =	sshll.u32 s15, $0xE;
	v54 =	vld [tilespmem:$0x1FEE0]  }
0x3c: {  	s15 =	sadd.s32 $0x1, s15;
	p0 =	seq.s32 s18, $0x7;
	s17 =	sand.u32 $0x4000, s17;
	v57 =	vld [tilespmem:$0x1FEF0]  }
0x3d: {  	v63 =	vld [tilespmem:$0x1FF80];
	s19 =	sshll.u32 @!p0 s15, $0xE;
	s17 =	sor.u32 $0x100, s17  }
0x3e: {  	[sflag:s11] =	ssyncset.done $0x0;
	v59 =	vld [tilespmem:$0x1FF00];
	s20 =	sadd.s32 @!p0 s19, s16;
	v20 =	vmov s17  }
0x3f: {  	v62 =	vld [tilespmem:$0x1FF20];
	[sflag:s11] =	ssyncadd.s32 $0xFFFFC000;
	s17 =	sand.u32 @!p0 $0x4000, s19;
	s19 =	sshrl.u32 @!p0 s20, $0x3  }
0x40: {  	v27 =	vld [tilespmem:$0x1FF40];
	s17 =	sor.u32 @!p0 $0x100, s17;
	s20 =	simm.s32 @!p0 $0x0;
	s19 =	sadd.s32 @!p0 s1, s19  }
0x41: {  	v25 =	vld [tilespmem:$0x1FF50];
	[tilespmem:s17], [sflag:$0x1] =	stream.linear.gather @!p0 [hbm4b:s19+s20], $0x4000, $0x38  }
0x42: {  	v52 =	vld [tilespmem:$0x1FF70];
	s17 =	simm.s32 $0x0  }
0x43: {  	v46 =	vld.idx.msk [tilespmem:v20+s17+$0xFF0 ss:$0x1], $0xffff  }
0x44: {  	v31 =	vld.idx.msk [tilespmem:v20+s17+$0xF70 ss:$0x1], $0xffff  }
0x45: {  	v49 =	vld.idx.msk [tilespmem:v20+s17+$0xFE0 ss:$0x1], $0xffff  }
0x46: {  	v61 =	vld.idx.msk [tilespmem:v20+s17+$0xEF0 ss:$0x1], $0xffff  }
0x47: {  	v47 =	vld.idx.msk [tilespmem:v20+s17+$0xF60 ss:$0x1], $0xffff  }
0x48: {  	v4 =	vld.idx.msk [tilespmem:v20+s17+$0xFD0 ss:$0x1], $0xffff  }
0x49: {  	v48 =	vld.idx.msk [tilespmem:v20+s17+$0xE70 ss:$0x1], $0xffff  }
0x4a: {  	v37 =	vld.idx.msk [tilespmem:v20+s17+$0xEE0 ss:$0x1], $0xffff  }
0x4b: {  	v28 =	vld.idx.msk [tilespmem:v20+s17+$0xF50 ss:$0x1], $0xffff  }
0x4c: {  	v5 =	vld.idx.msk [tilespmem:v20+s17+$0xFC0 ss:$0x1], $0xffff  }
0x4d: {  	v0 =	vld.idx.msk [tilespmem:v20+s17+$0xDF0 ss:$0x1], $0xffff  }
0x4e: {  	v44 =	vld.idx.msk [tilespmem:v20+s17+$0xE60 ss:$0x1], $0xffff  }
0x4f: {  	v30 =	vld.idx.msk [tilespmem:v20+s17+$0xED0 ss:$0x1], $0xffff  }
0x50: {  	v3 =	vld.idx.msk [tilespmem:v20+s17+$0xF40 ss:$0x1], $0xffff  }
0x51: {  	v6 =	vld.idx.msk [tilespmem:v20+s17+$0xFB0 ss:$0x1], $0xffff  }
0x52: {  	v39 =	vld.idx.msk [tilespmem:v20+s17+$0xE50 ss:$0x1], $0xffff  }
0x53: {  	v42 =	vld.idx.msk [tilespmem:v20+s17+$0xEC0 ss:$0x1], $0xffff  }
0x54: {  	v60 =	vld.idx.msk [tilespmem:v20+s17+$0xF30 ss:$0x1], $0xffff  }
0x55: {  	v7 =	vld.idx.msk [tilespmem:v20+s17+$0xFA0 ss:$0x1], $0xffff  }
0x56: {  	v38 =	vld.idx.msk [tilespmem:v20+s17+$0xE40 ss:$0x1], $0xffff  }
0x57: {  	v26 =	vld.idx.msk [tilespmem:v20+s17+$0xEB0 ss:$0x1], $0xffff  }
0x58: {  	v1 =	vld.idx.msk [tilespmem:v20+s17+$0xF20 ss:$0x1], $0xffff  }
0x59: {  	v8 =	vld.idx.msk [tilespmem:v20+s17+$0xF90 ss:$0x1], $0xffff  }
0x5a: {  	v33 =	vld.idx.msk [tilespmem:v20+s17+$0xE30 ss:$0x1], $0xffff  }
0x5b: {  	v22 =	vld.idx.msk [tilespmem:v20+s17+$0xEA0 ss:$0x1], $0xffff  }
0x5c: {  	v9 =	vld.idx.msk [tilespmem:v20+s17+$0xF10 ss:$0x1], $0xffff  }
0x5d: {  	v10 =	vld.idx.msk [tilespmem:v20+s17+$0xF80 ss:$0x1], $0xffff  }
0x5e: {  	v45 =	vld.idx.msk [tilespmem:v20+s17+$0xDB0 ss:$0x1], $0xffff  }
0x5f: {  	v29 =	vld.idx.msk [tilespmem:v20+s17+$0xE20 ss:$0x1], $0xffff  }
0x60: {  	v11 =	vld.idx.msk [tilespmem:v20+s17+$0xF00 ss:$0x1], $0xffff  }
0x61: {  	v12 =	vld.idx.msk [tilespmem:v20+s17+$0xBF0 ss:$0x1], $0xffff  }
0x62: {  	v2 =	vld.idx.msk [tilespmem:v20+s17+$0x770 ss:$0x1], $0xffff  }
0x63: {  	v41 =	vld.idx.msk [tilespmem:v20+s17+$0xDA0 ss:$0x1], $0xffff  }
0x64: {  	[tilespmem:$0x1FBB0] =	vst v0;
	v0 =	vld.idx.msk [tilespmem:v20+s17+$0xD70 ss:$0x1], $0xffff  }
0x65: {  	v16 =	vld.idx.msk [tilespmem:v20+s17+$0xB80 ss:$0x1], $0xffff  }
0x66: {  	v17 =	vld.idx.msk [tilespmem:v20+s17+$0xB90 ss:$0x1], $0xffff  }
0x67: {  	v24 =	vld.idx.msk [tilespmem:v20+s17+$0xE10 ss:$0x1], $0xffff  }
0x68: {  	v18 =	vld.idx.msk [tilespmem:v20+s17+$0xBA0 ss:$0x1], $0xffff  }
0x69: {  	[tilespmem:$0x1FC20] =	vst v0;
	v0 =	vld.idx.msk [tilespmem:v20+s17+$0xDE0 ss:$0x1], $0xffff  }
0x6a: {  	v19 =	vld.idx.msk [tilespmem:v20+s17+$0xBB0 ss:$0x1], $0xffff  }
0x6b: {  	v13 =	vld.idx.msk [tilespmem:v20+s17+$0xE80 ss:$0x1], $0xffff;
	v16 =	vmul.f32 v16, v58;
	v17 =	vmul.f32 v17, v50  }
0x6c: {  	v14 =	vld.idx.msk [tilespmem:v20+s17+$0xB70 ss:$0x1], $0xffff  }
0x6d: {  	v15 =	vld.idx.msk [tilespmem:v20+s17+$0xBE0 ss:$0x1], $0xffff;
	v16 =	vadd.f32 v17, v16;
	v17 =	vmul.f32 v18, v34  }
0x6e: {  	[tilespmem:$0x1FBA0] =	vst v0;
	v0 =	vld.idx.msk [tilespmem:v20+s17+$0xCF0 ss:$0x1], $0xffff  }
0x6f: {  	v16 =	vadd.f32 v17, v16;
	v17 =	vmul.f32 v19, v36;
	v19 =	vld.idx.msk [tilespmem:v20+s17+$0x670 ss:$0x1], $0xffff  }
0x70: {  	v35 =	vld.idx.msk [tilespmem:v20+s17+$0xD90 ss:$0x1], $0xffff  }
0x71: {  	v21 =	vld.idx.msk [tilespmem:v20+s17+$0xBC0 ss:$0x1], $0xffff  }
0x72: {  	v23 =	vld.idx.msk [tilespmem:v20+s17+$0x7C0 ss:$0x1], $0xffff  }
0x73: {  	[tilespmem:$0x1FC40] =	vst v0;
	v0 =	vld.idx.msk [tilespmem:v20+s17+$0xD60 ss:$0x1], $0xffff  }
0x74: {  	[tilespmem:$0x1FD40] =	vst v19;
	v19 =	vld.idx.msk [tilespmem:v20+s17+$0x6E0 ss:$0x1], $0xffff  }
0x75: {  	[tilespmem:$0x1FCC0] =	vst v2;
	v2 =	vld.idx.msk [tilespmem:v20+s17+$0x7E0 ss:$0x1], $0xffff  }
0x76: {  	v32 =	vld.idx.msk [tilespmem:v20+s17+$0xBD0 ss:$0x1], $0xffff  }
0x77: {  	[tilespmem:$0x1FDA0] =	vst v23;
	v23 =	vld.idx.msk [tilespmem:v20+s17+$0xC30 ss:$0x1], $0xffff  }
0x78: {  	[tilespmem:$0x1FC10] =	vst v0;
	v0 =	vld.idx.msk [tilespmem:v20+s17+$0xDD0 ss:$0x1], $0xffff  }
0x79: {  	[tilespmem:$0x1FD60] =	vst v19;
	v19 =	vld.idx.msk [tilespmem:v20+s17+$0x750 ss:$0x1], $0xffff  }
0x7a: {  	[tilespmem:$0x1FCD0] =	vst v2;
	v2 =	vld.idx.msk [tilespmem:v20+s17+$0xC50 ss:$0x1], $0xffff  }
0x7b: {  	v18 =	vld.idx.msk [tilespmem:v20+s17+$0xB60 ss:$0x1], $0xffff;
	v16 =	vadd.f32 v17, v16;
	v17 =	vmul.f32 v21, v53  }
0x7c: {  	v21 =	vld.idx.msk [tilespmem:v20+s17+$0xB10 ss:$0x1], $0xffff  }
0x7d: {  	v16 =	vadd.f32 v17, v16;
	v17 =	vmul.f32 v32, v40;
	[tilespmem:$0x1FB90] =	vst v0;
	v0 =	vld.idx.msk [tilespmem:v20+s17+$0xC70 ss:$0x1], $0xffff  }
0x7e: {  	[tilespmem:$0x1FD90] =	vst v19;
	v19 =	vld.idx.msk [tilespmem:v20+s17+$0xB00 ss:$0x1], $0xffff  }
0x7f: {  	v15 =	vmul.f32 v15, v54;
	[tilespmem:$0x1FCE0] =	vst v2;
	v2 =	vld.idx.msk [tilespmem:v20+s17+$0xCC0 ss:$0x1], $0xffff;
	v16 =	vadd.f32 v17, v16  }
0x80: {  	v17 =	vld.idx.msk [tilespmem:v20+s17+$0xB20 ss:$0x1], $0xffff  }
0x81: {  	v12 =	vmul.f32 v12, v57;
	v15 =	vadd.f32 v15, v16;
	v16 =	vld.idx.msk [tilespmem:v20+s17+$0xB30 ss:$0x1], $0xffff  }
0x82: {  	[tilespmem:$0x1FC60] =	vst v0;
	v0 =	vld.idx.msk [tilespmem:v20+s17+$0xCE0 ss:$0x1], $0xffff  }
0x83: {  	v21 =	vmul.f32 v21, v50;
	v12 =	vadd.f32 v12, v15;
	v15 =	vld.idx.msk [tilespmem:v20+s17+$0xB40 ss:$0x1], $0xffff;
	v19 =	vmul.f32 v19, v63  }
0x84: {  	[tilespmem:$0x1FC90] =	vst v2;
	v2 =	vld.idx.msk [tilespmem:v20+s17+$0xD30 ss:$0x1], $0xffff  }
0x85: {  	v32 =	vld [tilespmem:$0x1FF30];
	v17 =	vmul.f32 v17, v34;
	v19 =	vadd.f32 v21, v19  }
0x86: {  	v10 =	vmul.f32 v10, v59;
	v63 =	vld [tilespmem:$0x1FF10]  }
0x87: {  	v16 =	vmul.f32 v16, v36;
	v17 =	vadd.f32 v17, v19;
	[tilespmem:$0x1FC70] =	vst v0;
	v0 =	vld.idx.msk [tilespmem:v20+s17+$0xD50 ss:$0x1], $0xffff  }
0x88: {  	v10 =	vadd.f32 v10, v12;
	v12 =	vld.idx.msk [tilespmem:v20+s17+$0xA90 ss:$0x1], $0xffff  }
0x89: {  	v15 =	vmul.f32 v15, v53;
	[tilespmem:$0x1FBC0] =	vst v2;
	v2 =	vld.idx.msk [tilespmem:v20+s17+$0x6F0 ss:$0x1], $0xffff;
	v16 =	vadd.f32 v16, v17  }
0x8a: {  	v21 =	vld.idx.msk [tilespmem:v20+s17+$0xA80 ss:$0x1], $0xffff  }
0x8b: {  	v8 =	vmul.f32 v8, v63;
	v15 =	vadd.f32 v15, v16;
	v16 =	vld [tilespmem:$0x1FF80]  }
0x8c: {  	[tilespmem:$0x1FBF0] =	vst v0;
	v0 =	vld.idx.msk [tilespmem:v20+s17+$0xDC0 ss:$0x1], $0xffff  }
0x8d: {  	v7 =	vmul.f32 v7, v62;
	v8 =	vadd.f32 v8, v10;
	v10 =	vld.idx.msk [tilespmem:v20+s17+$0xAA0 ss:$0x1], $0xffff  }
0x8e: {  	v19 =	vld.idx.msk [tilespmem:v20+s17+$0xB50 ss:$0x1], $0xffff  }
0x8f: {  	v6 =	vmul.f32 v6, v32;
	v7 =	vadd.f32 v7, v8;
	v8 =	vld.idx.msk [tilespmem:v20+s17+$0xAB0 ss:$0x1], $0xffff  }
0x90: {  	v12 =	vmul.f32 v12, v50;
	v17 =	vld.idx.msk [tilespmem:v20+s17+$0xAC0 ss:$0x1], $0xffff;
	v16 =	vmul.f32 v21, v16  }
0x91: {  	v5 =	vmul.f32 v5, v27;
	v6 =	vadd.f32 v6, v7;
	[tilespmem:$0x1FB70] =	vst v0;
	v0 =	vld.idx.msk [tilespmem:v20+s17+$0x7F0 ss:$0x1], $0xffff  }
0x92: {  	[tilespmem:$0x1FCF0] =	vst v2;
	v2 =	vld.idx.msk [tilespmem:v20+s17+$0x760 ss:$0x1], $0xffff;
	v10 =	vmul.f32 v10, v34;
	v12 =	vadd.f32 v12, v16  }
0x93: {  	v4 =	vmul.f32 v4, v25;
	v5 =	vadd.f32 v5, v6;
	v16 =	vld.idx.msk [tilespmem:v20+s17+$0xAD0 ss:$0x1], $0xffff  }
0x94: {  	v43 =	vld.idx.msk [tilespmem:v20+s17+$0xAF0 ss:$0x1], $0xffff;
	v8 =	vmul.f32 v8, v36;
	v10 =	vadd.f32 v10, v12  }
0x95: {  	[tilespmem:$0x1FD80] =	vst v23;
	v23 =	vld [tilespmem:$0x1FF60];
	v7 =	vmul.f32 v19, v40;
	v4 =	vadd.f32 v4, v5  }
0x96: {  	v5 =	vadd.f32 v8, v10;
	v8 =	vmul.f32 v17, v53;
	[tilespmem:$0x1FC80] =	vst v0;
	v0 =	vld.idx.msk [tilespmem:v20+s17+$0xC60 ss:$0x1], $0xffff  }
0x97: {  	[tilespmem:$0x1FD10] =	vst v2;
	v2 =	vld.idx.msk [tilespmem:v20+s17+$0x7D0 ss:$0x1], $0xffff;
	v7 =	vadd.f32 v7, v15;
	v6 =	vmul.f32 v18, v54  }
0x98: {  	v15 =	vld.idx.msk [tilespmem:v20+s17+$0xA00 ss:$0x1], $0xffff;
	v5 =	vadd.f32 v8, v5;
	v8 =	vmul.f32 v9, v63;
	v9 =	vmul.f32 v16, v40  }
0x99: {  	v6 =	vadd.f32 v6, v7;
	v7 =	vmul.f32 v14, v57;
	v14 =	vld.idx.msk [tilespmem:v20+s17+$0xAE0 ss:$0x1], $0xffff  }
0x9a: {  	v5 =	vadd.f32 v9, v5;
	v9 =	vld.idx.msk [tilespmem:v20+s17+$0x6D0 ss:$0x1], $0xffff  }
0x9b: {  	v11 =	vmul.f32 v11, v59;
	v6 =	vadd.f32 v7, v6;
	[tilespmem:$0x1FCA0] =	vst v0;
	v0 =	vld.idx.msk [tilespmem:v20+s17+$0xCD0 ss:$0x1], $0xffff  }
0x9c: {  	v12 =	vld.idx.msk [tilespmem:v20+s17+$0xA10 ss:$0x1], $0xffff  }
0x9d: {  	v6 =	vadd.f32 v11, v6;
	v11 =	vld [tilespmem:$0x1FF80]  }
0x9e: {  	v17 =	vld.idx.msk [tilespmem:v20+s17+$0xA20 ss:$0x1], $0xffff  }
0x9f: {  	v7 =	vmul.f32 v49, v23;
	[tilespmem:$0x1FDD0] =	vst v9;
	v9 =	vld.idx.msk [tilespmem:v20+s17+$0x740 ss:$0x1], $0xffff  }
0xa0: {  	[tilespmem:$0x1FCB0] =	vst v0;
	v0 =	vld.idx.msk [tilespmem:v20+s17+$0xD40 ss:$0x1], $0xffff  }
0xa1: {  	v51 =	vld.idx.msk [tilespmem:v20+s17+$0xD10 ss:$0x1], $0xffff;
	v4 =	vadd.f32 v7, v4;
	v7 =	vmul.f32 v14, v54  }
0xa2: {  	v12 =	vmul.f32 v12, v50;
	v11 =	vmul.f32 v15, v11;
	v15 =	vld.idx.msk [tilespmem:v20+s17+$0xA30 ss:$0x1], $0xffff  }
0xa3: {  	v1 =	vmul.f32 v1, v62;
	[tilespmem:$0x1FD20] =	vst v2;
	v2 =	vld.idx.msk [tilespmem:v20+s17+$0xC40 ss:$0x1], $0xffff;
	v6 =	vadd.f32 v8, v6  }
0xa4: {  	v5 =	vadd.f32 v7, v5;
	v8 =	vadd.f32 v12, v11;
	v11 =	vld.idx.msk [tilespmem:v20+s17+$0xA40 ss:$0x1], $0xffff;
	[tilespmem:$0x1FDF0] =	vst v9  }
0xa5: {  	v7 =	vmul.f32 v46, v52;
	v9 =	vmul.f32 v17, v34;
	[tilespmem:$0x1FBE0] =	vst v0;
	v0 =	vld.idx.msk [tilespmem:v20+s17+$0xE90 ss:$0x1], $0xffff  }
0xa6: {  	v58 =	vld.idx.msk [tilespmem:v20+s17+$0xCA0 ss:$0x1], $0xffff;
	v1 =	vadd.f32 v1, v6;
	v6 =	vmul.f32 v60, v32;
	v12 =	vmul.f32 v43, v57  }
0xa7: {  	v4 =	vadd.f32 v7, v4;
	v7 =	vadd.f32 v9, v8;
	v8 =	vmul.f32 v15, v36;
	v9 =	vld.idx.msk [tilespmem:v20+s17+$0xA50 ss:$0x1], $0xffff  }
0xa8: {  	v19 =	vld.idx.msk [tilespmem:v20+s17+$0xC90 ss:$0x1], $0xffff;
	v1 =	vadd.f32 v6, v1;
	v6 =	vmul.f32 v13, v59;
	v5 =	vadd.f32 v12, v5  }
0xa9: {  	v21 =	vld.idx.msk [tilespmem:v20+s17+$0xD80 ss:$0x1], $0xffff;
	[tilespmem:$0x1FD30] =	vst v2;
	v7 =	vadd.f32 v8, v7;
	v8 =	vmul.f32 v3, v27  }
0xaa: {  	v2 =	vld.idx.msk [tilespmem:v20+s17+$0xCB0 ss:$0x1], $0xffff;
	v5 =	vadd.f32 v6, v5;
	v11 =	vmul.f32 v11, v53;
	v6 =	vmul.f32 v0, v63  }
0xab: {  	v18 =	vld.idx.msk [tilespmem:v20+s17+$0xC10 ss:$0x1], $0xffff;
	v1 =	vadd.f32 v8, v1;
	v8 =	vmul.f32 v28, v25  }
0xac: {  	v49 =	vld.idx.msk [tilespmem:v20+s17+$0x460 ss:$0x1], $0xffff;
	v7 =	vadd.f32 v11, v7;
	v5 =	vadd.f32 v6, v5;
	v6 =	vmul.f32 v9, v40  }
0xad: {  	v10 =	vld.idx.msk [tilespmem:v20+s17+$0xA70 ss:$0x1], $0xffff  }
0xae: {  	v14 =	vld.idx.msk [tilespmem:v20+s17+$0x7B0 ss:$0x1], $0xffff;
	v1 =	vadd.f32 v8, v1;
	v6 =	vadd.f32 v6, v7;
	v7 =	vmul.f32 v47, v23  }
0xaf: {  	[tilespmem:$0x1FC50] =	vst v2;
	v2 =	vld.idx.msk [tilespmem:v20+s17+$0xD20 ss:$0x1], $0xffff  }
0xb0: {  	v16 =	vld.idx.msk [tilespmem:v20+s17+$0x660 ss:$0x1], $0xffff;
	v1 =	vadd.f32 v7, v1;
	v7 =	vmul.f32 v31, v52  }
0xb1: {  	v9 =	vld.idx.msk [tilespmem:v20+s17+$0x980 ss:$0x1], $0xffff  }
0xb2: {  	v1 =	vadd.f32 v7, v1;
	v7 =	vld [tilespmem:$0x1FF80]  }
0xb3: {  	v50 =	vld.idx.msk [tilespmem:v20+s17+$0x5E0 ss:$0x1], $0xffff  }
0xb4: {  	v12 =	vld.idx.msk [tilespmem:v20+s17+$0xA60 ss:$0x1], $0xffff;
	v13 =	vperm.xlane v4, v55  }
0xb5: {  	v46 =	vld.idx.msk [tilespmem:v20+s17+$0xC20 ss:$0x1], $0xffff  }
0xb6: {  	v4 =	vadd.f32 v4, v13;
	v13 =	vld.idx.msk [tilespmem:v20+s17+$0x990 ss:$0x1], $0xffff  }
0xb7: {  	[tilespmem:$0x1FE00] =	vst v14;
	v8 =	vmul.f32 v22, v62;
	v7 =	vmul.f32 v9, v7;
	v9 =	vld [tilespmem:$0x1FF90]  }
0xb8: {  	[tilespmem:$0x1FBD0] =	vst v2;
	v2 =	vld.idx.msk [tilespmem:v20+s17+$0xE00 ss:$0x1], $0xffff  }
0xb9: {  	v14 =	vld.idx.msk [tilespmem:v20+s17+$0x9F0 ss:$0x1], $0xffff;
	v12 =	vmul.f32 v12, v54;
	v5 =	vadd.f32 v8, v5;
	v8 =	vmul.f32 v26, v32  }
0xba: {  	v10 =	vmul.f32 v10, v57;
	v60 =	vld.idx.msk [tilespmem:v20+s17+$0x640 ss:$0x1], $0xffff;
	v50 =	vmul.f32 v50, v23  }
0xbb: {  	v43 =	vld [tilespmem:$0x1FFC0];
	v6 =	vadd.f32 v12, v6;
	v5 =	vadd.f32 v8, v5;
	v8 =	vmul.f32 v42, v27  }
0xbc: {  	[tilespmem:$0x1FE10] =	vst v50;
	v12 =	vld.idx.msk [tilespmem:v20+s17+$0x9B0 ss:$0x1], $0xffff;
	v9 =	vmul.f32 v13, v9  }
0xbd: {  	v50 =	vld.idx.msk [tilespmem:v20+s17+$0x430 ss:$0x1], $0xffff;
	v6 =	vadd.f32 v10, v6;
	v5 =	vadd.f32 v8, v5;
	v8 =	vmul.f32 v2, v59  }
0xbe: {  	v17 =	vld.idx.msk [tilespmem:v20+s17+$0x890 ss:$0x1], $0xffff;
	v7 =	vadd.f32 v9, v7;
	v9 =	vmul.f32 v30, v25  }
0xbf: {  	v15 =	vld.idx.msk [tilespmem:v20+s17+$0x900 ss:$0x1], $0xffff;
	v11 =	vperm.xlane v4, v56;
	v6 =	vadd.f32 v8, v6;
	v8 =	vmul.f32 v24, v63  }
0xc0: {  	v3 =	vld.idx.msk [tilespmem:v20+s17+$0x650 ss:$0x1], $0xffff;
	v5 =	vadd.f32 v9, v5;
	v9 =	vmul.f32 v37, v23  }
0xc1: {  	v28 =	vld.idx.msk [tilespmem:v20+s17+$0x790 ss:$0x1], $0xffff;
	v4 =	vadd.f32 v4, v11;
	v6 =	vadd.f32 v8, v6;
	v8 =	vmul.f32 v12, v36  }
0xc2: {  	v11 =	vld.idx.msk [tilespmem:v20+s17+$0x9A0 ss:$0x1], $0xffff;
	v12 =	vmul.f32 v29, v62;
	v5 =	vadd.f32 v9, v5;
	v9 =	vmul.f32 v61, v52  }
0xc3: {  	v22 =	vld.idx.msk [tilespmem:v20+s17+$0x6B0 ss:$0x1], $0xffff  }
0xc4: {  	v0 =	vld.idx.msk [tilespmem:v20+s17+$0xD00 ss:$0x1], $0xffff;
	v6 =	vadd.f32 v12, v6;
	v5 =	vadd.f32 v9, v5;
	v9 =	vmul.f32 v33, v32  }
0xc5: {  	v47 =	vld.idx.msk [tilespmem:v20+s17+$0x6C0 ss:$0x1], $0xffff;
	v13 =	vperm.xlane v1, v55  }
0xc6: {  	v10 =	vld.idx.msk [tilespmem:v20+s17+$0x9C0 ss:$0x1], $0xffff;
	v12 =	vmul.f32 v38, v27;
	v6 =	vadd.f32 v9, v6  }
0xc7: {  	v11 =	vmul.f32 v11, v34;
	v1 =	vadd.f32 v1, v13;
	v13 =	vld.idx.msk [tilespmem:v20+s17+$0x9D0 ss:$0x1], $0xffff  }
0xc8: {  	v6 =	vadd.f32 v12, v6;
	v12 =	vld [tilespmem:$0x1FF80]  }
0xc9: {  	v26 =	vld.idx.msk [tilespmem:v20+s17+$0x5D0 ss:$0x1], $0xffff;
	v7 =	vadd.f32 v11, v7  }
0xca: {  	v11 =	vld.idx.msk [tilespmem:v20+s17+$0x9E0 ss:$0x1], $0xffff  }
0xcb: {  	v2 =	vld.idx.msk [tilespmem:v20+s17+$0x730 ss:$0x1], $0xffff;
	v7 =	vadd.f32 v8, v7;
	v8 =	vmul.f32 v10, v53  }
0xcc: {  	[tilespmem:$0x1FDB0] =	vst v16;
	v16 =	vperm.xlane v1, v56;
	v10 =	vld.idx.msk [tilespmem:v20+s17+$0x910 ss:$0x1], $0xffff  }
0xcd: {  	v7 =	vadd.f32 v8, v7;
	v8 =	vmul.f32 v13, v40;
	v12 =	vmul.f32 v15, v12;
	v15 =	vld [tilespmem:$0x1FF90]  }
0xce: {  	v42 =	vld.idx.msk [tilespmem:v20+s17+$0x7A0 ss:$0x1], $0xffff;
	v1 =	vadd.f32 v1, v16  }
0xcf: {  	v31 =	vld.idx.msk [tilespmem:v20+s17+$0x470 ss:$0x1], $0xffff;
	v16 =	vperm.xlane v4, v43;
	v7 =	vadd.f32 v8, v7;
	v8 =	vmul.f32 v11, v54  }
0xd0: {  	[tilespmem:$0x1FE20] =	vst v3;
	v13 =	vld.idx.msk [tilespmem:v20+s17+$0x920 ss:$0x1], $0xffff;
	v9 =	vmul.f32 v39, v25  }
0xd1: {  	v3 =	vld [tilespmem:$0x1FB90];
	[tilespmem:$0x1FE50] =	vst v2;
	v2 =	vadd.f32 v4, v16;
	v4 =	vadd.f32 v8, v7;
	v7 =	vmul.f32 v14, v57  }
0xd2: {  	v6 =	vadd.f32 v9, v6;
	v9 =	vmul.f32 v44, v23;
	v10 =	vmul.f32 v10, v15;
	v15 =	vld.idx.msk [tilespmem:v20+s17+$0x930 ss:$0x1], $0xffff  }
0xd3: {  	v24 =	vld.idx.msk [tilespmem:v20+s17+$0x710 ss:$0x1], $0xffff;
	v4 =	vadd.f32 v7, v4  }
0xd4: {  	v29 =	vld.idx.msk [tilespmem:v20+s17+$0x6A0 ss:$0x1], $0xffff;
	v7 =	vperm.xlane v5, v55;
	v6 =	vadd.f32 v9, v6;
	v9 =	vmul.f32 v48, v52  }
0xd5: {  	v30 =	vld.idx.msk [tilespmem:v20+s17+$0x630 ss:$0x1], $0xffff;
	v10 =	vadd.f32 v10, v12;
	v12 =	vmul.f32 v13, v34  }
0xd6: {  	v5 =	vadd.f32 v5, v7;
	v6 =	vadd.f32 v9, v6;
	v13 =	vld.idx.msk [tilespmem:v20+s17+$0x940 ss:$0x1], $0xffff  }
0xd7: {  	v37 =	vld.idx.msk [tilespmem:v20+s17+$0x5B0 ss:$0x1], $0xffff;
	v9 =	vperm.xlane v1, v43;
	v7 =	vadd.f32 v12, v10;
	v12 =	vmul.f32 v15, v36  }
0xd8: {  	v14 =	vmul.f32 v21, v59;
	v10 =	vld.idx.msk [tilespmem:v20+s17+$0x950 ss:$0x1], $0xffff  }
0xd9: {  	v16 =	vld.idx.msk [tilespmem:v20+s17+$0x880 ss:$0x1], $0xffff;
	v1 =	vadd.f32 v1, v9;
	v7 =	vadd.f32 v12, v7;
	v12 =	vperm.xlane v5, v56  }
0xda: {  	v4 =	vadd.f32 v14, v4;
	v14 =	vld.idx.msk [tilespmem:v20+s17+$0x960 ss:$0x1], $0xffff  }
0xdb: {  	v44 =	vld [tilespmem:$0x1FD20];
	[tilespmem:$0x1FB60] =	vst v1;
	v13 =	vmul.f32 v13, v53;
	v1 =	vadd.f32 v5, v12  }
0xdc: {  	v8 =	vld.idx.msk [tilespmem:v20+s17+$0x970 ss:$0x1], $0xffff  }
0xdd: {  	[tilespmem:$0x1FB50] =	vst v2;
	v2 =	vld [tilespmem:$0x1FB70];
	v7 =	vadd.f32 v13, v7;
	v9 =	vmul.f32 v10, v40;
	v12 =	vperm.xlane v1, v43  }
0xde: {  	v11 =	vld.idx.msk [tilespmem:v20+s17+$0xC80 ss:$0x1], $0xffff;
	v15 =	vmul.f32 v35, v63  }
0xdf: {  	v39 =	vld [tilespmem:$0x1FD80];
	v7 =	vadd.f32 v9, v7;
	v9 =	vmul.f32 v14, v54;
	v1 =	vadd.f32 v1, v12  }
0xe0: {  	v21 =	vld.idx.msk [tilespmem:v20+s17+$0x720 ss:$0x1], $0xffff;
	v48 =	vmul.f32 v44, v25;
	v4 =	vadd.f32 v15, v4;
	v15 =	vmul.f32 v41, v62  }
0xe1: {  	[tilespmem:$0x1FB80] =	vst v1;
	v1 =	vadd.f32 v9, v7;
	v7 =	vmul.f32 v8, v57;
	v8 =	vmul.f32 v3, v25;
	v3 =	vld [tilespmem:$0x1FBA0]  }
0xe2: {  	v44 =	vld [tilespmem:$0x1FDA0];
	v4 =	vadd.f32 v15, v4;
	v10 =	vmul.f32 v2, v27;
	v2 =	vmul.f32 v45, v32  }
0xe3: {  	v13 =	vld [tilespmem:$0x1FF90]  }
0xe4: {  	v2 =	vadd.f32 v2, v4;
	v4 =	vld [tilespmem:$0x1FF80]  }
0xe5: {  	v41 =	vld [tilespmem:$0x1FD10]  }
0xe6: {  	v5 =	vperm.xlane v6, v55;
	v12 =	vmul.f32 v3, v23;
	v3 =	vld [tilespmem:$0x1FBB0]  }
0xe7: {  	v45 =	vld [tilespmem:$0x1FD30]  }
0xe8: {  	v5 =	vadd.f32 v6, v5;
	v6 =	vld.idx.msk [tilespmem:v20+s17+$0x8A0 ss:$0x1], $0xffff  }
0xe9: {  	v14 =	vld.idx.msk [tilespmem:v20+s17+$0x8B0 ss:$0x1], $0xffff;
	v13 =	vmul.f32 v17, v13;
	v4 =	vmul.f32 v16, v4  }
0xea: {  	v35 =	vmul.f32 v41, v23;
	v41 =	vld [tilespmem:$0x1FD90]  }
0xeb: {  	v4 =	vadd.f32 v13, v4;
	v13 =	vmul.f32 v3, v52;
	v3 =	vld [tilespmem:$0x1FBC0]  }
0xec: {  	v9 =	vld.idx.msk [tilespmem:v20+s17+$0x8C0 ss:$0x1], $0xffff  }
0xed: {  	v2 =	vadd.f32 v10, v2;
	v16 =	vld [tilespmem:$0x1FF80]  }
0xee: {  	v10 =	vperm.xlane v5, v56;
	v1 =	vadd.f32 v7, v1;
	v7 =	vld.idx.msk [tilespmem:v20+s17+$0x800 ss:$0x1], $0xffff  }
0xef: {  	v6 =	vmul.f32 v6, v34;
	v2 =	vadd.f32 v8, v2;
	v8 =	vld.idx.msk [tilespmem:v20+s17+$0x810 ss:$0x1], $0xffff  }
0xf0: {  	v5 =	vadd.f32 v5, v10;
	v10 =	vmul.f32 v14, v36;
	v14 =	vmul.f32 v3, v32;
	v3 =	vld [tilespmem:$0x1FBD0]  }
0xf1: {  	v4 =	vadd.f32 v6, v4;
	v6 =	vld.idx.msk [tilespmem:v20+s17+$0x8D0 ss:$0x1], $0xffff  }
0xf2: {  	v2 =	vadd.f32 v12, v2;
	v12 =	vld.idx.msk [tilespmem:v20+s17+$0x820 ss:$0x1], $0xffff  }
0xf3: {  	v7 =	vmul.f32 v7, v16;
	v16 =	vld [tilespmem:$0x1FF90]  }
0xf4: {  	v0 =	vmul.f32 v0, v59;
	v9 =	vmul.f32 v9, v53;
	v4 =	vadd.f32 v10, v4;
	v10 =	vld.idx.msk [tilespmem:v20+s17+$0x8E0 ss:$0x1], $0xffff  }
0xf5: {  	v15 =	vmul.f32 v3, v62;
	v3 =	vld [tilespmem:$0x1FBE0]  }
0xf6: {  	v0 =	vadd.f32 v0, v1;
	v1 =	vmul.f32 v51, v63;
	v4 =	vadd.f32 v9, v4;
	v9 =	vld.idx.msk [tilespmem:v20+s17+$0x8F0 ss:$0x1], $0xffff  }
0xf7: {  	v17 =	vmul.f32 v18, v63;
	v18 =	vld.idx.msk [tilespmem:v20+s17+$0x320 ss:$0x1], $0xffff;
	v6 =	vmul.f32 v6, v40  }
0xf8: {  	v38 =	vmul.f32 v45, v27;
	v45 =	vld [tilespmem:$0x1FDB0];
	v0 =	vadd.f32 v1, v0;
	v8 =	vmul.f32 v8, v16  }
0xf9: {  	v2 =	vadd.f32 v13, v2;
	v13 =	vld.idx.msk [tilespmem:v20+s17+$0x830 ss:$0x1], $0xffff;
	v4 =	vadd.f32 v6, v4;
	v6 =	vmul.f32 v10, v54  }
0xfa: {  	v7 =	vadd.f32 v8, v7;
	v8 =	vmul.f32 v12, v34;
	v10 =	vmul.f32 v3, v27;
	v3 =	vld [tilespmem:$0x1FBF0]  }
0xfb: {  	v4 =	vadd.f32 v6, v4;
	v9 =	vmul.f32 v9, v57;
	v0 =	vadd.f32 v15, v0;
	v15 =	vld.idx.msk [tilespmem:v20+s17+$0x840 ss:$0x1], $0xffff  }
0xfc: {  	v12 =	vperm.xlane v2, v55;
	v6 =	vld.idx.msk [tilespmem:v20+s17+$0x850 ss:$0x1], $0xffff  }
0xfd: {  	v11 =	vmul.f32 v11, v59;
	v51 =	vld.idx.msk [tilespmem:v20+s17+$0x5C0 ss:$0x1], $0xffff;
	v7 =	vadd.f32 v8, v7;
	v4 =	vadd.f32 v9, v4  }
0xfe: {  	s18 =	sshll.u32 s18, $0x6;
	v1 =	vld.idx.msk [tilespmem:v20+s17+$0xC00 ss:$0x1], $0xffff;
	v2 =	vadd.f32 v2, v12;
	v8 =	vperm.xlane v5, v43;
	v12 =	vmul.f32 v13, v36  }
0xff: {  	s18 =	sand.u32 $0x3FFFFFC0, s18;
	v16 =	vld [tilespmem:$0x1FCB0];
	v4 =	vadd.f32 v11, v4;
	v0 =	vadd.f32 v14, v0;
	v13 =	vmul.f32 v3, v25  }
0x100: {  	s18 =	sadd.s32 $0x8100, s18;
	v3 =	vadd.f32 v5, v8;
	v5 =	vadd.f32 v12, v7;
	v7 =	vld.idx.msk [tilespmem:v20+s17+$0x860 ss:$0x1], $0xffff;
	v8 =	vmul.f32 v15, v53  }
0x101: {  	v9 =	vld.idx.msk [tilespmem:v20+s17+$0x870 ss:$0x1], $0xffff;
	v11 =	vmov s18;
	v6 =	vmul.f32 v6, v40;
	v0 =	vadd.f32 v10, v0  }
0x102: {  	[tilespmem:$0x1FC30] =	vst v11;
	v11 =	vld.idx.msk [tilespmem:v20+s17+$0x3A0 ss:$0x1], $0xffff;
	v10 =	vperm.xlane v2, v56;
	v5 =	vadd.f32 v8, v5  }
0x103: {  	v14 =	vld [tilespmem:$0x1FC70];
	v0 =	vadd.f32 v13, v0;
	v13 =	vmul.f32 v19, v63  }
0x104: {  	v2 =	vadd.f32 v2, v10;
	v10 =	vld.idx.msk [tilespmem:v20+s17+$0x390 ss:$0x1], $0xffff;
	v5 =	vadd.f32 v6, v5  }
0x105: {  	[tilespmem:$0x1FC00] =	vst v3;
	v3 =	vld [tilespmem:$0x1FC10];
	v4 =	vadd.f32 v13, v4;
	v6 =	vmul.f32 v7, v54;
	v7 =	vmul.f32 v58, v62  }
0x106: {  	v8 =	vld.idx.msk [tilespmem:v20+s17+$0x380 ss:$0x1], $0xffff  }
0x107: {  	v4 =	vadd.f32 v7, v4;
	v7 =	vld [tilespmem:$0x1FF80]  }
0x108: {  	v15 =	vld [tilespmem:$0x1FCA0]  }
0x109: {  	v19 =	vld [tilespmem:$0x1FCF0]  }
0x10a: {  	v13 =	vld [tilespmem:$0x1FC50]  }
0x10b: {  	v58 =	vld [tilespmem:$0x1FD60]  }
0x10c: {  	v12 =	vmul.f32 v3, v23;
	v7 =	vmul.f32 v8, v7;
	v8 =	vld [tilespmem:$0x1FF90]  }
0x10d: {  	v3 =	vld [tilespmem:$0x1FC20];
	v5 =	vadd.f32 v6, v5;
	v6 =	vperm.xlane v2, v43  }
0x10e: {  	v9 =	vmul.f32 v9, v57;
	v0 =	vadd.f32 v12, v0;
	v12 =	vld.idx.msk [tilespmem:v20+s17+$0x780 ss:$0x1], $0xffff  }
0x10f: {  	v19 =	vmul.f32 v19, v52;
	v33 =	vadd.f32 v2, v6;
	v2 =	vld.idx.msk [tilespmem:v20+s17+$0x3B0 ss:$0x1], $0xffff  }
0x110: {  	v1 =	vmul.f32 v1, v59;
	v13 =	vmul.f32 v13, v32;
	v5 =	vadd.f32 v9, v5;
	v9 =	vld [tilespmem:$0x1FC60]  }
0x111: {  	[tilespmem:$0x1FD00] =	vst v19;
	v19 =	vmul.f32 v46, v62;
	v46 =	vld [tilespmem:$0x1FD40];
	v8 =	vmul.f32 v10, v8  }
0x112: {  	v4 =	vadd.f32 v13, v4;
	v13 =	vld.idx.msk [tilespmem:v20+s17+$0x310 ss:$0x1], $0xffff;
	v5 =	vadd.f32 v1, v5  }
0x113: {  	v11 =	vmul.f32 v11, v34;
	v1 =	vld.idx.msk [tilespmem:v20+s17+$0x620 ss:$0x1], $0xffff;
	v3 =	vmul.f32 v3, v52;
	v6 =	vadd.f32 v8, v7  }
0x114: {  	v5 =	vadd.f32 v17, v5;
	v17 =	vld [tilespmem:$0x1FCE0]  }
0x115: {  	v3 =	vadd.f32 v3, v0;
	v0 =	vld.idx.msk [tilespmem:v20+s17+$0x450 ss:$0x1], $0xffff;
	v2 =	vmul.f32 v2, v36;
	v6 =	vadd.f32 v11, v6  }
0x116: {  	v7 =	vld.idx.msk [tilespmem:v20+s17+$0x300 ss:$0x1], $0xffff  }
0x117: {  	v8 =	vperm.xlane v3, v55;
	v2 =	vadd.f32 v2, v6;
	v6 =	vld [tilespmem:$0x1FF80]  }
0x118: {  	[tilespmem:$0x1FEA0] =	vst v35;
	v35 =	vmul.f32 v46, v52;
	v46 =	vld [tilespmem:$0x1FDD0]  }
0x119: {  	v8 =	vadd.f32 v3, v8;
	v3 =	vld [tilespmem:$0x1FC80]  }
0x11a: {  	v5 =	vadd.f32 v19, v5;
	v19 =	vld.idx.msk [tilespmem:v20+s17+$0x3E0 ss:$0x1], $0xffff  }
0x11b: {  	v39 =	vmul.f32 v39, v32;
	[tilespmem:$0x1FD50] =	vst v35;
	v35 =	vmul.f32 v58, v23;
	v58 =	vld [tilespmem:$0x1FF80]  }
0x11c: {  	v6 =	vmul.f32 v7, v6;
	v7 =	vld [tilespmem:$0x1FF90]  }
0x11d: {  	v5 =	vadd.f32 v39, v5;
	v39 =	vld.idx.msk [tilespmem:v20+s17+$0x350 ss:$0x1], $0xffff  }
0x11e: {  	v10 =	vld [tilespmem:$0x1FC40];
	v3 =	vmul.f32 v3, v52  }
0x11f: {  	v17 =	vmul.f32 v17, v25;
	v5 =	vadd.f32 v38, v5;
	v11 =	vld.idx.msk [tilespmem:v20+s17+$0x3C0 ss:$0x1], $0xffff  }
0x120: {  	v38 =	vperm.xlane v8, v56;
	[tilespmem:$0x1FE90] =	vst v3;
	v3 =	vld [tilespmem:$0x1FC90]  }
0x121: {  	v15 =	vmul.f32 v15, v23;
	v5 =	vadd.f32 v17, v5;
	v7 =	vmul.f32 v13, v7;
	v13 =	vld [tilespmem:$0x1FCC0]  }
0x122: {  	[tilespmem:$0x1FD70] =	vst v35;
	v35 =	vmul.f32 v45, v23;
	v8 =	vadd.f32 v8, v38;
	v38 =	vmul.f32 v39, v40;
	v39 =	vld [tilespmem:$0x1FE20]  }
0x123: {  	v9 =	vmul.f32 v9, v52;
	v45 =	vld [tilespmem:$0x1FDF0];
	v5 =	vadd.f32 v15, v5  }
0x124: {  	[tilespmem:$0x1FDC0] =	vst v35;
	v35 =	vmul.f32 v46, v25;
	v46 =	vld [tilespmem:$0x1FE00];
	v11 =	vmul.f32 v11, v53  }
0x125: {  	v5 =	vadd.f32 v9, v5;
	v9 =	vld.idx.msk [tilespmem:v20+s17+$0x270 ss:$0x1], $0xffff;
	v3 =	vmul.f32 v3, v27  }
0x126: {  	v16 =	vmul.f32 v16, v25;
	v2 =	vadd.f32 v11, v2;
	v11 =	vld.idx.msk [tilespmem:v20+s17+$0x3F0 ss:$0x1], $0xffff;
	v13 =	vmul.f32 v13, v52  }
0x127: {  	[tilespmem:$0x1FDE0] =	vst v35;
	v35 =	vmul.f32 v39, v25;
	v39 =	vld.idx.msk [tilespmem:v20+s17+$0x600 ss:$0x1], $0xffff;
	v4 =	vadd.f32 v3, v4  }
0x128: {  	v15 =	vperm.xlane v8, v43;
	[tilespmem:$0x1FEB0] =	vst v13;
	v13 =	vld [tilespmem:$0x1FCD0]  }
0x129: {  	v18 =	vmul.f32 v18, v34;
	v6 =	vadd.f32 v7, v6;
	v4 =	vadd.f32 v16, v4;
	v16 =	vld.idx.msk [tilespmem:v20+s17+$0x330 ss:$0x1], $0xffff  }
0x12a: {  	[tilespmem:$0x1FE30] =	vst v35;
	v35 =	vadd.f32 v8, v15;
	v8 =	vld.idx.msk [tilespmem:v20+s17+$0x290 ss:$0x1], $0xffff  }
0x12b: {  	v6 =	vadd.f32 v18, v6;
	v18 =	vld.idx.msk [tilespmem:v20+s17+$0x340 ss:$0x1], $0xffff  }
0x12c: {  	v14 =	vmul.f32 v14, v23;
	v15 =	vmul.f32 v31, v52;
	v31 =	vld.idx.msk [tilespmem:v20+s17+$0x210 ss:$0x1], $0xffff  }
0x12d: {  	v10 =	vmul.f32 v10, v52;
	v61 =	vmul.f32 v13, v23;
	v13 =	vld.idx.msk [tilespmem:v20+s17+$0x3D0 ss:$0x1], $0xffff  }
0x12e: {  	v3 =	vld.idx.msk [tilespmem:v20+s17+$0x690 ss:$0x1], $0xffff;
	v52 =	vmul.f32 v22, v32;
	v16 =	vmul.f32 v16, v36  }
0x12f: {  	v7 =	vld.idx.msk [tilespmem:v20+s17+$0x700 ss:$0x1], $0xffff;
	v22 =	vmul.f32 v24, v63;
	v24 =	vmul.f32 v51, v27;
	v4 =	vadd.f32 v14, v4  }
0x130: {  	v51 =	vmul.f32 v30, v32;
	v30 =	vld [tilespmem:$0x1FF90];
	v18 =	vmul.f32 v18, v53;
	v6 =	vadd.f32 v16, v6  }
0x131: {  	v14 =	vld.idx.msk [tilespmem:v20+s17+$0x440 ss:$0x1], $0xffff;
	v4 =	vadd.f32 v10, v4  }
0x132: {  	v10 =	vld.idx.msk [tilespmem:v20+s17+$0x680 ss:$0x1], $0xffff;
	v6 =	vadd.f32 v18, v6;
	v13 =	vmul.f32 v13, v40  }
0x133: {  	v17 =	vperm.xlane v4, v55;
	v16 =	vld.idx.msk [tilespmem:v20+s17+$0x610 ss:$0x1], $0xffff  }
0x134: {  	v19 =	vmul.f32 v19, v54;
	v6 =	vadd.f32 v38, v6;
	v38 =	vld [tilespmem:$0x1FE50];
	v2 =	vadd.f32 v13, v2  }
0x135: {  	v4 =	vadd.f32 v4, v17;
	v17 =	vld.idx.msk [tilespmem:v20+s17+$0x2F0 ss:$0x1], $0xffff  }
0x136: {  	v11 =	vmul.f32 v11, v57;
	v2 =	vadd.f32 v19, v2;
	v19 =	vld.idx.msk [tilespmem:v20+s17+$0x360 ss:$0x1], $0xffff  }
0x137: {  	v47 =	vmul.f32 v47, v27;
	v18 =	vld.idx.msk [tilespmem:v20+s17+$0x370 ss:$0x1], $0xffff  }
0x138: {  	v12 =	vmul.f32 v12, v59;
	v13 =	vld.idx.msk [tilespmem:v20+s17+$0x5A0 ss:$0x1], $0xffff;
	v2 =	vadd.f32 v11, v2  }
0x139: {  	[tilespmem:$0x1FE40] =	vst v47;
	v47 =	vmul.f32 v38, v32;
	v38 =	vmul.f32 v29, v62;
	v29 =	vld.idx.msk [tilespmem:v20+s17+$0x220 ss:$0x1], $0xffff  }
0x13a: {  	v28 =	vmul.f32 v28, v63;
	v11 =	vld.idx.msk [tilespmem:v20+s17+$0x590 ss:$0x1], $0xffff;
	v2 =	vadd.f32 v12, v2  }
0x13b: {  	v42 =	vmul.f32 v42, v62;
	v12 =	vld.idx.msk [tilespmem:v20+s17+$0x420 ss:$0x1], $0xffff;
	v19 =	vmul.f32 v19, v54  }
0x13c: {  	[tilespmem:$0x1FE60] =	vst v15;
	v15 =	vadd.f32 v28, v2;
	v28 =	vld.idx.msk [tilespmem:v20+s17+$0x580 ss:$0x1], $0xffff;
	v2 =	vmul.f32 v26, v25  }
0x13d: {  	v18 =	vmul.f32 v18, v57;
	v6 =	vadd.f32 v19, v6;
	v19 =	vld.idx.msk [tilespmem:v20+s17+$0x280 ss:$0x1], $0xffff  }
0x13e: {  	v46 =	vmul.f32 v46, v32;
	[tilespmem:$0x1FE70] =	vst v2;
	v2 =	vmul.f32 v60, v27;
	v15 =	vadd.f32 v42, v15;
	v60 =	vld [tilespmem:$0x1FF90]  }
0x13f: {  	v7 =	vmul.f32 v7, v59;
	v26 =	vld.idx.msk [tilespmem:v20+s17+$0x2A0 ss:$0x1], $0xffff;
	v6 =	vadd.f32 v18, v6;
	v18 =	vperm.xlane v4, v56  }
0x140: {  	v44 =	vmul.f32 v44, v27;
	v42 =	vmul.f32 v14, v27;
	v14 =	vld.idx.msk [tilespmem:v20+s17+$0x230 ss:$0x1], $0xffff;
	v15 =	vadd.f32 v46, v15  }
0x141: {  	v37 =	vmul.f32 v37, v32;
	v4 =	vadd.f32 v4, v18;
	v18 =	vld.idx.msk [tilespmem:v20+s17+$0x200 ss:$0x1], $0xffff;
	v6 =	vadd.f32 v7, v6  }
0x142: {  	v7 =	vperm.xlane v5, v55;
	v15 =	vadd.f32 v44, v15;
	v44 =	vmul.f32 v50, v32;
	v50 =	vld [tilespmem:$0x1FF90]  }
0x143: {  	v19 =	vmul.f32 v19, v58;
	v32 =	vld.idx.msk [tilespmem:v20+s17+$0x1C0 ss:$0x1], $0xffff;
	v8 =	vmul.f32 v8, v60  }
0x144: {  	v5 =	vadd.f32 v5, v7;
	v7 =	vld.idx.msk [tilespmem:v20+s17+$0x2E0 ss:$0x1], $0xffff  }
0x145: {  	v21 =	vmul.f32 v21, v62;
	v6 =	vadd.f32 v22, v6;
	v8 =	vadd.f32 v8, v19;
	v19 =	vld.idx.msk [tilespmem:v20+s17+$0x2B0 ss:$0x1], $0xffff  }
0x146: {  	v30 =	vmul.f32 v31, v30;
	v31 =	vmul.f32 v3, v63;
	v22 =	vld.idx.msk [tilespmem:v20+s17+$0x410 ss:$0x1], $0xffff  }
0x147: {  	v23 =	vmul.f32 v49, v23;
	v49 =	vmul.f32 v1, v62;
	v6 =	vadd.f32 v21, v6;
	v21 =	vld.idx.msk [tilespmem:v20+s17+$0x2C0 ss:$0x1], $0xffff  }
0x148: {  	v26 =	vmul.f32 v26, v34;
	v60 =	vmul.f32 v16, v63;
	v16 =	vld.idx.msk [tilespmem:v20+s17+$0x400 ss:$0x1], $0xffff  }
0x149: {  	v3 =	vadd.f32 v48, v15;
	v48 =	vmul.f32 v13, v62;
	v13 =	vld.idx.msk [tilespmem:v20+s17+$0x2D0 ss:$0x1], $0xffff;
	v18 =	vmul.f32 v18, v58  }
0x14a: {  	v15 =	vmul.f32 v29, v34;
	v34 =	vld.idx.msk [tilespmem:v20+s17+$0x1D0 ss:$0x1], $0xffff;
	v8 =	vadd.f32 v26, v8;
	v19 =	vmul.f32 v19, v36  }
0x14b: {  	v3 =	vadd.f32 v61, v3;
	v61 =	vmul.f32 v12, v62;
	v12 =	vld.idx.msk [tilespmem:v20+s17+$0x70 ss:$0x1], $0xffff;
	v1 =	vadd.f32 v30, v18  }
0x14c: {  	v14 =	vmul.f32 v14, v36;
	v26 =	vld.idx.msk [tilespmem:v20+s17+$0x1F0 ss:$0x1], $0xffff;
	v8 =	vadd.f32 v19, v8;
	v19 =	vmul.f32 v21, v53  }
0x14d: {  	v6 =	vadd.f32 v47, v6;
	v47 =	vmul.f32 v11, v63;
	v11 =	vld.idx.msk [tilespmem:v20+s17+$0x250 ss:$0x1], $0xffff;
	v1 =	vadd.f32 v15, v1  }
0x14e: {  	v13 =	vmul.f32 v13, v40;
	v15 =	vld.idx.msk [tilespmem:v20+s17+$0x240 ss:$0x1], $0xffff;
	v8 =	vadd.f32 v19, v8  }
0x14f: {  	v41 =	vmul.f32 v41, v25;
	v0 =	vmul.f32 v0, v25;
	v1 =	vadd.f32 v14, v1;
	v14 =	vld [tilespmem:$0x1FE90]  }
0x150: {  	v45 =	vmul.f32 v45, v27;
	v18 =	vld.idx.msk [tilespmem:v20+s17+$0x260 ss:$0x1], $0xffff;
	v8 =	vadd.f32 v13, v8;
	v13 =	vperm.xlane v5, v56  }
0x151: {  	v9 =	vmul.f32 v9, v57;
	v10 =	vmul.f32 v10, v59;
	v30 =	vld.idx.msk [tilespmem:v20+s17+$0x60 ss:$0x1], $0xffff  }
0x152: {  	[tilespmem:$0x1FE80] =	vst v23;
	v17 =	vmul.f32 v17, v57;
	v29 =	vmul.f32 v39, v59;
	v5 =	vadd.f32 v5, v13;
	v13 =	vld [tilespmem:$0x1FEA0]  }
0x153: {  	v7 =	vmul.f32 v7, v54;
	v22 =	vmul.f32 v22, v63;
	v6 =	vadd.f32 v45, v6;
	v36 =	vld.idx.msk [tilespmem:v20+s17+$0x50 ss:$0x1], $0xffff  }
0x154: {  	v23 =	vmovc v40;
	v25 =	vmul.f32 v16, v59;
	v3 =	vadd.f32 v14, v3;
	v14 =	vmul.f32 v15, v53;
	v15 =	vld [tilespmem:$0x1FEB0]  }
0x155: {  	v6 =	vadd.f32 v41, v6;
	v41 =	vld.idx.msk [tilespmem:v20+s17+$0x40 ss:$0x1], $0xffff;
	v21 =	vmul.f32 v28, v59;
	v11 =	vmul.f32 v11, v40  }
0x156: {  	v40 =	vld.idx.msk [tilespmem:v20+s17+$0x1B0 ss:$0x1], $0xffff;
	v7 =	vadd.f32 v7, v8;
	v1 =	vadd.f32 v14, v1;
	v8 =	vperm.xlane v3, v55  }
0x157: {  	v26 =	vmul.f32 v26, v57;
	v19 =	vld.idx.msk [tilespmem:v20+s17+$0x1E0 ss:$0x1], $0xffff;
	v14 =	vperm.xlane v4, v43;
	v6 =	vadd.f32 v13, v6  }
0x158: {  	v11 =	vadd.f32 v11, v1;
	v1 =	vld.idx.msk [tilespmem:v20+s17+$0x1A0 ss:$0x1], $0xffff;
	v8 =	vadd.f32 v3, v8;
	v13 =	vmul.f32 v18, v54  }
0x159: {  	v7 =	vadd.f32 v17, v7;
	v17 =	vperm.xlane v5, v43;
	v3 =	vld.idx.msk [tilespmem:v20+s17+$0x30 ss:$0x1], $0xffff;
	v15 =	vadd.f32 v15, v6  }
0x15a: {  	v45 =	vadd.f32 v4, v14;
	v4 =	vld.idx.msk [tilespmem:v20+s17+$0x190 ss:$0x1], $0xffff;
	v11 =	vadd.f32 v13, v11;
	v13 =	vperm.xlane v8, v56  }
0x15b: {  	v14 =	vadd.f32 v10, v7;
	v46 =	vadd.f32 v5, v17;
	v7 =	vld.idx.msk [tilespmem:v20+s17+$0x20 ss:$0x1], $0xffff;
	v17 =	vperm.xlane v15, v55  }
0x15c: {  	v28 =	vmul.f32 v19, v54;
	v5 =	vld.idx.msk [tilespmem:v20+s17+$0x100 ss:$0x1], $0xffff;
	v9 =	vadd.f32 v9, v11;
	v10 =	vadd.f32 v8, v13  }
0x15d: {  	v19 =	vmov v23;
	v6 =	vld.idx.msk [tilespmem:v20+s17+$0x180 ss:$0x1], $0xffff;
	v13 =	vadd.f32 v31, v14;
	v11 =	vadd.f32 v15, v17  }
0x15e: {  	v8 =	vld.idx.msk [tilespmem:v20+s17+$0x0 ss:$0x1], $0xffff;
	v31 =	vmul.f32 v12, v57;
	v14 =	vadd.f32 v29, v9;
	v12 =	vperm.xlane v10, v43  }
0x15f: {  	s19 =	simm.s32 $0x1;
	s18 =	simm.s32 $0x0;
	v9 =	vld.idx.msk [tilespmem:v20+s17+$0x10 ss:$0x1], $0xffff;
	v29 =	vmul.f32 v34, v23;
	v15 =	vadd.f32 v38, v13;
	v13 =	vperm.xlane v11, v56  }
.LBB2_5:
0x160: {  	v27 =	vld [tilespmem:$0x1FE40];
	_ =	sdelay $0x2  }
0x161: {  	v15 =	vadd.f32 v52, v15;
	_ =	sdelay $0x1  }
0x162: {  	v15 =	vadd.f32 v27, v15;
	v27 =	vld [tilespmem:$0x1FDE0];
	_ =	sdelay $0x3  }
0x163: {  	v17 =	vld.idx.msk [tilespmem:v20+s17+$0x80 ss:$0x1], $0xffff  }
0x164: {  	v15 =	vadd.f32 v27, v15;
	v27 =	vld [tilespmem:$0x1FD70]  }
0x165: {  	v39 =	vld [tilespmem:$0x1FFB0]  }
0x166: {  	v38 =	vld [tilespmem:$0x1FFA0];
	v14 =	vadd.f32 v60, v14;
	v23 =	vadd.f32 v10, v12;
	v16 =	vmul.f32 v30, v54  }
0x167: {  	v10 =	vld.idx.msk [tilespmem:v20+s17+$0x90 ss:$0x1], $0xffff;
	v52 =	vadd.f32 v11, v13;
	v12 =	vmul.f32 v32, v53;
	v11 =	vmul.f32 v36, v19  }
0x168: {  	v13 =	vld.idx.msk [tilespmem:v20+s17+$0x110 ss:$0x1], $0xffff;
	v14 =	vadd.f32 v49, v14;
	v19 =	vmul.f32 v41, v53;
	v6 =	vmul.f32 v6, v58  }
0x169: {  	v4 =	vmul.f32 v4, v50;
	v8 =	vmul.f32 v8, v58;
	v30 =	vadd.f32 v27, v15;
	v27 =	vld [tilespmem:$0x1FE30]  }
0x16a: {  	v34 =	vld.idx.msk [tilespmem:v20+s17+$0xA0 ss:$0x1], $0xffff;
	v9 =	vmul.f32 v9, v50;
	v5 =	vmul.f32 v5, v58;
	v14 =	vadd.f32 v51, v14  }
0x16b: {  	v36 =	vld.idx.msk [tilespmem:v20+s17+$0x120 ss:$0x1], $0xffff;
	v18 =	vmul.f32 v40, v39;
	v1 =	vmul.f32 v1, v38  }
0x16c: {  	v3 =	vmul.f32 v3, v39;
	v7 =	vmul.f32 v7, v38;
	v40 =	vld.idx.msk [tilespmem:v20+s17+$0xB0 ss:$0x1], $0xffff;
	v2 =	vadd.f32 v2, v14  }
0x16d: {  	v41 =	vld.idx.msk [tilespmem:v20+s17+$0x130 ss:$0x1], $0xffff;
	v10 =	vmul.f32 v10, v50;
	v14 =	vmul.f32 v17, v58  }
0x16e: {  	v13 =	vmul.f32 v13, v50;
	v4 =	vadd.f32 v4, v6;
	v17 =	vld.idx.msk [tilespmem:v20+s17+$0xC0 ss:$0x1], $0xffff;
	v60 =	vadd.f32 v27, v2  }
0x16f: {  	v15 =	vld.idx.msk [tilespmem:v20+s17+$0x140 ss:$0x1], $0xffff;
	v2 =	vadd.f32 v9, v8;
	v8 =	vadd.f32 v10, v14;
	v9 =	vmul.f32 v34, v38  }
0x170: {  	v5 =	vadd.f32 v13, v5;
	v1 =	vadd.f32 v1, v4;
	v13 =	vmul.f32 v36, v38;
	v10 =	vld.idx.msk [tilespmem:v20+s17+$0xD0 ss:$0x1], $0xffff  }
0x171: {  	v14 =	vld.idx.msk [tilespmem:v20+s17+$0x150 ss:$0x1], $0xffff;
	v2 =	vadd.f32 v7, v2;
	v6 =	vadd.f32 v9, v8;
	v7 =	vmul.f32 v40, v39  }
0x172: {  	v1 =	vadd.f32 v18, v1;
	v5 =	vadd.f32 v13, v5;
	v8 =	vld.idx.msk [tilespmem:v20+s17+$0xE0 ss:$0x1], $0xffff;
	v9 =	vmul.f32 v41, v39  }
0x173: {  	v4 =	vmul.f32 v17, v53;
	v13 =	vld.idx.msk [tilespmem:v20+s17+$0x160 ss:$0x1], $0xffff;
	v2 =	vadd.f32 v3, v2;
	v3 =	vadd.f32 v7, v6  }
0x174: {  	v1 =	vadd.f32 v12, v1;
	v12 =	vld.idx.msk [tilespmem:v20+s17+$0x530 ss:$0x1], $0xffff;
	v5 =	vadd.f32 v9, v5;
	v7 =	vmul.f32 v15, v53  }
0x175: {  	v3 =	vadd.f32 v4, v3;
	v4 =	vld [tilespmem:$0x1FED0]  }
0x176: {  	v5 =	vadd.f32 v7, v5;
	v7 =	vld [tilespmem:$0x1FED0]  }
0x177: {  	v34 =	vld [tilespmem:$0x1FF30]  }
0x178: {  	v32 =	vld [tilespmem:$0x1FF40]  }
0x179: {  	v6 =	vld.idx.msk [tilespmem:v20+s17+$0xF0 ss:$0x1], $0xffff  }
0x17a: {  	v9 =	vld.idx.msk [tilespmem:v20+s17+$0x170 ss:$0x1], $0xffff;
	v2 =	vadd.f32 v19, v2;
	v4 =	vmul.f32 v10, v4  }
0x17b: {  	v10 =	vld.idx.msk [tilespmem:v20+s17+$0x480 ss:$0x1], $0xffff;
	v7 =	vmul.f32 v14, v7  }
0x17c: {  	v2 =	vadd.f32 v11, v2;
	v14 =	vld.idx.msk [tilespmem:v20+s17+$0x500 ss:$0x1], $0xffff;
	v3 =	vadd.f32 v4, v3;
	v4 =	vmul.f32 v8, v54  }
0x17d: {  	v8 =	vld.idx.msk [tilespmem:v20+s17+$0x490 ss:$0x1], $0xffff;
	v5 =	vadd.f32 v7, v5;
	v7 =	vmul.f32 v13, v54  }
0x17e: {  	v11 =	vld.idx.msk [tilespmem:v20+s17+$0x510 ss:$0x1], $0xffff;
	v2 =	vadd.f32 v16, v2;
	v3 =	vadd.f32 v4, v3;
	v4 =	vmul.f32 v6, v57  }
0x17f: {  	v6 =	vld.idx.msk [tilespmem:v20+s17+$0x4A0 ss:$0x1], $0xffff;
	v5 =	vadd.f32 v7, v5;
	v7 =	vmul.f32 v9, v57  }
0x180: {  	v2 =	vadd.f32 v31, v2;
	v9 =	vld.idx.msk [tilespmem:v20+s17+$0x520 ss:$0x1], $0xffff;
	v3 =	vadd.f32 v4, v3;
	v4 =	vmul.f32 v10, v59  }
0x181: {  	v1 =	vadd.f32 v29, v1;
	v10 =	vld.idx.msk [tilespmem:v20+s17+$0x4B0 ss:$0x1], $0xffff;
	v5 =	vadd.f32 v7, v5;
	v7 =	vmul.f32 v14, v59  }
0x182: {  	v27 =	vld [tilespmem:$0x1FF50];
	v2 =	vadd.f32 v25, v2;
	v3 =	vadd.f32 v4, v3;
	v4 =	vmul.f32 v8, v63  }
0x183: {  	v1 =	vadd.f32 v28, v1;
	v8 =	vld.idx.msk [tilespmem:v20+s17+$0x4C0 ss:$0x1], $0xffff;
	v5 =	vadd.f32 v7, v5;
	v7 =	vmul.f32 v11, v63  }
0x184: {  	v2 =	vadd.f32 v22, v2;
	v11 =	vld.idx.msk [tilespmem:v20+s17+$0x540 ss:$0x1], $0xffff;
	v3 =	vadd.f32 v4, v3;
	v4 =	vmul.f32 v6, v62  }
0x185: {  	v1 =	vadd.f32 v26, v1;
	v6 =	vld.idx.msk [tilespmem:v20+s17+$0x4D0 ss:$0x1], $0xffff;
	v5 =	vadd.f32 v7, v5;
	v7 =	vmul.f32 v9, v62  }
0x186: {  	v2 =	vadd.f32 v61, v2;
	v9 =	vld.idx.msk [tilespmem:v20+s17+$0x550 ss:$0x1], $0xffff;
	v3 =	vadd.f32 v4, v3;
	v4 =	vmul.f32 v10, v34  }
0x187: {  	v1 =	vadd.f32 v21, v1;
	v5 =	vadd.f32 v7, v5;
	v7 =	vmul.f32 v12, v34  }
0x188: {  	v2 =	vadd.f32 v44, v2;
	v3 =	vadd.f32 v4, v3;
	v4 =	vmul.f32 v8, v32  }
0x189: {  	v1 =	vadd.f32 v47, v1;
	v5 =	vadd.f32 v7, v5;
	v7 =	vmul.f32 v11, v32  }
0x18a: {  	v2 =	vadd.f32 v42, v2;
	v3 =	vadd.f32 v4, v3  }
0x18b: {  	v4 =	vmul.f32 v6, v27;
	v5 =	vadd.f32 v7, v5;
	v7 =	vmul.f32 v9, v27  }
0x18c: {  	v1 =	vadd.f32 v48, v1;
	v0 =	vadd.f32 v0, v2  }
0x18d: {  	v2 =	vadd.f32 v4, v3;
	v4 =	vadd.f32 v7, v5;
	v7 =	vld [tilespmem:$0x1FE70]  }
0x18e: {  	v21 =	vld [tilespmem:$0x1FF60];
	v1 =	vadd.f32 v37, v1  }
0x18f: {  	v19 =	vld [tilespmem:$0x1FF70]  }
0x190: {  	v1 =	vadd.f32 v24, v1;
	v12 =	vld.idx.msk [tilespmem:v20+s17+$0x560 ss:$0x1], $0xffff  }
0x191: {  	v11 =	vld.idx.msk [tilespmem:v20+s17+$0x570 ss:$0x1], $0xffff  }
0x192: {  	v1 =	vadd.f32 v7, v1;
	v7 =	vld [tilespmem:$0x1FE80];
	_ =	sdelay $0x2  }
0x193: {  	v5 =	vmul.f32 v12, v21  }
0x194: {  	v10 =	vld.idx.msk [tilespmem:v20+s17+$0x4E0 ss:$0x1], $0xffff  }
0x195: {  	v4 =	vadd.f32 v5, v4;
	v5 =	vmul.f32 v11, v19;
	v0 =	vadd.f32 v7, v0;
	v7 =	vld [tilespmem:$0x1FE10]  }
0x196: {  	v8 =	vld.idx.msk [tilespmem:v20+s17+$0x4F0 ss:$0x1], $0xffff  }
0x197: {  	v4 =	vadd.f32 v5, v4;
	v5 =	vld [tilespmem:$0x1FDC0]  }
0x198: {  	v6 =	vld.idx.msk [tilespmem:v20+s17+$0x5F0 ss:$0x1], $0xffff  }
0x199: {  	v9 =	vld [tilespmem:$0x1FD50]  }
0x19a: {  	v3 =	vmul.f32 v10, v21;
	v1 =	vadd.f32 v7, v1;
	v7 =	vld [tilespmem:$0x1FE60];
	_ =	sdelay $0x1  }
0x19b: {  	v2 =	vadd.f32 v3, v2;
	v3 =	vmul.f32 v8, v19;
	v5 =	vadd.f32 v5, v60;
	_ =	sdelay $0x1  }
0x19c: {  	v2 =	vadd.f32 v3, v2;
	v5 =	vadd.f32 v9, v5;
	v9 =	vld [tilespmem:$0x1FD00]  }
0x19d: {  	v3 =	vmul.f32 v6, v19;
	v0 =	vadd.f32 v7, v0  }
0x19e: {  	v8 =	vperm.xlane v2, v55  }
0x19f: {  	v1 =	vadd.f32 v3, v1;
	v7 =	vperm.xlane v0, v55  }
0x1a0: {  	v6 =	vperm.xlane v52, v43;
	v2 =	vadd.f32 v2, v8;
	v3 =	vperm.xlane v4, v55  }
0x1a1: {  	v9 =	vadd.f32 v9, v30;
	v0 =	vadd.f32 v0, v7;
	v7 =	vperm.xlane v1, v55  }
0x1a2: {  	v11 =	vperm.xlane v2, v56;
	v3 =	vadd.f32 v4, v3;
	v4 =	vperm.xlane v5, v55  }
0x1a3: {  	v8 =	vperm.xlane v9, v55;
	v10 =	vperm.xlane v0, v56;
	v1 =	vadd.f32 v1, v7  }
0x1a4: {  	v2 =	vadd.f32 v2, v11;
	v4 =	vadd.f32 v5, v4;
	v7 =	vperm.xlane v3, v56  }
0x1a5: {  	v12 =	vld [tilespmem:$0x1FFF0];
	v5 =	vadd.f32 v9, v8;
	v0 =	vadd.f32 v0, v10;
	v8 =	vperm.xlane v1, v56  }
0x1a6: {  	v11 =	vperm.xlane v2, v43;
	v3 =	vadd.f32 v3, v7;
	v7 =	vperm.xlane v4, v56  }
0x1a7: {  	v9 =	vperm.xlane v5, v56;
	v10 =	vperm.xlane v0, v43;
	v1 =	vadd.f32 v1, v8  }
0x1a8: {  	v2 =	vadd.f32 v2, v11;
	v8 =	vperm.xlane v3, v43;
	v4 =	vadd.f32 v4, v7  }
0x1a9: {  	v5 =	vadd.f32 v5, v9;
	v0 =	vadd.f32 v0, v10;
	v7 =	vperm.xlane v1, v43  }
0x1aa: {  	v11 =	vperm.xlane v2, v12;
	v3 =	vadd.f32 v3, v8;
	v8 =	vperm.xlane v4, v43  }
0x1ab: {  	v9 =	vperm.xlane v5, v43;
	v10 =	vperm.xlane v0, v12;
	v1 =	vadd.f32 v1, v7  }
0x1ac: {  	v2 =	vadd.f32 v2, v11;
	v7 =	vperm.xlane v3, v12;
	v4 =	vadd.f32 v4, v8  }
0x1ad: {  	v5 =	vadd.f32 v5, v9;
	v0 =	vadd.f32 v0, v10;
	v8 =	vperm.xlane v1, v12  }
0x1ae: {  	v6 =	vadd.f32 v52, v6;
	v3 =	vadd.f32 v3, v7;
	v7 =	vperm.xlane v4, v12  }
0x1af: {  	v0 =	vsel vm0, v0, v2;
	v1 =	vadd.f32 v1, v8;
	v2 =	vperm.xlane v5, v12  }
0x1b0: {  	v0 =	vsel vm1, v0, v3;
	v3 =	vadd.f32 v4, v7;
	v4 =	vperm.xlane v6, v12  }
0x1b1: {  	v0 =	vsel vm2, v0, v1;
	v1 =	vadd.f32 v5, v2  }
0x1b2: {  	v2 =	vperm.xlane v23, v12;
	v0 =	vsel vm3, v0, v3;
	v3 =	vadd.f32 v6, v4;
	v6 =	vld [tilespmem:$0x1FC00]  }
0x1b3: {  	v5 =	vld [tilespmem:$0x1FB80];
	v4 =	vperm.xlane v46, v12  }
0x1b4: {  	v0 =	vsel vm4, v0, v1;
	v1 =	vadd.f32 v23, v2;
	v2 =	vperm.xlane v45, v12  }
0x1b5: {  	v0 =	vsel vm5, v0, v3;
	v3 =	vadd.f32 v46, v4;
	v4 =	vperm.xlane v35, v12  }
0x1b6: {  	v0 =	vsel vm6, v0, v1;
	v1 =	vadd.f32 v45, v2;
	v2 =	vperm.xlane v33, v12  }
0x1b7: {  	v0 =	vsel vm7, v0, v3;
	v3 =	vadd.f32 v35, v4;
	v4 =	vperm.xlane v6, v12  }
0x1b8: {  	v0 =	vsel vm8, v0, v1;
	v1 =	vadd.f32 v33, v2;
	v2 =	vperm.xlane v5, v12  }
0x1b9: {  	v0 =	vsel vm9, v0, v3;
	v3 =	vadd.f32 v6, v4;
	v6 =	vld [tilespmem:$0x1FB60]  }
0x1ba: {  	v0 =	vsel vm10, v0, v1;
	v1 =	vadd.f32 v5, v2;
	v5 =	vld [tilespmem:$0x1FB50];
	_ =	sdelay $0x3  }
0x1bb: {  	v4 =	vperm.xlane v6, v12  }
0x1bc: {  	v2 =	vperm.xlane v5, v12  }
0x1bd: {  	v0 =	vsel vm11, v0, v3;
	v3 =	vadd.f32 v6, v4  }
0x1be: {  	v0 =	vsel vm12, v0, v1;
	v1 =	vadd.f32 v5, v2  }
0x1bf: {  	v0 =	vsel vm13, v0, v3  }
0x1c0: {  	v0 =	vsel vm14, v0, v1;
	v1 =	vld [tilespmem:$0x1FC30];
	_ =	sdelay $0x5  }
0x1c1: {  	s31 =	sshll.u32 s18, $0x4  }
0x1c2: {  	s20 =	sshll.u32 s19, $0xE;
	s21 =	sand.u32 $0x3FFFFFF0, s31  }
0x1c3: {  	s17 =	sshra.s32 s20, $0x2;
	[tilespmem:v1+s21+$0x0 ss:$0x1] =	vst.idx.msk $0xffff, v0  }
0x1c4: {  	v9 =	vld.idx.msk [tilespmem:v20+s17+$0xCB0 ss:$0x1], $0xffff;
	_ =	sdelay $0x4  }
0x1c5: {  	[tilespmem:$0x1F750] =	vst v9;
	v9 =	vld.idx.msk [tilespmem:v20+s17+$0xD20 ss:$0x1], $0xffff;
	_ =	sdelay $0x4  }
0x1c6: {  	[tilespmem:$0x1F760] =	vst v9;
	v9 =	vld.idx.msk [tilespmem:v20+s17+$0xD90 ss:$0x1], $0xffff;
	_ =	sdelay $0x4  }
0x1c7: {  	[tilespmem:$0x1F770] =	vst v9;
	v9 =	vld.idx.msk [tilespmem:v20+s17+$0xE00 ss:$0x1], $0xffff;
	_ =	sdelay $0x4  }
0x1c8: {  	[tilespmem:$0x1F780] =	vst v9;
	v9 =	vld.idx.msk [tilespmem:v20+s17+$0xAF0 ss:$0x1], $0xffff;
	_ =	sdelay $0x4  }
0x1c9: {  	[tilespmem:$0x1F790] =	vst v9;
	v9 =	vld.idx.msk [tilespmem:v20+s17+$0xB60 ss:$0x1], $0xffff;
	_ =	sdelay $0x3  }
0x1ca: {  	v25 =	vld.idx.msk [tilespmem:v20+s17+$0xFF0 ss:$0x1], $0xffff  }
0x1cb: {  	[tilespmem:$0x1F7A0] =	vst v9;
	v9 =	vld.idx.msk [tilespmem:v20+s17+$0xBD0 ss:$0x1], $0xffff;
	_ =	sdelay $0x2  }
0x1cc: {  	v42 =	vld.idx.msk [tilespmem:v20+s17+$0xF70 ss:$0x1], $0xffff  }
0x1cd: {  	v26 =	vld.idx.msk [tilespmem:v20+s17+$0xFE0 ss:$0x1], $0xffff  }
0x1ce: {  	v25 =	vmul.f32 v25, v19;
	[tilespmem:$0x1F7C0] =	vst v9;
	v9 =	vld.idx.msk [tilespmem:v20+s17+$0x670 ss:$0x1], $0xffff  }
0x1cf: {  	v0 =	vld.idx.msk [tilespmem:v20+s17+$0xFD0 ss:$0x1], $0xffff  }
0x1d0: {  	[tilespmem:$0x1F800] =	vst v25;
	v25 =	vld.idx.msk [tilespmem:v20+s17+$0x750 ss:$0x1], $0xffff  }
0x1d1: {  	v54 =	vld.idx.msk [tilespmem:v20+s17+$0xEF0 ss:$0x1], $0xffff  }
0x1d2: {  	v4 =	vld.idx.msk [tilespmem:v20+s17+$0xDF0 ss:$0x1], $0xffff  }
0x1d3: {  	[tilespmem:$0x1F7B0] =	vst v9;
	v9 =	vld.idx.msk [tilespmem:v20+s17+$0x6E0 ss:$0x1], $0xffff  }
0x1d4: {  	[tilespmem:$0x1F710] =	vst v0;
	v0 =	vld.idx.msk [tilespmem:v20+s17+$0xFC0 ss:$0x1], $0xffff  }
0x1d5: {  	v35 =	vld.idx.msk [tilespmem:v20+s17+$0xF60 ss:$0x1], $0xffff;
	[tilespmem:$0x1F7E0] =	vst v25;
	v25 =	vmul.f32 v42, v19  }
0x1d6: {  	v29 =	vld.idx.msk [tilespmem:v20+s17+$0xE70 ss:$0x1], $0xffff  }
0x1d7: {  	v48 =	vld.idx.msk [tilespmem:v20+s17+$0xEE0 ss:$0x1], $0xffff;
	[tilespmem:$0x1F860] =	vst v25  }
0x1d8: {  	v25 =	vmul.f32 v26, v21;
	v26 =	vmul.f32 v54, v19;
	[tilespmem:$0x1F7D0] =	vst v9;
	v9 =	vld [tilespmem:$0x1F710]  }
0x1d9: {  	v41 =	vld.idx.msk [tilespmem:v20+s17+$0xF50 ss:$0x1], $0xffff;
	v4 =	vmul.f32 v4, v19;
	[tilespmem:$0x1F720] =	vst v0  }
0x1da: {  	v56 =	vld.idx.msk [tilespmem:v20+s17+$0xE60 ss:$0x1], $0xffff;
	[tilespmem:$0x1F8B0] =	vst v26;
	v26 =	vmul.f32 v35, v21  }
0x1db: {  	[tilespmem:$0x1F960] =	vst v4;
	v4 =	vld [tilespmem:$0x1F720]  }
0x1dc: {  	[tilespmem:$0x1F840] =	vst v26;
	v26 =	vmul.f32 v29, v19  }
0x1dd: {  	v50 =	vld.idx.msk [tilespmem:v20+s17+$0xED0 ss:$0x1], $0xffff;
	v29 =	vmul.f32 v9, v27;
	v9 =	vmul.f32 v48, v21;
	_ =	sdelay $0x1  }
0x1de: {  	v45 =	vld.idx.msk [tilespmem:v20+s17+$0xF40 ss:$0x1], $0xffff;
	[tilespmem:$0x1F890] =	vst v9;
	v9 =	vmul.f32 v41, v27  }
0x1df: {  	v41 =	vmul.f32 v4, v32;
	v4 =	vmul.f32 v56, v21  }
0x1e0: {  	v33 =	vld.idx.msk [tilespmem:v20+s17+$0xD70 ss:$0x1], $0xffff  }
0x1e1: {  	[tilespmem:$0x1F8F0] =	vst v4;
	v4 =	vmul.f32 v50, v27  }
0x1e2: {  	v11 =	vld.idx.msk [tilespmem:v20+s17+$0xE50 ss:$0x1], $0xffff  }
0x1e3: {  	v7 =	vld.idx.msk [tilespmem:v20+s17+$0xEC0 ss:$0x1], $0xffff;
	[tilespmem:$0x1F880] =	vst v4;
	v4 =	vmul.f32 v45, v32  }
0x1e4: {  	v49 =	vld.idx.msk [tilespmem:v20+s17+$0xCF0 ss:$0x1], $0xffff  }
0x1e5: {  	[tilespmem:$0x1F820] =	vst v4;
	v4 =	vmul.f32 v33, v19  }
0x1e6: {  	v63 =	vld.idx.msk [tilespmem:v20+s17+$0xD60 ss:$0x1], $0xffff  }
0x1e7: {  	[tilespmem:$0x1F9C0] =	vst v4;
	v4 =	vmul.f32 v11, v27  }
0x1e8: {  	v44 =	vld.idx.msk [tilespmem:v20+s17+$0xDD0 ss:$0x1], $0xffff  }
0x1e9: {  	[tilespmem:$0x1F8E0] =	vst v4;
	v4 =	vmul.f32 v7, v32;
	v7 =	vmul.f32 v49, v19  }
0x1ea: {  	v10 =	vld.idx.msk [tilespmem:v20+s17+$0xE40 ss:$0x1], $0xffff  }
0x1eb: {  	[tilespmem:$0x1FA40] =	vst v7;
	v7 =	vmul.f32 v63, v21  }
0x1ec: {  	v59 =	vld.idx.msk [tilespmem:v20+s17+$0xEB0 ss:$0x1], $0xffff  }
0x1ed: {  	v0 =	vld.idx.msk [tilespmem:v20+s17+$0xF90 ss:$0x1], $0xffff;
	[tilespmem:$0x1F9B0] =	vst v7;
	v7 =	vmul.f32 v44, v27;
	_ =	sdelay $0x1  }
0x1ee: {  	[tilespmem:$0x1F940] =	vst v7;
	v7 =	vmul.f32 v10, v32  }
0x1ef: {  	v14 =	vld.idx.msk [tilespmem:v20+s17+$0xF20 ss:$0x1], $0xffff  }
0x1f0: {  	v23 =	vld.idx.msk [tilespmem:v20+s17+$0xC70 ss:$0x1], $0xffff;
	[tilespmem:$0x1F8D0] =	vst v7;
	v7 =	vmul.f32 v59, v34  }
0x1f1: {  	[tilespmem:$0x1F730] =	vst v0;
	v0 =	vld.idx.msk [tilespmem:v20+s17+$0xF80 ss:$0x1], $0xffff  }
0x1f2: {  	[tilespmem:$0x1F850] =	vst v7;
	v7 =	vld [tilespmem:$0x1FF20];
	_ =	sdelay $0x3  }
0x1f3: {  	[tilespmem:$0x1F740] =	vst v0;
	v0 =	vld.idx.msk [tilespmem:v20+s17+$0x7F0 ss:$0x1], $0xffff  }
0x1f4: {  	v63 =	vmul.f32 v14, v7;
	v7 =	vmul.f32 v23, v19  }
0x1f5: {  	v11 =	vld [tilespmem:$0x1F730]  }
0x1f6: {  	[tilespmem:$0x1FA80] =	vst v7;
	v7 =	vld [tilespmem:$0x1FF10];
	_ =	sdelay $0x1  }
0x1f7: {  	v0 =	vmul.f32 v0, v19  }
0x1f8: {  	v55 =	vld.idx.msk [tilespmem:v20+s17+$0xC60 ss:$0x1], $0xffff  }
0x1f9: {  	[tilespmem:$0x1FB00] =	vst v0;
	v0 =	vld [tilespmem:$0x1FF00]  }
0x1fa: {  	v59 =	vmul.f32 v11, v7;
	v11 =	vld [tilespmem:$0x1F740];
	_ =	sdelay $0x1  }
0x1fb: {  	v61 =	vld.idx.msk [tilespmem:v20+s17+$0xCD0 ss:$0x1], $0xffff;
	_ =	sdelay $0x1  }
0x1fc: {  	v43 =	vld.idx.msk [tilespmem:v20+s17+$0xD40 ss:$0x1], $0xffff  }
0x1fd: {  	v44 =	vmul.f32 v11, v0;
	v0 =	vmul.f32 v55, v21  }
0x1fe: {  	v2 =	vld.idx.msk [tilespmem:v20+s17+$0xDB0 ss:$0x1], $0xffff  }
0x1ff: {  	[tilespmem:$0x1FA70] =	vst v0;
	v0 =	vmul.f32 v61, v27;
	_ =	sdelay $0x1  }
0x200: {  	[tilespmem:$0x1FA00] =	vst v0;
	v0 =	vmul.f32 v43, v32;
	_ =	sdelay $0x1  }
0x201: {  	[tilespmem:$0x1F990] =	vst v0;
	v0 =	vmul.f32 v2, v34  }
0x202: {  	v31 =	vld.idx.msk [tilespmem:v20+s17+$0xE20 ss:$0x1], $0xffff  }
0x203: {  	[tilespmem:$0x1F920] =	vst v0;
	v0 =	vld [tilespmem:$0x1FF20];
	_ =	sdelay $0x4  }
0x204: {  	v37 =	vld.idx.msk [tilespmem:v20+s17+$0xFB0 ss:$0x1], $0xffff;
	v0 =	vmul.f32 v31, v0  }
0x205: {  	v6 =	vld.idx.msk [tilespmem:v20+s17+$0xE90 ss:$0x1], $0xffff  }
0x206: {  	[tilespmem:$0x1F8A0] =	vst v0;
	v0 =	vld [tilespmem:$0x1FF10]  }
0x207: {  	v3 =	vld.idx.msk [tilespmem:v20+s17+$0xDE0 ss:$0x1], $0xffff  }
0x208: {  	v15 =	vld.idx.msk [tilespmem:v20+s17+$0xF30 ss:$0x1], $0xffff  }
0x209: {  	v18 =	vld.idx.msk [tilespmem:v20+s17+$0xFA0 ss:$0x1], $0xffff  }
0x20a: {  	v12 =	vld.idx.msk [tilespmem:v20+s17+$0xF00 ss:$0x1], $0xffff  }
0x20b: {  	v11 =	vmul.f32 v6, v0;
	v0 =	vld [tilespmem:$0x1FF00]  }
0x20c: {  	v51 =	vld.idx.msk [tilespmem:v20+s17+$0xCE0 ss:$0x1], $0xffff  }
0x20d: {  	v62 =	vld.idx.msk [tilespmem:v20+s17+$0xD50 ss:$0x1], $0xffff  }
0x20e: {  	v17 =	vld.idx.msk [tilespmem:v20+s17+$0xBF0 ss:$0x1], $0xffff  }
0x20f: {  	v60 =	vld.idx.msk [tilespmem:v20+s17+$0x770 ss:$0x1], $0xffff  }
0x210: {  	v50 =	vmul.f32 v37, v34;
	v37 =	vmul.f32 v12, v0;
	v0 =	vld [tilespmem:$0x1FEF0]  }
0x211: {  	v53 =	vld.idx.msk [tilespmem:v20+s17+$0xDC0 ss:$0x1], $0xffff  }
0x212: {  	v8 =	vld.idx.msk [tilespmem:v20+s17+$0x7E0 ss:$0x1], $0xffff  }
0x213: {  	v36 =	vld.idx.msk [tilespmem:v20+s17+$0xE30 ss:$0x1], $0xffff  }
0x214: {  	v24 =	vld.idx.msk [tilespmem:v20+s17+$0xC50 ss:$0x1], $0xffff  }
0x215: {  	v58 =	vld.idx.msk [tilespmem:v20+s17+$0xEA0 ss:$0x1], $0xffff;
	v12 =	vmul.f32 v17, v0;
	v0 =	vmul.f32 v60, v19  }
0x216: {  	v1 =	vld.idx.msk [tilespmem:v20+s17+$0xCC0 ss:$0x1], $0xffff  }
0x217: {  	v13 =	vld.idx.msk [tilespmem:v20+s17+$0xF10 ss:$0x1], $0xffff;
	[tilespmem:$0x1FB30] =	vst v0;
	v0 =	vmul.f32 v8, v21  }
0x218: {  	v57 =	vld.idx.msk [tilespmem:v20+s17+$0xD30 ss:$0x1], $0xffff  }
0x219: {  	v28 =	vld.idx.msk [tilespmem:v20+s17+$0xDA0 ss:$0x1], $0xffff;
	[tilespmem:$0x1FAE0] =	vst v0;
	v0 =	vmul.f32 v24, v27  }
0x21a: {  	v30 =	vld.idx.msk [tilespmem:v20+s17+$0xE10 ss:$0x1], $0xffff  }
0x21b: {  	v5 =	vld.idx.msk [tilespmem:v20+s17+$0xE80 ss:$0x1], $0xffff;
	[tilespmem:$0x1FA60] =	vst v0;
	v0 =	vmul.f32 v1, v32  }
0x21c: {  	v46 =	vld.idx.msk [tilespmem:v20+s17+$0xB70 ss:$0x1], $0xffff  }
0x21d: {  	v22 =	vld.idx.msk [tilespmem:v20+s17+$0xC40 ss:$0x1], $0xffff;
	[tilespmem:$0x1F9E0] =	vst v0;
	v0 =	vmul.f32 v57, v34  }
0x21e: {  	v16 =	vld.idx.msk [tilespmem:v20+s17+$0xBE0 ss:$0x1], $0xffff  }
0x21f: {  	[tilespmem:$0x1F980] =	vst v0;
	v0 =	vld [tilespmem:$0x1FF20]  }
0x220: {  	v52 =	vld.idx.msk [tilespmem:v20+s17+$0x6F0 ss:$0x1], $0xffff  }
0x221: {  	v40 =	vld.idx.msk [tilespmem:v20+s17+$0x760 ss:$0x1], $0xffff;
	v3 =	vmul.f32 v3, v21  }
0x222: {  	v47 =	vld.idx.msk [tilespmem:v20+s17+$0x7D0 ss:$0x1], $0xffff;
	v22 =	vmul.f32 v22, v32  }
0x223: {  	[tilespmem:$0x1F950] =	vst v3;
	v3 =	vld.idx.msk [tilespmem:v20+s17+$0xAE0 ss:$0x1], $0xffff  }
0x224: {  	[tilespmem:$0x1FA50] =	vst v22;
	v22 =	vld.idx.msk [tilespmem:v20+s17+$0x7A0 ss:$0x1], $0xffff;
	v0 =	vmul.f32 v28, v0  }
0x225: {  	v54 =	vld.idx.msk [tilespmem:v20+s17+$0xC30 ss:$0x1], $0xffff  }
0x226: {  	[tilespmem:$0x1F910] =	vst v0;
	v0 =	vld [tilespmem:$0x1FF10]  }
0x227: {  	[tilespmem:$0x1F7F0] =	vst v25;
	v25 =	vld.idx.msk [tilespmem:v20+s17+$0x7C0 ss:$0x1], $0xffff  }
0x228: {  	v35 =	vld.idx.msk [tilespmem:v20+s17+$0xCA0 ss:$0x1], $0xffff  }
0x229: {  	[tilespmem:$0x1F900] =	vst v26;
	v26 =	vld.idx.msk [tilespmem:v20+s17+$0xD80 ss:$0x1], $0xffff  }
0x22a: {  	v48 =	vld.idx.msk [tilespmem:v20+s17+$0xD10 ss:$0x1], $0xffff  }
0x22b: {  	v56 =	vld.idx.msk [tilespmem:v20+s17+$0xA70 ss:$0x1], $0xffff;
	[tilespmem:$0x1F830] =	vst v9;
	v57 =	vmul.f32 v30, v0;
	v30 =	vmul.f32 v52, v19  }
0x22c: {  	v9 =	vld.idx.msk [tilespmem:v20+s17+$0xB50 ss:$0x1], $0xffff;
	[tilespmem:$0x1F870] =	vst v4;
	v4 =	vmul.f32 v15, v34  }
0x22d: {  	v45 =	vld.idx.msk [tilespmem:v20+s17+$0xC20 ss:$0x1], $0xffff;
	[tilespmem:$0x1FD00] =	vst v30;
	v30 =	vmul.f32 v40, v21  }
0x22e: {  	[tilespmem:$0x1F810] =	vst v4;
	v4 =	vld [tilespmem:$0x1FF20]  }
0x22f: {  	v33 =	vld.idx.msk [tilespmem:v20+s17+$0x6D0 ss:$0x1], $0xffff;
	[tilespmem:$0x1FB20] =	vst v30;
	v30 =	vmul.f32 v47, v27  }
0x230: {  	v8 =	vld.idx.msk [tilespmem:v20+s17+$0xB80 ss:$0x1], $0xffff  }
0x231: {  	[tilespmem:$0x1FAC0] =	vst v30;
	v30 =	vld [tilespmem:$0x1FF80]  }
0x232: {  	v49 =	vld [tilespmem:$0x1FF20]  }
0x233: {  	v4 =	vmul.f32 v18, v4;
	v18 =	vld.idx.msk [tilespmem:v20+s17+$0x660 ss:$0x1], $0xffff  }
0x234: {  	v10 =	vld.idx.msk [tilespmem:v20+s17+$0x740 ss:$0x1], $0xffff  }
0x235: {  	v1 =	vld.idx.msk [tilespmem:v20+s17+$0xB90 ss:$0x1], $0xffff  }
0x236: {  	v30 =	vmul.f32 v8, v30;
	v8 =	vld [tilespmem:$0x1FF90]  }
0x237: {  	v15 =	vld.idx.msk [tilespmem:v20+s17+$0xBC0 ss:$0x1], $0xffff  }
0x238: {  	v58 =	vmul.f32 v58, v49;
	v49 =	vld.idx.msk [tilespmem:v20+s17+$0xC80 ss:$0x1], $0xffff;
	v18 =	vmul.f32 v18, v21  }
0x239: {  	v14 =	vld.idx.msk [tilespmem:v20+s17+$0x7B0 ss:$0x1], $0xffff  }
0x23a: {  	v10 =	vmul.f32 v10, v32;
	[tilespmem:$0x1FDC0] =	vst v18;
	v18 =	vld [tilespmem:$0x1FED0]  }
0x23b: {  	v1 =	vmul.f32 v1, v8;
	v8 =	vld [tilespmem:$0x1F750]  }
0x23c: {  	[tilespmem:$0x1FAF0] =	vst v10;
	v10 =	vld.idx.msk [tilespmem:v20+s17+$0x640 ss:$0x1], $0xffff  }
0x23d: {  	v23 =	vld.idx.msk [tilespmem:v20+s17+$0xC90 ss:$0x1], $0xffff;
	v7 =	vmul.f32 v51, v21  }
0x23e: {  	v14 =	vmul.f32 v14, v34;
	v51 =	vld [tilespmem:$0x1FF10]  }
0x23f: {  	v18 =	vmul.f32 v9, v18;
	v9 =	vld.idx.msk [tilespmem:v20+s17+$0x5D0 ss:$0x1], $0xffff;
	[tilespmem:$0x1FA20] =	vst v7;
	v7 =	vmul.f32 v62, v27  }
0x240: {  	[tilespmem:$0x1FAA0] =	vst v14;
	v14 =	vld [tilespmem:$0x1FF20];
	v8 =	vmul.f32 v8, v34  }
0x241: {  	[tilespmem:$0x1F9A0] =	vst v7;
	v7 =	vmul.f32 v53, v32;
	v53 =	vld [tilespmem:$0x1F760]  }
0x242: {  	[tilespmem:$0x1F9D0] =	vst v8;
	v8 =	vld [tilespmem:$0x1FF20]  }
0x243: {  	v62 =	vmul.f32 v13, v51;
	v13 =	vld.idx.msk [tilespmem:v20+s17+$0x9F0 ss:$0x1], $0xffff  }
0x244: {  	v55 =	vld.idx.msk [tilespmem:v20+s17+$0xA60 ss:$0x1], $0xffff  }
0x245: {  	v51 =	vld [tilespmem:$0x1F7C0]  }
0x246: {  	[tilespmem:$0x1F930] =	vst v7;
	v7 =	vmul.f32 v36, v34;
	v36 =	vld.idx.msk [tilespmem:v20+s17+$0x730 ss:$0x1], $0xffff  }
0x247: {  	v60 =	vld [tilespmem:$0x1F770];
	v8 =	vmul.f32 v53, v8  }
0x248: {  	v28 =	vld.idx.msk [tilespmem:v20+s17+$0xBA0 ss:$0x1], $0xffff  }
0x249: {  	[tilespmem:$0x1F970] =	vst v8;
	v8 =	vld [tilespmem:$0x1FF10]  }
0x24a: {  	v61 =	vld [tilespmem:$0x1F790]  }
0x24b: {  	v6 =	vld.idx.msk [tilespmem:v20+s17+$0xBB0 ss:$0x1], $0xffff  }
0x24c: {  	v0 =	vld [tilespmem:$0x1FF00]  }
0x24d: {  	v14 =	vmul.f32 v45, v14;
	v1 =	vadd.f32 v1, v30;
	v30 =	vld [tilespmem:$0x1FF00]  }
0x24e: {  	v28 =	vmul.f32 v28, v38;
	v60 =	vmul.f32 v60, v8;
	v8 =	vld [tilespmem:$0x1F780]  }
0x24f: {  	[tilespmem:$0x1FA10] =	vst v14;
	v14 =	vld.idx.msk [tilespmem:v20+s17+$0xA80 ss:$0x1], $0xffff  }
0x250: {  	[tilespmem:$0x1F8C0] =	vst v7;
	v7 =	vld.idx.msk [tilespmem:v20+s17+$0xD00 ss:$0x1], $0xffff;
	v6 =	vmul.f32 v6, v39;
	v1 =	vadd.f32 v28, v1  }
0x251: {  	v0 =	vmul.f32 v5, v0;
	v5 =	vld [tilespmem:$0x1FEF0]  }
0x252: {  	v1 =	vadd.f32 v6, v1;
	v6 =	vld [tilespmem:$0x1FEC0]  }
0x253: {  	v8 =	vmul.f32 v8, v30;
	v30 =	vld [tilespmem:$0x1FEF0]  }
0x254: {  	v17 =	vld.idx.msk [tilespmem:v20+s17+$0x5E0 ss:$0x1], $0xffff  }
0x255: {  	v43 =	vld.idx.msk [tilespmem:v20+s17+$0x650 ss:$0x1], $0xffff  }
0x256: {  	v24 =	vmul.f32 v46, v5;
	v46 =	vld [tilespmem:$0x1F7A0]  }
0x257: {  	v6 =	vmul.f32 v15, v6;
	v15 =	vld [tilespmem:$0x1F7E0]  }
0x258: {  	v42 =	vmul.f32 v61, v30;
	v30 =	vld [tilespmem:$0x1FEE0]  }
0x259: {  	v2 =	vld.idx.msk [tilespmem:v20+s17+$0xAD0 ss:$0x1], $0xffff;
	v17 =	vmul.f32 v17, v21  }
0x25a: {  	v31 =	vld.idx.msk [tilespmem:v20+s17+$0xB40 ss:$0x1], $0xffff  }
0x25b: {  	[tilespmem:$0x1FE10] =	vst v17;
	v17 =	vmul.f32 v43, v27;
	v43 =	vld [tilespmem:$0x1FFC0]  }
0x25c: {  	v1 =	vadd.f32 v6, v1;
	v6 =	vld [tilespmem:$0x1FF10];
	v15 =	vmul.f32 v15, v27  }
0x25d: {  	v61 =	vmul.f32 v46, v30;
	v30 =	vld [tilespmem:$0x1FED0]  }
0x25e: {  	[tilespmem:$0x1FB10] =	vst v15;
	v15 =	vmul.f32 v25, v32;
	v46 =	vld [tilespmem:$0x1F7D0]  }
0x25f: {  	v5 =	vld [tilespmem:$0x1FEE0]  }
0x260: {  	v25 =	vld.idx.msk [tilespmem:v20+s17+$0xB10 ss:$0x1], $0xffff;
	[tilespmem:$0x1FAB0] =	vst v15;
	v15 =	vmul.f32 v54, v34  }
0x261: {  	v6 =	vmul.f32 v48, v6;
	v48 =	vld [tilespmem:$0x1FF00]  }
0x262: {  	[tilespmem:$0x1FA30] =	vst v15;
	v15 =	vld [tilespmem:$0x1FF20];
	v30 =	vmul.f32 v51, v30  }
0x263: {  	v40 =	vmul.f32 v46, v21;
	v46 =	vld.idx.msk [tilespmem:v20+s17+$0xB00 ss:$0x1], $0xffff  }
0x264: {  	v16 =	vmul.f32 v16, v5;
	v51 =	vld [tilespmem:$0x1FEF0];
	v1 =	vadd.f32 v30, v1  }
0x265: {  	v30 =	vld [tilespmem:$0x1FF90]  }
0x266: {  	v1 =	vadd.f32 v16, v1;
	v16 =	vld [tilespmem:$0x1FF80]  }
0x267: {  	v15 =	vmul.f32 v35, v15;
	v35 =	vmul.f32 v26, v48;
	v48 =	vld.idx.msk [tilespmem:v20+s17+$0xB20 ss:$0x1], $0xffff  }
0x268: {  	v1 =	vadd.f32 v12, v1;
	v12 =	vld [tilespmem:$0x1FF10]  }
0x269: {  	v28 =	vld [tilespmem:$0x1F7B0]  }
0x26a: {  	[tilespmem:$0x1FD70] =	vst v40;
	v40 =	vmul.f32 v56, v51;
	v51 =	vld.idx.msk [tilespmem:v20+s17+$0xB30 ss:$0x1], $0xffff  }
0x26b: {  	[tilespmem:$0x1FE30] =	vst v17;
	v17 =	vld.idx.msk [tilespmem:v20+s17+$0xAB0 ss:$0x1], $0xffff;
	v25 =	vmul.f32 v25, v30;
	v16 =	vmul.f32 v46, v16  }
0x26c: {  	v52 =	vld.idx.msk [tilespmem:v20+s17+$0x970 ss:$0x1], $0xffff  }
0x26d: {  	v47 =	vld.idx.msk [tilespmem:v20+s17+$0xC10 ss:$0x1], $0xffff;
	v46 =	vmul.f32 v23, v12;
	v16 =	vadd.f32 v25, v16;
	v23 =	vmul.f32 v48, v38  }
0x26e: {  	v5 =	vld.idx.msk [tilespmem:v20+s17+$0x6C0 ss:$0x1], $0xffff;
	v28 =	vmul.f32 v28, v19  }
0x26f: {  	v16 =	vadd.f32 v23, v16;
	v23 =	vmul.f32 v51, v39;
	v51 =	vld [tilespmem:$0x1FED0]  }
0x270: {  	[tilespmem:$0x1FD50] =	vst v28;
	v28 =	vld.idx.msk [tilespmem:v20+s17+$0xA50 ss:$0x1], $0xffff  }
0x271: {  	v56 =	vld [tilespmem:$0x1FEE0]  }
0x272: {  	v53 =	vld.idx.msk [tilespmem:v20+s17+$0x9E0 ss:$0x1], $0xffff  }
0x273: {  	v16 =	vadd.f32 v23, v16;
	v23 =	vld [tilespmem:$0x1FF80]  }
0x274: {  	v45 =	vmul.f32 v2, v51;
	v2 =	vld [tilespmem:$0x1FEC0]  }
0x275: {  	v30 =	vld [tilespmem:$0x1FF00]  }
0x276: {  	v3 =	vmul.f32 v3, v56;
	v56 =	vld.idx.msk [tilespmem:v20+s17+$0x470 ss:$0x1], $0xffff  }
0x277: {  	v12 =	vld.idx.msk [tilespmem:v20+s17+$0xA90 ss:$0x1], $0xffff  }
0x278: {  	v48 =	vld.idx.msk [tilespmem:v20+s17+$0xAA0 ss:$0x1], $0xffff  }
0x279: {  	v14 =	vmul.f32 v14, v23;
	v23 =	vld [tilespmem:$0x1FF90];
	v2 =	vmul.f32 v31, v2  }
0x27a: {  	v7 =	vmul.f32 v7, v30;
	v30 =	vld [tilespmem:$0x1FEF0]  }
0x27b: {  	v1 =	vadd.f32 v44, v1;
	v31 =	vld [tilespmem:$0x1FED0];
	v2 =	vadd.f32 v2, v16  }
0x27c: {  	v16 =	vld [tilespmem:$0x1FF20]  }
0x27d: {  	v1 =	vadd.f32 v59, v1;
	v2 =	vadd.f32 v18, v2;
	v18 =	vld [tilespmem:$0x1FF00]  }
0x27e: {  	v54 =	vld.idx.msk [tilespmem:v20+s17+$0xAC0 ss:$0x1], $0xffff;
	v12 =	vmul.f32 v12, v23  }
0x27f: {  	v1 =	vadd.f32 v4, v1;
	v30 =	vmul.f32 v13, v30;
	v13 =	vld [tilespmem:$0x1FEE0];
	v2 =	vadd.f32 v61, v2  }
0x280: {  	v12 =	vadd.f32 v12, v14;
	v14 =	vmul.f32 v48, v38;
	v28 =	vmul.f32 v28, v31;
	v31 =	vld [tilespmem:$0x1FF80]  }
0x281: {  	v16 =	vmul.f32 v22, v16;
	v22 =	vld.idx.msk [tilespmem:v20+s17+$0xA00 ss:$0x1], $0xffff;
	v24 =	vadd.f32 v24, v2;
	v2 =	vmul.f32 v56, v19  }
0x282: {  	v1 =	vadd.f32 v50, v1;
	v50 =	vmul.f32 v49, v18;
	v18 =	vld [tilespmem:$0x1FEF0]  }
0x283: {  	v12 =	vadd.f32 v14, v12;
	v14 =	vmul.f32 v17, v39;
	v17 =	vld [tilespmem:$0x1FEE0];
	[tilespmem:$0x1FE60] =	vst v2;
	v2 =	vmul.f32 v9, v27  }
0x284: {  	v9 =	vld [tilespmem:$0x1F800]  }
0x285: {  	[tilespmem:$0x1FE70] =	vst v2;
	v2 =	vld [tilespmem:$0x1F7F0]  }
0x286: {  	v1 =	vadd.f32 v41, v1;
	v22 =	vmul.f32 v22, v31;
	v31 =	vld [tilespmem:$0x1FF90]  }
0x287: {  	v59 =	vmul.f32 v52, v18;
	v18 =	vld.idx.msk [tilespmem:v20+s17+$0xA10 ss:$0x1], $0xffff  }
0x288: {  	v5 =	vmul.f32 v5, v32;
	v1 =	vadd.f32 v29, v1;
	v13 =	vmul.f32 v55, v13;
	v55 =	vld [tilespmem:$0x1FFD0]  }
0x289: {  	v41 =	vmul.f32 v53, v17;
	v17 =	vld.idx.msk [tilespmem:v20+s17+$0xA20 ss:$0x1], $0xffff  }
0x28a: {  	[tilespmem:$0x1FE40] =	vst v5;
	v5 =	vmul.f32 v36, v34;
	v53 =	vld [tilespmem:$0x1FEC0];
	v1 =	vadd.f32 v2, v1  }
0x28b: {  	v26 =	vmul.f32 v33, v27;
	v19 =	vld.idx.msk [tilespmem:v20+s17+$0xA30 ss:$0x1], $0xffff  }
0x28c: {  	[tilespmem:$0x1FAD0] =	vst v5;
	v5 =	vld.idx.msk [tilespmem:v20+s17+$0x790 ss:$0x1], $0xffff;
	v18 =	vmul.f32 v18, v31;
	v1 =	vadd.f32 v9, v1  }
0x28d: {  	v33 =	vld.idx.msk [tilespmem:v20+s17+$0x6A0 ss:$0x1], $0xffff;
	[tilespmem:$0x1FDE0] =	vst v26  }
0x28e: {  	v26 =	vld.idx.msk [tilespmem:v20+s17+$0x9D0 ss:$0x1], $0xffff;
	v17 =	vmul.f32 v17, v38;
	v18 =	vadd.f32 v18, v22;
	v22 =	vperm.xlane v1, v55  }
0x28f: {  	v44 =	vld.idx.msk [tilespmem:v20+s17+$0x720 ss:$0x1], $0xffff;
	v12 =	vadd.f32 v14, v12;
	v14 =	vmul.f32 v54, v53  }
0x290: {  	v17 =	vadd.f32 v17, v18;
	v18 =	vmul.f32 v19, v39;
	v19 =	vadd.f32 v1, v22;
	v1 =	vld [tilespmem:$0x1FF10]  }
0x291: {  	v25 =	vld.idx.msk [tilespmem:v20+s17+$0x6B0 ss:$0x1], $0xffff;
	v12 =	vadd.f32 v14, v12;
	v14 =	vadd.f32 v37, v24  }
0x292: {  	v4 =	vld.idx.msk [tilespmem:v20+s17+$0xC00 ss:$0x1], $0xffff  }
0x293: {  	v29 =	vld.idx.msk [tilespmem:v20+s17+$0x700 ss:$0x1], $0xffff;
	v14 =	vadd.f32 v62, v14  }
0x294: {  	[tilespmem:$0x1FA90] =	vst v16;
	v16 =	vld [tilespmem:$0x1FF10]  }
0x295: {  	v14 =	vadd.f32 v63, v14;
	v63 =	vmul.f32 v5, v1;
	v1 =	vld [tilespmem:$0x1F810]  }
0x296: {  	v23 =	vld.idx.msk [tilespmem:v20+s17+$0x960 ss:$0x1], $0xffff  }
0x297: {  	v61 =	vld.idx.msk [tilespmem:v20+s17+$0x850 ss:$0x1], $0xffff  }
0x298: {  	v56 =	vld [tilespmem:$0x1FFE0];
	v12 =	vadd.f32 v45, v12  }
0x299: {  	v49 =	vld.idx.msk [tilespmem:v20+s17+$0x620 ss:$0x1], $0xffff  }
0x29a: {  	v16 =	vmul.f32 v47, v16;
	v12 =	vadd.f32 v3, v12;
	v3 =	vadd.f32 v1, v14;
	v1 =	vld [tilespmem:$0x1FF00]  }
0x29b: {  	v52 =	vmul.f32 v25, v34;
	v25 =	vld.idx.msk [tilespmem:v20+s17+$0x630 ss:$0x1], $0xffff  }
0x29c: {  	[tilespmem:$0x1F9F0] =	vst v16;
	v16 =	vld.idx.msk [tilespmem:v20+s17+$0x8F0 ss:$0x1], $0xffff  }
0x29d: {  	v54 =	vld [tilespmem:$0x1FEE0]  }
0x29e: {  	v2 =	vmul.f32 v10, v32;
	v10 =	vld.idx.msk [tilespmem:v20+s17+$0xA40 ss:$0x1], $0xffff  }
0x29f: {  	v1 =	vmul.f32 v4, v1;
	v4 =	vld [tilespmem:$0x1F820]  }
0x2a0: {  	v24 =	vld.idx.msk [tilespmem:v20+s17+$0x460 ss:$0x1], $0xffff  }
0x2a1: {  	v31 =	vld.idx.msk [tilespmem:v20+s17+$0x5C0 ss:$0x1], $0xffff  }
0x2a2: {  	v62 =	vld [tilespmem:$0x1FF20]  }
0x2a3: {  	v51 =	vmul.f32 v25, v34;
	v25 =	vld [tilespmem:$0x1FF90]  }
0x2a4: {  	v10 =	vmul.f32 v10, v53;
	v14 =	vadd.f32 v18, v17;
	v3 =	vadd.f32 v4, v3;
	v4 =	vld [tilespmem:$0x1F830]  }
0x2a5: {  	v9 =	vld [tilespmem:$0x1F870]  }
0x2a6: {  	v22 =	vld.idx.msk [tilespmem:v20+s17+$0x780 ss:$0x1], $0xffff;
	v10 =	vadd.f32 v10, v14  }
0x2a7: {  	v45 =	vmul.f32 v44, v62;
	v44 =	vld.idx.msk [tilespmem:v20+s17+$0x710 ss:$0x1], $0xffff;
	v5 =	vadd.f32 v42, v12  }
0x2a8: {  	v62 =	vld [tilespmem:$0x1FF20];
	v10 =	vadd.f32 v28, v10  }
0x2a9: {  	v0 =	vadd.f32 v0, v5;
	v5 =	vld [tilespmem:$0x1FEF0];
	v3 =	vadd.f32 v4, v3;
	v4 =	vmul.f32 v24, v21  }
0x2aa: {  	v10 =	vadd.f32 v13, v10;
	v13 =	vld [tilespmem:$0x1FF20]  }
0x2ab: {  	[tilespmem:$0x1FE80] =	vst v4;
	v4 =	vld [tilespmem:$0x1F840]  }
0x2ac: {  	v12 =	vld.idx.msk [tilespmem:v20+s17+$0x870 ss:$0x1], $0xffff;
	v0 =	vadd.f32 v11, v0  }
0x2ad: {  	v18 =	vld.idx.msk [tilespmem:v20+s17+$0x980 ss:$0x1], $0xffff  }
0x2ae: {  	v0 =	vadd.f32 v58, v0;
	v58 =	vld [tilespmem:$0x1FF80]  }
0x2af: {  	v17 =	vperm.xlane v19, v56;
	v36 =	vmul.f32 v16, v5;
	v5 =	vld.idx.msk [tilespmem:v20+s17+$0x990 ss:$0x1], $0xffff  }
0x2b0: {  	v16 =	vld.idx.msk [tilespmem:v20+s17+$0x8E0 ss:$0x1], $0xffff;
	v3 =	vadd.f32 v4, v3;
	v4 =	vmul.f32 v33, v13  }
0x2b1: {  	v14 =	vadd.f32 v19, v17;
	v19 =	vld [tilespmem:$0x1FED0]  }
0x2b2: {  	[tilespmem:$0x1FB40] =	vst v4;
	v4 =	vld [tilespmem:$0x1F850]  }
0x2b3: {  	v17 =	vld.idx.msk [tilespmem:v20+s17+$0x9A0 ss:$0x1], $0xffff;
	v10 =	vadd.f32 v40, v10  }
0x2b4: {  	v28 =	vld [tilespmem:$0x1FF10]  }
0x2b5: {  	v10 =	vadd.f32 v8, v10;
	v8 =	vld [tilespmem:$0x1F880]  }
0x2b6: {  	v18 =	vmul.f32 v18, v58;
	v5 =	vmul.f32 v5, v25;
	v21 =	vld.idx.msk [tilespmem:v20+s17+$0x9B0 ss:$0x1], $0xffff  }
0x2b7: {  	v19 =	vmul.f32 v26, v19;
	v26 =	vld.idx.msk [tilespmem:v20+s17+$0x950 ss:$0x1], $0xffff;
	v0 =	vadd.f32 v4, v0  }
0x2b8: {  	v5 =	vadd.f32 v5, v18;
	v13 =	vld.idx.msk [tilespmem:v20+s17+$0x9C0 ss:$0x1], $0xffff  }
0x2b9: {  	v17 =	vmul.f32 v17, v38;
	v10 =	vadd.f32 v57, v10;
	v57 =	vld [tilespmem:$0x1FEF0];
	v0 =	vadd.f32 v9, v0  }
0x2ba: {  	v4 =	vld [tilespmem:$0x1F860]  }
0x2bb: {  	v5 =	vadd.f32 v17, v5;
	v17 =	vmul.f32 v21, v39;
	v0 =	vadd.f32 v8, v0;
	v8 =	vld [tilespmem:$0x1F890]  }
0x2bc: {  	v25 =	vld.idx.msk [tilespmem:v20+s17+$0x5B0 ss:$0x1], $0xffff  }
0x2bd: {  	v18 =	vld.idx.msk [tilespmem:v20+s17+$0x690 ss:$0x1], $0xffff;
	v5 =	vadd.f32 v17, v5;
	v13 =	vmul.f32 v13, v53  }
0x2be: {  	v24 =	vmul.f32 v31, v32;
	v31 =	vmul.f32 v44, v28;
	v28 =	vld [tilespmem:$0x1FF00]  }
0x2bf: {  	v40 =	vmul.f32 v12, v57;
	v12 =	vld.idx.msk [tilespmem:v20+s17+$0x910 ss:$0x1], $0xffff;
	v5 =	vadd.f32 v13, v5  }
0x2c0: {  	v3 =	vadd.f32 v4, v3;
	v0 =	vadd.f32 v8, v0;
	v8 =	vld [tilespmem:$0x1F8A0]  }
0x2c1: {  	v21 =	vmul.f32 v16, v54;
	v16 =	vld.idx.msk [tilespmem:v20+s17+$0x920 ss:$0x1], $0xffff;
	v5 =	vadd.f32 v19, v5  }
0x2c2: {  	v13 =	vld.idx.msk [tilespmem:v20+s17+$0x860 ss:$0x1], $0xffff;
	v11 =	vperm.xlane v3, v55  }
0x2c3: {  	v19 =	vld [tilespmem:$0x1FF90];
	v5 =	vadd.f32 v41, v5  }
0x2c4: {  	v3 =	vadd.f32 v3, v11;
	v11 =	vld.idx.msk [tilespmem:v20+s17+$0x900 ss:$0x1], $0xffff  }
0x2c5: {  	v5 =	vadd.f32 v30, v5;
	v10 =	vadd.f32 v8, v10;
	v8 =	vld [tilespmem:$0x1F8B0]  }
0x2c6: {  	v30 =	vld [tilespmem:$0x1F910]  }
0x2c7: {  	v41 =	vld.idx.msk [tilespmem:v20+s17+$0x40 ss:$0x1], $0xffff;
	v5 =	vadd.f32 v35, v5  }
0x2c8: {  	v4 =	vld.idx.msk [tilespmem:v20+s17+$0x450 ss:$0x1], $0xffff  }
0x2c9: {  	v12 =	vmul.f32 v12, v19;
	v19 =	vld.idx.msk [tilespmem:v20+s17+$0x940 ss:$0x1], $0xffff;
	v5 =	vadd.f32 v60, v5  }
0x2ca: {  	v47 =	vmul.f32 v23, v54;
	v11 =	vmul.f32 v11, v58;
	v17 =	vadd.f32 v8, v0;
	v0 =	vld [tilespmem:$0x1FED0]  }
0x2cb: {  	v28 =	vmul.f32 v22, v28;
	v22 =	vperm.xlane v3, v56;
	v5 =	vadd.f32 v30, v5;
	v30 =	vld [tilespmem:$0x1FED0]  }
0x2cc: {  	v23 =	vperm.xlane v14, v43;
	v11 =	vadd.f32 v12, v11;
	v12 =	vmul.f32 v16, v38;
	v16 =	vld.idx.msk [tilespmem:v20+s17+$0x5A0 ss:$0x1], $0xffff  }
0x2cd: {  	v3 =	vadd.f32 v3, v22;
	v22 =	vld.idx.msk [tilespmem:v20+s17+$0x3F0 ss:$0x1], $0xffff  }
0x2ce: {  	v8 =	vadd.f32 v14, v23;
	v23 =	vld [tilespmem:$0x1FF10]  }
0x2cf: {  	v14 =	vperm.xlane v17, v55;
	v26 =	vmul.f32 v26, v0;
	v0 =	vld [tilespmem:$0x1F8C0]  }
0x2d0: {  	[tilespmem:$0x1FB50] =	vst v8;
	v8 =	vld [tilespmem:$0x1F8D0]  }
0x2d1: {  	v48 =	vmul.f32 v16, v62;
	v16 =	vld.idx.msk [tilespmem:v20+s17+$0x810 ss:$0x1], $0xffff;
	v14 =	vadd.f32 v17, v14  }
0x2d2: {  	v17 =	vld [tilespmem:$0x1FF20]  }
0x2d3: {  	v11 =	vadd.f32 v12, v11;
	v23 =	vmul.f32 v18, v23;
	v18 =	vld.idx.msk [tilespmem:v20+s17+$0x880 ss:$0x1], $0xffff;
	v12 =	vperm.xlane v14, v56  }
0x2d4: {  	v9 =	vadd.f32 v0, v10;
	v0 =	vmul.f32 v4, v27;
	v4 =	vld.idx.msk [tilespmem:v20+s17+$0x930 ss:$0x1], $0xffff  }
0x2d5: {  	v12 =	vadd.f32 v14, v12;
	v14 =	vld.idx.msk [tilespmem:v20+s17+$0x680 ss:$0x1], $0xffff  }
0x2d6: {  	v10 =	vperm.xlane v3, v43;
	v9 =	vadd.f32 v8, v9;
	v8 =	vld [tilespmem:$0x1F8E0]  }
0x2d7: {  	v49 =	vmul.f32 v49, v17;
	v17 =	vld.idx.msk [tilespmem:v20+s17+$0x610 ss:$0x1], $0xffff  }
0x2d8: {  	v3 =	vadd.f32 v3, v10;
	v10 =	vld.idx.msk [tilespmem:v20+s17+$0x440 ss:$0x1], $0xffff  }
0x2d9: {  	v27 =	vld.idx.msk [tilespmem:v20+s17+$0x890 ss:$0x1], $0xffff;
	v4 =	vmul.f32 v4, v39  }
0x2da: {  	[tilespmem:$0x1FB60] =	vst v3;
	v3 =	vld.idx.msk [tilespmem:v20+s17+$0x8D0 ss:$0x1], $0xffff  }
0x2db: {  	v9 =	vadd.f32 v8, v9;
	v8 =	vld [tilespmem:$0x1F8F0];
	v4 =	vadd.f32 v4, v11;
	v11 =	vmul.f32 v19, v53  }
0x2dc: {  	v19 =	vld [tilespmem:$0x1FF00]  }
0x2dd: {  	v42 =	vmul.f32 v10, v32;
	v10 =	vld.idx.msk [tilespmem:v20+s17+$0x8C0 ss:$0x1], $0xffff;
	v4 =	vadd.f32 v11, v4  }
0x2de: {  	v32 =	vld.idx.msk [tilespmem:v20+s17+$0x1C0 ss:$0x1], $0xffff;
	v11 =	vperm.xlane v12, v43  }
0x2df: {  	v4 =	vadd.f32 v26, v4;
	v26 =	vld [tilespmem:$0x1FF90]  }
0x2e0: {  	v11 =	vadd.f32 v12, v11;
	v12 =	vld.idx.msk [tilespmem:v20+s17+$0x800 ss:$0x1], $0xffff  }
0x2e1: {  	v9 =	vadd.f32 v8, v9;
	v8 =	vld [tilespmem:$0x1F900]  }
0x2e2: {  	v37 =	vmul.f32 v25, v34;
	v25 =	vmul.f32 v29, v19;
	v19 =	vld.idx.msk [tilespmem:v20+s17+$0x8A0 ss:$0x1], $0xffff  }
0x2e3: {  	v29 =	vld.idx.msk [tilespmem:v20+s17+$0x370 ss:$0x1], $0xffff;
	v4 =	vadd.f32 v47, v4  }
0x2e4: {  	v18 =	vmul.f32 v18, v58;
	[tilespmem:$0x1FB80] =	vst v11;
	v11 =	vld [tilespmem:$0x1F920];
	v26 =	vmul.f32 v27, v26  }
0x2e5: {  	v4 =	vadd.f32 v59, v4;
	v59 =	vld [tilespmem:$0x1FF00]  }
0x2e6: {  	v9 =	vadd.f32 v8, v9;
	v18 =	vadd.f32 v26, v18;
	v26 =	vld [tilespmem:$0x1FF10]  }
0x2e7: {  	v27 =	vld [tilespmem:$0x1F930];
	v4 =	vadd.f32 v7, v4  }
0x2e8: {  	v7 =	vld.idx.msk [tilespmem:v20+s17+$0x830 ss:$0x1], $0xffff;
	v8 =	vperm.xlane v9, v55  }
0x2e9: {  	v4 =	vadd.f32 v6, v4;
	v6 =	vmul.f32 v12, v58;
	v12 =	vld [tilespmem:$0x1FF90]  }
0x2ea: {  	v5 =	vadd.f32 v11, v5;
	v8 =	vadd.f32 v9, v8;
	v9 =	vld.idx.msk [tilespmem:v20+s17+$0x8B0 ss:$0x1], $0xffff  }
0x2eb: {  	v60 =	vmul.f32 v17, v26;
	v26 =	vld [tilespmem:$0x1F940]  }
0x2ec: {  	v19 =	vmul.f32 v19, v38;
	v5 =	vadd.f32 v27, v5;
	v27 =	vmul.f32 v14, v59;
	v14 =	vld [tilespmem:$0x1F950]  }
0x2ed: {  	v11 =	vperm.xlane v8, v56;
	v17 =	vld.idx.msk [tilespmem:v20+s17+$0x820 ss:$0x1], $0xffff  }
0x2ee: {  	v18 =	vadd.f32 v19, v18;
	v19 =	vld [tilespmem:$0x1F990]  }
0x2ef: {  	v12 =	vmul.f32 v16, v12;
	v16 =	vld [tilespmem:$0x1F960];
	v8 =	vadd.f32 v8, v11;
	v9 =	vmul.f32 v9, v39  }
0x2f0: {  	v11 =	vld.idx.msk [tilespmem:v20+s17+$0x3E0 ss:$0x1], $0xffff;
	v5 =	vadd.f32 v26, v5  }
0x2f1: {  	v10 =	vmul.f32 v10, v53;
	v26 =	vperm.xlane v8, v43;
	v9 =	vadd.f32 v9, v18;
	v18 =	vld.idx.msk [tilespmem:v20+s17+$0x2F0 ss:$0x1], $0xffff  }
0x2f2: {  	v6 =	vadd.f32 v12, v6;
	v12 =	vmul.f32 v17, v38;
	v5 =	vadd.f32 v14, v5;
	v14 =	vld.idx.msk [tilespmem:v20+s17+$0x840 ss:$0x1], $0xffff  }
0x2f3: {  	v8 =	vadd.f32 v8, v26;
	v9 =	vadd.f32 v10, v9;
	v10 =	vld [tilespmem:$0x1F970]  }
0x2f4: {  	v3 =	vmul.f32 v3, v30;
	v6 =	vadd.f32 v12, v6;
	v12 =	vld.idx.msk [tilespmem:v20+s17+$0x380 ss:$0x1], $0xffff  }
0x2f5: {  	[tilespmem:$0x1FC00] =	vst v8;
	v8 =	vld.idx.msk [tilespmem:v20+s17+$0x430 ss:$0x1], $0xffff  }
0x2f6: {  	v5 =	vadd.f32 v16, v5;
	v16 =	vld.idx.msk [tilespmem:v20+s17+$0x590 ss:$0x1], $0xffff;
	v3 =	vadd.f32 v3, v9  }
0x2f7: {  	v9 =	vld [tilespmem:$0x1F980]  }
0x2f8: {  	v17 =	vperm.xlane v5, v55;
	v3 =	vadd.f32 v21, v3;
	v21 =	vld [tilespmem:$0x1F9A0]  }
0x2f9: {  	v4 =	vadd.f32 v10, v4;
	v10 =	vld.idx.msk [tilespmem:v20+s17+$0x600 ss:$0x1], $0xffff  }
0x2fa: {  	v7 =	vmul.f32 v7, v39;
	v5 =	vadd.f32 v5, v17;
	v17 =	vld [tilespmem:$0x1FED0]  }
0x2fb: {  	v3 =	vadd.f32 v36, v3;
	v36 =	vld.idx.msk [tilespmem:v20+s17+$0x50 ss:$0x1], $0xffff  }
0x2fc: {  	v6 =	vadd.f32 v7, v6;
	v7 =	vmul.f32 v14, v53;
	v4 =	vadd.f32 v9, v4;
	v9 =	vld.idx.msk [tilespmem:v20+s17+$0x360 ss:$0x1], $0xffff  }
0x2fd: {  	v44 =	vmul.f32 v8, v34;
	v8 =	vld.idx.msk [tilespmem:v20+s17+$0x3D0 ss:$0x1], $0xffff  }
0x2fe: {  	v6 =	vadd.f32 v7, v6;
	v7 =	vld.idx.msk [tilespmem:v20+s17+$0x3B0 ss:$0x1], $0xffff  }
0x2ff: {  	v3 =	vadd.f32 v50, v3;
	v50 =	vld [tilespmem:$0x1FF90]  }
0x300: {  	v14 =	vperm.xlane v5, v56;
	v4 =	vadd.f32 v19, v4;
	v19 =	vld.idx.msk [tilespmem:v20+s17+$0x390 ss:$0x1], $0xffff  }
0x301: {  	v30 =	vmul.f32 v29, v57;
	v29 =	vmul.f32 v10, v59;
	v10 =	vld [tilespmem:$0x1F9B0]  }
0x302: {  	v5 =	vadd.f32 v5, v14;
	v14 =	vld.idx.msk [tilespmem:v20+s17+$0x310 ss:$0x1], $0xffff;
	v17 =	vmul.f32 v61, v17  }
0x303: {  	v4 =	vadd.f32 v21, v4;
	v21 =	vld [tilespmem:$0x1FF10]  }
0x304: {  	v13 =	vmul.f32 v13, v54;
	v6 =	vadd.f32 v17, v6;
	v17 =	vld [tilespmem:$0x1F9C0]  }
0x305: {  	v34 =	vmul.f32 v18, v57;
	v18 =	vmul.f32 v19, v50;
	v19 =	vld.idx.msk [tilespmem:v20+s17+$0x3C0 ss:$0x1], $0xffff  }
0x306: {  	v4 =	vadd.f32 v10, v4;
	v10 =	vld.idx.msk [tilespmem:v20+s17+$0x300 ss:$0x1], $0xffff  }
0x307: {  	v12 =	vmul.f32 v12, v58;
	v6 =	vadd.f32 v13, v6;
	v13 =	vld.idx.msk [tilespmem:v20+s17+$0x320 ss:$0x1], $0xffff  }
0x308: {  	v47 =	vmul.f32 v16, v21;
	v16 =	vld.idx.msk [tilespmem:v20+s17+$0x3A0 ss:$0x1], $0xffff  }
0x309: {  	v12 =	vadd.f32 v18, v12;
	v18 =	vld [tilespmem:$0x1FED0];
	v4 =	vadd.f32 v17, v4;
	v17 =	vperm.xlane v5, v43  }
0x30a: {  	v3 =	vadd.f32 v46, v3;
	v6 =	vadd.f32 v40, v6;
	v40 =	vld.idx.msk [tilespmem:v20+s17+$0x1B0 ss:$0x1], $0xffff  }
0x30b: {  	v33 =	vadd.f32 v5, v17;
	v5 =	vld.idx.msk [tilespmem:v20+s17+$0x420 ss:$0x1], $0xffff  }
0x30c: {  	v3 =	vadd.f32 v15, v3;
	v15 =	vperm.xlane v4, v55;
	v17 =	vld.idx.msk [tilespmem:v20+s17+$0x330 ss:$0x1], $0xffff  }
0x30d: {  	v1 =	vadd.f32 v1, v6;
	v6 =	vmul.f32 v10, v58;
	v10 =	vmul.f32 v14, v50;
	v14 =	vld.idx.msk [tilespmem:v20+s17+$0x340 ss:$0x1], $0xffff  }
0x30e: {  	v8 =	vmul.f32 v8, v18;
	v18 =	vld [tilespmem:$0x1F9D0]  }
0x30f: {  	v16 =	vmul.f32 v16, v38;
	v4 =	vadd.f32 v4, v15;
	v15 =	vld [tilespmem:$0x1F9E0]  }
0x310: {  	v6 =	vadd.f32 v10, v6;
	v10 =	vmul.f32 v13, v38;
	v13 =	vld [tilespmem:$0x1FA00]  }
0x311: {  	v12 =	vadd.f32 v16, v12;
	v16 =	vld [tilespmem:$0x1F9F0]  }
0x312: {  	v7 =	vmul.f32 v7, v39;
	v61 =	vmul.f32 v5, v62;
	v5 =	vld.idx.msk [tilespmem:v20+s17+$0x270 ss:$0x1], $0xffff  }
0x313: {  	v6 =	vadd.f32 v10, v6;
	v10 =	vmul.f32 v17, v39;
	v17 =	vld.idx.msk [tilespmem:v20+s17+$0x1F0 ss:$0x1], $0xffff  }
0x314: {  	v7 =	vadd.f32 v7, v12;
	v12 =	vmul.f32 v19, v53;
	v19 =	vld.idx.msk [tilespmem:v20+s17+$0x230 ss:$0x1], $0xffff  }
0x315: {  	v3 =	vadd.f32 v18, v3;
	v18 =	vld [tilespmem:$0x1FED0]  }
0x316: {  	v7 =	vadd.f32 v12, v7;
	v12 =	vld [tilespmem:$0x1FA10]  }
0x317: {  	v6 =	vadd.f32 v10, v6;
	v10 =	vmul.f32 v14, v53;
	v14 =	vld [tilespmem:$0x1FA40]  }
0x318: {  	v3 =	vadd.f32 v15, v3;
	v15 =	vld.idx.msk [tilespmem:v20+s17+$0x350 ss:$0x1], $0xffff  }
0x319: {  	v1 =	vadd.f32 v16, v1;
	v16 =	vld.idx.msk [tilespmem:v20+s17+$0x580 ss:$0x1], $0xffff  }
0x31a: {  	v7 =	vadd.f32 v8, v7;
	v8 =	vld [tilespmem:$0x1FA30]  }
0x31b: {  	v11 =	vmul.f32 v11, v54;
	v3 =	vadd.f32 v13, v3;
	v13 =	vld [tilespmem:$0x1FA20]  }
0x31c: {  	v26 =	vmul.f32 v17, v57;
	v17 =	vld [tilespmem:$0x1FA90]  }
0x31d: {  	v7 =	vadd.f32 v11, v7;
	v11 =	vld [tilespmem:$0x1FA50]  }
0x31e: {  	v6 =	vadd.f32 v10, v6;
	v1 =	vadd.f32 v12, v1;
	v12 =	vld.idx.msk [tilespmem:v20+s17+$0x2E0 ss:$0x1], $0xffff;
	v15 =	vmul.f32 v15, v18  }
0x31f: {  	v21 =	vmul.f32 v16, v59;
	v16 =	vld [tilespmem:$0x1FA60]  }
0x320: {  	v22 =	vmul.f32 v22, v57;
	v9 =	vmul.f32 v9, v54;
	v18 =	vld [tilespmem:$0x1FA70];
	v6 =	vadd.f32 v15, v6  }
0x321: {  	v1 =	vadd.f32 v8, v1;
	v8 =	vperm.xlane v4, v56;
	v3 =	vadd.f32 v13, v3;
	v13 =	vld.idx.msk [tilespmem:v20+s17+$0x410 ss:$0x1], $0xffff  }
0x322: {  	v7 =	vadd.f32 v22, v7;
	v15 =	vld.idx.msk [tilespmem:v20+s17+$0x2A0 ss:$0x1], $0xffff;
	v6 =	vadd.f32 v9, v6  }
0x323: {  	v1 =	vadd.f32 v11, v1;
	v11 =	vld.idx.msk [tilespmem:v20+s17+$0x2D0 ss:$0x1], $0xffff;
	v4 =	vadd.f32 v4, v8  }
0x324: {  	v8 =	vld.idx.msk [tilespmem:v20+s17+$0x280 ss:$0x1], $0xffff;
	v3 =	vadd.f32 v14, v3;
	v6 =	vadd.f32 v30, v6  }
0x325: {  	v7 =	vadd.f32 v28, v7;
	v9 =	vld [tilespmem:$0x1FA80]  }
0x326: {  	v10 =	vperm.xlane v3, v55;
	v6 =	vadd.f32 v25, v6;
	v25 =	vld [tilespmem:$0x1FED0]  }
0x327: {  	v7 =	vadd.f32 v63, v7;
	v63 =	vld [tilespmem:$0x1FF10];
	v1 =	vadd.f32 v16, v1  }
0x328: {  	v16 =	vld.idx.msk [tilespmem:v20+s17+$0x290 ss:$0x1], $0xffff;
	v3 =	vadd.f32 v3, v10;
	v10 =	vperm.xlane v4, v43  }
0x329: {  	v1 =	vadd.f32 v18, v1;
	v18 =	vld.idx.msk [tilespmem:v20+s17+$0x200 ss:$0x1], $0xffff  }
0x32a: {  	v35 =	vadd.f32 v4, v10;
	v4 =	vld.idx.msk [tilespmem:v20+s17+$0x210 ss:$0x1], $0xffff  }
0x32b: {  	v1 =	vadd.f32 v9, v1;
	v9 =	vperm.xlane v3, v56;
	v11 =	vmul.f32 v11, v25;
	v25 =	vld [tilespmem:$0x1FAA0]  }
0x32c: {  	v22 =	vmul.f32 v13, v63;
	v10 =	vld.idx.msk [tilespmem:v20+s17+$0x2B0 ss:$0x1], $0xffff  }
0x32d: {  	v13 =	vld.idx.msk [tilespmem:v20+s17+$0x220 ss:$0x1], $0xffff;
	v9 =	vadd.f32 v3, v9;
	v3 =	vmul.f32 v8, v58;
	v8 =	vmul.f32 v16, v50  }
0x32e: {  	v7 =	vadd.f32 v17, v7;
	v16 =	vld.idx.msk [tilespmem:v20+s17+$0x2C0 ss:$0x1], $0xffff  }
0x32f: {  	v28 =	vld.idx.msk [tilespmem:v20+s17+$0x1E0 ss:$0x1], $0xffff;
	v3 =	vadd.f32 v8, v3;
	v8 =	vmul.f32 v15, v38  }
0x330: {  	v15 =	vmul.f32 v18, v58;
	v7 =	vadd.f32 v25, v7;
	v25 =	vld [tilespmem:$0x1FAB0]  }
0x331: {  	v14 =	vld.idx.msk [tilespmem:v20+s17+$0x260 ss:$0x1], $0xffff;
	v4 =	vmul.f32 v4, v50;
	v3 =	vadd.f32 v8, v3;
	v8 =	vmul.f32 v10, v39  }
0x332: {  	v10 =	vmul.f32 v13, v38;
	v13 =	vld [tilespmem:$0x1FAC0]  }
0x333: {  	v4 =	vadd.f32 v4, v15;
	v15 =	vld [tilespmem:$0x1FAD0];
	v3 =	vadd.f32 v8, v3;
	v8 =	vmul.f32 v16, v53  }
0x334: {  	v6 =	vadd.f32 v31, v6;
	v17 =	vperm.xlane v1, v55;
	v16 =	vld [tilespmem:$0x1FAE0]  }
0x335: {  	v3 =	vadd.f32 v8, v3;
	v8 =	vld [tilespmem:$0x1FAF0];
	v7 =	vadd.f32 v25, v7  }
0x336: {  	v6 =	vadd.f32 v45, v6;
	v1 =	vadd.f32 v1, v17;
	v18 =	vld.idx.msk [tilespmem:v20+s17+$0x240 ss:$0x1], $0xffff  }
0x337: {  	v4 =	vadd.f32 v10, v4;
	v10 =	vmul.f32 v19, v39;
	v19 =	vld [tilespmem:$0x1FED0];
	v7 =	vadd.f32 v13, v7  }
0x338: {  	v6 =	vadd.f32 v15, v6;
	v3 =	vadd.f32 v11, v3;
	v11 =	vld [tilespmem:$0x1FB10]  }
0x339: {  	v7 =	vadd.f32 v16, v7;
	v16 =	vld [tilespmem:$0x1FB00]  }
0x33a: {  	v25 =	vld.idx.msk [tilespmem:v20+s17+$0x250 ss:$0x1], $0xffff;
	v6 =	vadd.f32 v8, v6;
	v8 =	vperm.xlane v1, v56  }
0x33b: {  	v13 =	vld.idx.msk [tilespmem:v20+s17+$0x70 ss:$0x1], $0xffff  }
0x33c: {  	v8 =	vadd.f32 v1, v8;
	v1 =	vld [tilespmem:$0x1FB20]  }
0x33d: {  	v30 =	vld.idx.msk [tilespmem:v20+s17+$0x60 ss:$0x1], $0xffff;
	v4 =	vadd.f32 v10, v4;
	v10 =	vmul.f32 v18, v53  }
0x33e: {  	v6 =	vadd.f32 v11, v6;
	v11 =	vmul.f32 v14, v54;
	v14 =	vld [tilespmem:$0x1FB30];
	v7 =	vadd.f32 v16, v7  }
0x33f: {  	v5 =	vmul.f32 v5, v57;
	v12 =	vmul.f32 v12, v54;
	v17 =	vld.idx.msk [tilespmem:v20+s17+$0x400 ss:$0x1], $0xffff  }
0x340: {  	v15 =	vld.idx.msk [tilespmem:v20+s17+$0x1D0 ss:$0x1], $0xffff;
	v4 =	vadd.f32 v10, v4;
	v16 =	vmul.f32 v25, v19;
	v10 =	vperm.xlane v7, v55  }
0x341: {  	v12 =	vadd.f32 v12, v3;
	v3 =	vld.idx.msk [tilespmem:v20+s17+$0x30 ss:$0x1], $0xffff;
	v31 =	vmul.f32 v13, v57;
	v6 =	vadd.f32 v1, v6  }
0x342: {  	v13 =	vld [tilespmem:$0x1FB40];
	v4 =	vadd.f32 v16, v4;
	v16 =	vperm.xlane v8, v43;
	v10 =	vadd.f32 v7, v10  }
0x343: {  	v12 =	vadd.f32 v34, v12;
	v1 =	vld.idx.msk [tilespmem:v20+s17+$0x1A0 ss:$0x1], $0xffff;
	v14 =	vadd.f32 v14, v6;
	v7 =	vperm.xlane v9, v43  }
0x344: {  	p0 =	seq.s32 s19, $0x3;
	v6 =	vld.idx.msk [tilespmem:v20+s17+$0x180 ss:$0x1], $0xffff;
	v11 =	vadd.f32 v11, v4;
	v46 =	vadd.f32 v8, v16;
	v18 =	vperm.xlane v10, v56  }
.Ltmp0:
0x345: {  	v4 =	vld.idx.msk [tilespmem:v20+s17+$0x190 ss:$0x1], $0xffff;
	v45 =	vadd.f32 v9, v7;
	v9 =	vadd.f32 v27, v12;
	v12 =	vperm.xlane v14, v55;
	(pc) =	sbr.rel @!p0 .LBB2_5-.Ltmp0, $4  }
0x346: {  	v8 =	vld.idx.msk [tilespmem:v20+s17+$0x0 ss:$0x1], $0xffff;
	v16 =	vadd.f32 v5, v11;
	v10 =	vadd.f32 v10, v18  }
0x347: {  	v25 =	vmul.f32 v17, v59;
	v7 =	vld.idx.msk [tilespmem:v20+s17+$0x20 ss:$0x1], $0xffff;
	v17 =	vadd.f32 v23, v9;
	v11 =	vadd.f32 v14, v12  }
0x348: {  	v28 =	vmul.f32 v28, v54;
	v5 =	vld.idx.msk [tilespmem:v20+s17+$0x100 ss:$0x1], $0xffff;
	v14 =	vadd.f32 v29, v16;
	v29 =	vmul.f32 v15, v19  }
0x349: {  	s18 =	smov.u32 s19;
	s19 =	sadd.s32 $0x1, s19;
	v9 =	vld.idx.msk [tilespmem:v20+s17+$0x10 ss:$0x1], $0xffff;
	v12 =	vperm.xlane v10, v43;
	v15 =	vadd.f32 v13, v17;
	v13 =	vperm.xlane v11, v56  }
0x34a: {  	_ =	sdelay $0x3  }
0x34b: {  	v16 =	vld.idx.msk [tilespmem:v20+s17+$0x80 ss:$0x1], $0xffff  }
0x34c: {  	v17 =	vld.idx.msk [tilespmem:v20+s17+$0x90 ss:$0x1], $0xffff  }
0x34d: {  	v14 =	vadd.f32 v60, v14;
	v18 =	vld.idx.msk [tilespmem:v20+s17+$0x110 ss:$0x1], $0xffff  }
0x34e: {  	v39 =	vld [tilespmem:$0x1FE30]  }
0x34f: {  	v34 =	vld [tilespmem:$0x1FFA0];
	v14 =	vadd.f32 v49, v14  }
0x350: {  	v23 =	vadd.f32 v10, v12;
	v12 =	vld.idx.msk [tilespmem:v20+s17+$0xA0 ss:$0x1], $0xffff  }
0x351: {  	v49 =	vadd.f32 v51, v14;
	v51 =	vld [tilespmem:$0x1FE40]  }
0x352: {  	v27 =	vadd.f32 v11, v13;
	v13 =	vld.idx.msk [tilespmem:v20+s17+$0x120 ss:$0x1], $0xffff  }
0x353: {  	v15 =	vadd.f32 v52, v15;
	v52 =	vld [tilespmem:$0x1FDE0]  }
0x354: {  	v14 =	vld.idx.msk [tilespmem:v20+s17+$0xC0 ss:$0x1], $0xffff  }
0x355: {  	v8 =	vmul.f32 v8, v58;
	v38 =	vmul.f32 v17, v50;
	v17 =	vld.idx.msk [tilespmem:v20+s17+$0x140 ss:$0x1], $0xffff  }
0x356: {  	v5 =	vmul.f32 v5, v58;
	v60 =	vmul.f32 v16, v58;
	v16 =	vld.idx.msk [tilespmem:v20+s17+$0x4C0 ss:$0x1], $0xffff;
	v11 =	vadd.f32 v51, v15  }
0x357: {  	v9 =	vmul.f32 v9, v50;
	v10 =	vadd.f32 v2, v49;
	v49 =	vld.idx.msk [tilespmem:v20+s17+$0x130 ss:$0x1], $0xffff;
	v51 =	vmul.f32 v18, v50  }
0x358: {  	v12 =	vmul.f32 v12, v34;
	v2 =	vadd.f32 v52, v11;
	v11 =	vld.idx.msk [tilespmem:v20+s17+$0xB0 ss:$0x1], $0xffff;
	v52 =	vadd.f32 v38, v60  }
0x359: {  	v7 =	vmul.f32 v7, v34;
	v8 =	vadd.f32 v9, v8;
	v5 =	vadd.f32 v51, v5;
	v51 =	vld.idx.msk [tilespmem:v20+s17+$0x160 ss:$0x1], $0xffff  }
0x35a: {  	v6 =	vmul.f32 v6, v58;
	v4 =	vmul.f32 v4, v50;
	v9 =	vadd.f32 v12, v52;
	v52 =	vld [tilespmem:$0x1FFB0]  }
0x35b: {  	v18 =	vmul.f32 v13, v34;
	v60 =	vadd.f32 v7, v8;
	v8 =	vld.idx.msk [tilespmem:v20+s17+$0xD0 ss:$0x1], $0xffff  }
0x35c: {  	v4 =	vadd.f32 v4, v6;
	v1 =	vmul.f32 v1, v34;
	v7 =	vmul.f32 v17, v53;
	v17 =	vld.idx.msk [tilespmem:v20+s17+$0x540 ss:$0x1], $0xffff  }
0x35d: {  	v5 =	vadd.f32 v18, v5;
	v18 =	vmul.f32 v32, v53;
	v32 =	vmul.f32 v36, v19;
	v36 =	vld.idx.msk [tilespmem:v20+s17+$0xF0 ss:$0x1], $0xffff  }
0x35e: {  	v1 =	vadd.f32 v1, v4;
	v4 =	vmul.f32 v51, v54;
	v51 =	vld.idx.msk [tilespmem:v20+s17+$0x510 ss:$0x1], $0xffff  }
0x35f: {  	v10 =	vadd.f32 v39, v10;
	v38 =	vmul.f32 v49, v52;
	v39 =	vmul.f32 v40, v52;
	v40 =	vld.idx.msk [tilespmem:v20+s17+$0x150 ss:$0x1], $0xffff  }
0x360: {  	v49 =	vld.idx.msk [tilespmem:v20+s17+$0xE0 ss:$0x1], $0xffff  }
0x361: {  	v3 =	vmul.f32 v3, v52;
	v5 =	vadd.f32 v38, v5;
	v38 =	vld.idx.msk [tilespmem:v20+s17+$0x170 ss:$0x1], $0xffff  }
0x362: {  	v11 =	vmul.f32 v11, v52;
	v1 =	vadd.f32 v39, v1;
	v39 =	vld.idx.msk [tilespmem:v20+s17+$0x480 ss:$0x1], $0xffff  }
0x363: {  	v41 =	vmul.f32 v41, v53;
	v3 =	vadd.f32 v3, v60;
	v60 =	vmul.f32 v14, v53;
	v53 =	vld.idx.msk [tilespmem:v20+s17+$0x4A0 ss:$0x1], $0xffff  }
0x364: {  	v9 =	vadd.f32 v11, v9;
	v11 =	vmul.f32 v36, v57;
	v36 =	vld [tilespmem:$0x1FF60]  }
0x365: {  	v3 =	vadd.f32 v41, v3;
	v41 =	vld.idx.msk [tilespmem:v20+s17+$0x500 ss:$0x1], $0xffff  }
0x366: {  	v9 =	vadd.f32 v60, v9;
	v60 =	vld.idx.msk [tilespmem:v20+s17+$0x530 ss:$0x1], $0xffff  }
0x367: {  	v1 =	vadd.f32 v18, v1;
	v18 =	vld.idx.msk [tilespmem:v20+s17+$0x4D0 ss:$0x1], $0xffff  }
0x368: {  	v8 =	vmul.f32 v8, v19;
	v5 =	vadd.f32 v7, v5;
	v12 =	vmul.f32 v49, v54;
	v49 =	vld.idx.msk [tilespmem:v20+s17+$0x490 ss:$0x1], $0xffff  }
0x369: {  	v6 =	vmul.f32 v40, v19;
	v40 =	vmul.f32 v30, v54;
	v54 =	vld.idx.msk [tilespmem:v20+s17+$0x520 ss:$0x1], $0xffff;
	v3 =	vadd.f32 v32, v3  }
0x36a: {  	v19 =	vld.idx.msk [tilespmem:v20+s17+$0x550 ss:$0x1], $0xffff;
	v8 =	vadd.f32 v8, v9;
	v1 =	vadd.f32 v29, v1  }
0x36b: {  	v30 =	vld.idx.msk [tilespmem:v20+s17+$0x570 ss:$0x1], $0xffff;
	v5 =	vadd.f32 v6, v5;
	v3 =	vadd.f32 v40, v3  }
0x36c: {  	v7 =	vmul.f32 v38, v57;
	v57 =	vld.idx.msk [tilespmem:v20+s17+$0x4B0 ss:$0x1], $0xffff;
	v8 =	vadd.f32 v12, v8;
	v1 =	vadd.f32 v28, v1  }
0x36d: {  	v13 =	vmul.f32 v39, v59;
	v28 =	vld.idx.msk [tilespmem:v20+s17+$0x4F0 ss:$0x1], $0xffff;
	v4 =	vadd.f32 v4, v5;
	v3 =	vadd.f32 v31, v3  }
0x36e: {  	v40 =	vld [tilespmem:$0x1FF70];
	v9 =	vmul.f32 v41, v59;
	v8 =	vadd.f32 v11, v8;
	v1 =	vadd.f32 v26, v1  }
0x36f: {  	v6 =	vmul.f32 v49, v63;
	v49 =	vld [tilespmem:$0x1FD70];
	v4 =	vadd.f32 v7, v4;
	v3 =	vadd.f32 v25, v3  }
0x370: {  	v8 =	vadd.f32 v13, v8;
	v1 =	vadd.f32 v21, v1;
	v21 =	vld [tilespmem:$0x1FF30]  }
0x371: {  	v12 =	vmul.f32 v51, v63;
	v59 =	vld [tilespmem:$0x1FD00];
	v4 =	vadd.f32 v9, v4  }
0x372: {  	v5 =	vmul.f32 v53, v62;
	v26 =	vld [tilespmem:$0x1FF40];
	v3 =	vadd.f32 v22, v3;
	v6 =	vadd.f32 v6, v8  }
0x373: {  	v29 =	vld [tilespmem:$0x1FF50];
	v11 =	vmul.f32 v54, v62;
	v1 =	vadd.f32 v47, v1;
	v4 =	vadd.f32 v12, v4  }
0x374: {  	v32 =	vld.idx.msk [tilespmem:v20+s17+$0x5F0 ss:$0x1], $0xffff;
	v41 =	vmul.f32 v28, v40;
	v2 =	vadd.f32 v49, v2;
	v3 =	vadd.f32 v61, v3  }
0x375: {  	v38 =	vld [tilespmem:$0x1FE70];
	v5 =	vadd.f32 v5, v6;
	v1 =	vadd.f32 v48, v1;
	v7 =	vmul.f32 v57, v21  }
0x376: {  	v22 =	vld.idx.msk [tilespmem:v20+s17+$0x4E0 ss:$0x1], $0xffff;
	v4 =	vadd.f32 v11, v4;
	v13 =	vmul.f32 v60, v21;
	v2 =	vadd.f32 v59, v2  }
0x377: {  	v25 =	vld.idx.msk [tilespmem:v20+s17+$0x560 ss:$0x1], $0xffff;
	v9 =	vmul.f32 v16, v26;
	v3 =	vadd.f32 v44, v3;
	v5 =	vadd.f32 v7, v5  }
0x378: {  	v39 =	vld [tilespmem:$0x1FE80];
	v8 =	vmul.f32 v17, v26;
	v1 =	vadd.f32 v37, v1;
	v4 =	vadd.f32 v13, v4  }
0x379: {  	v12 =	vmul.f32 v18, v29;
	v3 =	vadd.f32 v42, v3;
	v42 =	vld [tilespmem:$0x1FE10];
	v5 =	vadd.f32 v9, v5  }
0x37a: {  	v6 =	vmul.f32 v19, v29;
	v44 =	vld [tilespmem:$0x1FE60];
	v1 =	vadd.f32 v24, v1;
	v4 =	vadd.f32 v8, v4  }
0x37b: {  	v48 =	vld [tilespmem:$0x1FDC0];
	v37 =	vmul.f32 v22, v36;
	v0 =	vadd.f32 v0, v3;
	v31 =	vadd.f32 v12, v5  }
0x37c: {  	v7 =	vmul.f32 v25, v36;
	v1 =	vadd.f32 v38, v1;
	v4 =	vadd.f32 v6, v4  }
0x37d: {  	v54 =	vld [tilespmem:$0x1FD50];
	v47 =	vmul.f32 v30, v40;
	v0 =	vadd.f32 v39, v0;
	v3 =	vadd.f32 v37, v31  }
0x37e: {  	v62 =	vperm.xlane v2, v55;
	v4 =	vadd.f32 v7, v4;
	v1 =	vadd.f32 v42, v1  }
0x37f: {  	v5 =	vmul.f32 v32, v40;
	v0 =	vadd.f32 v44, v0;
	v3 =	vadd.f32 v41, v3  }
0x380: {  	v24 =	vperm.xlane v27, v43;
	v6 =	vadd.f32 v48, v10;
	v4 =	vadd.f32 v47, v4  }
0x381: {  	v21 =	vld [tilespmem:$0x1FFF0];
	v1 =	vadd.f32 v5, v1;
	v51 =	vperm.xlane v0, v55;
	v53 =	vperm.xlane v3, v55  }
0x382: {  	v2 =	vadd.f32 v2, v62;
	v6 =	vadd.f32 v54, v6;
	v57 =	vperm.xlane v4, v55  }
0x383: {  	v60 =	vperm.xlane v1, v55;
	v0 =	vadd.f32 v0, v51;
	v3 =	vadd.f32 v3, v53  }
0x384: {  	v15 =	vperm.xlane v2, v56;
	v61 =	vperm.xlane v6, v55;
	v4 =	vadd.f32 v4, v57  }
0x385: {  	v1 =	vadd.f32 v1, v60;
	v63 =	vperm.xlane v0, v56;
	v11 =	vperm.xlane v3, v56  }
0x386: {  	v32 =	vperm.xlane v23, v21;
	v6 =	vadd.f32 v6, v61;
	v12 =	vperm.xlane v4, v56  }
0x387: {  	v13 =	vperm.xlane v1, v56;
	v0 =	vadd.f32 v0, v63;
	v3 =	vadd.f32 v3, v11  }
0x388: {  	v39 =	vperm.xlane v45, v21;
	v14 =	vperm.xlane v6, v56;
	v4 =	vadd.f32 v4, v12  }
0x389: {  	v1 =	vadd.f32 v1, v13;
	v9 =	vperm.xlane v0, v43;
	v16 =	vperm.xlane v3, v43  }
0x38a: {  	v2 =	vadd.f32 v2, v15;
	v6 =	vadd.f32 v6, v14;
	v17 =	vperm.xlane v4, v43  }
0x38b: {  	v18 =	vperm.xlane v1, v43;
	v0 =	vadd.f32 v0, v9;
	v3 =	vadd.f32 v3, v16  }
0x38c: {  	v20 =	vperm.xlane v2, v43;
	v19 =	vperm.xlane v6, v43;
	v4 =	vadd.f32 v4, v17  }
0x38d: {  	v1 =	vadd.f32 v1, v18;
	v9 =	vperm.xlane v0, v21;
	v22 =	vperm.xlane v3, v21  }
0x38e: {  	v2 =	vadd.f32 v2, v20;
	v6 =	vadd.f32 v6, v19;
	v25 =	vperm.xlane v4, v21  }
0x38f: {  	v26 =	vperm.xlane v1, v21;
	v0 =	vadd.f32 v0, v9;
	v3 =	vadd.f32 v3, v22  }
0x390: {  	v7 =	vadd.f32 v27, v24;
	v27 =	vperm.xlane v6, v21;
	v4 =	vadd.f32 v4, v25  }
0x391: {  	v28 =	vperm.xlane v2, v21;
	v1 =	vadd.f32 v1, v26;
	v0 =	vsel vm0, v0, v3  }
0x392: {  	v30 =	vperm.xlane v7, v21;
	v29 =	vadd.f32 v6, v27;
	v0 =	vsel vm1, v0, v4  }
0x393: {  	v42 =	vadd.f32 v45, v39;
	v45 =	vld [tilespmem:$0x1FC00];
	v31 =	vadd.f32 v2, v28;
	v0 =	vsel vm2, v0, v1  }
0x394: {  	v48 =	vld [tilespmem:$0x1FB80];
	v37 =	vperm.xlane v46, v21;
	v36 =	vadd.f32 v7, v30;
	v0 =	vsel vm3, v0, v29  }
0x395: {  	v38 =	vadd.f32 v23, v32;
	v53 =	vld [tilespmem:$0x1FB60];
	v0 =	vsel vm4, v0, v31  }
0x396: {  	v59 =	vld [tilespmem:$0x1FB50];
	v40 =	vadd.f32 v46, v37;
	v41 =	vperm.xlane v35, v21;
	v0 =	vsel vm5, v0, v36  }
0x397: {  	v43 =	vperm.xlane v33, v21;
	v0 =	vsel vm6, v0, v38  }
0x398: {  	v44 =	vadd.f32 v35, v41;
	v46 =	vperm.xlane v45, v21;
	v63 =	vld [tilespmem:$0x1FC30];
	v0 =	vsel vm7, v0, v40  }
0x399: {  	v49 =	vperm.xlane v48, v21;
	v47 =	vadd.f32 v33, v43;
	v0 =	vsel vm8, v0, v42  }
0x39a: {  	v51 =	vadd.f32 v45, v46;
	v54 =	vperm.xlane v53, v21;
	v0 =	vsel vm9, v0, v44  }
0x39b: {  	v57 =	vadd.f32 v48, v49;
	v60 =	vperm.xlane v59, v21;
	v0 =	vsel vm10, v0, v47  }
0x39c: {  	v61 =	vadd.f32 v53, v54;
	v0 =	vsel vm11, v0, v51  }
0x39d: {  	v62 =	vadd.f32 v59, v60;
	v0 =	vsel vm12, v0, v57  }
0x39e: {  	s31 =	sshll.u32 s18, $0x4;
	v0 =	vsel vm13, v0, v61  }
0x39f: {  	s17 =	sand.u32 $0x3FFFFFF0, s31;
	v0 =	vsel vm14, v0, v62  }
0x3a0: {  	[tilespmem:v63+s17+$0x0 ss:$0x1] =	vst.idx.msk $0xffff, v0  }
0x3a1: {  	p0 =	seq.s32 s15, $0x8  }
.Ltmp1:
0x3a2: {  	_ = 	snop;
	(pc) =	sbr.rel @!p0 .LBB2_4-.Ltmp1, $2  }
0x3a3: {  	_ =	sdelay $0x2  }
0x3a4: {  	v36 =	vmov v52  }
0x3a5: {  	s15 =	sshll.u32 s14, $0xE  }
0x3a6: {  	s14 =	sadd.s32 $0x1, s14;
	s15 =	sor.u32 s5, s15  }
0x3a7: {  	p0 =	sne.s32 s14, $0x4;
	s15 =	sshrl.u32 s15, $0x3  }
.Ltmp2:
0x3a8: {  	s15 =	sadd.s32 s6, s15;
	(pc) =	sbr.rel @p0 .LBB2_2-.Ltmp2, $4  }
0x3a9: {  	[hbm4b:s15+s2] =	stream.linear.scatter [tilespmem:s12], [sflag:$0x2], $0x200, $0x38;
	[tilespmem:$0x8300] =	vst v63  }
0x3aa: {  	_ =	swait.ge [sflag:s9], $0x200  }
0x3ab: {  	[sflag:s9] =	ssyncset.done $0x0  }
0x3ac: {  	[sflag:s9] =	ssyncadd.s32 $0xFFFFFE00  }
0x3ad: {  	s13 =	sadd.s32 $0x1, s13  }
0x3ae: {  	p0 =	sne.s32 s13, s8  }
.Ltmp3:
0x3af: {  	_ = 	snop;
	(pc) =	sbr.rel @p0 .LBB2_1-.Ltmp3, $1  }
0x3b0: {  	_ =	sdelay $0x3  }
0x3b1: {  	_ =	sfence.sel $0x180000  }
0x3b2: {  	[bflag:$0x0] =	sbarrier.arrive $0xFFFF  }
0x3b3: {  	p0 =	sne.s32 s3, $0x0;
	_ =	strace $0x90000047  }
0x3b4: {  	s0 =	sadd.s32 @!p0 $0x100000, s0;
	[bflag:$0x2] =	sbarrier.arrive $0xFFFF  }
0x3b5: {  	[sflag:s0] =	ssyncadd.tile.s32 @!p0 $0x1;
	_ =	shalt  }
.Lfunc_end2:
_tile_overlayer_lowered:
.L_overlay_start_2:
0x3b6: {  	(tag) =	ssettag $0x2  }
0x3b7: {  	s0 =	rddreg [dreg:$0x0];
	s2 =	stileid.u32  }
0x3b8: {  	s1 =	rddreg [dreg:$0x1];
	p0 =	sne.s32 s2, $0x0  }
0x3b9: {  	s3 =	rddreg [dreg:$0x2];
	[bflag:$0x3] =	sbarrier.arrive $0xFFFF;
	s2 =	simm.s32 @!p0 $0x1C02  }
0x3ba: {  	[timem:s3], [sflag:s2] =	dma.local @!p0 [hbm:s0], s1  }
0x3bb: {  	s0 =	simm.s32 @!p0 $0x2  }
0x3bc: {  	_ =	swait.ge @!p0 [sflag:s0], s1  }
0x3bd: {  	s1 =	ssub.s32 @!p0 $0x0, s1;
	[sflag:s0] =	ssyncset.done @!p0 $0x0  }
0x3be: {  	[sflag:s0] =	ssyncadd.s32 @!p0 s1  }
0x3bf: {  	[bflag:$0x3] =	sbarrier.arrive $0xFFFF  }
0x3c0: {  	_ =	shalt  }

</sc_bundles>
